<compile_context>
chip_gen: v7x
topology: tpu7x:2x2x1
jax: 0.10.2.dev20260603
libtpu: 0.0.44.dev20260713+nightly
codegen_flags: <defaults>
</compile_context>

<pallas_src>
import functools

import jax
import jax.numpy as jnp
from jax import lax
from jax.experimental import pallas as pl
from jax.experimental.pallas import tpu as pltpu
from jax.experimental.pallas import tpu_sc as plsc

N = 10000
E = 160000
DIM = 3
SEQ = 6
LATENT = 128
EMB = 16
NTYPES = 9
RADIUS = 0.015
VEL_MEAN = 0.0
VEL_STD = 1.0
ACC_MEAN = 0.0
ACC_STD = 1.0
CLAMP = 1.0
LOW = 0.1
HIGH = 0.9

NP = 10240
NW = 32
EB = 128
NB = 40
EP = NW * NB * EB
EPW = NB * EB
RPT = NP // 16

BLK_E = 1024
BLK_N = 1024

_f32 = jnp.float32


def _ln(x, g, b):
    mu = jnp.mean(x, axis=-1, keepdims=True)
    xc = x - mu
    var = jnp.mean(xc * xc, axis=-1, keepdims=True)
    return xc / jnp.sqrt(var + 1e-5) * g + b



def _sc_gather2(A, B, sidx, ridx):
    D = A.shape[1]
    dt = A.dtype
    K, G = (3, 1)
    RG = G * EB
    NGRP = NB // G
    NROUND = NGRP // K + (NGRP % K != 0)
    mesh = plsc.VectorSubcoreMesh(core_axis_name="c", subcore_axis_name="s")

    @functools.partial(
        pl.kernel,
        out_type=(jax.ShapeDtypeStruct((EP, D), dt),) * 2,
        mesh=mesh,
        scratch_types=[
            pltpu.VMEM((NB, EB), jnp.int32),
            pltpu.VMEM((NB, EB), jnp.int32),
            pltpu.VMEM((K, RG, D), dt),
            pltpu.VMEM((K, RG, D), dt),
        ] + [pltpu.SemaphoreType.DMA] * (4 * K),
    )
    def k(a_hbm, b_hbm, si_hbm, ri_hbm, ga_hbm, gb_hbm, si_v, ri_v, bufa, bufb,
          *sems):
        sga = sems[0:K]
        sgb = sems[K:2 * K]
        soa = sems[2 * K:3 * K]
        sob = sems[3 * K:4 * K]
        c = lax.axis_index("c")
        s = lax.axis_index("s")
        wid = s * 2 + c
        base = wid * EPW
        pltpu.sync_copy(si_hbm.at[wid], si_v)
        pltpu.sync_copy(ri_hbm.at[wid], ri_v)

        def fire(gj, b):
            for u in range(G):
                blk = gj * G + u
                pltpu.async_copy(a_hbm.at[si_v.at[blk]],
                                 bufa.at[b].at[pl.ds(u * EB, EB)], sga[b])
                pltpu.async_copy(b_hbm.at[ri_v.at[blk]],
                                 bufb.at[b].at[pl.ds(u * EB, EB)], sgb[b])

        for b in range(K):
            fire(b, b)

        def round_(g, carry):
            for b in range(K):
                gj = g * K + b

                @pl.when(gj < NGRP)
                def _():
                    dst = pl.ds(base + gj * RG, RG)
                    pltpu.make_async_copy(ga_hbm.at[dst], bufa.at[b],
                                          sga[b]).wait()
                    pltpu.make_async_copy(gb_hbm.at[dst], bufb.at[b],
                                          sgb[b]).wait()
                    oa = pltpu.async_copy(bufa.at[b], ga_hbm.at[dst], soa[b])
                    ob = pltpu.async_copy(bufb.at[b], gb_hbm.at[dst], sob[b])
                    oa.wait()
                    ob.wait()

                    @pl.when(gj + K < NGRP)
                    def _():
                        fire(gj + K, b)

            return carry

        lax.fori_loop(0, NROUND, round_, 0)

    return k(A, B, sidx, ridx)


EB_S = 128
NB_S = EPW // EB_S


def _sc_scatter(eu, ridx_s, zeros128):
    mesh = plsc.VectorSubcoreMesh(core_axis_name="c", subcore_axis_name="s")

    K = 2

    @functools.partial(
        pl.kernel,
        out_type=jax.ShapeDtypeStruct((2, NP, LATENT), _f32),
        mesh=mesh,
        scratch_types=[
            pltpu.VMEM((NB_S, EB_S), jnp.int32),
            pltpu.VMEM((K, EB_S, LATENT), _f32),
            pltpu.VMEM_SHARED((NP, LATENT), _f32),
        ] + [pltpu.SemaphoreType.DMA] * (2 * K),
    )
    def k(eu_hbm, ri_hbm, z_hbm, out_hbm, ri_v, buf, acc, *sems):
        sr = sems[0:K]
        ss = sems[K:2 * K]
        c = lax.axis_index("c")
        s = lax.axis_index("s")
        wid = s * 2 + c
        base = wid * EPW
        pltpu.sync_copy(ri_hbm.at[wid], ri_v)
        pltpu.sync_copy(z_hbm, buf.at[0].at[pl.ds(0, EB_S)])

        def zbody(t, carry):
            pltpu.sync_copy(buf.at[0].at[pl.ds(0, EB_S)],
                            acc.at[pl.ds(s * RPT + t * EB_S, EB_S)])
            return carry

        lax.fori_loop(0, RPT // EB_S, zbody, 0)
        plsc.subcore_barrier()

        for b in range(K):
            pltpu.async_copy(eu_hbm.at[pl.ds(base + b * EB_S, EB_S)],
                             buf.at[b], sr[b])

        NG = NB_S // K + (NB_S % K != 0)

        def group(g, carry):
            for b in range(K):
                j = g * K + b

                @pl.when(j < NB_S)
                def _():
                    pltpu.make_async_copy(
                        eu_hbm.at[pl.ds(base + j * EB_S, EB_S)], buf.at[b],
                        sr[b]).wait()
                    sc = pltpu.async_copy(buf.at[b], acc.at[ri_v.at[j]],
                                          ss[b], add=True)
                    sc.wait()

                    @pl.when(j + K < NB_S)
                    def _():
                        pltpu.async_copy(
                            eu_hbm.at[pl.ds(base + (j + K) * EB_S, EB_S)],
                            buf.at[b], sr[b])

            return carry

        lax.fori_loop(0, NG, group, 0)
        plsc.subcore_barrier()

        def obody(t, carry):
            r0 = s * RPT + t * EB_S
            pltpu.sync_copy(acc.at[pl.ds(r0, EB_S)],
                            buf.at[0].at[pl.ds(0, EB_S)])
            pltpu.sync_copy(buf.at[0].at[pl.ds(0, EB_S)],
                            out_hbm.at[c].at[pl.ds(r0, EB_S)])
            return carry

        lax.fori_loop(0, RPT // EB_S, obody, 0)

    return k(eu, ridx_s, zeros128)



def _node_enc_body(pf, tp, w1v, w1dl, w1du, w1t, b1, w2, b2, w3, b3, g, bt,
                   ws0, wr0, x_o, a_o, b_o):
    p = pf[...]
    vel = (p[:, 3:18] - p[:, 0:15] - VEL_MEAN) * (1.0 / VEL_STD)
    last = p[:, 15:18]
    ndl = jnp.clip((last - LOW) * (1.0 / RADIUS), -CLAMP, CLAMP)
    ndu = jnp.clip((HIGH - last) * (1.0 / RADIUS), -CLAMP, CLAMP)
    t = tp[...]
    oh = (t == lax.broadcasted_iota(jnp.int32, (t.shape[0], NTYPES), 1)
          ).astype(_f32)
    h1 = jnp.maximum(vel @ w1v[...] + ndl @ w1dl[...] + ndu @ w1du[...]
                     + oh @ w1t[...] + b1[...], 0.0)
    h2 = jnp.maximum(h1 @ w2[...] + b2[...], 0.0)
    x = _ln(h2 @ w3[...] + b3[...], g[...], bt[...])
    x_o[...] = x
    a_o[...] = x @ ws0[...]
    b_o[...] = x @ wr0[...]


def _edge_enc_body(ps, pr, w1r, w1d, b1, w2, b2, w3, b3, g, bt, e_o):
    rel = (ps[...][:, 0:3] + pr[...][:, 0:3]) * (1.0 / RADIUS)
    dist = jnp.sqrt(jnp.sum(rel * rel, axis=1, keepdims=True))
    h1 = jnp.maximum(rel @ w1r[...] + dist * w1d[...] + b1[...], 0.0)
    h2 = jnp.maximum(h1 @ w2[...] + b2[...], 0.0)
    e_o[...] = _ln(h2 @ w3[...] + b3[...], g[...], bt[...])


def _edge_proc_body(ga, gb, e_in, we, b1, w2, b2, w3, b3, g, bt, eu_o, en_o):
    i = pl.program_id(0)
    e = e_in[...]
    h1 = jnp.maximum(ga[...] + gb[...] + e @ we[...] + b1[...], 0.0)
    h2 = jnp.maximum(h1 @ w2[...] + b2[...], 0.0)
    u = _ln(h2 @ w3[...] + b3[...], g[...], bt[...])
    rows = i * BLK_E + lax.broadcasted_iota(jnp.int32, (BLK_E, 1), 0)
    u = jnp.where(rows < E, u, 0.0)
    eu_o[...] = u
    en_o[...] = e + u


def _node_proc_body(x_in, g0, g1, w1x, w1a, b1, w2, b2, w3, b3, g, bt,
                    wsn, wrn, x_o, a_o, b_o):
    x = x_in[...]
    agg = g0[...] + g1[...]
    h1 = jnp.maximum(x @ w1x[...] + agg @ w1a[...] + b1[...], 0.0)
    h2 = jnp.maximum(h1 @ w2[...] + b2[...], 0.0)
    u = _ln(h2 @ w3[...] + b3[...], g[...], bt[...])
    xn = x + u
    x_o[...] = xn
    a_o[...] = xn @ wsn[...]
    b_o[...] = xn @ wrn[...]


def _dec_body(x_in, l8, p8, w1, b1, w2, b2, w3p, b3p, o_ref):
    h1 = jnp.maximum(x_in[...] @ w1[...] + b1[...], 0.0)
    h2 = jnp.maximum(h1 @ w2[...] + b2[...], 0.0)
    acc8 = (h2 @ w3p[...] + b3p[...]) * ACC_STD + ACC_MEAN
    o_ref[...] = 2.0 * l8[...] - p8[...] + acc8


def _row_spec(blk, d):
    return pl.BlockSpec((blk, d), lambda i: (i, 0))


def _w_spec(d0, d1):
    return pl.BlockSpec((d0, d1), lambda i: (0, 0))


def _node_enc(posflat, types2, w):
    grid = NP // BLK_N
    out = pl.pallas_call(
        _node_enc_body,
        grid=grid,
        in_specs=[
            _row_spec(BLK_N, SEQ * DIM), _row_spec(BLK_N, 1),
            _w_spec(15, LATENT), _w_spec(3, LATENT), _w_spec(3, LATENT),
            _w_spec(NTYPES, LATENT), _w_spec(1, LATENT),
            _w_spec(LATENT, LATENT), _w_spec(1, LATENT),
            _w_spec(LATENT, LATENT), _w_spec(1, LATENT),
            _w_spec(1, LATENT), _w_spec(1, LATENT),
            _w_spec(LATENT, LATENT), _w_spec(LATENT, LATENT),
        ],
        out_specs=[_row_spec(BLK_N, LATENT)] * 3,
        out_shape=[jax.ShapeDtypeStruct((NP, LATENT), _f32)] * 3,
    )(posflat, types2, w['n_w1v'], w['n_w1dl'], w['n_w1du'], w['n_w1t'],
      w['n_b1'], w['n_w2'], w['n_b2'], w['n_w3'], w['n_b3'], w['n_g'],
      w['n_bt'], w['ws0'], w['wr0'])
    return out


def _edge_enc(gps, gpr, w):
    grid = EP // BLK_E
    return pl.pallas_call(
        _edge_enc_body,
        grid=grid,
        in_specs=[
            _row_spec(BLK_E, LATENT), _row_spec(BLK_E, LATENT),
            _w_spec(3, LATENT), _w_spec(1, LATENT), _w_spec(1, LATENT),
            _w_spec(LATENT, LATENT), _w_spec(1, LATENT),
            _w_spec(LATENT, LATENT), _w_spec(1, LATENT),
            _w_spec(1, LATENT), _w_spec(1, LATENT),
        ],
        out_specs=_row_spec(BLK_E, LATENT),
        out_shape=jax.ShapeDtypeStruct((EP, LATENT), _f32),
    )(gps, gpr, w['e_w1r'], w['e_w1d'], w['e_b1'], w['e_w2'], w['e_b2'],
      w['e_w3'], w['e_b3'], w['e_g'], w['e_bt'])


def _edge_proc(gA, gB, e, w):
    grid = EP // BLK_E
    return pl.pallas_call(
        _edge_proc_body,
        grid=grid,
        in_specs=[
            _row_spec(BLK_E, LATENT), _row_spec(BLK_E, LATENT),
            _row_spec(BLK_E, LATENT),
            _w_spec(LATENT, LATENT), _w_spec(1, LATENT),
            _w_spec(LATENT, LATENT), _w_spec(1, LATENT),
            _w_spec(LATENT, LATENT), _w_spec(1, LATENT),
            _w_spec(1, LATENT), _w_spec(1, LATENT),
        ],
        out_specs=[_row_spec(BLK_E, LATENT)] * 2,
        out_shape=[jax.ShapeDtypeStruct((EP, LATENT), _f32)] * 2,
    )(gA, gB, e, w['pe_we'], w['pe_b1'], w['pe_w2'], w['pe_b2'], w['pe_w3'],
      w['pe_b3'], w['pe_g'], w['pe_bt'])


def _node_proc(x, agg, w):
    grid = NP // BLK_N
    a3 = pl.BlockSpec((1, BLK_N, LATENT), lambda i: (0, i, 0))
    b3 = pl.BlockSpec((1, BLK_N, LATENT), lambda i: (1, i, 0))

    def body(x_in, agg_in0, agg_in1, *rest):
        _node_proc_body(x_in, agg_in0.at[0], agg_in1.at[0], *rest)

    return pl.pallas_call(
        body,
        grid=grid,
        in_specs=[
            _row_spec(BLK_N, LATENT), a3, b3,
            _w_spec(LATENT, LATENT), _w_spec(LATENT, LATENT),
            _w_spec(1, LATENT),
            _w_spec(LATENT, LATENT), _w_spec(1, LATENT),
            _w_spec(LATENT, LATENT), _w_spec(1, LATENT),
            _w_spec(1, LATENT), _w_spec(1, LATENT),
            _w_spec(LATENT, LATENT), _w_spec(LATENT, LATENT),
        ],
        out_specs=[_row_spec(BLK_N, LATENT)] * 3,
        out_shape=[jax.ShapeDtypeStruct((NP, LATENT), _f32)] * 3,
    )(x, agg, agg, w['pn_w1x'], w['pn_w1a'], w['pn_b1'], w['pn_w2'],
      w['pn_b2'], w['pn_w3'], w['pn_b3'], w['pn_g'], w['pn_bt'],
      w['wsn'], w['wrn'])


def _decoder(x, l8, p8, w):
    grid = NP // BLK_N
    return pl.pallas_call(
        _dec_body,
        grid=grid,
        in_specs=[
            _row_spec(BLK_N, LATENT), _row_spec(BLK_N, 8), _row_spec(BLK_N, 8),
            _w_spec(LATENT, LATENT), _w_spec(1, LATENT),
            _w_spec(LATENT, LATENT), _w_spec(1, LATENT),
            _w_spec(LATENT, 8), _w_spec(1, 8),
        ],
        out_specs=_row_spec(BLK_N, 8),
        out_shape=jax.ShapeDtypeStruct((NP, 8), _f32),
    )(x, l8, p8, w['d_w1'], w['d_b1'], w['d_w2'], w['d_b2'], w['d_w3p'],
      w['d_b3p'])



def _row(v):
    return v.reshape(1, -1)


def kernel(position_sequence, edge_index, particle_types, params):
    pos = position_sequence.astype(_f32)
    last = pos[:, -1]
    prev = pos[:, -2]

    posflat = jnp.pad(pos.reshape(N, SEQ * DIM), ((0, NP - N), (0, 0)))
    types2 = jnp.pad(particle_types.reshape(N, 1).astype(jnp.int32),
                     ((0, NP - N), (0, 0)))
    sidx = jnp.pad(edge_index[0], (0, EP - E)).reshape(NW, NB, EB)
    ridx = jnp.pad(edge_index[1], (0, EP - E)).reshape(NW, NB, EB)
    ridx_s = jnp.pad(edge_index[1], (0, EP - E)).reshape(NW, NB_S, EB_S)
    pos128 = jnp.pad(last, ((0, NP - N), (0, LATENT - DIM)))
    neg128 = jnp.pad(-last, ((0, NP - N), (0, LATENT - DIM)))
    l8 = jnp.pad(last, ((0, NP - N), (0, 8 - DIM)))
    p8 = jnp.pad(prev, ((0, NP - N), (0, 8 - DIM)))
    zeros128 = jnp.zeros((EB_S, LATENT), _f32)

    ne = params['node_encoder']
    ee = params['edge_encoder']
    de = params['decoder']
    procs = params['processor']

    nW1 = ne['layers'][0][0]
    w = {
        'n_w1v': nW1[0:15], 'n_w1dl': nW1[15:18], 'n_w1du': nW1[18:21],
        'n_w1t': params['type_emb'] @ nW1[21:37],
        'n_b1': _row(ne['layers'][0][1]),
        'n_w2': ne['layers'][1][0], 'n_b2': _row(ne['layers'][1][1]),
        'n_w3': ne['layers'][2][0], 'n_b3': _row(ne['layers'][2][1]),
        'n_g': _row(ne['ln'][0]), 'n_bt': _row(ne['ln'][1]),
        'e_w1r': ee['layers'][0][0][0:3],
        'e_w1d': _row(ee['layers'][0][0][3]),
        'e_b1': _row(ee['layers'][0][1]),
        'e_w2': ee['layers'][1][0], 'e_b2': _row(ee['layers'][1][1]),
        'e_w3': ee['layers'][2][0], 'e_b3': _row(ee['layers'][2][1]),
        'e_g': _row(ee['ln'][0]), 'e_bt': _row(ee['ln'][1]),
        'd_w1': de['layers'][0][0], 'd_b1': _row(de['layers'][0][1]),
        'd_w2': de['layers'][1][0], 'd_b2': _row(de['layers'][1][1]),
        'd_w3p': jnp.pad(de['layers'][2][0], ((0, 0), (0, 8 - DIM))),
        'd_b3p': _row(jnp.pad(de['layers'][2][1], (0, 8 - DIM))),
    }

    def stk(f):
        return jnp.stack([f(p) for p in procs])

    ws_all = stk(lambda p: p['edge']['layers'][0][0][0:LATENT])
    wr_all = stk(lambda p: p['edge']['layers'][0][0][LATENT:2 * LATENT])
    w['ws0'] = ws_all[0]
    w['wr0'] = wr_all[0]

    wstack = {
        'pe_we': stk(lambda p: p['edge']['layers'][0][0][2 * LATENT:]),
        'pe_b1': stk(lambda p: _row(p['edge']['layers'][0][1])),
        'pe_w2': stk(lambda p: p['edge']['layers'][1][0]),
        'pe_b2': stk(lambda p: _row(p['edge']['layers'][1][1])),
        'pe_w3': stk(lambda p: p['edge']['layers'][2][0]),
        'pe_b3': stk(lambda p: _row(p['edge']['layers'][2][1])),
        'pe_g': stk(lambda p: _row(p['edge']['ln'][0])),
        'pe_bt': stk(lambda p: _row(p['edge']['ln'][1])),
        'pn_w1x': stk(lambda p: p['node']['layers'][0][0][0:LATENT]),
        'pn_w1a': stk(lambda p: p['node']['layers'][0][0][LATENT:]),
        'pn_b1': stk(lambda p: _row(p['node']['layers'][0][1])),
        'pn_w2': stk(lambda p: p['node']['layers'][1][0]),
        'pn_b2': stk(lambda p: _row(p['node']['layers'][1][1])),
        'pn_w3': stk(lambda p: p['node']['layers'][2][0]),
        'pn_b3': stk(lambda p: _row(p['node']['layers'][2][1])),
        'pn_g': stk(lambda p: _row(p['node']['ln'][0])),
        'pn_bt': stk(lambda p: _row(p['node']['ln'][1])),
        'wsn': jnp.roll(ws_all, -1, axis=0),
        'wrn': jnp.roll(wr_all, -1, axis=0),
    }

    x0, A0, B0 = _node_enc(posflat, types2, w)
    gps, gpr = _sc_gather2(pos128, neg128, sidx, ridx)
    e0 = _edge_enc(gps, gpr, w)

    def step(carry, ws):
        x, e, A, B = carry
        gA, gB = _sc_gather2(A, B, sidx, ridx)
        eu, en = _edge_proc(gA, gB, e, ws)
        agg = _sc_scatter(eu, ridx_s, zeros128)
        xn, An, Bn = _node_proc(x, agg, ws)
        return (xn, en, An, Bn), None

    (x, _, _, _), _ = lax.scan(step, (x0, e0, A0, B0), wstack)

    out8 = _decoder(x, l8, p8, w)
    return out8[:N, 0:DIM]

# --- scband reference (transcript-rebuilt; emitter-appended) ---
"""Pipeline reference for scband-learned-simulator-21045339750578 (READ-ONLY COPY).

The authoritative reference and input builder live on the scoring server;
editing this copy changes nothing except your own understanding.
"""

import jax, jax.numpy as jnp
import numpy as np

N = 10000
E = 160000
DIM = 3
SEQ = 6
LATENT = 128
HID = 128
NLAYERS = 2
STEPS = 10
NTYPES = 9
EMB = 16
RADIUS = 0.015
CLAMP = 1.0
BOUNDARIES = np.array([[0.1, 0.9], [0.1, 0.9], [0.1, 0.9]], dtype=np.float32)
VEL_MEAN = 0.0
VEL_STD = 1.0
ACC_MEAN = 0.0
ACC_STD = 1.0
NNODE_IN = (SEQ - 1) * DIM + 2 * DIM + EMB  # 15 + 6 + 16 = 37
NEDGE_IN = DIM + 1  # 4


def _init_mlp(key, din, dout, ln):
    dims = [din] + [HID] * NLAYERS + [dout]
    layers = []
    for i in range(len(dims) - 1):
        key, k = jax.random.split(key)
        W = jax.random.normal(k, (dims[i], dims[i + 1]), dtype=jnp.float32) * (1.0 / np.sqrt(dims[i]))
        layers.append((W, jnp.zeros((dims[i + 1],), jnp.float32)))
    p = {'layers': layers}
    if ln:
        p['ln'] = (jnp.ones((dout,), jnp.float32), jnp.zeros((dout,), jnp.float32))
    return p


def _mlp(p, x):
    L = p['layers']
    for i, (W, b) in enumerate(L):
        x = x @ W + b
        if i < len(L) - 1:
            x = jax.nn.relu(x)
    if 'ln' in p:
        g, bt = p['ln']
        mu = jnp.mean(x, axis=-1, keepdims=True)
        var = jnp.var(x, axis=-1, keepdims=True)
        x = (x - mu) / jnp.sqrt(var + 1e-5) * g + bt
    return x


def setup_inputs(seed: int = 0) -> dict:
    key = jax.random.key(seed)
    ks = jax.random.split(key, 8)
    position_sequence = jax.random.uniform(ks[0], (N, SEQ, DIM), dtype=jnp.float32)
    edge_index = jax.random.randint(ks[1], (2, E), 0, N, dtype=jnp.int32)
    particle_types = jax.random.randint(ks[2], (N,), 0, NTYPES, dtype=jnp.int32)
    params = {
        'type_emb': jax.random.normal(ks[3], (NTYPES, EMB), dtype=jnp.float32) * 0.1,
        'node_encoder': _init_mlp(ks[4], NNODE_IN, LATENT, True),
        'edge_encoder': _init_mlp(ks[5], NEDGE_IN, LATENT, True),
        'processor': [
            {'edge': _init_mlp(jax.random.fold_in(ks[6], 2 * s), 3 * LATENT, LATENT, True),
             'node': _init_mlp(jax.random.fold_in(ks[6], 2 * s + 1), 2 * LATENT, LATENT, True)}
            for s in range(STEPS)
        ],
        'decoder': _init_mlp(ks[7], LATENT, DIM, False),
    }
    return {'position_sequence': position_sequence, 'edge_index': edge_index,
            'particle_types': particle_types, 'params': params}


def reference(position_sequence, edge_index, particle_types, params):
    nparticles = position_sequence.shape[0]
    most_recent_position = position_sequence[:, -1]
    velocity_sequence = position_sequence[:, 1:] - position_sequence[:, :-1]
    normalized_velocity = (velocity_sequence - VEL_MEAN) / VEL_STD
    flat_velocity = normalized_velocity.reshape(nparticles, -1)
    boundaries = jnp.asarray(BOUNDARIES)
    dist_lower = most_recent_position - boundaries[:, 0][None]
    dist_upper = boundaries[:, 1][None] - most_recent_position
    dist_boundaries = jnp.concatenate([dist_lower, dist_upper], axis=1)
    norm_dist = jnp.clip(dist_boundaries / RADIUS, -CLAMP, CLAMP)
    type_emb = params['type_emb'][particle_types]
    node_features = jnp.concatenate([flat_velocity, norm_dist, type_emb], axis=-1)
    senders = edge_index[0]
    receivers = edge_index[1]
    rel_disp = (most_recent_position[senders] - most_recent_position[receivers]) / RADIUS
    rel_dist = jnp.linalg.norm(rel_disp, axis=-1, keepdims=True)
    edge_features = jnp.concatenate([rel_disp, rel_dist], axis=-1)
    # EncodeProcessDecode
    x = _mlp(params['node_encoder'], node_features)
    e = _mlp(params['edge_encoder'], edge_features)
    for blk in params['processor']:
        e_upd = _mlp(blk['edge'], jnp.concatenate([x[senders], x[receivers], e], axis=-1))
        agg = jax.ops.segment_sum(e_upd, receivers, num_segments=nparticles)
        x_upd = _mlp(blk['node'], jnp.concatenate([x, agg], axis=-1))
        x = x + x_upd
        e = e + e_upd
    normalized_acceleration = _mlp(params['decoder'], x)
    # decoder postprocessor
    acceleration = normalized_acceleration * ACC_STD + ACC_MEAN
    most_recent_velocity = most_recent_position - position_sequence[:, -2]
    new_velocity = most_recent_velocity + acceleration
    new_position = most_recent_position + new_velocity
    return new_position

if __name__ == "__main__":
    import jax
    _d = setup_inputs()
    print(jax.jit(kernel)(*tuple(_d.values())))

</pallas_src>

<mosaic_0001>
#map = affine_map<(d0, d1) -> (0, 0)>
#map1 = affine_map<(d0, d1) -> (0, 0, 0)>
module attributes {stable_mosaic.version = 14 : i64} {
  func.func @k(%arg0: i32, %arg1: i32, %arg2: memref<10240x128xf32, #tpu.memory_space<hbm>>, %arg3: memref<10240x128xf32, #tpu.memory_space<hbm>>, %arg4: memref<32x40x128xi32, #tpu.memory_space<hbm>>, %arg5: memref<32x40x128xi32, #tpu.memory_space<hbm>>, %arg6: memref<163840x128xf32, #tpu.memory_space<hbm>>, %arg7: memref<163840x128xf32, #tpu.memory_space<hbm>>, %arg8: memref<40x128xi32, #tpu.memory_space<vmem>>, %arg9: memref<40x128xi32, #tpu.memory_space<vmem>>, %arg10: memref<3x128x128xf32, #tpu.memory_space<vmem>>, %arg11: memref<3x128x128xf32, #tpu.memory_space<vmem>>, %arg12: memref<!tpu.dma_semaphore, #tpu.memory_space<semaphore_mem>>, %arg13: memref<!tpu.dma_semaphore, #tpu.memory_space<semaphore_mem>>, %arg14: memref<!tpu.dma_semaphore, #tpu.memory_space<semaphore_mem>>, %arg15: memref<!tpu.dma_semaphore, #tpu.memory_space<semaphore_mem>>, %arg16: memref<!tpu.dma_semaphore, #tpu.memory_space<semaphore_mem>>, %arg17: memref<!tpu.dma_semaphore, #tpu.memory_space<semaphore_mem>>, %arg18: memref<!tpu.dma_semaphore, #tpu.memory_space<semaphore_mem>>, %arg19: memref<!tpu.dma_semaphore, #tpu.memory_space<semaphore_mem>>, %arg20: memref<!tpu.dma_semaphore, #tpu.memory_space<semaphore_mem>>, %arg21: memref<!tpu.dma_semaphore, #tpu.memory_space<semaphore_mem>>, %arg22: memref<!tpu.dma_semaphore, #tpu.memory_space<semaphore_mem>>, %arg23: memref<!tpu.dma_semaphore, #tpu.memory_space<semaphore_mem>>) attributes {dimension_semantics = [#tpu.dimension_semantics<core_parallel>, #tpu.dimension_semantics<subcore_parallel>], iteration_bounds = array<i64: 2, 16>, scalar_prefetch = 0 : i64, scratch_operands = 16 : i64, tpu.core_type = #tpu.core_type<sc_vector_subcore>, window_params = [{transform_indices = #map}, {transform_indices = #map}, {transform_indices = #map1}, {transform_indices = #map1}, {transform_indices = #map}, {transform_indices = #map}]} {
    %mul3A = arith.constant 2 : i32
    %mul3A_0 = arith.muli %arg1, %mul3A : i32
    %add3A = arith.addi %mul3A_0, %arg0 : i32
    %mul3A_1 = arith.constant 5120 : i32
    %mul3A_2 = arith.muli %add3A, %mul3A_1 : i32
    "tpu.region"() ({
      %run_scoped3A = tpu.sem_alloc : memref<!tpu.dma_semaphore, #tpu.memory_space<semaphore_mem>>
      %dma_start3A_97 = arith.constant 0 : i32
      %dma_start3A_98 = arith.constant 0 : i32
      %dma_start3A_99 = tpu.memref_slice %arg4[%add3A, %dma_start3A_97, %dma_start3A_98] : memref<32x40x128xi32, #tpu.memory_space<hbm>> -> memref<1x40x128xi32, #tpu.memory_space<hbm>>
      %dma_start3A_100 = tpu.memref_squeeze %dma_start3A_99 : memref<1x40x128xi32, #tpu.memory_space<hbm>> -> memref<40x128xi32, #tpu.memory_space<hbm>>
      %dma_start3A_101 = arith.constant 0 : i32
      %dma_start3A_102 = arith.constant 0 : i32
      %dma_start3A_103 = tpu.memref_slice %arg4[%add3A, %dma_start3A_101, %dma_start3A_102] : memref<32x40x128xi32, #tpu.memory_space<hbm>> -> memref<1x40x128xi32, #tpu.memory_space<hbm>>
      %dma_start3A_104 = tpu.memref_squeeze %dma_start3A_103 : memref<1x40x128xi32, #tpu.memory_space<hbm>> -> memref<40x128xi32, #tpu.memory_space<hbm>>
      tpu.enqueue_dma source(%dma_start3A_104 : memref<40x128xi32, #tpu.memory_space<hbm>>) target(%arg8 : memref<40x128xi32, #tpu.memory_space<vmem>>) target_semaphore(%run_scoped3A : memref<!tpu.dma_semaphore, #tpu.memory_space<semaphore_mem>>)
      %dma_wait3A = arith.constant 0 : i32
      %dma_wait3A_105 = arith.constant 0 : i32
      %dma_wait3A_106 = tpu.memref_slice %arg4[%add3A, %dma_wait3A, %dma_wait3A_105] : memref<32x40x128xi32, #tpu.memory_space<hbm>> -> memref<1x40x128xi32, #tpu.memory_space<hbm>>
      %dma_wait3A_107 = tpu.memref_squeeze %dma_wait3A_106 : memref<1x40x128xi32, #tpu.memory_space<hbm>> -> memref<40x128xi32, #tpu.memory_space<hbm>>
      %dma_wait3A_108 = arith.constant 0 : i32
      %dma_wait3A_109 = arith.constant 0 : i32
      %dma_wait3A_110 = tpu.memref_slice %arg4[%add3A, %dma_wait3A_108, %dma_wait3A_109] : memref<32x40x128xi32, #tpu.memory_space<hbm>> -> memref<1x40x128xi32, #tpu.memory_space<hbm>>
      %dma_wait3A_111 = tpu.memref_squeeze %dma_wait3A_110 : memref<1x40x128xi32, #tpu.memory_space<hbm>> -> memref<40x128xi32, #tpu.memory_space<hbm>>
      tpu.wait_dma2 semaphore(%run_scoped3A : memref<!tpu.dma_semaphore, #tpu.memory_space<semaphore_mem>>) src(%dma_wait3A_111 : memref<40x128xi32, #tpu.memory_space<hbm>>) dst(%arg8 : memref<40x128xi32, #tpu.memory_space<vmem>>)
      tpu.yield
    }) : () -> ()
    "tpu.region"() ({
      %run_scoped3A = tpu.sem_alloc : memref<!tpu.dma_semaphore, #tpu.memory_space<semaphore_mem>>
      %dma_start3A_97 = arith.constant 0 : i32
      %dma_start3A_98 = arith.constant 0 : i32
      %dma_start3A_99 = tpu.memref_slice %arg5[%add3A, %dma_start3A_97, %dma_start3A_98] : memref<32x40x128xi32, #tpu.memory_space<hbm>> -> memref<1x40x128xi32, #tpu.memory_space<hbm>>
      %dma_start3A_100 = tpu.memref_squeeze %dma_start3A_99 : memref<1x40x128xi32, #tpu.memory_space<hbm>> -> memref<40x128xi32, #tpu.memory_space<hbm>>
      %dma_start3A_101 = arith.constant 0 : i32
      %dma_start3A_102 = arith.constant 0 : i32
      %dma_start3A_103 = tpu.memref_slice %arg5[%add3A, %dma_start3A_101, %dma_start3A_102] : memref<32x40x128xi32, #tpu.memory_space<hbm>> -> memref<1x40x128xi32, #tpu.memory_space<hbm>>
      %dma_start3A_104 = tpu.memref_squeeze %dma_start3A_103 : memref<1x40x128xi32, #tpu.memory_space<hbm>> -> memref<40x128xi32, #tpu.memory_space<hbm>>
      tpu.enqueue_dma source(%dma_start3A_104 : memref<40x128xi32, #tpu.memory_space<hbm>>) target(%arg9 : memref<40x128xi32, #tpu.memory_space<vmem>>) target_semaphore(%run_scoped3A : memref<!tpu.dma_semaphore, #tpu.memory_space<semaphore_mem>>)
      %dma_wait3A = arith.constant 0 : i32
      %dma_wait3A_105 = arith.constant 0 : i32
      %dma_wait3A_106 = tpu.memref_slice %arg5[%add3A, %dma_wait3A, %dma_wait3A_105] : memref<32x40x128xi32, #tpu.memory_space<hbm>> -> memref<1x40x128xi32, #tpu.memory_space<hbm>>
      %dma_wait3A_107 = tpu.memref_squeeze %dma_wait3A_106 : memref<1x40x128xi32, #tpu.memory_space<hbm>> -> memref<40x128xi32, #tpu.memory_space<hbm>>
      %dma_wait3A_108 = arith.constant 0 : i32
      %dma_wait3A_109 = arith.constant 0 : i32
      %dma_wait3A_110 = tpu.memref_slice %arg5[%add3A, %dma_wait3A_108, %dma_wait3A_109] : memref<32x40x128xi32, #tpu.memory_space<hbm>> -> memref<1x40x128xi32, #tpu.memory_space<hbm>>
      %dma_wait3A_111 = tpu.memref_squeeze %dma_wait3A_110 : memref<1x40x128xi32, #tpu.memory_space<hbm>> -> memref<40x128xi32, #tpu.memory_space<hbm>>
      tpu.wait_dma2 semaphore(%run_scoped3A : memref<!tpu.dma_semaphore, #tpu.memory_space<semaphore_mem>>) src(%dma_wait3A_111 : memref<40x128xi32, #tpu.memory_space<hbm>>) dst(%arg9 : memref<40x128xi32, #tpu.memory_space<vmem>>)
      tpu.yield
    }) : () -> ()
    %dma_start3A = arith.constant 0 : i32
    %dma_start3A_3 = arith.constant 0 : i32
    %dma_start3A_4 = arith.constant 0 : i32
    %dma_start3A_5 = arith.constant 0 : i32
    %dma_start3A_6 = tpu.memref_slice %arg10[%dma_start3A_3, %dma_start3A_4, %dma_start3A_5] : memref<3x128x128xf32, #tpu.memory_space<vmem>> -> memref<1x128x128xf32, #tpu.memory_space<vmem>>
    %dma_start3A_7 = tpu.memref_squeeze %dma_start3A_6 : memref<1x128x128xf32, #tpu.memory_space<vmem>> -> memref<128x128xf32, #tpu.memory_space<vmem>>
    %dma_start3A_8 = arith.constant 0 : i32
    %dma_start3A_9 = arith.constant 0 : i32
    %dma_start3A_10 = tpu.memref_slice %dma_start3A_7[%dma_start3A_8, %dma_start3A_9] : memref<128x128xf32, #tpu.memory_space<vmem>> -> memref<128x128xf32, #tpu.memory_space<vmem>>
    %dma_start3A_11 = arith.constant 0 : i32
    %dma_start3A_12 = tpu.memref_slice %arg8[%dma_start3A, %dma_start3A_11] : memref<40x128xi32, #tpu.memory_space<vmem>> -> memref<1x128xi32, #tpu.memory_space<vmem>>
    %dma_start3A_13 = tpu.memref_squeeze %dma_start3A_12 : memref<1x128xi32, #tpu.memory_space<vmem>> -> memref<128xi32, #tpu.memory_space<vmem>>
    %dma_start3A_14 = arith.constant 0 : i32
    %dma_start3A_15 = arith.constant 0 : i32
    %dma_start3A_16 = tpu.memref_slice %arg2[%dma_start3A_14, %dma_start3A_15] : memref<10240x128xf32, #tpu.memory_space<hbm>> -> memref<10240x128xf32, #tpu.memory_space<hbm>>
    tpu.enqueue_indirect_dma source(%dma_start3A_16 : memref<10240x128xf32, #tpu.memory_space<hbm>>) target(%dma_start3A_10 : memref<128x128xf32, #tpu.memory_space<vmem>>) offsets(%dma_start3A_13 : memref<128xi32, #tpu.memory_space<vmem>>) semaphore(%arg12 : memref<!tpu.dma_semaphore, #tpu.memory_space<semaphore_mem>>)
    %dma_start3A_17 = arith.constant 0 : i32
    %dma_start3A_18 = arith.constant 0 : i32
    %dma_start3A_19 = arith.constant 0 : i32
    %dma_start3A_20 = arith.constant 0 : i32
    %dma_start3A_21 = tpu.memref_slice %arg11[%dma_start3A_18, %dma_start3A_19, %dma_start3A_20] : memref<3x128x128xf32, #tpu.memory_space<vmem>> -> memref<1x128x128xf32, #tpu.memory_space<vmem>>
    %dma_start3A_22 = tpu.memref_squeeze %dma_start3A_21 : memref<1x128x128xf32, #tpu.memory_space<vmem>> -> memref<128x128xf32, #tpu.memory_space<vmem>>
    %dma_start3A_23 = arith.constant 0 : i32
    %dma_start3A_24 = arith.constant 0 : i32
    %dma_start3A_25 = tpu.memref_slice %dma_start3A_22[%dma_start3A_23, %dma_start3A_24] : memref<128x128xf32, #tpu.memory_space<vmem>> -> memref<128x128xf32, #tpu.memory_space<vmem>>
    %dma_start3A_26 = arith.constant 0 : i32
    %dma_start3A_27 = tpu.memref_slice %arg9[%dma_start3A_17, %dma_start3A_26] : memref<40x128xi32, #tpu.memory_space<vmem>> -> memref<1x128xi32, #tpu.memory_space<vmem>>
    %dma_start3A_28 = tpu.memref_squeeze %dma_start3A_27 : memref<1x128xi32, #tpu.memory_space<vmem>> -> memref<128xi32, #tpu.memory_space<vmem>>
    %dma_start3A_29 = arith.constant 0 : i32
    %dma_start3A_30 = arith.constant 0 : i32
    %dma_start3A_31 = tpu.memref_slice %arg3[%dma_start3A_29, %dma_start3A_30] : memref<10240x128xf32, #tpu.memory_space<hbm>> -> memref<10240x128xf32, #tpu.memory_space<hbm>>
    tpu.enqueue_indirect_dma source(%dma_start3A_31 : memref<10240x128xf32, #tpu.memory_space<hbm>>) target(%dma_start3A_25 : memref<128x128xf32, #tpu.memory_space<vmem>>) offsets(%dma_start3A_28 : memref<128xi32, #tpu.memory_space<vmem>>) semaphore(%arg15 : memref<!tpu.dma_semaphore, #tpu.memory_space<semaphore_mem>>)
    %dma_start3A_32 = arith.constant 1 : i32
    %dma_start3A_33 = arith.constant 1 : i32
    %dma_start3A_34 = arith.constant 0 : i32
    %dma_start3A_35 = arith.constant 0 : i32
    %dma_start3A_36 = tpu.memref_slice %arg10[%dma_start3A_33, %dma_start3A_34, %dma_start3A_35] : memref<3x128x128xf32, #tpu.memory_space<vmem>> -> memref<1x128x128xf32, #tpu.memory_space<vmem>>
    %dma_start3A_37 = tpu.memref_squeeze %dma_start3A_36 : memref<1x128x128xf32, #tpu.memory_space<vmem>> -> memref<128x128xf32, #tpu.memory_space<vmem>>
    %dma_start3A_38 = arith.constant 0 : i32
    %dma_start3A_39 = arith.constant 0 : i32
    %dma_start3A_40 = tpu.memref_slice %dma_start3A_37[%dma_start3A_38, %dma_start3A_39] : memref<128x128xf32, #tpu.memory_space<vmem>> -> memref<128x128xf32, #tpu.memory_space<vmem>>
    %dma_start3A_41 = arith.constant 0 : i32
    %dma_start3A_42 = tpu.memref_slice %arg8[%dma_start3A_32, %dma_start3A_41] : memref<40x128xi32, #tpu.memory_space<vmem>> -> memref<1x128xi32, #tpu.memory_space<vmem>>
    %dma_start3A_43 = tpu.memref_squeeze %dma_start3A_42 : memref<1x128xi32, #tpu.memory_space<vmem>> -> memref<128xi32, #tpu.memory_space<vmem>>
    %dma_start3A_44 = arith.constant 0 : i32
    %dma_start3A_45 = arith.constant 0 : i32
    %dma_start3A_46 = tpu.memref_slice %arg2[%dma_start3A_44, %dma_start3A_45] : memref<10240x128xf32, #tpu.memory_space<hbm>> -> memref<10240x128xf32, #tpu.memory_space<hbm>>
    tpu.enqueue_indirect_dma source(%dma_start3A_46 : memref<10240x128xf32, #tpu.memory_space<hbm>>) target(%dma_start3A_40 : memref<128x128xf32, #tpu.memory_space<vmem>>) offsets(%dma_start3A_43 : memref<128xi32, #tpu.memory_space<vmem>>) semaphore(%arg13 : memref<!tpu.dma_semaphore, #tpu.memory_space<semaphore_mem>>)
    %dma_start3A_47 = arith.constant 1 : i32
    %dma_start3A_48 = arith.constant 1 : i32
    %dma_start3A_49 = arith.constant 0 : i32
    %dma_start3A_50 = arith.constant 0 : i32
    %dma_start3A_51 = tpu.memref_slice %arg11[%dma_start3A_48, %dma_start3A_49, %dma_start3A_50] : memref<3x128x128xf32, #tpu.memory_space<vmem>> -> memref<1x128x128xf32, #tpu.memory_space<vmem>>
    %dma_start3A_52 = tpu.memref_squeeze %dma_start3A_51 : memref<1x128x128xf32, #tpu.memory_space<vmem>> -> memref<128x128xf32, #tpu.memory_space<vmem>>
    %dma_start3A_53 = arith.constant 0 : i32
    %dma_start3A_54 = arith.constant 0 : i32
    %dma_start3A_55 = tpu.memref_slice %dma_start3A_52[%dma_start3A_53, %dma_start3A_54] : memref<128x128xf32, #tpu.memory_space<vmem>> -> memref<128x128xf32, #tpu.memory_space<vmem>>
    %dma_start3A_56 = arith.constant 0 : i32
    %dma_start3A_57 = tpu.memref_slice %arg9[%dma_start3A_47, %dma_start3A_56] : memref<40x128xi32, #tpu.memory_space<vmem>> -> memref<1x128xi32, #tpu.memory_space<vmem>>
    %dma_start3A_58 = tpu.memref_squeeze %dma_start3A_57 : memref<1x128xi32, #tpu.memory_space<vmem>> -> memref<128xi32, #tpu.memory_space<vmem>>
    %dma_start3A_59 = arith.constant 0 : i32
    %dma_start3A_60 = arith.constant 0 : i32
    %dma_start3A_61 = tpu.memref_slice %arg3[%dma_start3A_59, %dma_start3A_60] : memref<10240x128xf32, #tpu.memory_space<hbm>> -> memref<10240x128xf32, #tpu.memory_space<hbm>>
    tpu.enqueue_indirect_dma source(%dma_start3A_61 : memref<10240x128xf32, #tpu.memory_space<hbm>>) target(%dma_start3A_55 : memref<128x128xf32, #tpu.memory_space<vmem>>) offsets(%dma_start3A_58 : memref<128xi32, #tpu.memory_space<vmem>>) semaphore(%arg16 : memref<!tpu.dma_semaphore, #tpu.memory_space<semaphore_mem>>)
    %dma_start3A_62 = arith.constant 2 : i32
    %dma_start3A_63 = arith.constant 2 : i32
    %dma_start3A_64 = arith.constant 0 : i32
    %dma_start3A_65 = arith.constant 0 : i32
    %dma_start3A_66 = tpu.memref_slice %arg10[%dma_start3A_63, %dma_start3A_64, %dma_start3A_65] : memref<3x128x128xf32, #tpu.memory_space<vmem>> -> memref<1x128x128xf32, #tpu.memory_space<vmem>>
    %dma_start3A_67 = tpu.memref_squeeze %dma_start3A_66 : memref<1x128x128xf32, #tpu.memory_space<vmem>> -> memref<128x128xf32, #tpu.memory_space<vmem>>
    %dma_start3A_68 = arith.constant 0 : i32
    %dma_start3A_69 = arith.constant 0 : i32
    %dma_start3A_70 = tpu.memref_slice %dma_start3A_67[%dma_start3A_68, %dma_start3A_69] : memref<128x128xf32, #tpu.memory_space<vmem>> -> memref<128x128xf32, #tpu.memory_space<vmem>>
    %dma_start3A_71 = arith.constant 0 : i32
    %dma_start3A_72 = tpu.memref_slice %arg8[%dma_start3A_62, %dma_start3A_71] : memref<40x128xi32, #tpu.memory_space<vmem>> -> memref<1x128xi32, #tpu.memory_space<vmem>>
    %dma_start3A_73 = tpu.memref_squeeze %dma_start3A_72 : memref<1x128xi32, #tpu.memory_space<vmem>> -> memref<128xi32, #tpu.memory_space<vmem>>
    %dma_start3A_74 = arith.constant 0 : i32
    %dma_start3A_75 = arith.constant 0 : i32
    %dma_start3A_76 = tpu.memref_slice %arg2[%dma_start3A_74, %dma_start3A_75] : memref<10240x128xf32, #tpu.memory_space<hbm>> -> memref<10240x128xf32, #tpu.memory_space<hbm>>
    tpu.enqueue_indirect_dma source(%dma_start3A_76 : memref<10240x128xf32, #tpu.memory_space<hbm>>) target(%dma_start3A_70 : memref<128x128xf32, #tpu.memory_space<vmem>>) offsets(%dma_start3A_73 : memref<128xi32, #tpu.memory_space<vmem>>) semaphore(%arg14 : memref<!tpu.dma_semaphore, #tpu.memory_space<semaphore_mem>>)
    %dma_start3A_77 = arith.constant 2 : i32
    %dma_start3A_78 = arith.constant 2 : i32
    %dma_start3A_79 = arith.constant 0 : i32
    %dma_start3A_80 = arith.constant 0 : i32
    %dma_start3A_81 = tpu.memref_slice %arg11[%dma_start3A_78, %dma_start3A_79, %dma_start3A_80] : memref<3x128x128xf32, #tpu.memory_space<vmem>> -> memref<1x128x128xf32, #tpu.memory_space<vmem>>
    %dma_start3A_82 = tpu.memref_squeeze %dma_start3A_81 : memref<1x128x128xf32, #tpu.memory_space<vmem>> -> memref<128x128xf32, #tpu.memory_space<vmem>>
    %dma_start3A_83 = arith.constant 0 : i32
    %dma_start3A_84 = arith.constant 0 : i32
    %dma_start3A_85 = tpu.memref_slice %dma_start3A_82[%dma_start3A_83, %dma_start3A_84] : memref<128x128xf32, #tpu.memory_space<vmem>> -> memref<128x128xf32, #tpu.memory_space<vmem>>
    %dma_start3A_86 = arith.constant 0 : i32
    %dma_start3A_87 = tpu.memref_slice %arg9[%dma_start3A_77, %dma_start3A_86] : memref<40x128xi32, #tpu.memory_space<vmem>> -> memref<1x128xi32, #tpu.memory_space<vmem>>
    %dma_start3A_88 = tpu.memref_squeeze %dma_start3A_87 : memref<1x128xi32, #tpu.memory_space<vmem>> -> memref<128xi32, #tpu.memory_space<vmem>>
    %dma_start3A_89 = arith.constant 0 : i32
    %dma_start3A_90 = arith.constant 0 : i32
    %dma_start3A_91 = tpu.memref_slice %arg3[%dma_start3A_89, %dma_start3A_90] : memref<10240x128xf32, #tpu.memory_space<hbm>> -> memref<10240x128xf32, #tpu.memory_space<hbm>>
    tpu.enqueue_indirect_dma source(%dma_start3A_91 : memref<10240x128xf32, #tpu.memory_space<hbm>>) target(%dma_start3A_85 : memref<128x128xf32, #tpu.memory_space<vmem>>) offsets(%dma_start3A_88 : memref<128xi32, #tpu.memory_space<vmem>>) semaphore(%arg17 : memref<!tpu.dma_semaphore, #tpu.memory_space<semaphore_mem>>)
    %scan3A = arith.constant 0 : i32
    %scan3A_92 = arith.constant 0 : i32
    %scan3A_93 = arith.constant 14 : i32
    %scan3A_94 = arith.addi %scan3A_92, %scan3A_93 : i32
    %scan3A_95 = arith.constant 1 : i32
    scf.for %scan3A_97 = %scan3A_92 to %scan3A_94 step %scan3A_95  : i32 {
      %mul3A_98 = arith.constant 3 : i32
      %mul3A_99 = arith.muli %scan3A_97, %mul3A_98 : i32
      %add3A_100 = arith.constant 0 : i32
      %add3A_101 = arith.addi %mul3A_99, %add3A_100 : i32
      %lt3A = arith.constant 40 : i32
      %lt3A_102 = arith.cmpi slt, %add3A_101, %lt3A : i32
      %convert_element_type3A = arith.extui %lt3A_102 : i1 to i32
      %cond3A = arith.constant 0 : i32
      %cond3A_103 = arith.cmpi ne, %convert_element_type3A, %cond3A : i32
      scf.if %cond3A_103 {
        %mul3A_122 = arith.constant 128 : i32
        %mul3A_123 = arith.muli %add3A_101, %mul3A_122 : i32
        %add3A_124 = arith.addi %mul3A_2, %mul3A_123 : i32
        %dma_wait3A = arith.constant 0 : i32
        %dma_wait3A_125 = arith.constant 0 : i32
        %dma_wait3A_126 = arith.constant 0 : i32
        %dma_wait3A_127 = tpu.memref_slice %arg10[%dma_wait3A, %dma_wait3A_125, %dma_wait3A_126] : memref<3x128x128xf32, #tpu.memory_space<vmem>> -> memref<1x128x128xf32, #tpu.memory_space<vmem>>
        %dma_wait3A_128 = tpu.memref_squeeze %dma_wait3A_127 : memref<1x128x128xf32, #tpu.memory_space<vmem>> -> memref<128x128xf32, #tpu.memory_space<vmem>>
        %dma_wait3A_129 = arith.constant 0 : i32
        %dma_wait3A_130 = tpu.memref_slice %arg6[%add3A_124, %dma_wait3A_129] : memref<163840x128xf32, #tpu.memory_space<hbm>> -> memref<128x128xf32, #tpu.memory_space<hbm>>
        %dma_wait3A_131 = arith.constant 0 : i32
        %dma_wait3A_132 = arith.constant 0 : i32
        %dma_wait3A_133 = tpu.memref_slice %arg10[%dma_wait3A, %dma_wait3A_131, %dma_wait3A_132] : memref<3x128x128xf32, #tpu.memory_space<vmem>> -> memref<1x128x128xf32, #tpu.memory_space<vmem>>
        %dma_wait3A_134 = tpu.memref_squeeze %dma_wait3A_133 : memref<1x128x128xf32, #tpu.memory_space<vmem>> -> memref<128x128xf32, #tpu.memory_space<vmem>>
        %dma_wait3A_135 = arith.constant 0 : i32
        %dma_wait3A_136 = tpu.memref_slice %arg6[%add3A_124, %dma_wait3A_135] : memref<163840x128xf32, #tpu.memory_space<hbm>> -> memref<128x128xf32, #tpu.memory_space<hbm>>
        tpu.wait_dma2 semaphore(%arg12 : memref<!tpu.dma_semaphore, #tpu.memory_space<semaphore_mem>>) src(%dma_wait3A_136 : memref<128x128xf32, #tpu.memory_space<hbm>>) dst(%dma_wait3A_134 : memref<128x128xf32, #tpu.memory_space<vmem>>)
        %dma_wait3A_137 = arith.constant 0 : i32
        %dma_wait3A_138 = arith.constant 0 : i32
        %dma_wait3A_139 = arith.constant 0 : i32
        %dma_wait3A_140 = tpu.memref_slice %arg11[%dma_wait3A_137, %dma_wait3A_138, %dma_wait3A_139] : memref<3x128x128xf32, #tpu.memory_space<vmem>> -> memref<1x128x128xf32, #tpu.memory_space<vmem>>
        %dma_wait3A_141 = tpu.memref_squeeze %dma_wait3A_140 : memref<1x128x128xf32, #tpu.memory_space<vmem>> -> memref<128x128xf32, #tpu.memory_space<vmem>>
        %dma_wait3A_142 = arith.constant 0 : i32
        %dma_wait3A_143 = tpu.memref_slice %arg7[%add3A_124, %dma_wait3A_142] : memref<163840x128xf32, #tpu.memory_space<hbm>> -> memref<128x128xf32, #tpu.memory_space<hbm>>
        %dma_wait3A_144 = arith.constant 0 : i32
        %dma_wait3A_145 = arith.constant 0 : i32
        %dma_wait3A_146 = tpu.memref_slice %arg11[%dma_wait3A_137, %dma_wait3A_144, %dma_wait3A_145] : memref<3x128x128xf32, #tpu.memory_space<vmem>> -> memref<1x128x128xf32, #tpu.memory_space<vmem>>
        %dma_wait3A_147 = tpu.memref_squeeze %dma_wait3A_146 : memref<1x128x128xf32, #tpu.memory_space<vmem>> -> memref<128x128xf32, #tpu.memory_space<vmem>>
        %dma_wait3A_148 = arith.constant 0 : i32
        %dma_wait3A_149 = tpu.memref_slice %arg7[%add3A_124, %dma_wait3A_148] : memref<163840x128xf32, #tpu.memory_space<hbm>> -> memref<128x128xf32, #tpu.memory_space<hbm>>
        tpu.wait_dma2 semaphore(%arg15 : memref<!tpu.dma_semaphore, #tpu.memory_space<semaphore_mem>>) src(%dma_wait3A_149 : memref<128x128xf32, #tpu.memory_space<hbm>>) dst(%dma_wait3A_147 : memref<128x128xf32, #tpu.memory_space<vmem>>)
        %dma_start3A_150 = arith.constant 0 : i32
        %dma_start3A_151 = arith.constant 0 : i32
        %dma_start3A_152 = arith.constant 0 : i32
        %dma_start3A_153 = tpu.memref_slice %arg10[%dma_start3A_150, %dma_start3A_151, %dma_start3A_152] : memref<3x128x128xf32, #tpu.memory_space<vmem>> -> memref<1x128x128xf32, #tpu.memory_space<vmem>>
        %dma_start3A_154 = tpu.memref_squeeze %dma_start3A_153 : memref<1x128x128xf32, #tpu.memory_space<vmem>> -> memref<128x128xf32, #tpu.memory_space<vmem>>
        %dma_start3A_155 = arith.constant 0 : i32
        %dma_start3A_156 = tpu.memref_slice %arg6[%add3A_124, %dma_start3A_155] : memref<163840x128xf32, #tpu.memory_space<hbm>> -> memref<128x128xf32, #tpu.memory_space<hbm>>
        %dma_start3A_157 = arith.constant 0 : i32
        %dma_start3A_158 = tpu.memref_slice %arg6[%add3A_124, %dma_start3A_157] : memref<163840x128xf32, #tpu.memory_space<hbm>> -> memref<128x128xf32, #tpu.memory_space<hbm>>
        %dma_start3A_159 = arith.constant 0 : i32
        %dma_start3A_160 = arith.constant 0 : i32
        %dma_start3A_161 = tpu.memref_slice %arg10[%dma_start3A_150, %dma_start3A_159, %dma_start3A_160] : memref<3x128x128xf32, #tpu.memory_space<vmem>> -> memref<1x128x128xf32, #tpu.memory_space<vmem>>
        %dma_start3A_162 = tpu.memref_squeeze %dma_start3A_161 : memref<1x128x128xf32, #tpu.memory_space<vmem>> -> memref<128x128xf32, #tpu.memory_space<vmem>>
        tpu.enqueue_dma source(%dma_start3A_162 : memref<128x128xf32, #tpu.memory_space<vmem>>) target(%dma_start3A_158 : memref<128x128xf32, #tpu.memory_space<hbm>>) target_semaphore(%arg18 : memref<!tpu.dma_semaphore, #tpu.memory_space<semaphore_mem>>)
        %dma_start3A_163 = arith.constant 0 : i32
        %dma_start3A_164 = arith.constant 0 : i32
        %dma_start3A_165 = arith.constant 0 : i32
        %dma_start3A_166 = tpu.memref_slice %arg11[%dma_start3A_163, %dma_start3A_164, %dma_start3A_165] : memref<3x128x128xf32, #tpu.memory_space<vmem>> -> memref<1x128x128xf32, #tpu.memory_space<vmem>>
        %dma_start3A_167 = tpu.memref_squeeze %dma_start3A_166 : memref<1x128x128xf32, #tpu.memory_space<vmem>> -> memref<128x128xf32, #tpu.memory_space<vmem>>
        %dma_start3A_168 = arith.constant 0 : i32
        %dma_start3A_169 = tpu.memref_slice %arg7[%add3A_124, %dma_start3A_168] : memref<163840x128xf32, #tpu.memory_space<hbm>> -> memref<128x128xf32, #tpu.memory_space<hbm>>
        %dma_start3A_170 = arith.constant 0 : i32
        %dma_start3A_171 = tpu.memref_slice %arg7[%add3A_124, %dma_start3A_170] : memref<163840x128xf32, #tpu.memory_space<hbm>> -> memref<128x128xf32, #tpu.memory_space<hbm>>
        %dma_start3A_172 = arith.constant 0 : i32
        %dma_start3A_173 = arith.constant 0 : i32
        %dma_start3A_174 = tpu.memref_slice %arg11[%dma_start3A_163, %dma_start3A_172, %dma_start3A_173] : memref<3x128x128xf32, #tpu.memory_space<vmem>> -> memref<1x128x128xf32, #tpu.memory_space<vmem>>
        %dma_start3A_175 = tpu.memref_squeeze %dma_start3A_174 : memref<1x128x128xf32, #tpu.memory_space<vmem>> -> memref<128x128xf32, #tpu.memory_space<vmem>>
        tpu.enqueue_dma source(%dma_start3A_175 : memref<128x128xf32, #tpu.memory_space<vmem>>) target(%dma_start3A_171 : memref<128x128xf32, #tpu.memory_space<hbm>>) target_semaphore(%arg21 : memref<!tpu.dma_semaphore, #tpu.memory_space<semaphore_mem>>)
        %dma_wait3A_176 = arith.constant 0 : i32
        %dma_wait3A_177 = arith.constant 0 : i32
        %dma_wait3A_178 = arith.constant 0 : i32
        %dma_wait3A_179 = tpu.memref_slice %arg10[%dma_wait3A_176, %dma_wait3A_177, %dma_wait3A_178] : memref<3x128x128xf32, #tpu.memory_space<vmem>> -> memref<1x128x128xf32, #tpu.memory_space<vmem>>
        %dma_wait3A_180 = tpu.memref_squeeze %dma_wait3A_179 : memref<1x128x128xf32, #tpu.memory_space<vmem>> -> memref<128x128xf32, #tpu.memory_space<vmem>>
        %dma_wait3A_181 = arith.constant 0 : i32
        %dma_wait3A_182 = tpu.memref_slice %arg6[%add3A_124, %dma_wait3A_181] : memref<163840x128xf32, #tpu.memory_space<hbm>> -> memref<128x128xf32, #tpu.memory_space<hbm>>
        %dma_wait3A_183 = arith.constant 0 : i32
        %dma_wait3A_184 = tpu.memref_slice %arg6[%add3A_124, %dma_wait3A_183] : memref<163840x128xf32, #tpu.memory_space<hbm>> -> memref<128x128xf32, #tpu.memory_space<hbm>>
        %dma_wait3A_185 = arith.constant 0 : i32
        %dma_wait3A_186 = arith.constant 0 : i32
        %dma_wait3A_187 = tpu.memref_slice %arg10[%dma_wait3A_176, %dma_wait3A_185, %dma_wait3A_186] : memref<3x128x128xf32, #tpu.memory_space<vmem>> -> memref<1x128x128xf32, #tpu.memory_space<vmem>>
        %dma_wait3A_188 = tpu.memref_squeeze %dma_wait3A_187 : memref<1x128x128xf32, #tpu.memory_space<vmem>> -> memref<128x128xf32, #tpu.memory_space<vmem>>
        tpu.wait_dma2 semaphore(%arg18 : memref<!tpu.dma_semaphore, #tpu.memory_space<semaphore_mem>>) src(%dma_wait3A_188 : memref<128x128xf32, #tpu.memory_space<vmem>>) dst(%dma_wait3A_184 : memref<128x128xf32, #tpu.memory_space<hbm>>)
        %dma_wait3A_189 = arith.constant 0 : i32
        %dma_wait3A_190 = arith.constant 0 : i32
        %dma_wait3A_191 = arith.constant 0 : i32
        %dma_wait3A_192 = tpu.memref_slice %arg11[%dma_wait3A_189, %dma_wait3A_190, %dma_wait3A_191] : memref<3x128x128xf32, #tpu.memory_space<vmem>> -> memref<1x128x128xf32, #tpu.memory_space<vmem>>
        %dma_wait3A_193 = tpu.memref_squeeze %dma_wait3A_192 : memref<1x128x128xf32, #tpu.memory_space<vmem>> -> memref<128x128xf32, #tpu.memory_space<vmem>>
        %dma_wait3A_194 = arith.constant 0 : i32
        %dma_wait3A_195 = tpu.memref_slice %arg7[%add3A_124, %dma_wait3A_194] : memref<163840x128xf32, #tpu.memory_space<hbm>> -> memref<128x128xf32, #tpu.memory_space<hbm>>
        %dma_wait3A_196 = arith.constant 0 : i32
        %dma_wait3A_197 = tpu.memref_slice %arg7[%add3A_124, %dma_wait3A_196] : memref<163840x128xf32, #tpu.memory_space<hbm>> -> memref<128x128xf32, #tpu.memory_space<hbm>>
        %dma_wait3A_198 = arith.constant 0 : i32
        %dma_wait3A_199 = arith.constant 0 : i32
        %dma_wait3A_200 = tpu.memref_slice %arg11[%dma_wait3A_189, %dma_wait3A_198, %dma_wait3A_199] : memref<3x128x128xf32, #tpu.memory_space<vmem>> -> memref<1x128x128xf32, #tpu.memory_space<vmem>>
        %dma_wait3A_201 = tpu.memref_squeeze %dma_wait3A_200 : memref<1x128x128xf32, #tpu.memory_space<vmem>> -> memref<128x128xf32, #tpu.memory_space<vmem>>
        tpu.wait_dma2 semaphore(%arg21 : memref<!tpu.dma_semaphore, #tpu.memory_space<semaphore_mem>>) src(%dma_wait3A_201 : memref<128x128xf32, #tpu.memory_space<vmem>>) dst(%dma_wait3A_197 : memref<128x128xf32, #tpu.memory_space<hbm>>)
        %add3A_202 = arith.constant 3 : i32
        %add3A_203 = arith.addi %add3A_101, %add3A_202 : i32
        %lt3A_204 = arith.constant 40 : i32
        %lt3A_205 = arith.cmpi slt, %add3A_203, %lt3A_204 : i32
        %convert_element_type3A_206 = arith.extui %lt3A_205 : i1 to i32
        %cond3A_207 = arith.constant 0 : i32
        %cond3A_208 = arith.cmpi ne, %convert_element_type3A_206, %cond3A_207 : i32
        scf.if %cond3A_208 {
          %add3A_209 = arith.constant 3 : i32
          %add3A_210 = arith.addi %add3A_101, %add3A_209 : i32
          %mul3A_211 = arith.constant 1 : i32
          %mul3A_212 = arith.muli %add3A_210, %mul3A_211 : i32
          %add3A_213 = arith.constant 0 : i32
          %add3A_214 = arith.addi %mul3A_212, %add3A_213 : i32
          %dma_start3A_215 = arith.constant 0 : i32
          %dma_start3A_216 = arith.constant 0 : i32
          %dma_start3A_217 = arith.constant 0 : i32
          %dma_start3A_218 = tpu.memref_slice %arg10[%dma_start3A_215, %dma_start3A_216, %dma_start3A_217] : memref<3x128x128xf32, #tpu.memory_space<vmem>> -> memref<1x128x128xf32, #tpu.memory_space<vmem>>
          %dma_start3A_219 = tpu.memref_squeeze %dma_start3A_218 : memref<1x128x128xf32, #tpu.memory_space<vmem>> -> memref<128x128xf32, #tpu.memory_space<vmem>>
          %dma_start3A_220 = arith.constant 0 : i32
          %dma_start3A_221 = arith.constant 0 : i32
          %dma_start3A_222 = tpu.memref_slice %dma_start3A_219[%dma_start3A_220, %dma_start3A_221] : memref<128x128xf32, #tpu.memory_space<vmem>> -> memref<128x128xf32, #tpu.memory_space<vmem>>
          %dma_start3A_223 = arith.constant 0 : i32
          %dma_start3A_224 = tpu.memref_slice %arg8[%add3A_214, %dma_start3A_223] : memref<40x128xi32, #tpu.memory_space<vmem>> -> memref<1x128xi32, #tpu.memory_space<vmem>>
          %dma_start3A_225 = tpu.memref_squeeze %dma_start3A_224 : memref<1x128xi32, #tpu.memory_space<vmem>> -> memref<128xi32, #tpu.memory_space<vmem>>
          %dma_start3A_226 = arith.constant 0 : i32
          %dma_start3A_227 = arith.constant 0 : i32
          %dma_start3A_228 = tpu.memref_slice %arg2[%dma_start3A_226, %dma_start3A_227] : memref<10240x128xf32, #tpu.memory_space<hbm>> -> memref<10240x128xf32, #tpu.memory_space<hbm>>
          tpu.enqueue_indirect_dma source(%dma_start3A_228 : memref<10240x128xf32, #tpu.memory_space<hbm>>) target(%dma_start3A_222 : memref<128x128xf32, #tpu.memory_space<vmem>>) offsets(%dma_start3A_225 : memref<128xi32, #tpu.memory_space<vmem>>) semaphore(%arg12 : memref<!tpu.dma_semaphore, #tpu.memory_space<semaphore_mem>>)
          %dma_start3A_229 = arith.constant 0 : i32
          %dma_start3A_230 = arith.constant 0 : i32
          %dma_start3A_231 = arith.constant 0 : i32
          %dma_start3A_232 = tpu.memref_slice %arg11[%dma_start3A_229, %dma_start3A_230, %dma_start3A_231] : memref<3x128x128xf32, #tpu.memory_space<vmem>> -> memref<1x128x128xf32, #tpu.memory_space<vmem>>
          %dma_start3A_233 = tpu.memref_squeeze %dma_start3A_232 : memref<1x128x128xf32, #tpu.memory_space<vmem>> -> memref<128x128xf32, #tpu.memory_space<vmem>>
          %dma_start3A_234 = arith.constant 0 : i32
          %dma_start3A_235 = arith.constant 0 : i32
          %dma_start3A_236 = tpu.memref_slice %dma_start3A_233[%dma_start3A_234, %dma_start3A_235] : memref<128x128xf32, #tpu.memory_space<vmem>> -> memref<128x128xf32, #tpu.memory_space<vmem>>
          %dma_start3A_237 = arith.constant 0 : i32
          %dma_start3A_238 = tpu.memref_slice %arg9[%add3A_214, %dma_start3A_237] : memref<40x128xi32, #tpu.memory_space<vmem>> -> memref<1x128xi32, #tpu.memory_space<vmem>>
          %dma_start3A_239 = tpu.memref_squeeze %dma_start3A_238 : memref<1x128xi32, #tpu.memory_space<vmem>> -> memref<128xi32, #tpu.memory_space<vmem>>
          %dma_start3A_240 = arith.constant 0 : i32
          %dma_start3A_241 = arith.constant 0 : i32
          %dma_start3A_242 = tpu.memref_slice %arg3[%dma_start3A_240, %dma_start3A_241] : memref<10240x128xf32, #tpu.memory_space<hbm>> -> memref<10240x128xf32, #tpu.memory_space<hbm>>
          tpu.enqueue_indirect_dma source(%dma_start3A_242 : memref<10240x128xf32, #tpu.memory_space<hbm>>) target(%dma_start3A_236 : memref<128x128xf32, #tpu.memory_space<vmem>>) offsets(%dma_start3A_239 : memref<128xi32, #tpu.memory_space<vmem>>) semaphore(%arg15 : memref<!tpu.dma_semaphore, #tpu.memory_space<semaphore_mem>>)
        } else {
        }
      } else {
      }
      %mul3A_104 = arith.constant 3 : i32
      %mul3A_105 = arith.muli %scan3A_97, %mul3A_104 : i32
      %add3A_106 = arith.constant 1 : i32
      %add3A_107 = arith.addi %mul3A_105, %add3A_106 : i32
      %lt3A_108 = arith.constant 40 : i32
      %lt3A_109 = arith.cmpi slt, %add3A_107, %lt3A_108 : i32
      %convert_element_type3A_110 = arith.extui %lt3A_109 : i1 to i32
      %cond3A_111 = arith.constant 0 : i32
      %cond3A_112 = arith.cmpi ne, %convert_element_type3A_110, %cond3A_111 : i32
      scf.if %cond3A_112 {
        %mul3A_122 = arith.constant 128 : i32
        %mul3A_123 = arith.muli %add3A_107, %mul3A_122 : i32
        %add3A_124 = arith.addi %mul3A_2, %mul3A_123 : i32
        %dma_wait3A = arith.constant 1 : i32
        %dma_wait3A_125 = arith.constant 0 : i32
        %dma_wait3A_126 = arith.constant 0 : i32
        %dma_wait3A_127 = tpu.memref_slice %arg10[%dma_wait3A, %dma_wait3A_125, %dma_wait3A_126] : memref<3x128x128xf32, #tpu.memory_space<vmem>> -> memref<1x128x128xf32, #tpu.memory_space<vmem>>
        %dma_wait3A_128 = tpu.memref_squeeze %dma_wait3A_127 : memref<1x128x128xf32, #tpu.memory_space<vmem>> -> memref<128x128xf32, #tpu.memory_space<vmem>>
        %dma_wait3A_129 = arith.constant 0 : i32
        %dma_wait3A_130 = tpu.memref_slice %arg6[%add3A_124, %dma_wait3A_129] : memref<163840x128xf32, #tpu.memory_space<hbm>> -> memref<128x128xf32, #tpu.memory_space<hbm>>
        %dma_wait3A_131 = arith.constant 0 : i32
        %dma_wait3A_132 = arith.constant 0 : i32
        %dma_wait3A_133 = tpu.memref_slice %arg10[%dma_wait3A, %dma_wait3A_131, %dma_wait3A_132] : memref<3x128x128xf32, #tpu.memory_space<vmem>> -> memref<1x128x128xf32, #tpu.memory_space<vmem>>
        %dma_wait3A_134 = tpu.memref_squeeze %dma_wait3A_133 : memref<1x128x128xf32, #tpu.memory_space<vmem>> -> memref<128x128xf32, #tpu.memory_space<vmem>>
        %dma_wait3A_135 = arith.constant 0 : i32
        %dma_wait3A_136 = tpu.memref_slice %arg6[%add3A_124, %dma_wait3A_135] : memref<163840x128xf32, #tpu.memory_space<hbm>> -> memref<128x128xf32, #tpu.memory_space<hbm>>
        tpu.wait_dma2 semaphore(%arg13 : memref<!tpu.dma_semaphore, #tpu.memory_space<semaphore_mem>>) src(%dma_wait3A_136 : memref<128x128xf32, #tpu.memory_space<hbm>>) dst(%dma_wait3A_134 : memref<128x128xf32, #tpu.memory_space<vmem>>)
        %dma_wait3A_137 = arith.constant 1 : i32
        %dma_wait3A_138 = arith.constant 0 : i32
        %dma_wait3A_139 = arith.constant 0 : i32
        %dma_wait3A_140 = tpu.memref_slice %arg11[%dma_wait3A_137, %dma_wait3A_138, %dma_wait3A_139] : memref<3x128x128xf32, #tpu.memory_space<vmem>> -> memref<1x128x128xf32, #tpu.memory_space<vmem>>
        %dma_wait3A_141 = tpu.memref_squeeze %dma_wait3A_140 : memref<1x128x128xf32, #tpu.memory_space<vmem>> -> memref<128x128xf32, #tpu.memory_space<vmem>>
        %dma_wait3A_142 = arith.constant 0 : i32
        %dma_wait3A_143 = tpu.memref_slice %arg7[%add3A_124, %dma_wait3A_142] : memref<163840x128xf32, #tpu.memory_space<hbm>> -> memref<128x128xf32, #tpu.memory_space<hbm>>
        %dma_wait3A_144 = arith.constant 0 : i32
        %dma_wait3A_145 = arith.constant 0 : i32
        %dma_wait3A_146 = tpu.memref_slice %arg11[%dma_wait3A_137, %dma_wait3A_144, %dma_wait3A_145] : memref<3x128x128xf32, #tpu.memory_space<vmem>> -> memref<1x128x128xf32, #tpu.memory_space<vmem>>
        %dma_wait3A_147 = tpu.memref_squeeze %dma_wait3A_146 : memref<1x128x128xf32, #tpu.memory_space<vmem>> -> memref<128x128xf32, #tpu.memory_space<vmem>>
        %dma_wait3A_148 = arith.constant 0 : i32
        %dma_wait3A_149 = tpu.memref_slice %arg7[%add3A_124, %dma_wait3A_148] : memref<163840x128xf32, #tpu.memory_space<hbm>> -> memref<128x128xf32, #tpu.memory_space<hbm>>
        tpu.wait_dma2 semaphore(%arg16 : memref<!tpu.dma_semaphore, #tpu.memory_space<semaphore_mem>>) src(%dma_wait3A_149 : memref<128x128xf32, #tpu.memory_space<hbm>>) dst(%dma_wait3A_147 : memref<128x128xf32, #tpu.memory_space<vmem>>)
        %dma_start3A_150 = arith.constant 1 : i32
        %dma_start3A_151 = arith.constant 0 : i32
        %dma_start3A_152 = arith.constant 0 : i32
        %dma_start3A_153 = tpu.memref_slice %arg10[%dma_start3A_150, %dma_start3A_151, %dma_start3A_152] : memref<3x128x128xf32, #tpu.memory_space<vmem>> -> memref<1x128x128xf32, #tpu.memory_space<vmem>>
        %dma_start3A_154 = tpu.memref_squeeze %dma_start3A_153 : memref<1x128x128xf32, #tpu.memory_space<vmem>> -> memref<128x128xf32, #tpu.memory_space<vmem>>
        %dma_start3A_155 = arith.constant 0 : i32
        %dma_start3A_156 = tpu.memref_slice %arg6[%add3A_124, %dma_start3A_155] : memref<163840x128xf32, #tpu.memory_space<hbm>> -> memref<128x128xf32, #tpu.memory_space<hbm>>
        %dma_start3A_157 = arith.constant 0 : i32
        %dma_start3A_158 = tpu.memref_slice %arg6[%add3A_124, %dma_start3A_157] : memref<163840x128xf32, #tpu.memory_space<hbm>> -> memref<128x128xf32, #tpu.memory_space<hbm>>
        %dma_start3A_159 = arith.constant 0 : i32
        %dma_start3A_160 = arith.constant 0 : i32
        %dma_start3A_161 = tpu.memref_slice %arg10[%dma_start3A_150, %dma_start3A_159, %dma_start3A_160] : memref<3x128x128xf32, #tpu.memory_space<vmem>> -> memref<1x128x128xf32, #tpu.memory_space<vmem>>
        %dma_start3A_162 = tpu.memref_squeeze %dma_start3A_161 : memref<1x128x128xf32, #tpu.memory_space<vmem>> -> memref<128x128xf32, #tpu.memory_space<vmem>>
        tpu.enqueue_dma source(%dma_start3A_162 : memref<128x128xf32, #tpu.memory_space<vmem>>) target(%dma_start3A_158 : memref<128x128xf32, #tpu.memory_space<hbm>>) target_semaphore(%arg19 : memref<!tpu.dma_semaphore, #tpu.memory_space<semaphore_mem>>)
        %dma_start3A_163 = arith.constant 1 : i32
        %dma_start3A_164 = arith.constant 0 : i32
        %dma_start3A_165 = arith.constant 0 : i32
        %dma_start3A_166 = tpu.memref_slice %arg11[%dma_start3A_163, %dma_start3A_164, %dma_start3A_165] : memref<3x128x128xf32, #tpu.memory_space<vmem>> -> memref<1x128x128xf32, #tpu.memory_space<vmem>>
        %dma_start3A_167 = tpu.memref_squeeze %dma_start3A_166 : memref<1x128x128xf32, #tpu.memory_space<vmem>> -> memref<128x128xf32, #tpu.memory_space<vmem>>
        %dma_start3A_168 = arith.constant 0 : i32
        %dma_start3A_169 = tpu.memref_slice %arg7[%add3A_124, %dma_start3A_168] : memref<163840x128xf32, #tpu.memory_space<hbm>> -> memref<128x128xf32, #tpu.memory_space<hbm>>
        %dma_start3A_170 = arith.constant 0 : i32
        %dma_start3A_171 = tpu.memref_slice %arg7[%add3A_124, %dma_start3A_170] : memref<163840x128xf32, #tpu.memory_space<hbm>> -> memref<128x128xf32, #tpu.memory_space<hbm>>
        %dma_start3A_172 = arith.constant 0 : i32
        %dma_start3A_173 = arith.constant 0 : i32
        %dma_start3A_174 = tpu.memref_slice %arg11[%dma_start3A_163, %dma_start3A_172, %dma_start3A_173] : memref<3x128x128xf32, #tpu.memory_space<vmem>> -> memref<1x128x128xf32, #tpu.memory_space<vmem>>
        %dma_start3A_175 = tpu.memref_squeeze %dma_start3A_174 : memref<1x128x128xf32, #tpu.memory_space<vmem>> -> memref<128x128xf32, #tpu.memory_space<vmem>>
        tpu.enqueue_dma source(%dma_start3A_175 : memref<128x128xf32, #tpu.memory_space<vmem>>) target(%dma_start3A_171 : memref<128x128xf32, #tpu.memory_space<hbm>>) target_semaphore(%arg22 : memref<!tpu.dma_semaphore, #tpu.memory_space<semaphore_mem>>)
        %dma_wait3A_176 = arith.constant 1 : i32
        %dma_wait3A_177 = arith.constant 0 : i32
        %dma_wait3A_178 = arith.constant 0 : i32
        %dma_wait3A_179 = tpu.memref_slice %arg10[%dma_wait3A_176, %dma_wait3A_177, %dma_wait3A_178] : memref<3x128x128xf32, #tpu.memory_space<vmem>> -> memref<1x128x128xf32, #tpu.memory_space<vmem>>
        %dma_wait3A_180 = tpu.memref_squeeze %dma_wait3A_179 : memref<1x128x128xf32, #tpu.memory_space<vmem>> -> memref<128x128xf32, #tpu.memory_space<vmem>>
        %dma_wait3A_181 = arith.constant 0 : i32
        %dma_wait3A_182 = tpu.memref_slice %arg6[%add3A_124, %dma_wait3A_181] : memref<163840x128xf32, #tpu.memory_space<hbm>> -> memref<128x128xf32, #tpu.memory_space<hbm>>
        %dma_wait3A_183 = arith.constant 0 : i32
        %dma_wait3A_184 = tpu.memref_slice %arg6[%add3A_124, %dma_wait3A_183] : memref<163840x128xf32, #tpu.memory_space<hbm>> -> memref<128x128xf32, #tpu.memory_space<hbm>>
        %dma_wait3A_185 = arith.constant 0 : i32
        %dma_wait3A_186 = arith.constant 0 : i32
        %dma_wait3A_187 = tpu.memref_slice %arg10[%dma_wait3A_176, %dma_wait3A_185, %dma_wait3A_186] : memref<3x128x128xf32, #tpu.memory_space<vmem>> -> memref<1x128x128xf32, #tpu.memory_space<vmem>>
        %dma_wait3A_188 = tpu.memref_squeeze %dma_wait3A_187 : memref<1x128x128xf32, #tpu.memory_space<vmem>> -> memref<128x128xf32, #tpu.memory_space<vmem>>
        tpu.wait_dma2 semaphore(%arg19 : memref<!tpu.dma_semaphore, #tpu.memory_space<semaphore_mem>>) src(%dma_wait3A_188 : memref<128x128xf32, #tpu.memory_space<vmem>>) dst(%dma_wait3A_184 : memref<128x128xf32, #tpu.memory_space<hbm>>)
        %dma_wait3A_189 = arith.constant 1 : i32
        %dma_wait3A_190 = arith.constant 0 : i32
        %dma_wait3A_191 = arith.constant 0 : i32
        %dma_wait3A_192 = tpu.memref_slice %arg11[%dma_wait3A_189, %dma_wait3A_190, %dma_wait3A_191] : memref<3x128x128xf32, #tpu.memory_space<vmem>> -> memref<1x128x128xf32, #tpu.memory_space<vmem>>
        %dma_wait3A_193 = tpu.memref_squeeze %dma_wait3A_192 : memref<1x128x128xf32, #tpu.memory_space<vmem>> -> memref<128x128xf32, #tpu.memory_space<vmem>>
        %dma_wait3A_194 = arith.constant 0 : i32
        %dma_wait3A_195 = tpu.memref_slice %arg7[%add3A_124, %dma_wait3A_194] : memref<163840x128xf32, #tpu.memory_space<hbm>> -> memref<128x128xf32, #tpu.memory_space<hbm>>
        %dma_wait3A_196 = arith.constant 0 : i32
        %dma_wait3A_197 = tpu.memref_slice %arg7[%add3A_124, %dma_wait3A_196] : memref<163840x128xf32, #tpu.memory_space<hbm>> -> memref<128x128xf32, #tpu.memory_space<hbm>>
        %dma_wait3A_198 = arith.constant 0 : i32
        %dma_wait3A_199 = arith.constant 0 : i32
        %dma_wait3A_200 = tpu.memref_slice %arg11[%dma_wait3A_189, %dma_wait3A_198, %dma_wait3A_199] : memref<3x128x128xf32, #tpu.memory_space<vmem>> -> memref<1x128x128xf32, #tpu.memory_space<vmem>>
        %dma_wait3A_201 = tpu.memref_squeeze %dma_wait3A_200 : memref<1x128x128xf32, #tpu.memory_space<vmem>> -> memref<128x128xf32, #tpu.memory_space<vmem>>
        tpu.wait_dma2 semaphore(%arg22 : memref<!tpu.dma_semaphore, #tpu.memory_space<semaphore_mem>>) src(%dma_wait3A_201 : memref<128x128xf32, #tpu.memory_space<vmem>>) dst(%dma_wait3A_197 : memref<128x128xf32, #tpu.memory_space<hbm>>)
        %add3A_202 = arith.constant 3 : i32
        %add3A_203 = arith.addi %add3A_107, %add3A_202 : i32
        %lt3A_204 = arith.constant 40 : i32
        %lt3A_205 = arith.cmpi slt, %add3A_203, %lt3A_204 : i32
        %convert_element_type3A_206 = arith.extui %lt3A_205 : i1 to i32
        %cond3A_207 = arith.constant 0 : i32
        %cond3A_208 = arith.cmpi ne, %convert_element_type3A_206, %cond3A_207 : i32
        scf.if %cond3A_208 {
          %add3A_209 = arith.constant 3 : i32
          %add3A_210 = arith.addi %add3A_107, %add3A_209 : i32
          %mul3A_211 = arith.constant 1 : i32
          %mul3A_212 = arith.muli %add3A_210, %mul3A_211 : i32
          %add3A_213 = arith.constant 0 : i32
          %add3A_214 = arith.addi %mul3A_212, %add3A_213 : i32
          %dma_start3A_215 = arith.constant 1 : i32
          %dma_start3A_216 = arith.constant 0 : i32
          %dma_start3A_217 = arith.constant 0 : i32
          %dma_start3A_218 = tpu.memref_slice %arg10[%dma_start3A_215, %dma_start3A_216, %dma_start3A_217] : memref<3x128x128xf32, #tpu.memory_space<vmem>> -> memref<1x128x128xf32, #tpu.memory_space<vmem>>
          %dma_start3A_219 = tpu.memref_squeeze %dma_start3A_218 : memref<1x128x128xf32, #tpu.memory_space<vmem>> -> memref<128x128xf32, #tpu.memory_space<vmem>>
          %dma_start3A_220 = arith.constant 0 : i32
          %dma_start3A_221 = arith.constant 0 : i32
          %dma_start3A_222 = tpu.memref_slice %dma_start3A_219[%dma_start3A_220, %dma_start3A_221] : memref<128x128xf32, #tpu.memory_space<vmem>> -> memref<128x128xf32, #tpu.memory_space<vmem>>
          %dma_start3A_223 = arith.constant 0 : i32
          %dma_start3A_224 = tpu.memref_slice %arg8[%add3A_214, %dma_start3A_223] : memref<40x128xi32, #tpu.memory_space<vmem>> -> memref<1x128xi32, #tpu.memory_space<vmem>>
          %dma_start3A_225 = tpu.memref_squeeze %dma_start3A_224 : memref<1x128xi32, #tpu.memory_space<vmem>> -> memref<128xi32, #tpu.memory_space<vmem>>
          %dma_start3A_226 = arith.constant 0 : i32
          %dma_start3A_227 = arith.constant 0 : i32
          %dma_start3A_228 = tpu.memref_slice %arg2[%dma_start3A_226, %dma_start3A_227] : memref<10240x128xf32, #tpu.memory_space<hbm>> -> memref<10240x128xf32, #tpu.memory_space<hbm>>
          tpu.enqueue_indirect_dma source(%dma_start3A_228 : memref<10240x128xf32, #tpu.memory_space<hbm>>) target(%dma_start3A_222 : memref<128x128xf32, #tpu.memory_space<vmem>>) offsets(%dma_start3A_225 : memref<128xi32, #tpu.memory_space<vmem>>) semaphore(%arg13 : memref<!tpu.dma_semaphore, #tpu.memory_space<semaphore_mem>>)
          %dma_start3A_229 = arith.constant 1 : i32
          %dma_start3A_230 = arith.constant 0 : i32
          %dma_start3A_231 = arith.constant 0 : i32
          %dma_start3A_232 = tpu.memref_slice %arg11[%dma_start3A_229, %dma_start3A_230, %dma_start3A_231] : memref<3x128x128xf32, #tpu.memory_space<vmem>> -> memref<1x128x128xf32, #tpu.memory_space<vmem>>
          %dma_start3A_233 = tpu.memref_squeeze %dma_start3A_232 : memref<1x128x128xf32, #tpu.memory_space<vmem>> -> memref<128x128xf32, #tpu.memory_space<vmem>>
          %dma_start3A_234 = arith.constant 0 : i32
          %dma_start3A_235 = arith.constant 0 : i32
          %dma_start3A_236 = tpu.memref_slice %dma_start3A_233[%dma_start3A_234, %dma_start3A_235] : memref<128x128xf32, #tpu.memory_space<vmem>> -> memref<128x128xf32, #tpu.memory_space<vmem>>
          %dma_start3A_237 = arith.constant 0 : i32
          %dma_start3A_238 = tpu.memref_slice %arg9[%add3A_214, %dma_start3A_237] : memref<40x128xi32, #tpu.memory_space<vmem>> -> memref<1x128xi32, #tpu.memory_space<vmem>>
          %dma_start3A_239 = tpu.memref_squeeze %dma_start3A_238 : memref<1x128xi32, #tpu.memory_space<vmem>> -> memref<128xi32, #tpu.memory_space<vmem>>
          %dma_start3A_240 = arith.constant 0 : i32
          %dma_start3A_241 = arith.constant 0 : i32
          %dma_start3A_242 = tpu.memref_slice %arg3[%dma_start3A_240, %dma_start3A_241] : memref<10240x128xf32, #tpu.memory_space<hbm>> -> memref<10240x128xf32, #tpu.memory_space<hbm>>
          tpu.enqueue_indirect_dma source(%dma_start3A_242 : memref<10240x128xf32, #tpu.memory_space<hbm>>) target(%dma_start3A_236 : memref<128x128xf32, #tpu.memory_space<vmem>>) offsets(%dma_start3A_239 : memref<128xi32, #tpu.memory_space<vmem>>) semaphore(%arg16 : memref<!tpu.dma_semaphore, #tpu.memory_space<semaphore_mem>>)
        } else {
        }
      } else {
      }
      %mul3A_113 = arith.constant 3 : i32
      %mul3A_114 = arith.muli %scan3A_97, %mul3A_113 : i32
      %add3A_115 = arith.constant 2 : i32
      %add3A_116 = arith.addi %mul3A_114, %add3A_115 : i32
      %lt3A_117 = arith.constant 40 : i32
      %lt3A_118 = arith.cmpi slt, %add3A_116, %lt3A_117 : i32
      %convert_element_type3A_119 = arith.extui %lt3A_118 : i1 to i32
      %cond3A_120 = arith.constant 0 : i32
      %cond3A_121 = arith.cmpi ne, %convert_element_type3A_119, %cond3A_120 : i32
      scf.if %cond3A_121 {
        %mul3A_122 = arith.constant 128 : i32
        %mul3A_123 = arith.muli %add3A_116, %mul3A_122 : i32
        %add3A_124 = arith.addi %mul3A_2, %mul3A_123 : i32
        %dma_wait3A = arith.constant 2 : i32
        %dma_wait3A_125 = arith.constant 0 : i32
        %dma_wait3A_126 = arith.constant 0 : i32
        %dma_wait3A_127 = tpu.memref_slice %arg10[%dma_wait3A, %dma_wait3A_125, %dma_wait3A_126] : memref<3x128x128xf32, #tpu.memory_space<vmem>> -> memref<1x128x128xf32, #tpu.memory_space<vmem>>
        %dma_wait3A_128 = tpu.memref_squeeze %dma_wait3A_127 : memref<1x128x128xf32, #tpu.memory_space<vmem>> -> memref<128x128xf32, #tpu.memory_space<vmem>>
        %dma_wait3A_129 = arith.constant 0 : i32
        %dma_wait3A_130 = tpu.memref_slice %arg6[%add3A_124, %dma_wait3A_129] : memref<163840x128xf32, #tpu.memory_space<hbm>> -> memref<128x128xf32, #tpu.memory_space<hbm>>
        %dma_wait3A_131 = arith.constant 0 : i32
        %dma_wait3A_132 = arith.constant 0 : i32
        %dma_wait3A_133 = tpu.memref_slice %arg10[%dma_wait3A, %dma_wait3A_131, %dma_wait3A_132] : memref<3x128x128xf32, #tpu.memory_space<vmem>> -> memref<1x128x128xf32, #tpu.memory_space<vmem>>
        %dma_wait3A_134 = tpu.memref_squeeze %dma_wait3A_133 : memref<1x128x128xf32, #tpu.memory_space<vmem>> -> memref<128x128xf32, #tpu.memory_space<vmem>>
        %dma_wait3A_135 = arith.constant 0 : i32
        %dma_wait3A_136 = tpu.memref_slice %arg6[%add3A_124, %dma_wait3A_135] : memref<163840x128xf32, #tpu.memory_space<hbm>> -> memref<128x128xf32, #tpu.memory_space<hbm>>
        tpu.wait_dma2 semaphore(%arg14 : memref<!tpu.dma_semaphore, #tpu.memory_space<semaphore_mem>>) src(%dma_wait3A_136 : memref<128x128xf32, #tpu.memory_space<hbm>>) dst(%dma_wait3A_134 : memref<128x128xf32, #tpu.memory_space<vmem>>)
        %dma_wait3A_137 = arith.constant 2 : i32
        %dma_wait3A_138 = arith.constant 0 : i32
        %dma_wait3A_139 = arith.constant 0 : i32
        %dma_wait3A_140 = tpu.memref_slice %arg11[%dma_wait3A_137, %dma_wait3A_138, %dma_wait3A_139] : memref<3x128x128xf32, #tpu.memory_space<vmem>> -> memref<1x128x128xf32, #tpu.memory_space<vmem>>
        %dma_wait3A_141 = tpu.memref_squeeze %dma_wait3A_140 : memref<1x128x128xf32, #tpu.memory_space<vmem>> -> memref<128x128xf32, #tpu.memory_space<vmem>>
        %dma_wait3A_142 = arith.constant 0 : i32
        %dma_wait3A_143 = tpu.memref_slice %arg7[%add3A_124, %dma_wait3A_142] : memref<163840x128xf32, #tpu.memory_space<hbm>> -> memref<128x128xf32, #tpu.memory_space<hbm>>
        %dma_wait3A_144 = arith.constant 0 : i32
        %dma_wait3A_145 = arith.constant 0 : i32
        %dma_wait3A_146 = tpu.memref_slice %arg11[%dma_wait3A_137, %dma_wait3A_144, %dma_wait3A_145] : memref<3x128x128xf32, #tpu.memory_space<vmem>> -> memref<1x128x128xf32, #tpu.memory_space<vmem>>
        %dma_wait3A_147 = tpu.memref_squeeze %dma_wait3A_146 : memref<1x128x128xf32, #tpu.memory_space<vmem>> -> memref<128x128xf32, #tpu.memory_space<vmem>>
        %dma_wait3A_148 = arith.constant 0 : i32
        %dma_wait3A_149 = tpu.memref_slice %arg7[%add3A_124, %dma_wait3A_148] : memref<163840x128xf32, #tpu.memory_space<hbm>> -> memref<128x128xf32, #tpu.memory_space<hbm>>
        tpu.wait_dma2 semaphore(%arg17 : memref<!tpu.dma_semaphore, #tpu.memory_space<semaphore_mem>>) src(%dma_wait3A_149 : memref<128x128xf32, #tpu.memory_space<hbm>>) dst(%dma_wait3A_147 : memref<128x128xf32, #tpu.memory_space<vmem>>)
        %dma_start3A_150 = arith.constant 2 : i32
        %dma_start3A_151 = arith.constant 0 : i32
        %dma_start3A_152 = arith.constant 0 : i32
        %dma_start3A_153 = tpu.memref_slice %arg10[%dma_start3A_150, %dma_start3A_151, %dma_start3A_152] : memref<3x128x128xf32, #tpu.memory_space<vmem>> -> memref<1x128x128xf32, #tpu.memory_space<vmem>>
        %dma_start3A_154 = tpu.memref_squeeze %dma_start3A_153 : memref<1x128x128xf32, #tpu.memory_space<vmem>> -> memref<128x128xf32, #tpu.memory_space<vmem>>
        %dma_start3A_155 = arith.constant 0 : i32
        %dma_start3A_156 = tpu.memref_slice %arg6[%add3A_124, %dma_start3A_155] : memref<163840x128xf32, #tpu.memory_space<hbm>> -> memref<128x128xf32, #tpu.memory_space<hbm>>
        %dma_start3A_157 = arith.constant 0 : i32
        %dma_start3A_158 = tpu.memref_slice %arg6[%add3A_124, %dma_start3A_157] : memref<163840x128xf32, #tpu.memory_space<hbm>> -> memref<128x128xf32, #tpu.memory_space<hbm>>
        %dma_start3A_159 = arith.constant 0 : i32
        %dma_start3A_160 = arith.constant 0 : i32
        %dma_start3A_161 = tpu.memref_slice %arg10[%dma_start3A_150, %dma_start3A_159, %dma_start3A_160] : memref<3x128x128xf32, #tpu.memory_space<vmem>> -> memref<1x128x128xf32, #tpu.memory_space<vmem>>
        %dma_start3A_162 = tpu.memref_squeeze %dma_start3A_161 : memref<1x128x128xf32, #tpu.memory_space<vmem>> -> memref<128x128xf32, #tpu.memory_space<vmem>>
        tpu.enqueue_dma source(%dma_start3A_162 : memref<128x128xf32, #tpu.memory_space<vmem>>) target(%dma_start3A_158 : memref<128x128xf32, #tpu.memory_space<hbm>>) target_semaphore(%arg20 : memref<!tpu.dma_semaphore, #tpu.memory_space<semaphore_mem>>)
        %dma_start3A_163 = arith.constant 2 : i32
        %dma_start3A_164 = arith.constant 0 : i32
        %dma_start3A_165 = arith.constant 0 : i32
        %dma_start3A_166 = tpu.memref_slice %arg11[%dma_start3A_163, %dma_start3A_164, %dma_start3A_165] : memref<3x128x128xf32, #tpu.memory_space<vmem>> -> memref<1x128x128xf32, #tpu.memory_space<vmem>>
        %dma_start3A_167 = tpu.memref_squeeze %dma_start3A_166 : memref<1x128x128xf32, #tpu.memory_space<vmem>> -> memref<128x128xf32, #tpu.memory_space<vmem>>
        %dma_start3A_168 = arith.constant 0 : i32
        %dma_start3A_169 = tpu.memref_slice %arg7[%add3A_124, %dma_start3A_168] : memref<163840x128xf32, #tpu.memory_space<hbm>> -> memref<128x128xf32, #tpu.memory_space<hbm>>
        %dma_start3A_170 = arith.constant 0 : i32
        %dma_start3A_171 = tpu.memref_slice %arg7[%add3A_124, %dma_start3A_170] : memref<163840x128xf32, #tpu.memory_space<hbm>> -> memref<128x128xf32, #tpu.memory_space<hbm>>
        %dma_start3A_172 = arith.constant 0 : i32
        %dma_start3A_173 = arith.constant 0 : i32
        %dma_start3A_174 = tpu.memref_slice %arg11[%dma_start3A_163, %dma_start3A_172, %dma_start3A_173] : memref<3x128x128xf32, #tpu.memory_space<vmem>> -> memref<1x128x128xf32, #tpu.memory_space<vmem>>
        %dma_start3A_175 = tpu.memref_squeeze %dma_start3A_174 : memref<1x128x128xf32, #tpu.memory_space<vmem>> -> memref<128x128xf32, #tpu.memory_space<vmem>>
        tpu.enqueue_dma source(%dma_start3A_175 : memref<128x128xf32, #tpu.memory_space<vmem>>) target(%dma_start3A_171 : memref<128x128xf32, #tpu.memory_space<hbm>>) target_semaphore(%arg23 : memref<!tpu.dma_semaphore, #tpu.memory_space<semaphore_mem>>)
        %dma_wait3A_176 = arith.constant 2 : i32
        %dma_wait3A_177 = arith.constant 0 : i32
        %dma_wait3A_178 = arith.constant 0 : i32
        %dma_wait3A_179 = tpu.memref_slice %arg10[%dma_wait3A_176, %dma_wait3A_177, %dma_wait3A_178] : memref<3x128x128xf32, #tpu.memory_space<vmem>> -> memref<1x128x128xf32, #tpu.memory_space<vmem>>
        %dma_wait3A_180 = tpu.memref_squeeze %dma_wait3A_179 : memref<1x128x128xf32, #tpu.memory_space<vmem>> -> memref<128x128xf32, #tpu.memory_space<vmem>>
        %dma_wait3A_181 = arith.constant 0 : i32
        %dma_wait3A_182 = tpu.memref_slice %arg6[%add3A_124, %dma_wait3A_181] : memref<163840x128xf32, #tpu.memory_space<hbm>> -> memref<128x128xf32, #tpu.memory_space<hbm>>
        %dma_wait3A_183 = arith.constant 0 : i32
        %dma_wait3A_184 = tpu.memref_slice %arg6[%add3A_124, %dma_wait3A_183] : memref<163840x128xf32, #tpu.memory_space<hbm>> -> memref<128x128xf32, #tpu.memory_space<hbm>>
        %dma_wait3A_185 = arith.constant 0 : i32
        %dma_wait3A_186 = arith.constant 0 : i32
        %dma_wait3A_187 = tpu.memref_slice %arg10[%dma_wait3A_176, %dma_wait3A_185, %dma_wait3A_186] : memref<3x128x128xf32, #tpu.memory_space<vmem>> -> memref<1x128x128xf32, #tpu.memory_space<vmem>>
        %dma_wait3A_188 = tpu.memref_squeeze %dma_wait3A_187 : memref<1x128x128xf32, #tpu.memory_space<vmem>> -> memref<128x128xf32, #tpu.memory_space<vmem>>
        tpu.wait_dma2 semaphore(%arg20 : memref<!tpu.dma_semaphore, #tpu.memory_space<semaphore_mem>>) src(%dma_wait3A_188 : memref<128x128xf32, #tpu.memory_space<vmem>>) dst(%dma_wait3A_184 : memref<128x128xf32, #tpu.memory_space<hbm>>)
        %dma_wait3A_189 = arith.constant 2 : i32
        %dma_wait3A_190 = arith.constant 0 : i32
        %dma_wait3A_191 = arith.constant 0 : i32
        %dma_wait3A_192 = tpu.memref_slice %arg11[%dma_wait3A_189, %dma_wait3A_190, %dma_wait3A_191] : memref<3x128x128xf32, #tpu.memory_space<vmem>> -> memref<1x128x128xf32, #tpu.memory_space<vmem>>
        %dma_wait3A_193 = tpu.memref_squeeze %dma_wait3A_192 : memref<1x128x128xf32, #tpu.memory_space<vmem>> -> memref<128x128xf32, #tpu.memory_space<vmem>>
        %dma_wait3A_194 = arith.constant 0 : i32
        %dma_wait3A_195 = tpu.memref_slice %arg7[%add3A_124, %dma_wait3A_194] : memref<163840x128xf32, #tpu.memory_space<hbm>> -> memref<128x128xf32, #tpu.memory_space<hbm>>
        %dma_wait3A_196 = arith.constant 0 : i32
        %dma_wait3A_197 = tpu.memref_slice %arg7[%add3A_124, %dma_wait3A_196] : memref<163840x128xf32, #tpu.memory_space<hbm>> -> memref<128x128xf32, #tpu.memory_space<hbm>>
        %dma_wait3A_198 = arith.constant 0 : i32
        %dma_wait3A_199 = arith.constant 0 : i32
        %dma_wait3A_200 = tpu.memref_slice %arg11[%dma_wait3A_189, %dma_wait3A_198, %dma_wait3A_199] : memref<3x128x128xf32, #tpu.memory_space<vmem>> -> memref<1x128x128xf32, #tpu.memory_space<vmem>>
        %dma_wait3A_201 = tpu.memref_squeeze %dma_wait3A_200 : memref<1x128x128xf32, #tpu.memory_space<vmem>> -> memref<128x128xf32, #tpu.memory_space<vmem>>
        tpu.wait_dma2 semaphore(%arg23 : memref<!tpu.dma_semaphore, #tpu.memory_space<semaphore_mem>>) src(%dma_wait3A_201 : memref<128x128xf32, #tpu.memory_space<vmem>>) dst(%dma_wait3A_197 : memref<128x128xf32, #tpu.memory_space<hbm>>)
        %add3A_202 = arith.constant 3 : i32
        %add3A_203 = arith.addi %add3A_116, %add3A_202 : i32
        %lt3A_204 = arith.constant 40 : i32
        %lt3A_205 = arith.cmpi slt, %add3A_203, %lt3A_204 : i32
        %convert_element_type3A_206 = arith.extui %lt3A_205 : i1 to i32
        %cond3A_207 = arith.constant 0 : i32
        %cond3A_208 = arith.cmpi ne, %convert_element_type3A_206, %cond3A_207 : i32
        scf.if %cond3A_208 {
          %add3A_209 = arith.constant 3 : i32
          %add3A_210 = arith.addi %add3A_116, %add3A_209 : i32
          %mul3A_211 = arith.constant 1 : i32
          %mul3A_212 = arith.muli %add3A_210, %mul3A_211 : i32
          %add3A_213 = arith.constant 0 : i32
          %add3A_214 = arith.addi %mul3A_212, %add3A_213 : i32
          %dma_start3A_215 = arith.constant 2 : i32
          %dma_start3A_216 = arith.constant 0 : i32
          %dma_start3A_217 = arith.constant 0 : i32
          %dma_start3A_218 = tpu.memref_slice %arg10[%dma_start3A_215, %dma_start3A_216, %dma_start3A_217] : memref<3x128x128xf32, #tpu.memory_space<vmem>> -> memref<1x128x128xf32, #tpu.memory_space<vmem>>
          %dma_start3A_219 = tpu.memref_squeeze %dma_start3A_218 : memref<1x128x128xf32, #tpu.memory_space<vmem>> -> memref<128x128xf32, #tpu.memory_space<vmem>>
          %dma_start3A_220 = arith.constant 0 : i32
          %dma_start3A_221 = arith.constant 0 : i32
          %dma_start3A_222 = tpu.memref_slice %dma_start3A_219[%dma_start3A_220, %dma_start3A_221] : memref<128x128xf32, #tpu.memory_space<vmem>> -> memref<128x128xf32, #tpu.memory_space<vmem>>
          %dma_start3A_223 = arith.constant 0 : i32
          %dma_start3A_224 = tpu.memref_slice %arg8[%add3A_214, %dma_start3A_223] : memref<40x128xi32, #tpu.memory_space<vmem>> -> memref<1x128xi32, #tpu.memory_space<vmem>>
          %dma_start3A_225 = tpu.memref_squeeze %dma_start3A_224 : memref<1x128xi32, #tpu.memory_space<vmem>> -> memref<128xi32, #tpu.memory_space<vmem>>
          %dma_start3A_226 = arith.constant 0 : i32
          %dma_start3A_227 = arith.constant 0 : i32
          %dma_start3A_228 = tpu.memref_slice %arg2[%dma_start3A_226, %dma_start3A_227] : memref<10240x128xf32, #tpu.memory_space<hbm>> -> memref<10240x128xf32, #tpu.memory_space<hbm>>
          tpu.enqueue_indirect_dma source(%dma_start3A_228 : memref<10240x128xf32, #tpu.memory_space<hbm>>) target(%dma_start3A_222 : memref<128x128xf32, #tpu.memory_space<vmem>>) offsets(%dma_start3A_225 : memref<128xi32, #tpu.memory_space<vmem>>) semaphore(%arg14 : memref<!tpu.dma_semaphore, #tpu.memory_space<semaphore_mem>>)
          %dma_start3A_229 = arith.constant 2 : i32
          %dma_start3A_230 = arith.constant 0 : i32
          %dma_start3A_231 = arith.constant 0 : i32
          %dma_start3A_232 = tpu.memref_slice %arg11[%dma_start3A_229, %dma_start3A_230, %dma_start3A_231] : memref<3x128x128xf32, #tpu.memory_space<vmem>> -> memref<1x128x128xf32, #tpu.memory_space<vmem>>
          %dma_start3A_233 = tpu.memref_squeeze %dma_start3A_232 : memref<1x128x128xf32, #tpu.memory_space<vmem>> -> memref<128x128xf32, #tpu.memory_space<vmem>>
          %dma_start3A_234 = arith.constant 0 : i32
          %dma_start3A_235 = arith.constant 0 : i32
          %dma_start3A_236 = tpu.memref_slice %dma_start3A_233[%dma_start3A_234, %dma_start3A_235] : memref<128x128xf32, #tpu.memory_space<vmem>> -> memref<128x128xf32, #tpu.memory_space<vmem>>
          %dma_start3A_237 = arith.constant 0 : i32
          %dma_start3A_238 = tpu.memref_slice %arg9[%add3A_214, %dma_start3A_237] : memref<40x128xi32, #tpu.memory_space<vmem>> -> memref<1x128xi32, #tpu.memory_space<vmem>>
          %dma_start3A_239 = tpu.memref_squeeze %dma_start3A_238 : memref<1x128xi32, #tpu.memory_space<vmem>> -> memref<128xi32, #tpu.memory_space<vmem>>
          %dma_start3A_240 = arith.constant 0 : i32
          %dma_start3A_241 = arith.constant 0 : i32
          %dma_start3A_242 = tpu.memref_slice %arg3[%dma_start3A_240, %dma_start3A_241] : memref<10240x128xf32, #tpu.memory_space<hbm>> -> memref<10240x128xf32, #tpu.memory_space<hbm>>
          tpu.enqueue_indirect_dma source(%dma_start3A_242 : memref<10240x128xf32, #tpu.memory_space<hbm>>) target(%dma_start3A_236 : memref<128x128xf32, #tpu.memory_space<vmem>>) offsets(%dma_start3A_239 : memref<128xi32, #tpu.memory_space<vmem>>) semaphore(%arg17 : memref<!tpu.dma_semaphore, #tpu.memory_space<semaphore_mem>>)
        } else {
        }
      } else {
      }
    }
    %scan3A_96 = arith.constant 14 : i32
    return
  }
}

#map = affine_map<(d0, d1) -> (0, 0)>
#map1 = affine_map<(d0, d1) -> (0, 0, 0)>
module attributes {stable_mosaic.version = 14 : i64} {
  func.func @k(%arg0: i32, %arg1: i32, %arg2: memref<10240x128xf32, #tpu.memory_space<hbm>>, %arg3: memref<10240x128xf32, #tpu.memory_space<hbm>>, %arg4: memref<32x40x128xi32, #tpu.memory_space<hbm>>, %arg5: memref<32x40x128xi32, #tpu.memory_space<hbm>>, %arg6: memref<163840x128xf32, #tpu.memory_space<hbm>>, %arg7: memref<163840x128xf32, #tpu.memory_space<hbm>>, %arg8: memref<40x128xi32, #tpu.memory_space<vmem>>, %arg9: memref<40x128xi32, #tpu.memory_space<vmem>>, %arg10: memref<3x128x128xf32, #tpu.memory_space<vmem>>, %arg11: memref<3x128x128xf32, #tpu.memory_space<vmem>>, %arg12: memref<!tpu.dma_semaphore, #tpu.memory_space<semaphore_mem>>, %arg13: memref<!tpu.dma_semaphore, #tpu.memory_space<semaphore_mem>>, %arg14: memref<!tpu.dma_semaphore, #tpu.memory_space<semaphore_mem>>, %arg15: memref<!tpu.dma_semaphore, #tpu.memory_space<semaphore_mem>>, %arg16: memref<!tpu.dma_semaphore, #tpu.memory_space<semaphore_mem>>, %arg17: memref<!tpu.dma_semaphore, #tpu.memory_space<semaphore_mem>>, %arg18: memref<!tpu.dma_semaphore, #tpu.memory_space<semaphore_mem>>, %arg19: memref<!tpu.dma_semaphore, #tpu.memory_space<semaphore_mem>>, %arg20: memref<!tpu.dma_semaphore, #tpu.memory_space<semaphore_mem>>, %arg21: memref<!tpu.dma_semaphore, #tpu.memory_space<semaphore_mem>>, %arg22: memref<!tpu.dma_semaphore, #tpu.memory_space<semaphore_mem>>, %arg23: memref<!tpu.dma_semaphore, #tpu.memory_space<semaphore_mem>>) attributes {dimension_semantics = [#tpu.dimension_semantics<core_parallel>, #tpu.dimension_semantics<subcore_parallel>], iteration_bounds = array<i64: 2, 16>, scalar_prefetch = 0 : i64, scratch_operands = 16 : i64, tpu.core_type = #tpu.core_type<sc_vector_subcore>, window_params = [{transform_indices = #map}, {transform_indices = #map}, {transform_indices = #map1}, {transform_indices = #map1}, {transform_indices = #map}, {transform_indices = #map}]} {
    %mul3A = arith.constant 2 : i32
    %mul3A_0 = arith.muli %arg1, %mul3A : i32
    %add3A = arith.addi %mul3A_0, %arg0 : i32
    %mul3A_1 = arith.constant 5120 : i32
    %mul3A_2 = arith.muli %add3A, %mul3A_1 : i32
    "tpu.region"() ({
      %run_scoped3A = tpu.sem_alloc : memref<!tpu.dma_semaphore, #tpu.memory_space<semaphore_mem>>
      %dma_start3A_97 = arith.constant 0 : i32
      %dma_start3A_98 = arith.constant 0 : i32
      %dma_start3A_99 = tpu.memref_slice %arg4[%add3A, %dma_start3A_97, %dma_start3A_98] : memref<32x40x128xi32, #tpu.memory_space<hbm>> -> memref<1x40x128xi32, #tpu.memory_space<hbm>>
      %dma_start3A_100 = tpu.memref_squeeze %dma_start3A_99 : memref<1x40x128xi32, #tpu.memory_space<hbm>> -> memref<40x128xi32, #tpu.memory_space<hbm>>
      %dma_start3A_101 = arith.constant 0 : i32
      %dma_start3A_102 = arith.constant 0 : i32
      %dma_start3A_103 = tpu.memref_slice %arg4[%add3A, %dma_start3A_101, %dma_start3A_102] : memref<32x40x128xi32, #tpu.memory_space<hbm>> -> memref<1x40x128xi32, #tpu.memory_space<hbm>>
      %dma_start3A_104 = tpu.memref_squeeze %dma_start3A_103 : memref<1x40x128xi32, #tpu.memory_space<hbm>> -> memref<40x128xi32, #tpu.memory_space<hbm>>
      tpu.enqueue_dma source(%dma_start3A_104 : memref<40x128xi32, #tpu.memory_space<hbm>>) target(%arg8 : memref<40x128xi32, #tpu.memory_space<vmem>>) target_semaphore(%run_scoped3A : memref<!tpu.dma_semaphore, #tpu.memory_space<semaphore_mem>>)
      %dma_wait3A = arith.constant 0 : i32
      %dma_wait3A_105 = arith.constant 0 : i32
      %dma_wait3A_106 = tpu.memref_slice %arg4[%add3A, %dma_wait3A, %dma_wait3A_105] : memref<32x40x128xi32, #tpu.memory_space<hbm>> -> memref<1x40x128xi32, #tpu.memory_space<hbm>>
      %dma_wait3A_107 = tpu.memref_squeeze %dma_wait3A_106 : memref<1x40x128xi32, #tpu.memory_space<hbm>> -> memref<40x128xi32, #tpu.memory_space<hbm>>
      %dma_wait3A_108 = arith.constant 0 : i32
      %dma_wait3A_109 = arith.constant 0 : i32
      %dma_wait3A_110 = tpu.memref_slice %arg4[%add3A, %dma_wait3A_108, %dma_wait3A_109] : memref<32x40x128xi32, #tpu.memory_space<hbm>> -> memref<1x40x128xi32, #tpu.memory_space<hbm>>
      %dma_wait3A_111 = tpu.memref_squeeze %dma_wait3A_110 : memref<1x40x128xi32, #tpu.memory_space<hbm>> -> memref<40x128xi32, #tpu.memory_space<hbm>>
      tpu.wait_dma2 semaphore(%run_scoped3A : memref<!tpu.dma_semaphore, #tpu.memory_space<semaphore_mem>>) src(%dma_wait3A_111 : memref<40x128xi32, #tpu.memory_space<hbm>>) dst(%arg8 : memref<40x128xi32, #tpu.memory_space<vmem>>)
      tpu.yield
    }) : () -> ()
    "tpu.region"() ({
      %run_scoped3A = tpu.sem_alloc : memref<!tpu.dma_semaphore, #tpu.memory_space<semaphore_mem>>
      %dma_start3A_97 = arith.constant 0 : i32
      %dma_start3A_98 = arith.constant 0 : i32
      %dma_start3A_99 = tpu.memref_slice %arg5[%add3A, %dma_start3A_97, %dma_start3A_98] : memref<32x40x128xi32, #tpu.memory_space<hbm>> -> memref<1x40x128xi32, #tpu.memory_space<hbm>>
      %dma_start3A_100 = tpu.memref_squeeze %dma_start3A_99 : memref<1x40x128xi32, #tpu.memory_space<hbm>> -> memref<40x128xi32, #tpu.memory_space<hbm>>
      %dma_start3A_101 = arith.constant 0 : i32
      %dma_start3A_102 = arith.constant 0 : i32
      %dma_start3A_103 = tpu.memref_slice %arg5[%add3A, %dma_start3A_101, %dma_start3A_102] : memref<32x40x128xi32, #tpu.memory_space<hbm>> -> memref<1x40x128xi32, #tpu.memory_space<hbm>>
      %dma_start3A_104 = tpu.memref_squeeze %dma_start3A_103 : memref<1x40x128xi32, #tpu.memory_space<hbm>> -> memref<40x128xi32, #tpu.memory_space<hbm>>
      tpu.enqueue_dma source(%dma_start3A_104 : memref<40x128xi32, #tpu.memory_space<hbm>>) target(%arg9 : memref<40x128xi32, #tpu.memory_space<vmem>>) target_semaphore(%run_scoped3A : memref<!tpu.dma_semaphore, #tpu.memory_space<semaphore_mem>>)
      %dma_wait3A = arith.constant 0 : i32
      %dma_wait3A_105 = arith.constant 0 : i32
      %dma_wait3A_106 = tpu.memref_slice %arg5[%add3A, %dma_wait3A, %dma_wait3A_105] : memref<32x40x128xi32, #tpu.memory_space<hbm>> -> memref<1x40x128xi32, #tpu.memory_space<hbm>>
      %dma_wait3A_107 = tpu.memref_squeeze %dma_wait3A_106 : memref<1x40x128xi32, #tpu.memory_space<hbm>> -> memref<40x128xi32, #tpu.memory_space<hbm>>
      %dma_wait3A_108 = arith.constant 0 : i32
      %dma_wait3A_109 = arith.constant 0 : i32
      %dma_wait3A_110 = tpu.memref_slice %arg5[%add3A, %dma_wait3A_108, %dma_wait3A_109] : memref<32x40x128xi32, #tpu.memory_space<hbm>> -> memref<1x40x128xi32, #tpu.memory_space<hbm>>
      %dma_wait3A_111 = tpu.memref_squeeze %dma_wait3A_110 : memref<1x40x128xi32, #tpu.memory_space<hbm>> -> memref<40x128xi32, #tpu.memory_space<hbm>>
      tpu.wait_dma2 semaphore(%run_scoped3A : memref<!tpu.dma_semaphore, #tpu.memory_space<semaphore_mem>>) src(%dma_wait3A_111 : memref<40x128xi32, #tpu.memory_space<hbm>>) dst(%arg9 : memref<40x128xi32, #tpu.memory_space<vmem>>)
      tpu.yield
    }) : () -> ()
    %dma_start3A = arith.constant 0 : i32
    %dma_start3A_3 = arith.constant 0 : i32
    %dma_start3A_4 = arith.constant 0 : i32
    %dma_start3A_5 = arith.constant 0 : i32
    %dma_start3A_6 = tpu.memref_slice %arg10[%dma_start3A_3, %dma_start3A_4, %dma_start3A_5] : memref<3x128x128xf32, #tpu.memory_space<vmem>> -> memref<1x128x128xf32, #tpu.memory_space<vmem>>
    %dma_start3A_7 = tpu.memref_squeeze %dma_start3A_6 : memref<1x128x128xf32, #tpu.memory_space<vmem>> -> memref<128x128xf32, #tpu.memory_space<vmem>>
    %dma_start3A_8 = arith.constant 0 : i32
    %dma_start3A_9 = arith.constant 0 : i32
    %dma_start3A_10 = tpu.memref_slice %dma_start3A_7[%dma_start3A_8, %dma_start3A_9] : memref<128x128xf32, #tpu.memory_space<vmem>> -> memref<128x128xf32, #tpu.memory_space<vmem>>
    %dma_start3A_11 = arith.constant 0 : i32
    %dma_start3A_12 = tpu.memref_slice %arg8[%dma_start3A, %dma_start3A_11] : memref<40x128xi32, #tpu.memory_space<vmem>> -> memref<1x128xi32, #tpu.memory_space<vmem>>
    %dma_start3A_13 = tpu.memref_squeeze %dma_start3A_12 : memref<1x128xi32, #tpu.memory_space<vmem>> -> memref<128xi32, #tpu.memory_space<vmem>>
    %dma_start3A_14 = arith.constant 0 : i32
    %dma_start3A_15 = arith.constant 0 : i32
    %dma_start3A_16 = tpu.memref_slice %arg2[%dma_start3A_14, %dma_start3A_15] : memref<10240x128xf32, #tpu.memory_space<hbm>> -> memref<10240x128xf32, #tpu.memory_space<hbm>>
    tpu.enqueue_indirect_dma source(%dma_start3A_16 : memref<10240x128xf32, #tpu.memory_space<hbm>>) target(%dma_start3A_10 : memref<128x128xf32, #tpu.memory_space<vmem>>) offsets(%dma_start3A_13 : memref<128xi32, #tpu.memory_space<vmem>>) semaphore(%arg12 : memref<!tpu.dma_semaphore, #tpu.memory_space<semaphore_mem>>)
    %dma_start3A_17 = arith.constant 0 : i32
    %dma_start3A_18 = arith.constant 0 : i32
    %dma_start3A_19 = arith.constant 0 : i32
    %dma_start3A_20 = arith.constant 0 : i32
    %dma_start3A_21 = tpu.memref_slice %arg11[%dma_start3A_18, %dma_start3A_19, %dma_start3A_20] : memref<3x128x128xf32, #tpu.memory_space<vmem>> -> memref<1x128x128xf32, #tpu.memory_space<vmem>>
    %dma_start3A_22 = tpu.memref_squeeze %dma_start3A_21 : memref<1x128x128xf32, #tpu.memory_space<vmem>> -> memref<128x128xf32, #tpu.memory_space<vmem>>
    %dma_start3A_23 = arith.constant 0 : i32
    %dma_start3A_24 = arith.constant 0 : i32
    %dma_start3A_25 = tpu.memref_slice %dma_start3A_22[%dma_start3A_23, %dma_start3A_24] : memref<128x128xf32, #tpu.memory_space<vmem>> -> memref<128x128xf32, #tpu.memory_space<vmem>>
    %dma_start3A_26 = arith.constant 0 : i32
    %dma_start3A_27 = tpu.memref_slice %arg9[%dma_start3A_17, %dma_start3A_26] : memref<40x128xi32, #tpu.memory_space<vmem>> -> memref<1x128xi32, #tpu.memory_space<vmem>>
    %dma_start3A_28 = tpu.memref_squeeze %dma_start3A_27 : memref<1x128xi32, #tpu.memory_space<vmem>> -> memref<128xi32, #tpu.memory_space<vmem>>
    %dma_start3A_29 = arith.constant 0 : i32
    %dma_start3A_30 = arith.constant 0 : i32
    %dma_start3A_31 = tpu.memref_slice %arg3[%dma_start3A_29, %dma_start3A_30] : memref<10240x128xf32, #tpu.memory_space<hbm>> -> memref<10240x128xf32, #tpu.memory_space<hbm>>
    tpu.enqueue_indirect_dma source(%dma_start3A_31 : memref<10240x128xf32, #tpu.memory_space<hbm>>) target(%dma_start3A_25 : memref<128x128xf32, #tpu.memory_space<vmem>>) offsets(%dma_start3A_28 : memref<128xi32, #tpu.memory_space<vmem>>) semaphore(%arg15 : memref<!tpu.dma_semaphore, #tpu.memory_space<semaphore_mem>>)
    %dma_start3A_32 = arith.constant 1 : i32
    %dma_start3A_33 = arith.constant 1 : i32
    %dma_start3A_34 = arith.constant 0 : i32
    %dma_start3A_35 = arith.constant 0 : i32
    %dma_start3A_36 = tpu.memref_slice %arg10[%dma_start3A_33, %dma_start3A_34, %dma_start3A_35] : memref<3x128x128xf32, #tpu.memory_space<vmem>> -> memref<1x128x128xf32, #tpu.memory_space<vmem>>
    %dma_start3A_37 = tpu.memref_squeeze %dma_start3A_36 : memref<1x128x128xf32, #tpu.memory_space<vmem>> -> memref<128x128xf32, #tpu.memory_space<vmem>>
    %dma_start3A_38 = arith.constant 0 : i32
    %dma_start3A_39 = arith.constant 0 : i32
    %dma_start3A_40 = tpu.memref_slice %dma_start3A_37[%dma_start3A_38, %dma_start3A_39] : memref<128x128xf32, #tpu.memory_space<vmem>> -> memref<128x128xf32, #tpu.memory_space<vmem>>
    %dma_start3A_41 = arith.constant 0 : i32
    %dma_start3A_42 = tpu.memref_slice %arg8[%dma_start3A_32, %dma_start3A_41] : memref<40x128xi32, #tpu.memory_space<vmem>> -> memref<1x128xi32, #tpu.memory_space<vmem>>
    %dma_start3A_43 = tpu.memref_squeeze %dma_start3A_42 : memref<1x128xi32, #tpu.memory_space<vmem>> -> memref<128xi32, #tpu.memory_space<vmem>>
    %dma_start3A_44 = arith.constant 0 : i32
    %dma_start3A_45 = arith.constant 0 : i32
    %dma_start3A_46 = tpu.memref_slice %arg2[%dma_start3A_44, %dma_start3A_45] : memref<10240x128xf32, #tpu.memory_space<hbm>> -> memref<10240x128xf32, #tpu.memory_space<hbm>>
    tpu.enqueue_indirect_dma source(%dma_start3A_46 : memref<10240x128xf32, #tpu.memory_space<hbm>>) target(%dma_start3A_40 : memref<128x128xf32, #tpu.memory_space<vmem>>) offsets(%dma_start3A_43 : memref<128xi32, #tpu.memory_space<vmem>>) semaphore(%arg13 : memref<!tpu.dma_semaphore, #tpu.memory_space<semaphore_mem>>)
    %dma_start3A_47 = arith.constant 1 : i32
    %dma_start3A_48 = arith.constant 1 : i32
    %dma_start3A_49 = arith.constant 0 : i32
    %dma_start3A_50 = arith.constant 0 : i32
    %dma_start3A_51 = tpu.memref_slice %arg11[%dma_start3A_48, %dma_start3A_49, %dma_start3A_50] : memref<3x128x128xf32, #tpu.memory_space<vmem>> -> memref<1x128x128xf32, #tpu.memory_space<vmem>>
    %dma_start3A_52 = tpu.memref_squeeze %dma_start3A_51 : memref<1x128x128xf32, #tpu.memory_space<vmem>> -> memref<128x128xf32, #tpu.memory_space<vmem>>
    %dma_start3A_53 = arith.constant 0 : i32
    %dma_start3A_54 = arith.constant 0 : i32
    %dma_start3A_55 = tpu.memref_slice %dma_start3A_52[%dma_start3A_53, %dma_start3A_54] : memref<128x128xf32, #tpu.memory_space<vmem>> -> memref<128x128xf32, #tpu.memory_space<vmem>>
    %dma_start3A_56 = arith.constant 0 : i32
    %dma_start3A_57 = tpu.memref_slice %arg9[%dma_start3A_47, %dma_start3A_56] : memref<40x128xi32, #tpu.memory_space<vmem>> -> memref<1x128xi32, #tpu.memory_space<vmem>>
    %dma_start3A_58 = tpu.memref_squeeze %dma_start3A_57 : memref<1x128xi32, #tpu.memory_space<vmem>> -> memref<128xi32, #tpu.memory_space<vmem>>
    %dma_start3A_59 = arith.constant 0 : i32
    %dma_start3A_60 = arith.constant 0 : i32
    %dma_start3A_61 = tpu.memref_slice %arg3[%dma_start3A_59, %dma_start3A_60] : memref<10240x128xf32, #tpu.memory_space<hbm>> -> memref<10240x128xf32, #tpu.memory_space<hbm>>
    tpu.enqueue_indirect_dma source(%dma_start3A_61 : memref<10240x128xf32, #tpu.memory_space<hbm>>) target(%dma_start3A_55 : memref<128x128xf32, #tpu.memory_space<vmem>>) offsets(%dma_start3A_58 : memref<128xi32, #tpu.memory_space<vmem>>) semaphore(%arg16 : memref<!tpu.dma_semaphore, #tpu.memory_space<semaphore_mem>>)
    %dma_start3A_62 = arith.constant 2 : i32
    %dma_start3A_63 = arith.constant 2 : i32
    %dma_start3A_64 = arith.constant 0 : i32
    %dma_start3A_65 = arith.constant 0 : i32
    %dma_start3A_66 = tpu.memref_slice %arg10[%dma_start3A_63, %dma_start3A_64, %dma_start3A_65] : memref<3x128x128xf32, #tpu.memory_space<vmem>> -> memref<1x128x128xf32, #tpu.memory_space<vmem>>
    %dma_start3A_67 = tpu.memref_squeeze %dma_start3A_66 : memref<1x128x128xf32, #tpu.memory_space<vmem>> -> memref<128x128xf32, #tpu.memory_space<vmem>>
    %dma_start3A_68 = arith.constant 0 : i32
    %dma_start3A_69 = arith.constant 0 : i32
    %dma_start3A_70 = tpu.memref_slice %dma_start3A_67[%dma_start3A_68, %dma_start3A_69] : memref<128x128xf32, #tpu.memory_space<vmem>> -> memref<128x128xf32, #tpu.memory_space<vmem>>
    %dma_start3A_71 = arith.constant 0 : i32
    %dma_start3A_72 = tpu.memref_slice %arg8[%dma_start3A_62, %dma_start3A_71] : memref<40x128xi32, #tpu.memory_space<vmem>> -> memref<1x128xi32, #tpu.memory_space<vmem>>
    %dma_start3A_73 = tpu.memref_squeeze %dma_start3A_72 : memref<1x128xi32, #tpu.memory_space<vmem>> -> memref<128xi32, #tpu.memory_space<vmem>>
    %dma_start3A_74 = arith.constant 0 : i32
    %dma_start3A_75 = arith.constant 0 : i32
    %dma_start3A_76 = tpu.memref_slice %arg2[%dma_start3A_74, %dma_start3A_75] : memref<10240x128xf32, #tpu.memory_space<hbm>> -> memref<10240x128xf32, #tpu.memory_space<hbm>>
    tpu.enqueue_indirect_dma source(%dma_start3A_76 : memref<10240x128xf32, #tpu.memory_space<hbm>>) target(%dma_start3A_70 : memref<128x128xf32, #tpu.memory_space<vmem>>) offsets(%dma_start3A_73 : memref<128xi32, #tpu.memory_space<vmem>>) semaphore(%arg14 : memref<!tpu.dma_semaphore, #tpu.memory_space<semaphore_mem>>)
    %dma_start3A_77 = arith.constant 2 : i32
    %dma_start3A_78 = arith.constant 2 : i32
    %dma_start3A_79 = arith.constant 0 : i32
    %dma_start3A_80 = arith.constant 0 : i32
    %dma_start3A_81 = tpu.memref_slice %arg11[%dma_start3A_78, %dma_start3A_79, %dma_start3A_80] : memref<3x128x128xf32, #tpu.memory_space<vmem>> -> memref<1x128x128xf32, #tpu.memory_space<vmem>>
    %dma_start3A_82 = tpu.memref_squeeze %dma_start3A_81 : memref<1x128x128xf32, #tpu.memory_space<vmem>> -> memref<128x128xf32, #tpu.memory_space<vmem>>
    %dma_start3A_83 = arith.constant 0 : i32
    %dma_start3A_84 = arith.constant 0 : i32
    %dma_start3A_85 = tpu.memref_slice %dma_start3A_82[%dma_start3A_83, %dma_start3A_84] : memref<128x128xf32, #tpu.memory_space<vmem>> -> memref<128x128xf32, #tpu.memory_space<vmem>>
    %dma_start3A_86 = arith.constant 0 : i32
    %dma_start3A_87 = tpu.memref_slice %arg9[%dma_start3A_77, %dma_start3A_86] : memref<40x128xi32, #tpu.memory_space<vmem>> -> memref<1x128xi32, #tpu.memory_space<vmem>>
    %dma_start3A_88 = tpu.memref_squeeze %dma_start3A_87 : memref<1x128xi32, #tpu.memory_space<vmem>> -> memref<128xi32, #tpu.memory_space<vmem>>
    %dma_start3A_89 = arith.constant 0 : i32
    %dma_start3A_90 = arith.constant 0 : i32
    %dma_start3A_91 = tpu.memref_slice %arg3[%dma_start3A_89, %dma_start3A_90] : memref<10240x128xf32, #tpu.memory_space<hbm>> -> memref<10240x128xf32, #tpu.memory_space<hbm>>
    tpu.enqueue_indirect_dma source(%dma_start3A_91 : memref<10240x128xf32, #tpu.memory_space<hbm>>) target(%dma_start3A_85 : memref<128x128xf32, #tpu.memory_space<vmem>>) offsets(%dma_start3A_88 : memref<128xi32, #tpu.memory_space<vmem>>) semaphore(%arg17 : memref<!tpu.dma_semaphore, #tpu.memory_space<semaphore_mem>>)
    %scan3A = arith.constant 0 : i32
    %scan3A_92 = arith.constant 0 : i32
    %scan3A_93 = arith.constant 14 : i32
    %scan3A_94 = arith.addi %scan3A_92, %scan3A_93 : i32
    %scan3A_95 = arith.constant 1 : i32
    scf.for %scan3A_97 = %scan3A_92 to %scan3A_94 step %scan3A_95  : i32 {
      %mul3A_98 = arith.constant 3 : i32
      %mul3A_99 = arith.muli %scan3A_97, %mul3A_98 : i32
      %add3A_100 = arith.constant 0 : i32
      %add3A_101 = arith.addi %mul3A_99, %add3A_100 : i32
      %lt3A = arith.constant 40 : i32
      %lt3A_102 = arith.cmpi slt, %add3A_101, %lt3A : i32
      %convert_element_type3A = arith.extui %lt3A_102 : i1 to i32
      %cond3A = arith.constant 0 : i32
      %cond3A_103 = arith.cmpi ne, %convert_element_type3A, %cond3A : i32
      scf.if %cond3A_103 {
        %mul3A_122 = arith.constant 128 : i32
        %mul3A_123 = arith.muli %add3A_101, %mul3A_122 : i32
        %add3A_124 = arith.addi %mul3A_2, %mul3A_123 : i32
        %dma_wait3A = arith.constant 0 : i32
        %dma_wait3A_125 = arith.constant 0 : i32
        %dma_wait3A_126 = arith.constant 0 : i32
        %dma_wait3A_127 = tpu.memref_slice %arg10[%dma_wait3A, %dma_wait3A_125, %dma_wait3A_126] : memref<3x128x128xf32, #tpu.memory_space<vmem>> -> memref<1x128x128xf32, #tpu.memory_space<vmem>>
        %dma_wait3A_128 = tpu.memref_squeeze %dma_wait3A_127 : memref<1x128x128xf32, #tpu.memory_space<vmem>> -> memref<128x128xf32, #tpu.memory_space<vmem>>
        %dma_wait3A_129 = arith.constant 0 : i32
        %dma_wait3A_130 = tpu.memref_slice %arg6[%add3A_124, %dma_wait3A_129] : memref<163840x128xf32, #tpu.memory_space<hbm>> -> memref<128x128xf32, #tpu.memory_space<hbm>>
        %dma_wait3A_131 = arith.constant 0 : i32
        %dma_wait3A_132 = arith.constant 0 : i32
        %dma_wait3A_133 = tpu.memref_slice %arg10[%dma_wait3A, %dma_wait3A_131, %dma_wait3A_132] : memref<3x128x128xf32, #tpu.memory_space<vmem>> -> memref<1x128x128xf32, #tpu.memory_space<vmem>>
        %dma_wait3A_134 = tpu.memref_squeeze %dma_wait3A_133 : memref<1x128x128xf32, #tpu.memory_space<vmem>> -> memref<128x128xf32, #tpu.memory_space<vmem>>
        %dma_wait3A_135 = arith.constant 0 : i32
        %dma_wait3A_136 = tpu.memref_slice %arg6[%add3A_124, %dma_wait3A_135] : memref<163840x128xf32, #tpu.memory_space<hbm>> -> memref<128x128xf32, #tpu.memory_space<hbm>>
        tpu.wait_dma2 semaphore(%arg12 : memref<!tpu.dma_semaphore, #tpu.memory_space<semaphore_mem>>) src(%dma_wait3A_136 : memref<128x128xf32, #tpu.memory_space<hbm>>) dst(%dma_wait3A_134 : memref<128x128xf32, #tpu.memory_space<vmem>>)
        %dma_wait3A_137 = arith.constant 0 : i32
        %dma_wait3A_138 = arith.constant 0 : i32
        %dma_wait3A_139 = arith.constant 0 : i32
        %dma_wait3A_140 = tpu.memref_slice %arg11[%dma_wait3A_137, %dma_wait3A_138, %dma_wait3A_139] : memref<3x128x128xf32, #tpu.memory_space<vmem>> -> memref<1x128x128xf32, #tpu.memory_space<vmem>>
        %dma_wait3A_141 = tpu.memref_squeeze %dma_wait3A_140 : memref<1x128x128xf32, #tpu.memory_space<vmem>> -> memref<128x128xf32, #tpu.memory_space<vmem>>
        %dma_wait3A_142 = arith.constant 0 : i32
        %dma_wait3A_143 = tpu.memref_slice %arg7[%add3A_124, %dma_wait3A_142] : memref<163840x128xf32, #tpu.memory_space<hbm>> -> memref<128x128xf32, #tpu.memory_space<hbm>>
        %dma_wait3A_144 = arith.constant 0 : i32
        %dma_wait3A_145 = arith.constant 0 : i32
        %dma_wait3A_146 = tpu.memref_slice %arg11[%dma_wait3A_137, %dma_wait3A_144, %dma_wait3A_145] : memref<3x128x128xf32, #tpu.memory_space<vmem>> -> memref<1x128x128xf32, #tpu.memory_space<vmem>>
        %dma_wait3A_147 = tpu.memref_squeeze %dma_wait3A_146 : memref<1x128x128xf32, #tpu.memory_space<vmem>> -> memref<128x128xf32, #tpu.memory_space<vmem>>
        %dma_wait3A_148 = arith.constant 0 : i32
        %dma_wait3A_149 = tpu.memref_slice %arg7[%add3A_124, %dma_wait3A_148] : memref<163840x128xf32, #tpu.memory_space<hbm>> -> memref<128x128xf32, #tpu.memory_space<hbm>>
        tpu.wait_dma2 semaphore(%arg15 : memref<!tpu.dma_semaphore, #tpu.memory_space<semaphore_mem>>) src(%dma_wait3A_149 : memref<128x128xf32, #tpu.memory_space<hbm>>) dst(%dma_wait3A_147 : memref<128x128xf32, #tpu.memory_space<vmem>>)
        %dma_start3A_150 = arith.constant 0 : i32
        %dma_start3A_151 = arith.constant 0 : i32
        %dma_start3A_152 = arith.constant 0 : i32
        %dma_start3A_153 = tpu.memref_slice %arg10[%dma_start3A_150, %dma_start3A_151, %dma_start3A_152] : memref<3x128x128xf32, #tpu.memory_space<vmem>> -> memref<1x128x128xf32, #tpu.memory_space<vmem>>
        %dma_start3A_154 = tpu.memref_squeeze %dma_start3A_153 : memref<1x128x128xf32, #tpu.memory_space<vmem>> -> memref<128x128xf32, #tpu.memory_space<vmem>>
        %dma_start3A_155 = arith.constant 0 : i32
        %dma_start3A_156 = tpu.memref_slice %arg6[%add3A_124, %dma_start3A_155] : memref<163840x128xf32, #tpu.memory_space<hbm>> -> memref<128x128xf32, #tpu.memory_space<hbm>>
        %dma_start3A_157 = arith.constant 0 : i32
        %dma_start3A_158 = tpu.memref_slice %arg6[%add3A_124, %dma_start3A_157] : memref<163840x128xf32, #tpu.memory_space<hbm>> -> memref<128x128xf32, #tpu.memory_space<hbm>>
        %dma_start3A_159 = arith.constant 0 : i32
        %dma_start3A_160 = arith.constant 0 : i32
        %dma_start3A_161 = tpu.memref_slice %arg10[%dma_start3A_150, %dma_start3A_159, %dma_start3A_160] : memref<3x128x128xf32, #tpu.memory_space<vmem>> -> memref<1x128x128xf32, #tpu.memory_space<vmem>>
        %dma_start3A_162 = tpu.memref_squeeze %dma_start3A_161 : memref<1x128x128xf32, #tpu.memory_space<vmem>> -> memref<128x128xf32, #tpu.memory_space<vmem>>
        tpu.enqueue_dma source(%dma_start3A_162 : memref<128x128xf32, #tpu.memory_space<vmem>>) target(%dma_start3A_158 : memref<128x128xf32, #tpu.memory_space<hbm>>) target_semaphore(%arg18 : memref<!tpu.dma_semaphore, #tpu.memory_space<semaphore_mem>>)
        %dma_start3A_163 = arith.constant 0 : i32
        %dma_start3A_164 = arith.constant 0 : i32
        %dma_start3A_165 = arith.constant 0 : i32
        %dma_start3A_166 = tpu.memref_slice %arg11[%dma_start3A_163, %dma_start3A_164, %dma_start3A_165] : memref<3x128x128xf32, #tpu.memory_space<vmem>> -> memref<1x128x128xf32, #tpu.memory_space<vmem>>
        %dma_start3A_167 = tpu.memref_squeeze %dma_start3A_166 : memref<1x128x128xf32, #tpu.memory_space<vmem>> -> memref<128x128xf32, #tpu.memory_space<vmem>>
        %dma_start3A_168 = arith.constant 0 : i32
        %dma_start3A_169 = tpu.memref_slice %arg7[%add3A_124, %dma_start3A_168] : memref<163840x128xf32, #tpu.memory_space<hbm>> -> memref<128x128xf32, #tpu.memory_space<hbm>>
        %dma_start3A_170 = arith.constant 0 : i32
        %dma_start3A_171 = tpu.memref_slice %arg7[%add3A_124, %dma_start3A_170] : memref<163840x128xf32, #tpu.memory_space<hbm>> -> memref<128x128xf32, #tpu.memory_space<hbm>>
        %dma_start3A_172 = arith.constant 0 : i32
        %dma_start3A_173 = arith.constant 0 : i32
        %dma_start3A_174 = tpu.memref_slice %arg11[%dma_start3A_163, %dma_start3A_172, %dma_start3A_173] : memref<3x128x128xf32, #tpu.memory_space<vmem>> -> memref<1x128x128xf32, #tpu.memory_space<vmem>>
        %dma_start3A_175 = tpu.memref_squeeze %dma_start3A_174 : memref<1x128x128xf32, #tpu.memory_space<vmem>> -> memref<128x128xf32, #tpu.memory_space<vmem>>
        tpu.enqueue_dma source(%dma_start3A_175 : memref<128x128xf32, #tpu.memory_space<vmem>>) target(%dma_start3A_171 : memref<128x128xf32, #tpu.memory_space<hbm>>) target_semaphore(%arg21 : memref<!tpu.dma_semaphore, #tpu.memory_space<semaphore_mem>>)
        %dma_wait3A_176 = arith.constant 0 : i32
        %dma_wait3A_177 = arith.constant 0 : i32
        %dma_wait3A_178 = arith.constant 0 : i32
        %dma_wait3A_179 = tpu.memref_slice %arg10[%dma_wait3A_176, %dma_wait3A_177, %dma_wait3A_178] : memref<3x128x128xf32, #tpu.memory_space<vmem>> -> memref<1x128x128xf32, #tpu.memory_space<vmem>>
        %dma_wait3A_180 = tpu.memref_squeeze %dma_wait3A_179 : memref<1x128x128xf32, #tpu.memory_space<vmem>> -> memref<128x128xf32, #tpu.memory_space<vmem>>
        %dma_wait3A_181 = arith.constant 0 : i32
        %dma_wait3A_182 = tpu.memref_slice %arg6[%add3A_124, %dma_wait3A_181] : memref<163840x128xf32, #tpu.memory_space<hbm>> -> memref<128x128xf32, #tpu.memory_space<hbm>>
        %dma_wait3A_183 = arith.constant 0 : i32
        %dma_wait3A_184 = tpu.memref_slice %arg6[%add3A_124, %dma_wait3A_183] : memref<163840x128xf32, #tpu.memory_space<hbm>> -> memref<128x128xf32, #tpu.memory_space<hbm>>
        %dma_wait3A_185 = arith.constant 0 : i32
        %dma_wait3A_186 = arith.constant 0 : i32
        %dma_wait3A_187 = tpu.memref_slice %arg10[%dma_wait3A_176, %dma_wait3A_185, %dma_wait3A_186] : memref<3x128x128xf32, #tpu.memory_space<vmem>> -> memref<1x128x128xf32, #tpu.memory_space<vmem>>
        %dma_wait3A_188 = tpu.memref_squeeze %dma_wait3A_187 : memref<1x128x128xf32, #tpu.memory_space<vmem>> -> memref<128x128xf32, #tpu.memory_space<vmem>>
        tpu.wait_dma2 semaphore(%arg18 : memref<!tpu.dma_semaphore, #tpu.memory_space<semaphore_mem>>) src(%dma_wait3A_188 : memref<128x128xf32, #tpu.memory_space<vmem>>) dst(%dma_wait3A_184 : memref<128x128xf32, #tpu.memory_space<hbm>>)
        %dma_wait3A_189 = arith.constant 0 : i32
        %dma_wait3A_190 = arith.constant 0 : i32
        %dma_wait3A_191 = arith.constant 0 : i32
        %dma_wait3A_192 = tpu.memref_slice %arg11[%dma_wait3A_189, %dma_wait3A_190, %dma_wait3A_191] : memref<3x128x128xf32, #tpu.memory_space<vmem>> -> memref<1x128x128xf32, #tpu.memory_space<vmem>>
        %dma_wait3A_193 = tpu.memref_squeeze %dma_wait3A_192 : memref<1x128x128xf32, #tpu.memory_space<vmem>> -> memref<128x128xf32, #tpu.memory_space<vmem>>
        %dma_wait3A_194 = arith.constant 0 : i32
        %dma_wait3A_195 = tpu.memref_slice %arg7[%add3A_124, %dma_wait3A_194] : memref<163840x128xf32, #tpu.memory_space<hbm>> -> memref<128x128xf32, #tpu.memory_space<hbm>>
        %dma_wait3A_196 = arith.constant 0 : i32
        %dma_wait3A_197 = tpu.memref_slice %arg7[%add3A_124, %dma_wait3A_196] : memref<163840x128xf32, #tpu.memory_space<hbm>> -> memref<128x128xf32, #tpu.memory_space<hbm>>
        %dma_wait3A_198 = arith.constant 0 : i32
        %dma_wait3A_199 = arith.constant 0 : i32
        %dma_wait3A_200 = tpu.memref_slice %arg11[%dma_wait3A_189, %dma_wait3A_198, %dma_wait3A_199] : memref<3x128x128xf32, #tpu.memory_space<vmem>> -> memref<1x128x128xf32, #tpu.memory_space<vmem>>
        %dma_wait3A_201 = tpu.memref_squeeze %dma_wait3A_200 : memref<1x128x128xf32, #tpu.memory_space<vmem>> -> memref<128x128xf32, #tpu.memory_space<vmem>>
        tpu.wait_dma2 semaphore(%arg21 : memref<!tpu.dma_semaphore, #tpu.memory_space<semaphore_mem>>) src(%dma_wait3A_201 : memref<128x128xf32, #tpu.memory_space<vmem>>) dst(%dma_wait3A_197 : memref<128x128xf32, #tpu.memory_space<hbm>>)
        %add3A_202 = arith.constant 3 : i32
        %add3A_203 = arith.addi %add3A_101, %add3A_202 : i32
        %lt3A_204 = arith.constant 40 : i32
        %lt3A_205 = arith.cmpi slt, %add3A_203, %lt3A_204 : i32
        %convert_element_type3A_206 = arith.extui %lt3A_205 : i1 to i32
        %cond3A_207 = arith.constant 0 : i32
        %cond3A_208 = arith.cmpi ne, %convert_element_type3A_206, %cond3A_207 : i32
        scf.if %cond3A_208 {
          %add3A_209 = arith.constant 3 : i32
          %add3A_210 = arith.addi %add3A_101, %add3A_209 : i32
          %mul3A_211 = arith.constant 1 : i32
          %mul3A_212 = arith.muli %add3A_210, %mul3A_211 : i32
          %add3A_213 = arith.constant 0 : i32
          %add3A_214 = arith.addi %mul3A_212, %add3A_213 : i32
          %dma_start3A_215 = arith.constant 0 : i32
          %dma_start3A_216 = arith.constant 0 : i32
          %dma_start3A_217 = arith.constant 0 : i32
          %dma_start3A_218 = tpu.memref_slice %arg10[%dma_start3A_215, %dma_start3A_216, %dma_start3A_217] : memref<3x128x128xf32, #tpu.memory_space<vmem>> -> memref<1x128x128xf32, #tpu.memory_space<vmem>>
          %dma_start3A_219 = tpu.memref_squeeze %dma_start3A_218 : memref<1x128x128xf32, #tpu.memory_space<vmem>> -> memref<128x128xf32, #tpu.memory_space<vmem>>
          %dma_start3A_220 = arith.constant 0 : i32
          %dma_start3A_221 = arith.constant 0 : i32
          %dma_start3A_222 = tpu.memref_slice %dma_start3A_219[%dma_start3A_220, %dma_start3A_221] : memref<128x128xf32, #tpu.memory_space<vmem>> -> memref<128x128xf32, #tpu.memory_space<vmem>>
          %dma_start3A_223 = arith.constant 0 : i32
          %dma_start3A_224 = tpu.memref_slice %arg8[%add3A_214, %dma_start3A_223] : memref<40x128xi32, #tpu.memory_space<vmem>> -> memref<1x128xi32, #tpu.memory_space<vmem>>
          %dma_start3A_225 = tpu.memref_squeeze %dma_start3A_224 : memref<1x128xi32, #tpu.memory_space<vmem>> -> memref<128xi32, #tpu.memory_space<vmem>>
          %dma_start3A_226 = arith.constant 0 : i32
          %dma_start3A_227 = arith.constant 0 : i32
          %dma_start3A_228 = tpu.memref_slice %arg2[%dma_start3A_226, %dma_start3A_227] : memref<10240x128xf32, #tpu.memory_space<hbm>> -> memref<10240x128xf32, #tpu.memory_space<hbm>>
          tpu.enqueue_indirect_dma source(%dma_start3A_228 : memref<10240x128xf32, #tpu.memory_space<hbm>>) target(%dma_start3A_222 : memref<128x128xf32, #tpu.memory_space<vmem>>) offsets(%dma_start3A_225 : memref<128xi32, #tpu.memory_space<vmem>>) semaphore(%arg12 : memref<!tpu.dma_semaphore, #tpu.memory_space<semaphore_mem>>)
          %dma_start3A_229 = arith.constant 0 : i32
          %dma_start3A_230 = arith.constant 0 : i32
          %dma_start3A_231 = arith.constant 0 : i32
          %dma_start3A_232 = tpu.memref_slice %arg11[%dma_start3A_229, %dma_start3A_230, %dma_start3A_231] : memref<3x128x128xf32, #tpu.memory_space<vmem>> -> memref<1x128x128xf32, #tpu.memory_space<vmem>>
          %dma_start3A_233 = tpu.memref_squeeze %dma_start3A_232 : memref<1x128x128xf32, #tpu.memory_space<vmem>> -> memref<128x128xf32, #tpu.memory_space<vmem>>
          %dma_start3A_234 = arith.constant 0 : i32
          %dma_start3A_235 = arith.constant 0 : i32
          %dma_start3A_236 = tpu.memref_slice %dma_start3A_233[%dma_start3A_234, %dma_start3A_235] : memref<128x128xf32, #tpu.memory_space<vmem>> -> memref<128x128xf32, #tpu.memory_space<vmem>>
          %dma_start3A_237 = arith.constant 0 : i32
          %dma_start3A_238 = tpu.memref_slice %arg9[%add3A_214, %dma_start3A_237] : memref<40x128xi32, #tpu.memory_space<vmem>> -> memref<1x128xi32, #tpu.memory_space<vmem>>
          %dma_start3A_239 = tpu.memref_squeeze %dma_start3A_238 : memref<1x128xi32, #tpu.memory_space<vmem>> -> memref<128xi32, #tpu.memory_space<vmem>>
          %dma_start3A_240 = arith.constant 0 : i32
          %dma_start3A_241 = arith.constant 0 : i32
          %dma_start3A_242 = tpu.memref_slice %arg3[%dma_start3A_240, %dma_start3A_241] : memref<10240x128xf32, #tpu.memory_space<hbm>> -> memref<10240x128xf32, #tpu.memory_space<hbm>>
          tpu.enqueue_indirect_dma source(%dma_start3A_242 : memref<10240x128xf32, #tpu.memory_space<hbm>>) target(%dma_start3A_236 : memref<128x128xf32, #tpu.memory_space<vmem>>) offsets(%dma_start3A_239 : memref<128xi32, #tpu.memory_space<vmem>>) semaphore(%arg15 : memref<!tpu.dma_semaphore, #tpu.memory_space<semaphore_mem>>)
        } else {
        }
      } else {
      }
      %mul3A_104 = arith.constant 3 : i32
      %mul3A_105 = arith.muli %scan3A_97, %mul3A_104 : i32
      %add3A_106 = arith.constant 1 : i32
      %add3A_107 = arith.addi %mul3A_105, %add3A_106 : i32
      %lt3A_108 = arith.constant 40 : i32
      %lt3A_109 = arith.cmpi slt, %add3A_107, %lt3A_108 : i32
      %convert_element_type3A_110 = arith.extui %lt3A_109 : i1 to i32
      %cond3A_111 = arith.constant 0 : i32
      %cond3A_112 = arith.cmpi ne, %convert_element_type3A_110, %cond3A_111 : i32
      scf.if %cond3A_112 {
        %mul3A_122 = arith.constant 128 : i32
        %mul3A_123 = arith.muli %add3A_107, %mul3A_122 : i32
        %add3A_124 = arith.addi %mul3A_2, %mul3A_123 : i32
        %dma_wait3A = arith.constant 1 : i32
        %dma_wait3A_125 = arith.constant 0 : i32
        %dma_wait3A_126 = arith.constant 0 : i32
        %dma_wait3A_127 = tpu.memref_slice %arg10[%dma_wait3A, %dma_wait3A_125, %dma_wait3A_126] : memref<3x128x128xf32, #tpu.memory_space<vmem>> -> memref<1x128x128xf32, #tpu.memory_space<vmem>>
        %dma_wait3A_128 = tpu.memref_squeeze %dma_wait3A_127 : memref<1x128x128xf32, #tpu.memory_space<vmem>> -> memref<128x128xf32, #tpu.memory_space<vmem>>
        %dma_wait3A_129 = arith.constant 0 : i32
        %dma_wait3A_130 = tpu.memref_slice %arg6[%add3A_124, %dma_wait3A_129] : memref<163840x128xf32, #tpu.memory_space<hbm>> -> memref<128x128xf32, #tpu.memory_space<hbm>>
        %dma_wait3A_131 = arith.constant 0 : i32
        %dma_wait3A_132 = arith.constant 0 : i32
        %dma_wait3A_133 = tpu.memref_slice %arg10[%dma_wait3A, %dma_wait3A_131, %dma_wait3A_132] : memref<3x128x128xf32, #tpu.memory_space<vmem>> -> memref<1x128x128xf32, #tpu.memory_space<vmem>>
        %dma_wait3A_134 = tpu.memref_squeeze %dma_wait3A_133 : memref<1x128x128xf32, #tpu.memory_space<vmem>> -> memref<128x128xf32, #tpu.memory_space<vmem>>
        %dma_wait3A_135 = arith.constant 0 : i32
        %dma_wait3A_136 = tpu.memref_slice %arg6[%add3A_124, %dma_wait3A_135] : memref<163840x128xf32, #tpu.memory_space<hbm>> -> memref<128x128xf32, #tpu.memory_space<hbm>>
        tpu.wait_dma2 semaphore(%arg13 : memref<!tpu.dma_semaphore, #tpu.memory_space<semaphore_mem>>) src(%dma_wait3A_136 : memref<128x128xf32, #tpu.memory_space<hbm>>) dst(%dma_wait3A_134 : memref<128x128xf32, #tpu.memory_space<vmem>>)
        %dma_wait3A_137 = arith.constant 1 : i32
        %dma_wait3A_138 = arith.constant 0 : i32
        %dma_wait3A_139 = arith.constant 0 : i32
        %dma_wait3A_140 = tpu.memref_slice %arg11[%dma_wait3A_137, %dma_wait3A_138, %dma_wait3A_139] : memref<3x128x128xf32, #tpu.memory_space<vmem>> -> memref<1x128x128xf32, #tpu.memory_space<vmem>>
        %dma_wait3A_141 = tpu.memref_squeeze %dma_wait3A_140 : memref<1x128x128xf32, #tpu.memory_space<vmem>> -> memref<128x128xf32, #tpu.memory_space<vmem>>
        %dma_wait3A_142 = arith.constant 0 : i32
        %dma_wait3A_143 = tpu.memref_slice %arg7[%add3A_124, %dma_wait3A_142] : memref<163840x128xf32, #tpu.memory_space<hbm>> -> memref<128x128xf32, #tpu.memory_space<hbm>>
        %dma_wait3A_144 = arith.constant 0 : i32
        %dma_wait3A_145 = arith.constant 0 : i32
        %dma_wait3A_146 = tpu.memref_slice %arg11[%dma_wait3A_137, %dma_wait3A_144, %dma_wait3A_145] : memref<3x128x128xf32, #tpu.memory_space<vmem>> -> memref<1x128x128xf32, #tpu.memory_space<vmem>>
        %dma_wait3A_147 = tpu.memref_squeeze %dma_wait3A_146 : memref<1x128x128xf32, #tpu.memory_space<vmem>> -> memref<128x128xf32, #tpu.memory_space<vmem>>
        %dma_wait3A_148 = arith.constant 0 : i32
        %dma_wait3A_149 = tpu.memref_slice %arg7[%add3A_124, %dma_wait3A_148] : memref<163840x128xf32, #tpu.memory_space<hbm>> -> memref<128x128xf32, #tpu.memory_space<hbm>>
        tpu.wait_dma2 semaphore(%arg16 : memref<!tpu.dma_semaphore, #tpu.memory_space<semaphore_mem>>) src(%dma_wait3A_149 : memref<128x128xf32, #tpu.memory_space<hbm>>) dst(%dma_wait3A_147 : memref<128x128xf32, #tpu.memory_space<vmem>>)
        %dma_start3A_150 = arith.constant 1 : i32
        %dma_start3A_151 = arith.constant 0 : i32
        %dma_start3A_152 = arith.constant 0 : i32
        %dma_start3A_153 = tpu.memref_slice %arg10[%dma_start3A_150, %dma_start3A_151, %dma_start3A_152] : memref<3x128x128xf32, #tpu.memory_space<vmem>> -> memref<1x128x128xf32, #tpu.memory_space<vmem>>
        %dma_start3A_154 = tpu.memref_squeeze %dma_start3A_153 : memref<1x128x128xf32, #tpu.memory_space<vmem>> -> memref<128x128xf32, #tpu.memory_space<vmem>>
        %dma_start3A_155 = arith.constant 0 : i32
        %dma_start3A_156 = tpu.memref_slice %arg6[%add3A_124, %dma_start3A_155] : memref<163840x128xf32, #tpu.memory_space<hbm>> -> memref<128x128xf32, #tpu.memory_space<hbm>>
        %dma_start3A_157 = arith.constant 0 : i32
        %dma_start3A_158 = tpu.memref_slice %arg6[%add3A_124, %dma_start3A_157] : memref<163840x128xf32, #tpu.memory_space<hbm>> -> memref<128x128xf32, #tpu.memory_space<hbm>>
        %dma_start3A_159 = arith.constant 0 : i32
        %dma_start3A_160 = arith.constant 0 : i32
        %dma_start3A_161 = tpu.memref_slice %arg10[%dma_start3A_150, %dma_start3A_159, %dma_start3A_160] : memref<3x128x128xf32, #tpu.memory_space<vmem>> -> memref<1x128x128xf32, #tpu.memory_space<vmem>>
        %dma_start3A_162 = tpu.memref_squeeze %dma_start3A_161 : memref<1x128x128xf32, #tpu.memory_space<vmem>> -> memref<128x128xf32, #tpu.memory_space<vmem>>
        tpu.enqueue_dma source(%dma_start3A_162 : memref<128x128xf32, #tpu.memory_space<vmem>>) target(%dma_start3A_158 : memref<128x128xf32, #tpu.memory_space<hbm>>) target_semaphore(%arg19 : memref<!tpu.dma_semaphore, #tpu.memory_space<semaphore_mem>>)
        %dma_start3A_163 = arith.constant 1 : i32
        %dma_start3A_164 = arith.constant 0 : i32
        %dma_start3A_165 = arith.constant 0 : i32
        %dma_start3A_166 = tpu.memref_slice %arg11[%dma_start3A_163, %dma_start3A_164, %dma_start3A_165] : memref<3x128x128xf32, #tpu.memory_space<vmem>> -> memref<1x128x128xf32, #tpu.memory_space<vmem>>
        %dma_start3A_167 = tpu.memref_squeeze %dma_start3A_166 : memref<1x128x128xf32, #tpu.memory_space<vmem>> -> memref<128x128xf32, #tpu.memory_space<vmem>>
        %dma_start3A_168 = arith.constant 0 : i32
        %dma_start3A_169 = tpu.memref_slice %arg7[%add3A_124, %dma_start3A_168] : memref<163840x128xf32, #tpu.memory_space<hbm>> -> memref<128x128xf32, #tpu.memory_space<hbm>>
        %dma_start3A_170 = arith.constant 0 : i32
        %dma_start3A_171 = tpu.memref_slice %arg7[%add3A_124, %dma_start3A_170] : memref<163840x128xf32, #tpu.memory_space<hbm>> -> memref<128x128xf32, #tpu.memory_space<hbm>>
        %dma_start3A_172 = arith.constant 0 : i32
        %dma_start3A_173 = arith.constant 0 : i32
        %dma_start3A_174 = tpu.memref_slice %arg11[%dma_start3A_163, %dma_start3A_172, %dma_start3A_173] : memref<3x128x128xf32, #tpu.memory_space<vmem>> -> memref<1x128x128xf32, #tpu.memory_space<vmem>>
        %dma_start3A_175 = tpu.memref_squeeze %dma_start3A_174 : memref<1x128x128xf32, #tpu.memory_space<vmem>> -> memref<128x128xf32, #tpu.memory_space<vmem>>
        tpu.enqueue_dma source(%dma_start3A_175 : memref<128x128xf32, #tpu.memory_space<vmem>>) target(%dma_start3A_171 : memref<128x128xf32, #tpu.memory_space<hbm>>) target_semaphore(%arg22 : memref<!tpu.dma_semaphore, #tpu.memory_space<semaphore_mem>>)
        %dma_wait3A_176 = arith.constant 1 : i32
        %dma_wait3A_177 = arith.constant 0 : i32
        %dma_wait3A_178 = arith.constant 0 : i32
        %dma_wait3A_179 = tpu.memref_slice %arg10[%dma_wait3A_176, %dma_wait3A_177, %dma_wait3A_178] : memref<3x128x128xf32, #tpu.memory_space<vmem>> -> memref<1x128x128xf32, #tpu.memory_space<vmem>>
        %dma_wait3A_180 = tpu.memref_squeeze %dma_wait3A_179 : memref<1x128x128xf32, #tpu.memory_space<vmem>> -> memref<128x128xf32, #tpu.memory_space<vmem>>
        %dma_wait3A_181 = arith.constant 0 : i32
        %dma_wait3A_182 = tpu.memref_slice %arg6[%add3A_124, %dma_wait3A_181] : memref<163840x128xf32, #tpu.memory_space<hbm>> -> memref<128x128xf32, #tpu.memory_space<hbm>>
        %dma_wait3A_183 = arith.constant 0 : i32
        %dma_wait3A_184 = tpu.memref_slice %arg6[%add3A_124, %dma_wait3A_183] : memref<163840x128xf32, #tpu.memory_space<hbm>> -> memref<128x128xf32, #tpu.memory_space<hbm>>
        %dma_wait3A_185 = arith.constant 0 : i32
        %dma_wait3A_186 = arith.constant 0 : i32
        %dma_wait3A_187 = tpu.memref_slice %arg10[%dma_wait3A_176, %dma_wait3A_185, %dma_wait3A_186] : memref<3x128x128xf32, #tpu.memory_space<vmem>> -> memref<1x128x128xf32, #tpu.memory_space<vmem>>
        %dma_wait3A_188 = tpu.memref_squeeze %dma_wait3A_187 : memref<1x128x128xf32, #tpu.memory_space<vmem>> -> memref<128x128xf32, #tpu.memory_space<vmem>>
        tpu.wait_dma2 semaphore(%arg19 : memref<!tpu.dma_semaphore, #tpu.memory_space<semaphore_mem>>) src(%dma_wait3A_188 : memref<128x128xf32, #tpu.memory_space<vmem>>) dst(%dma_wait3A_184 : memref<128x128xf32, #tpu.memory_space<hbm>>)
        %dma_wait3A_189 = arith.constant 1 : i32
        %dma_wait3A_190 = arith.constant 0 : i32
        %dma_wait3A_191 = arith.constant 0 : i32
        %dma_wait3A_192 = tpu.memref_slice %arg11[%dma_wait3A_189, %dma_wait3A_190, %dma_wait3A_191] : memref<3x128x128xf32, #tpu.memory_space<vmem>> -> memref<1x128x128xf32, #tpu.memory_space<vmem>>
        %dma_wait3A_193 = tpu.memref_squeeze %dma_wait3A_192 : memref<1x128x128xf32, #tpu.memory_space<vmem>> -> memref<128x128xf32, #tpu.memory_space<vmem>>
        %dma_wait3A_194 = arith.constant 0 : i32
        %dma_wait3A_195 = tpu.memref_slice %arg7[%add3A_124, %dma_wait3A_194] : memref<163840x128xf32, #tpu.memory_space<hbm>> -> memref<128x128xf32, #tpu.memory_space<hbm>>
        %dma_wait3A_196 = arith.constant 0 : i32
        %dma_wait3A_197 = tpu.memref_slice %arg7[%add3A_124, %dma_wait3A_196] : memref<163840x128xf32, #tpu.memory_space<hbm>> -> memref<128x128xf32, #tpu.memory_space<hbm>>
        %dma_wait3A_198 = arith.constant 0 : i32
        %dma_wait3A_199 = arith.constant 0 : i32
        %dma_wait3A_200 = tpu.memref_slice %arg11[%dma_wait3A_189, %dma_wait3A_198, %dma_wait3A_199] : memref<3x128x128xf32, #tpu.memory_space<vmem>> -> memref<1x128x128xf32, #tpu.memory_space<vmem>>
        %dma_wait3A_201 = tpu.memref_squeeze %dma_wait3A_200 : memref<1x128x128xf32, #tpu.memory_space<vmem>> -> memref<128x128xf32, #tpu.memory_space<vmem>>
        tpu.wait_dma2 semaphore(%arg22 : memref<!tpu.dma_semaphore, #tpu.memory_space<semaphore_mem>>) src(%dma_wait3A_201 : memref<128x128xf32, #tpu.memory_space<vmem>>) dst(%dma_wait3A_197 : memref<128x128xf32, #tpu.memory_space<hbm>>)
        %add3A_202 = arith.constant 3 : i32
        %add3A_203 = arith.addi %add3A_107, %add3A_202 : i32
        %lt3A_204 = arith.constant 40 : i32
        %lt3A_205 = arith.cmpi slt, %add3A_203, %lt3A_204 : i32
        %convert_element_type3A_206 = arith.extui %lt3A_205 : i1 to i32
        %cond3A_207 = arith.constant 0 : i32
        %cond3A_208 = arith.cmpi ne, %convert_element_type3A_206, %cond3A_207 : i32
        scf.if %cond3A_208 {
          %add3A_209 = arith.constant 3 : i32
          %add3A_210 = arith.addi %add3A_107, %add3A_209 : i32
          %mul3A_211 = arith.constant 1 : i32
          %mul3A_212 = arith.muli %add3A_210, %mul3A_211 : i32
          %add3A_213 = arith.constant 0 : i32
          %add3A_214 = arith.addi %mul3A_212, %add3A_213 : i32
          %dma_start3A_215 = arith.constant 1 : i32
          %dma_start3A_216 = arith.constant 0 : i32
          %dma_start3A_217 = arith.constant 0 : i32
          %dma_start3A_218 = tpu.memref_slice %arg10[%dma_start3A_215, %dma_start3A_216, %dma_start3A_217] : memref<3x128x128xf32, #tpu.memory_space<vmem>> -> memref<1x128x128xf32, #tpu.memory_space<vmem>>
          %dma_start3A_219 = tpu.memref_squeeze %dma_start3A_218 : memref<1x128x128xf32, #tpu.memory_space<vmem>> -> memref<128x128xf32, #tpu.memory_space<vmem>>
          %dma_start3A_220 = arith.constant 0 : i32
          %dma_start3A_221 = arith.constant 0 : i32
          %dma_start3A_222 = tpu.memref_slice %dma_start3A_219[%dma_start3A_220, %dma_start3A_221] : memref<128x128xf32, #tpu.memory_space<vmem>> -> memref<128x128xf32, #tpu.memory_space<vmem>>
          %dma_start3A_223 = arith.constant 0 : i32
          %dma_start3A_224 = tpu.memref_slice %arg8[%add3A_214, %dma_start3A_223] : memref<40x128xi32, #tpu.memory_space<vmem>> -> memref<1x128xi32, #tpu.memory_space<vmem>>
          %dma_start3A_225 = tpu.memref_squeeze %dma_start3A_224 : memref<1x128xi32, #tpu.memory_space<vmem>> -> memref<128xi32, #tpu.memory_space<vmem>>
          %dma_start3A_226 = arith.constant 0 : i32
          %dma_start3A_227 = arith.constant 0 : i32
          %dma_start3A_228 = tpu.memref_slice %arg2[%dma_start3A_226, %dma_start3A_227] : memref<10240x128xf32, #tpu.memory_space<hbm>> -> memref<10240x128xf32, #tpu.memory_space<hbm>>
          tpu.enqueue_indirect_dma source(%dma_start3A_228 : memref<10240x128xf32, #tpu.memory_space<hbm>>) target(%dma_start3A_222 : memref<128x128xf32, #tpu.memory_space<vmem>>) offsets(%dma_start3A_225 : memref<128xi32, #tpu.memory_space<vmem>>) semaphore(%arg13 : memref<!tpu.dma_semaphore, #tpu.memory_space<semaphore_mem>>)
          %dma_start3A_229 = arith.constant 1 : i32
          %dma_start3A_230 = arith.constant 0 : i32
          %dma_start3A_231 = arith.constant 0 : i32
          %dma_start3A_232 = tpu.memref_slice %arg11[%dma_start3A_229, %dma_start3A_230, %dma_start3A_231] : memref<3x128x128xf32, #tpu.memory_space<vmem>> -> memref<1x128x128xf32, #tpu.memory_space<vmem>>
          %dma_start3A_233 = tpu.memref_squeeze %dma_start3A_232 : memref<1x128x128xf32, #tpu.memory_space<vmem>> -> memref<128x128xf32, #tpu.memory_space<vmem>>
          %dma_start3A_234 = arith.constant 0 : i32
          %dma_start3A_235 = arith.constant 0 : i32
          %dma_start3A_236 = tpu.memref_slice %dma_start3A_233[%dma_start3A_234, %dma_start3A_235] : memref<128x128xf32, #tpu.memory_space<vmem>> -> memref<128x128xf32, #tpu.memory_space<vmem>>
          %dma_start3A_237 = arith.constant 0 : i32
          %dma_start3A_238 = tpu.memref_slice %arg9[%add3A_214, %dma_start3A_237] : memref<40x128xi32, #tpu.memory_space<vmem>> -> memref<1x128xi32, #tpu.memory_space<vmem>>
          %dma_start3A_239 = tpu.memref_squeeze %dma_start3A_238 : memref<1x128xi32, #tpu.memory_space<vmem>> -> memref<128xi32, #tpu.memory_space<vmem>>
          %dma_start3A_240 = arith.constant 0 : i32
          %dma_start3A_241 = arith.constant 0 : i32
          %dma_start3A_242 = tpu.memref_slice %arg3[%dma_start3A_240, %dma_start3A_241] : memref<10240x128xf32, #tpu.memory_space<hbm>> -> memref<10240x128xf32, #tpu.memory_space<hbm>>
          tpu.enqueue_indirect_dma source(%dma_start3A_242 : memref<10240x128xf32, #tpu.memory_space<hbm>>) target(%dma_start3A_236 : memref<128x128xf32, #tpu.memory_space<vmem>>) offsets(%dma_start3A_239 : memref<128xi32, #tpu.memory_space<vmem>>) semaphore(%arg16 : memref<!tpu.dma_semaphore, #tpu.memory_space<semaphore_mem>>)
        } else {
        }
      } else {
      }
      %mul3A_113 = arith.constant 3 : i32
      %mul3A_114 = arith.muli %scan3A_97, %mul3A_113 : i32
      %add3A_115 = arith.constant 2 : i32
      %add3A_116 = arith.addi %mul3A_114, %add3A_115 : i32
      %lt3A_117 = arith.constant 40 : i32
      %lt3A_118 = arith.cmpi slt, %add3A_116, %lt3A_117 : i32
      %convert_element_type3A_119 = arith.extui %lt3A_118 : i1 to i32
      %cond3A_120 = arith.constant 0 : i32
      %cond3A_121 = arith.cmpi ne, %convert_element_type3A_119, %cond3A_120 : i32
      scf.if %cond3A_121 {
        %mul3A_122 = arith.constant 128 : i32
        %mul3A_123 = arith.muli %add3A_116, %mul3A_122 : i32
        %add3A_124 = arith.addi %mul3A_2, %mul3A_123 : i32
        %dma_wait3A = arith.constant 2 : i32
        %dma_wait3A_125 = arith.constant 0 : i32
        %dma_wait3A_126 = arith.constant 0 : i32
        %dma_wait3A_127 = tpu.memref_slice %arg10[%dma_wait3A, %dma_wait3A_125, %dma_wait3A_126] : memref<3x128x128xf32, #tpu.memory_space<vmem>> -> memref<1x128x128xf32, #tpu.memory_space<vmem>>
        %dma_wait3A_128 = tpu.memref_squeeze %dma_wait3A_127 : memref<1x128x128xf32, #tpu.memory_space<vmem>> -> memref<128x128xf32, #tpu.memory_space<vmem>>
        %dma_wait3A_129 = arith.constant 0 : i32
        %dma_wait3A_130 = tpu.memref_slice %arg6[%add3A_124, %dma_wait3A_129] : memref<163840x128xf32, #tpu.memory_space<hbm>> -> memref<128x128xf32, #tpu.memory_space<hbm>>
        %dma_wait3A_131 = arith.constant 0 : i32
        %dma_wait3A_132 = arith.constant 0 : i32
        %dma_wait3A_133 = tpu.memref_slice %arg10[%dma_wait3A, %dma_wait3A_131, %dma_wait3A_132] : memref<3x128x128xf32, #tpu.memory_space<vmem>> -> memref<1x128x128xf32, #tpu.memory_space<vmem>>
        %dma_wait3A_134 = tpu.memref_squeeze %dma_wait3A_133 : memref<1x128x128xf32, #tpu.memory_space<vmem>> -> memref<128x128xf32, #tpu.memory_space<vmem>>
        %dma_wait3A_135 = arith.constant 0 : i32
        %dma_wait3A_136 = tpu.memref_slice %arg6[%add3A_124, %dma_wait3A_135] : memref<163840x128xf32, #tpu.memory_space<hbm>> -> memref<128x128xf32, #tpu.memory_space<hbm>>
        tpu.wait_dma2 semaphore(%arg14 : memref<!tpu.dma_semaphore, #tpu.memory_space<semaphore_mem>>) src(%dma_wait3A_136 : memref<128x128xf32, #tpu.memory_space<hbm>>) dst(%dma_wait3A_134 : memref<128x128xf32, #tpu.memory_space<vmem>>)
        %dma_wait3A_137 = arith.constant 2 : i32
        %dma_wait3A_138 = arith.constant 0 : i32
        %dma_wait3A_139 = arith.constant 0 : i32
        %dma_wait3A_140 = tpu.memref_slice %arg11[%dma_wait3A_137, %dma_wait3A_138, %dma_wait3A_139] : memref<3x128x128xf32, #tpu.memory_space<vmem>> -> memref<1x128x128xf32, #tpu.memory_space<vmem>>
        %dma_wait3A_141 = tpu.memref_squeeze %dma_wait3A_140 : memref<1x128x128xf32, #tpu.memory_space<vmem>> -> memref<128x128xf32, #tpu.memory_space<vmem>>
        %dma_wait3A_142 = arith.constant 0 : i32
        %dma_wait3A_143 = tpu.memref_slice %arg7[%add3A_124, %dma_wait3A_142] : memref<163840x128xf32, #tpu.memory_space<hbm>> -> memref<128x128xf32, #tpu.memory_space<hbm>>
        %dma_wait3A_144 = arith.constant 0 : i32
        %dma_wait3A_145 = arith.constant 0 : i32
        %dma_wait3A_146 = tpu.memref_slice %arg11[%dma_wait3A_137, %dma_wait3A_144, %dma_wait3A_145] : memref<3x128x128xf32, #tpu.memory_space<vmem>> -> memref<1x128x128xf32, #tpu.memory_space<vmem>>
        %dma_wait3A_147 = tpu.memref_squeeze %dma_wait3A_146 : memref<1x128x128xf32, #tpu.memory_space<vmem>> -> memref<128x128xf32, #tpu.memory_space<vmem>>
        %dma_wait3A_148 = arith.constant 0 : i32
        %dma_wait3A_149 = tpu.memref_slice %arg7[%add3A_124, %dma_wait3A_148] : memref<163840x128xf32, #tpu.memory_space<hbm>> -> memref<128x128xf32, #tpu.memory_space<hbm>>
        tpu.wait_dma2 semaphore(%arg17 : memref<!tpu.dma_semaphore, #tpu.memory_space<semaphore_mem>>) src(%dma_wait3A_149 : memref<128x128xf32, #tpu.memory_space<hbm>>) dst(%dma_wait3A_147 : memref<128x128xf32, #tpu.memory_space<vmem>>)
        %dma_start3A_150 = arith.constant 2 : i32
        %dma_start3A_151 = arith.constant 0 : i32
        %dma_start3A_152 = arith.constant 0 : i32
        %dma_start3A_153 = tpu.memref_slice %arg10[%dma_start3A_150, %dma_start3A_151, %dma_start3A_152] : memref<3x128x128xf32, #tpu.memory_space<vmem>> -> memref<1x128x128xf32, #tpu.memory_space<vmem>>
        %dma_start3A_154 = tpu.memref_squeeze %dma_start3A_153 : memref<1x128x128xf32, #tpu.memory_space<vmem>> -> memref<128x128xf32, #tpu.memory_space<vmem>>
        %dma_start3A_155 = arith.constant 0 : i32
        %dma_start3A_156 = tpu.memref_slice %arg6[%add3A_124, %dma_start3A_155] : memref<163840x128xf32, #tpu.memory_space<hbm>> -> memref<128x128xf32, #tpu.memory_space<hbm>>
        %dma_start3A_157 = arith.constant 0 : i32
        %dma_start3A_158 = tpu.memref_slice %arg6[%add3A_124, %dma_start3A_157] : memref<163840x128xf32, #tpu.memory_space<hbm>> -> memref<128x128xf32, #tpu.memory_space<hbm>>
        %dma_start3A_159 = arith.constant 0 : i32
        %dma_start3A_160 = arith.constant 0 : i32
        %dma_start3A_161 = tpu.memref_slice %arg10[%dma_start3A_150, %dma_start3A_159, %dma_start3A_160] : memref<3x128x128xf32, #tpu.memory_space<vmem>> -> memref<1x128x128xf32, #tpu.memory_space<vmem>>
        %dma_start3A_162 = tpu.memref_squeeze %dma_start3A_161 : memref<1x128x128xf32, #tpu.memory_space<vmem>> -> memref<128x128xf32, #tpu.memory_space<vmem>>
        tpu.enqueue_dma source(%dma_start3A_162 : memref<128x128xf32, #tpu.memory_space<vmem>>) target(%dma_start3A_158 : memref<128x128xf32, #tpu.memory_space<hbm>>) target_semaphore(%arg20 : memref<!tpu.dma_semaphore, #tpu.memory_space<semaphore_mem>>)
        %dma_start3A_163 = arith.constant 2 : i32
        %dma_start3A_164 = arith.constant 0 : i32
        %dma_start3A_165 = arith.constant 0 : i32
        %dma_start3A_166 = tpu.memref_slice %arg11[%dma_start3A_163, %dma_start3A_164, %dma_start3A_165] : memref<3x128x128xf32, #tpu.memory_space<vmem>> -> memref<1x128x128xf32, #tpu.memory_space<vmem>>
        %dma_start3A_167 = tpu.memref_squeeze %dma_start3A_166 : memref<1x128x128xf32, #tpu.memory_space<vmem>> -> memref<128x128xf32, #tpu.memory_space<vmem>>
        %dma_start3A_168 = arith.constant 0 : i32
        %dma_start3A_169 = tpu.memref_slice %arg7[%add3A_124, %dma_start3A_168] : memref<163840x128xf32, #tpu.memory_space<hbm>> -> memref<128x128xf32, #tpu.memory_space<hbm>>
        %dma_start3A_170 = arith.constant 0 : i32
        %dma_start3A_171 = tpu.memref_slice %arg7[%add3A_124, %dma_start3A_170] : memref<163840x128xf32, #tpu.memory_space<hbm>> -> memref<128x128xf32, #tpu.memory_space<hbm>>
        %dma_start3A_172 = arith.constant 0 : i32
        %dma_start3A_173 = arith.constant 0 : i32
        %dma_start3A_174 = tpu.memref_slice %arg11[%dma_start3A_163, %dma_start3A_172, %dma_start3A_173] : memref<3x128x128xf32, #tpu.memory_space<vmem>> -> memref<1x128x128xf32, #tpu.memory_space<vmem>>
        %dma_start3A_175 = tpu.memref_squeeze %dma_start3A_174 : memref<1x128x128xf32, #tpu.memory_space<vmem>> -> memref<128x128xf32, #tpu.memory_space<vmem>>
        tpu.enqueue_dma source(%dma_start3A_175 : memref<128x128xf32, #tpu.memory_space<vmem>>) target(%dma_start3A_171 : memref<128x128xf32, #tpu.memory_space<hbm>>) target_semaphore(%arg23 : memref<!tpu.dma_semaphore, #tpu.memory_space<semaphore_mem>>)
        %dma_wait3A_176 = arith.constant 2 : i32
        %dma_wait3A_177 = arith.constant 0 : i32
        %dma_wait3A_178 = arith.constant 0 : i32
        %dma_wait3A_179 = tpu.memref_slice %arg10[%dma_wait3A_176, %dma_wait3A_177, %dma_wait3A_178] : memref<3x128x128xf32, #tpu.memory_space<vmem>> -> memref<1x128x128xf32, #tpu.memory_space<vmem>>
        %dma_wait3A_180 = tpu.memref_squeeze %dma_wait3A_179 : memref<1x128x128xf32, #tpu.memory_space<vmem>> -> memref<128x128xf32, #tpu.memory_space<vmem>>
        %dma_wait3A_181 = arith.constant 0 : i32
        %dma_wait3A_182 = tpu.memref_slice %arg6[%add3A_124, %dma_wait3A_181] : memref<163840x128xf32, #tpu.memory_space<hbm>> -> memref<128x128xf32, #tpu.memory_space<hbm>>
        %dma_wait3A_183 = arith.constant 0 : i32
        %dma_wait3A_184 = tpu.memref_slice %arg6[%add3A_124, %dma_wait3A_183] : memref<163840x128xf32, #tpu.memory_space<hbm>> -> memref<128x128xf32, #tpu.memory_space<hbm>>
        %dma_wait3A_185 = arith.constant 0 : i32
        %dma_wait3A_186 = arith.constant 0 : i32
        %dma_wait3A_187 = tpu.memref_slice %arg10[%dma_wait3A_176, %dma_wait3A_185, %dma_wait3A_186] : memref<3x128x128xf32, #tpu.memory_space<vmem>> -> memref<1x128x128xf32, #tpu.memory_space<vmem>>
        %dma_wait3A_188 = tpu.memref_squeeze %dma_wait3A_187 : memref<1x128x128xf32, #tpu.memory_space<vmem>> -> memref<128x128xf32, #tpu.memory_space<vmem>>
        tpu.wait_dma2 semaphore(%arg20 : memref<!tpu.dma_semaphore, #tpu.memory_space<semaphore_mem>>) src(%dma_wait3A_188 : memref<128x128xf32, #tpu.memory_space<vmem>>) dst(%dma_wait3A_184 : memref<128x128xf32, #tpu.memory_space<hbm>>)
        %dma_wait3A_189 = arith.constant 2 : i32
        %dma_wait3A_190 = arith.constant 0 : i32
        %dma_wait3A_191 = arith.constant 0 : i32
        %dma_wait3A_192 = tpu.memref_slice %arg11[%dma_wait3A_189, %dma_wait3A_190, %dma_wait3A_191] : memref<3x128x128xf32, #tpu.memory_space<vmem>> -> memref<1x128x128xf32, #tpu.memory_space<vmem>>
        %dma_wait3A_193 = tpu.memref_squeeze %dma_wait3A_192 : memref<1x128x128xf32, #tpu.memory_space<vmem>> -> memref<128x128xf32, #tpu.memory_space<vmem>>
        %dma_wait3A_194 = arith.constant 0 : i32
        %dma_wait3A_195 = tpu.memref_slice %arg7[%add3A_124, %dma_wait3A_194] : memref<163840x128xf32, #tpu.memory_space<hbm>> -> memref<128x128xf32, #tpu.memory_space<hbm>>
        %dma_wait3A_196 = arith.constant 0 : i32
        %dma_wait3A_197 = tpu.memref_slice %arg7[%add3A_124, %dma_wait3A_196] : memref<163840x128xf32, #tpu.memory_space<hbm>> -> memref<128x128xf32, #tpu.memory_space<hbm>>
        %dma_wait3A_198 = arith.constant 0 : i32
        %dma_wait3A_199 = arith.constant 0 : i32
        %dma_wait3A_200 = tpu.memref_slice %arg11[%dma_wait3A_189, %dma_wait3A_198, %dma_wait3A_199] : memref<3x128x128xf32, #tpu.memory_space<vmem>> -> memref<1x128x128xf32, #tpu.memory_space<vmem>>
        %dma_wait3A_201 = tpu.memref_squeeze %dma_wait3A_200 : memref<1x128x128xf32, #tpu.memory_space<vmem>> -> memref<128x128xf32, #tpu.memory_space<vmem>>
        tpu.wait_dma2 semaphore(%arg23 : memref<!tpu.dma_semaphore, #tpu.memory_space<semaphore_mem>>) src(%dma_wait3A_201 : memref<128x128xf32, #tpu.memory_space<vmem>>) dst(%dma_wait3A_197 : memref<128x128xf32, #tpu.memory_space<hbm>>)
        %add3A_202 = arith.constant 3 : i32
        %add3A_203 = arith.addi %add3A_116, %add3A_202 : i32
        %lt3A_204 = arith.constant 40 : i32
        %lt3A_205 = arith.cmpi slt, %add3A_203, %lt3A_204 : i32
        %convert_element_type3A_206 = arith.extui %lt3A_205 : i1 to i32
        %cond3A_207 = arith.constant 0 : i32
        %cond3A_208 = arith.cmpi ne, %convert_element_type3A_206, %cond3A_207 : i32
        scf.if %cond3A_208 {
          %add3A_209 = arith.constant 3 : i32
          %add3A_210 = arith.addi %add3A_116, %add3A_209 : i32
          %mul3A_211 = arith.constant 1 : i32
          %mul3A_212 = arith.muli %add3A_210, %mul3A_211 : i32
          %add3A_213 = arith.constant 0 : i32
          %add3A_214 = arith.addi %mul3A_212, %add3A_213 : i32
          %dma_start3A_215 = arith.constant 2 : i32
          %dma_start3A_216 = arith.constant 0 : i32
          %dma_start3A_217 = arith.constant 0 : i32
          %dma_start3A_218 = tpu.memref_slice %arg10[%dma_start3A_215, %dma_start3A_216, %dma_start3A_217] : memref<3x128x128xf32, #tpu.memory_space<vmem>> -> memref<1x128x128xf32, #tpu.memory_space<vmem>>
          %dma_start3A_219 = tpu.memref_squeeze %dma_start3A_218 : memref<1x128x128xf32, #tpu.memory_space<vmem>> -> memref<128x128xf32, #tpu.memory_space<vmem>>
          %dma_start3A_220 = arith.constant 0 : i32
          %dma_start3A_221 = arith.constant 0 : i32
          %dma_start3A_222 = tpu.memref_slice %dma_start3A_219[%dma_start3A_220, %dma_start3A_221] : memref<128x128xf32, #tpu.memory_space<vmem>> -> memref<128x128xf32, #tpu.memory_space<vmem>>
          %dma_start3A_223 = arith.constant 0 : i32
          %dma_start3A_224 = tpu.memref_slice %arg8[%add3A_214, %dma_start3A_223] : memref<40x128xi32, #tpu.memory_space<vmem>> -> memref<1x128xi32, #tpu.memory_space<vmem>>
          %dma_start3A_225 = tpu.memref_squeeze %dma_start3A_224 : memref<1x128xi32, #tpu.memory_space<vmem>> -> memref<128xi32, #tpu.memory_space<vmem>>
          %dma_start3A_226 = arith.constant 0 : i32
          %dma_start3A_227 = arith.constant 0 : i32
          %dma_start3A_228 = tpu.memref_slice %arg2[%dma_start3A_226, %dma_start3A_227] : memref<10240x128xf32, #tpu.memory_space<hbm>> -> memref<10240x128xf32, #tpu.memory_space<hbm>>
          tpu.enqueue_indirect_dma source(%dma_start3A_228 : memref<10240x128xf32, #tpu.memory_space<hbm>>) target(%dma_start3A_222 : memref<128x128xf32, #tpu.memory_space<vmem>>) offsets(%dma_start3A_225 : memref<128xi32, #tpu.memory_space<vmem>>) semaphore(%arg14 : memref<!tpu.dma_semaphore, #tpu.memory_space<semaphore_mem>>)
          %dma_start3A_229 = arith.constant 2 : i32
          %dma_start3A_230 = arith.constant 0 : i32
          %dma_start3A_231 = arith.constant 0 : i32
          %dma_start3A_232 = tpu.memref_slice %arg11[%dma_start3A_229, %dma_start3A_230, %dma_start3A_231] : memref<3x128x128xf32, #tpu.memory_space<vmem>> -> memref<1x128x128xf32, #tpu.memory_space<vmem>>
          %dma_start3A_233 = tpu.memref_squeeze %dma_start3A_232 : memref<1x128x128xf32, #tpu.memory_space<vmem>> -> memref<128x128xf32, #tpu.memory_space<vmem>>
          %dma_start3A_234 = arith.constant 0 : i32
          %dma_start3A_235 = arith.constant 0 : i32
          %dma_start3A_236 = tpu.memref_slice %dma_start3A_233[%dma_start3A_234, %dma_start3A_235] : memref<128x128xf32, #tpu.memory_space<vmem>> -> memref<128x128xf32, #tpu.memory_space<vmem>>
          %dma_start3A_237 = arith.constant 0 : i32
          %dma_start3A_238 = tpu.memref_slice %arg9[%add3A_214, %dma_start3A_237] : memref<40x128xi32, #tpu.memory_space<vmem>> -> memref<1x128xi32, #tpu.memory_space<vmem>>
          %dma_start3A_239 = tpu.memref_squeeze %dma_start3A_238 : memref<1x128xi32, #tpu.memory_space<vmem>> -> memref<128xi32, #tpu.memory_space<vmem>>
          %dma_start3A_240 = arith.constant 0 : i32
          %dma_start3A_241 = arith.constant 0 : i32
          %dma_start3A_242 = tpu.memref_slice %arg3[%dma_start3A_240, %dma_start3A_241] : memref<10240x128xf32, #tpu.memory_space<hbm>> -> memref<10240x128xf32, #tpu.memory_space<hbm>>
          tpu.enqueue_indirect_dma source(%dma_start3A_242 : memref<10240x128xf32, #tpu.memory_space<hbm>>) target(%dma_start3A_236 : memref<128x128xf32, #tpu.memory_space<vmem>>) offsets(%dma_start3A_239 : memref<128xi32, #tpu.memory_space<vmem>>) semaphore(%arg17 : memref<!tpu.dma_semaphore, #tpu.memory_space<semaphore_mem>>)
        } else {
        }
      } else {
      }
    }
    %scan3A_96 = arith.constant 14 : i32
    return
  }
}

#map = affine_map<(d0, d1) -> (0, 0)>
#map1 = affine_map<(d0, d1) -> (0, 0, 0)>
module attributes {stable_mosaic.version = 14 : i64} {
  func.func @k(%arg0: i32, %arg1: i32, %arg2: memref<163840x128xf32, #tpu.memory_space<hbm>>, %arg3: memref<32x40x128xi32, #tpu.memory_space<hbm>>, %arg4: memref<128x128xf32, #tpu.memory_space<hbm>>, %arg5: memref<2x10240x128xf32, #tpu.memory_space<hbm>>, %arg6: memref<40x128xi32, #tpu.memory_space<vmem>>, %arg7: memref<2x128x128xf32, #tpu.memory_space<vmem>>, %arg8: memref<10240x128xf32, #tpu.memory_space<vmem_shared>>, %arg9: memref<!tpu.dma_semaphore, #tpu.memory_space<semaphore_mem>>, %arg10: memref<!tpu.dma_semaphore, #tpu.memory_space<semaphore_mem>>, %arg11: memref<!tpu.dma_semaphore, #tpu.memory_space<semaphore_mem>>, %arg12: memref<!tpu.dma_semaphore, #tpu.memory_space<semaphore_mem>>) attributes {dimension_semantics = [#tpu.dimension_semantics<core_parallel>, #tpu.dimension_semantics<subcore_parallel>], iteration_bounds = array<i64: 2, 16>, scalar_prefetch = 0 : i64, scratch_operands = 7 : i64, tpu.core_type = #tpu.core_type<sc_vector_subcore>, window_params = [{transform_indices = #map}, {transform_indices = #map1}, {transform_indices = #map}, {transform_indices = #map1}]} {
    %mul3A = arith.constant 2 : i32
    %mul3A_0 = arith.muli %arg1, %mul3A : i32
    %add3A = arith.addi %mul3A_0, %arg0 : i32
    %mul3A_1 = arith.constant 5120 : i32
    %mul3A_2 = arith.muli %add3A, %mul3A_1 : i32
    "tpu.region"() ({
      %run_scoped3A_50 = tpu.sem_alloc : memref<!tpu.dma_semaphore, #tpu.memory_space<semaphore_mem>>
      %dma_start3A_51 = arith.constant 0 : i32
      %dma_start3A_52 = arith.constant 0 : i32
      %dma_start3A_53 = tpu.memref_slice %arg3[%add3A, %dma_start3A_51, %dma_start3A_52] : memref<32x40x128xi32, #tpu.memory_space<hbm>> -> memref<1x40x128xi32, #tpu.memory_space<hbm>>
      %dma_start3A_54 = tpu.memref_squeeze %dma_start3A_53 : memref<1x40x128xi32, #tpu.memory_space<hbm>> -> memref<40x128xi32, #tpu.memory_space<hbm>>
      %dma_start3A_55 = arith.constant 0 : i32
      %dma_start3A_56 = arith.constant 0 : i32
      %dma_start3A_57 = tpu.memref_slice %arg3[%add3A, %dma_start3A_55, %dma_start3A_56] : memref<32x40x128xi32, #tpu.memory_space<hbm>> -> memref<1x40x128xi32, #tpu.memory_space<hbm>>
      %dma_start3A_58 = tpu.memref_squeeze %dma_start3A_57 : memref<1x40x128xi32, #tpu.memory_space<hbm>> -> memref<40x128xi32, #tpu.memory_space<hbm>>
      tpu.enqueue_dma source(%dma_start3A_58 : memref<40x128xi32, #tpu.memory_space<hbm>>) target(%arg6 : memref<40x128xi32, #tpu.memory_space<vmem>>) target_semaphore(%run_scoped3A_50 : memref<!tpu.dma_semaphore, #tpu.memory_space<semaphore_mem>>)
      %dma_wait3A = arith.constant 0 : i32
      %dma_wait3A_59 = arith.constant 0 : i32
      %dma_wait3A_60 = tpu.memref_slice %arg3[%add3A, %dma_wait3A, %dma_wait3A_59] : memref<32x40x128xi32, #tpu.memory_space<hbm>> -> memref<1x40x128xi32, #tpu.memory_space<hbm>>
      %dma_wait3A_61 = tpu.memref_squeeze %dma_wait3A_60 : memref<1x40x128xi32, #tpu.memory_space<hbm>> -> memref<40x128xi32, #tpu.memory_space<hbm>>
      %dma_wait3A_62 = arith.constant 0 : i32
      %dma_wait3A_63 = arith.constant 0 : i32
      %dma_wait3A_64 = tpu.memref_slice %arg3[%add3A, %dma_wait3A_62, %dma_wait3A_63] : memref<32x40x128xi32, #tpu.memory_space<hbm>> -> memref<1x40x128xi32, #tpu.memory_space<hbm>>
      %dma_wait3A_65 = tpu.memref_squeeze %dma_wait3A_64 : memref<1x40x128xi32, #tpu.memory_space<hbm>> -> memref<40x128xi32, #tpu.memory_space<hbm>>
      tpu.wait_dma2 semaphore(%run_scoped3A_50 : memref<!tpu.dma_semaphore, #tpu.memory_space<semaphore_mem>>) src(%dma_wait3A_65 : memref<40x128xi32, #tpu.memory_space<hbm>>) dst(%arg6 : memref<40x128xi32, #tpu.memory_space<vmem>>)
      tpu.yield
    }) : () -> ()
    %run_scoped3A = arith.constant 0 : i32
    "tpu.region"() ({
      %run_scoped3A_50 = tpu.sem_alloc : memref<!tpu.dma_semaphore, #tpu.memory_space<semaphore_mem>>
      %dma_start3A_51 = arith.constant 0 : i32
      %dma_start3A_52 = arith.constant 0 : i32
      %dma_start3A_53 = tpu.memref_slice %arg7[%run_scoped3A, %dma_start3A_51, %dma_start3A_52] : memref<2x128x128xf32, #tpu.memory_space<vmem>> -> memref<1x128x128xf32, #tpu.memory_space<vmem>>
      %dma_start3A_54 = tpu.memref_squeeze %dma_start3A_53 : memref<1x128x128xf32, #tpu.memory_space<vmem>> -> memref<128x128xf32, #tpu.memory_space<vmem>>
      %dma_start3A_55 = arith.constant 0 : i32
      %dma_start3A_56 = arith.constant 0 : i32
      %dma_start3A_57 = tpu.memref_slice %dma_start3A_54[%dma_start3A_55, %dma_start3A_56] : memref<128x128xf32, #tpu.memory_space<vmem>> -> memref<128x128xf32, #tpu.memory_space<vmem>>
      %dma_start3A_58 = arith.constant 0 : i32
      %dma_start3A_59 = arith.constant 0 : i32
      %dma_start3A_60 = tpu.memref_slice %arg7[%run_scoped3A, %dma_start3A_58, %dma_start3A_59] : memref<2x128x128xf32, #tpu.memory_space<vmem>> -> memref<1x128x128xf32, #tpu.memory_space<vmem>>
      %dma_start3A_61 = tpu.memref_squeeze %dma_start3A_60 : memref<1x128x128xf32, #tpu.memory_space<vmem>> -> memref<128x128xf32, #tpu.memory_space<vmem>>
      %dma_start3A_62 = arith.constant 0 : i32
      %dma_start3A_63 = arith.constant 0 : i32
      %dma_start3A_64 = tpu.memref_slice %dma_start3A_61[%dma_start3A_62, %dma_start3A_63] : memref<128x128xf32, #tpu.memory_space<vmem>> -> memref<128x128xf32, #tpu.memory_space<vmem>>
      tpu.enqueue_dma source(%arg4 : memref<128x128xf32, #tpu.memory_space<hbm>>) target(%dma_start3A_64 : memref<128x128xf32, #tpu.memory_space<vmem>>) target_semaphore(%run_scoped3A_50 : memref<!tpu.dma_semaphore, #tpu.memory_space<semaphore_mem>>)
      %dma_wait3A = arith.constant 0 : i32
      %dma_wait3A_65 = arith.constant 0 : i32
      %dma_wait3A_66 = tpu.memref_slice %arg7[%run_scoped3A, %dma_wait3A, %dma_wait3A_65] : memref<2x128x128xf32, #tpu.memory_space<vmem>> -> memref<1x128x128xf32, #tpu.memory_space<vmem>>
      %dma_wait3A_67 = tpu.memref_squeeze %dma_wait3A_66 : memref<1x128x128xf32, #tpu.memory_space<vmem>> -> memref<128x128xf32, #tpu.memory_space<vmem>>
      %dma_wait3A_68 = arith.constant 0 : i32
      %dma_wait3A_69 = arith.constant 0 : i32
      %dma_wait3A_70 = tpu.memref_slice %dma_wait3A_67[%dma_wait3A_68, %dma_wait3A_69] : memref<128x128xf32, #tpu.memory_space<vmem>> -> memref<128x128xf32, #tpu.memory_space<vmem>>
      %dma_wait3A_71 = arith.constant 0 : i32
      %dma_wait3A_72 = arith.constant 0 : i32
      %dma_wait3A_73 = tpu.memref_slice %arg7[%run_scoped3A, %dma_wait3A_71, %dma_wait3A_72] : memref<2x128x128xf32, #tpu.memory_space<vmem>> -> memref<1x128x128xf32, #tpu.memory_space<vmem>>
      %dma_wait3A_74 = tpu.memref_squeeze %dma_wait3A_73 : memref<1x128x128xf32, #tpu.memory_space<vmem>> -> memref<128x128xf32, #tpu.memory_space<vmem>>
      %dma_wait3A_75 = arith.constant 0 : i32
      %dma_wait3A_76 = arith.constant 0 : i32
      %dma_wait3A_77 = tpu.memref_slice %dma_wait3A_74[%dma_wait3A_75, %dma_wait3A_76] : memref<128x128xf32, #tpu.memory_space<vmem>> -> memref<128x128xf32, #tpu.memory_space<vmem>>
      tpu.wait_dma2 semaphore(%run_scoped3A_50 : memref<!tpu.dma_semaphore, #tpu.memory_space<semaphore_mem>>) src(%arg4 : memref<128x128xf32, #tpu.memory_space<hbm>>) dst(%dma_wait3A_77 : memref<128x128xf32, #tpu.memory_space<vmem>>)
      tpu.yield
    }) : () -> ()
    %scan3A = arith.constant 0 : i32
    %scan3A_3 = arith.constant 0 : i32
    %scan3A_4 = arith.constant 5 : i32
    %scan3A_5 = arith.addi %scan3A_3, %scan3A_4 : i32
    %scan3A_6 = arith.constant 1 : i32
    scf.for %scan3A_50 = %scan3A_3 to %scan3A_5 step %scan3A_6  : i32 {
      %mul3A_51 = arith.constant 640 : i32
      %mul3A_52 = arith.muli %arg1, %mul3A_51 : i32
      %mul3A_53 = arith.constant 128 : i32
      %mul3A_54 = arith.muli %scan3A_50, %mul3A_53 : i32
      %add3A_55 = arith.addi %mul3A_52, %mul3A_54 : i32
      %run_scoped3A_56 = arith.constant 0 : i32
      "tpu.region"() ({
        %run_scoped3A_57 = tpu.sem_alloc : memref<!tpu.dma_semaphore, #tpu.memory_space<semaphore_mem>>
        %dma_start3A_58 = arith.constant 0 : i32
        %dma_start3A_59 = arith.constant 0 : i32
        %dma_start3A_60 = tpu.memref_slice %arg7[%run_scoped3A_56, %dma_start3A_58, %dma_start3A_59] : memref<2x128x128xf32, #tpu.memory_space<vmem>> -> memref<1x128x128xf32, #tpu.memory_space<vmem>>
        %dma_start3A_61 = tpu.memref_squeeze %dma_start3A_60 : memref<1x128x128xf32, #tpu.memory_space<vmem>> -> memref<128x128xf32, #tpu.memory_space<vmem>>
        %dma_start3A_62 = arith.constant 0 : i32
        %dma_start3A_63 = arith.constant 0 : i32
        %dma_start3A_64 = tpu.memref_slice %dma_start3A_61[%dma_start3A_62, %dma_start3A_63] : memref<128x128xf32, #tpu.memory_space<vmem>> -> memref<128x128xf32, #tpu.memory_space<vmem>>
        %dma_start3A_65 = arith.constant 0 : i32
        %dma_start3A_66 = tpu.memref_slice %arg8[%add3A_55, %dma_start3A_65] : memref<10240x128xf32, #tpu.memory_space<vmem_shared>> -> memref<128x128xf32, #tpu.memory_space<vmem_shared>>
        %dma_start3A_67 = arith.constant 0 : i32
        %dma_start3A_68 = tpu.memref_slice %arg8[%add3A_55, %dma_start3A_67] : memref<10240x128xf32, #tpu.memory_space<vmem_shared>> -> memref<128x128xf32, #tpu.memory_space<vmem_shared>>
        %dma_start3A_69 = arith.constant 0 : i32
        %dma_start3A_70 = arith.constant 0 : i32
        %dma_start3A_71 = tpu.memref_slice %arg7[%run_scoped3A_56, %dma_start3A_69, %dma_start3A_70] : memref<2x128x128xf32, #tpu.memory_space<vmem>> -> memref<1x128x128xf32, #tpu.memory_space<vmem>>
        %dma_start3A_72 = tpu.memref_squeeze %dma_start3A_71 : memref<1x128x128xf32, #tpu.memory_space<vmem>> -> memref<128x128xf32, #tpu.memory_space<vmem>>
        %dma_start3A_73 = arith.constant 0 : i32
        %dma_start3A_74 = arith.constant 0 : i32
        %dma_start3A_75 = tpu.memref_slice %dma_start3A_72[%dma_start3A_73, %dma_start3A_74] : memref<128x128xf32, #tpu.memory_space<vmem>> -> memref<128x128xf32, #tpu.memory_space<vmem>>
        tpu.enqueue_dma source(%dma_start3A_75 : memref<128x128xf32, #tpu.memory_space<vmem>>) target(%dma_start3A_68 : memref<128x128xf32, #tpu.memory_space<vmem_shared>>) target_semaphore(%run_scoped3A_57 : memref<!tpu.dma_semaphore, #tpu.memory_space<semaphore_mem>>)
        %dma_wait3A = arith.constant 0 : i32
        %dma_wait3A_76 = arith.constant 0 : i32
        %dma_wait3A_77 = tpu.memref_slice %arg7[%run_scoped3A_56, %dma_wait3A, %dma_wait3A_76] : memref<2x128x128xf32, #tpu.memory_space<vmem>> -> memref<1x128x128xf32, #tpu.memory_space<vmem>>
        %dma_wait3A_78 = tpu.memref_squeeze %dma_wait3A_77 : memref<1x128x128xf32, #tpu.memory_space<vmem>> -> memref<128x128xf32, #tpu.memory_space<vmem>>
        %dma_wait3A_79 = arith.constant 0 : i32
        %dma_wait3A_80 = arith.constant 0 : i32
        %dma_wait3A_81 = tpu.memref_slice %dma_wait3A_78[%dma_wait3A_79, %dma_wait3A_80] : memref<128x128xf32, #tpu.memory_space<vmem>> -> memref<128x128xf32, #tpu.memory_space<vmem>>
        %dma_wait3A_82 = arith.constant 0 : i32
        %dma_wait3A_83 = tpu.memref_slice %arg8[%add3A_55, %dma_wait3A_82] : memref<10240x128xf32, #tpu.memory_space<vmem_shared>> -> memref<128x128xf32, #tpu.memory_space<vmem_shared>>
        %dma_wait3A_84 = arith.constant 0 : i32
        %dma_wait3A_85 = tpu.memref_slice %arg8[%add3A_55, %dma_wait3A_84] : memref<10240x128xf32, #tpu.memory_space<vmem_shared>> -> memref<128x128xf32, #tpu.memory_space<vmem_shared>>
        %dma_wait3A_86 = arith.constant 0 : i32
        %dma_wait3A_87 = arith.constant 0 : i32
        %dma_wait3A_88 = tpu.memref_slice %arg7[%run_scoped3A_56, %dma_wait3A_86, %dma_wait3A_87] : memref<2x128x128xf32, #tpu.memory_space<vmem>> -> memref<1x128x128xf32, #tpu.memory_space<vmem>>
        %dma_wait3A_89 = tpu.memref_squeeze %dma_wait3A_88 : memref<1x128x128xf32, #tpu.memory_space<vmem>> -> memref<128x128xf32, #tpu.memory_space<vmem>>
        %dma_wait3A_90 = arith.constant 0 : i32
        %dma_wait3A_91 = arith.constant 0 : i32
        %dma_wait3A_92 = tpu.memref_slice %dma_wait3A_89[%dma_wait3A_90, %dma_wait3A_91] : memref<128x128xf32, #tpu.memory_space<vmem>> -> memref<128x128xf32, #tpu.memory_space<vmem>>
        tpu.wait_dma2 semaphore(%run_scoped3A_57 : memref<!tpu.dma_semaphore, #tpu.memory_space<semaphore_mem>>) src(%dma_wait3A_92 : memref<128x128xf32, #tpu.memory_space<vmem>>) dst(%dma_wait3A_85 : memref<128x128xf32, #tpu.memory_space<vmem_shared>>)
        tpu.yield
      }) : () -> ()
    }
    %scan3A_7 = arith.constant 5 : i32
    %barrier3A = arith.constant 0 : index
    tpu.barrier barrier_id(%barrier3A)
    %add3A_8 = arith.constant 0 : i32
    %add3A_9 = arith.addi %mul3A_2, %add3A_8 : i32
    %dma_start3A = arith.constant 0 : i32
    %dma_start3A_10 = arith.constant 0 : i32
    %dma_start3A_11 = arith.constant 0 : i32
    %dma_start3A_12 = tpu.memref_slice %arg7[%dma_start3A, %dma_start3A_10, %dma_start3A_11] : memref<2x128x128xf32, #tpu.memory_space<vmem>> -> memref<1x128x128xf32, #tpu.memory_space<vmem>>
    %dma_start3A_13 = tpu.memref_squeeze %dma_start3A_12 : memref<1x128x128xf32, #tpu.memory_space<vmem>> -> memref<128x128xf32, #tpu.memory_space<vmem>>
    %dma_start3A_14 = arith.constant 0 : i32
    %dma_start3A_15 = tpu.memref_slice %arg2[%add3A_9, %dma_start3A_14] : memref<163840x128xf32, #tpu.memory_space<hbm>> -> memref<128x128xf32, #tpu.memory_space<hbm>>
    %dma_start3A_16 = arith.constant 0 : i32
    %dma_start3A_17 = arith.constant 0 : i32
    %dma_start3A_18 = tpu.memref_slice %arg7[%dma_start3A, %dma_start3A_16, %dma_start3A_17] : memref<2x128x128xf32, #tpu.memory_space<vmem>> -> memref<1x128x128xf32, #tpu.memory_space<vmem>>
    %dma_start3A_19 = tpu.memref_squeeze %dma_start3A_18 : memref<1x128x128xf32, #tpu.memory_space<vmem>> -> memref<128x128xf32, #tpu.memory_space<vmem>>
    %dma_start3A_20 = arith.constant 0 : i32
    %dma_start3A_21 = tpu.memref_slice %arg2[%add3A_9, %dma_start3A_20] : memref<163840x128xf32, #tpu.memory_space<hbm>> -> memref<128x128xf32, #tpu.memory_space<hbm>>
    tpu.enqueue_dma source(%dma_start3A_21 : memref<128x128xf32, #tpu.memory_space<hbm>>) target(%dma_start3A_19 : memref<128x128xf32, #tpu.memory_space<vmem>>) target_semaphore(%arg9 : memref<!tpu.dma_semaphore, #tpu.memory_space<semaphore_mem>>)
    %add3A_22 = arith.constant 128 : i32
    %add3A_23 = arith.addi %mul3A_2, %add3A_22 : i32
    %dma_start3A_24 = arith.constant 1 : i32
    %dma_start3A_25 = arith.constant 0 : i32
    %dma_start3A_26 = arith.constant 0 : i32
    %dma_start3A_27 = tpu.memref_slice %arg7[%dma_start3A_24, %dma_start3A_25, %dma_start3A_26] : memref<2x128x128xf32, #tpu.memory_space<vmem>> -> memref<1x128x128xf32, #tpu.memory_space<vmem>>
    %dma_start3A_28 = tpu.memref_squeeze %dma_start3A_27 : memref<1x128x128xf32, #tpu.memory_space<vmem>> -> memref<128x128xf32, #tpu.memory_space<vmem>>
    %dma_start3A_29 = arith.constant 0 : i32
    %dma_start3A_30 = tpu.memref_slice %arg2[%add3A_23, %dma_start3A_29] : memref<163840x128xf32, #tpu.memory_space<hbm>> -> memref<128x128xf32, #tpu.memory_space<hbm>>
    %dma_start3A_31 = arith.constant 0 : i32
    %dma_start3A_32 = arith.constant 0 : i32
    %dma_start3A_33 = tpu.memref_slice %arg7[%dma_start3A_24, %dma_start3A_31, %dma_start3A_32] : memref<2x128x128xf32, #tpu.memory_space<vmem>> -> memref<1x128x128xf32, #tpu.memory_space<vmem>>
    %dma_start3A_34 = tpu.memref_squeeze %dma_start3A_33 : memref<1x128x128xf32, #tpu.memory_space<vmem>> -> memref<128x128xf32, #tpu.memory_space<vmem>>
    %dma_start3A_35 = arith.constant 0 : i32
    %dma_start3A_36 = tpu.memref_slice %arg2[%add3A_23, %dma_start3A_35] : memref<163840x128xf32, #tpu.memory_space<hbm>> -> memref<128x128xf32, #tpu.memory_space<hbm>>
    tpu.enqueue_dma source(%dma_start3A_36 : memref<128x128xf32, #tpu.memory_space<hbm>>) target(%dma_start3A_34 : memref<128x128xf32, #tpu.memory_space<vmem>>) target_semaphore(%arg10 : memref<!tpu.dma_semaphore, #tpu.memory_space<semaphore_mem>>)
    %scan3A_37 = arith.constant 0 : i32
    %scan3A_38 = arith.constant 0 : i32
    %scan3A_39 = arith.constant 20 : i32
    %scan3A_40 = arith.addi %scan3A_38, %scan3A_39 : i32
    %scan3A_41 = arith.constant 1 : i32
    scf.for %scan3A_50 = %scan3A_38 to %scan3A_40 step %scan3A_41  : i32 {
      %mul3A_51 = arith.constant 2 : i32
      %mul3A_52 = arith.muli %scan3A_50, %mul3A_51 : i32
      %add3A_53 = arith.constant 0 : i32
      %add3A_54 = arith.addi %mul3A_52, %add3A_53 : i32
      %lt3A = arith.constant 40 : i32
      %lt3A_55 = arith.cmpi slt, %add3A_54, %lt3A : i32
      %convert_element_type3A = arith.extui %lt3A_55 : i1 to i32
      %cond3A = arith.constant 0 : i32
      %cond3A_56 = arith.cmpi ne, %convert_element_type3A, %cond3A : i32
      scf.if %cond3A_56 {
        %mul3A_66 = arith.constant 128 : i32
        %mul3A_67 = arith.muli %add3A_54, %mul3A_66 : i32
        %add3A_68 = arith.addi %mul3A_2, %mul3A_67 : i32
        %dma_wait3A = arith.constant 0 : i32
        %dma_wait3A_69 = arith.constant 0 : i32
        %dma_wait3A_70 = arith.constant 0 : i32
        %dma_wait3A_71 = tpu.memref_slice %arg7[%dma_wait3A, %dma_wait3A_69, %dma_wait3A_70] : memref<2x128x128xf32, #tpu.memory_space<vmem>> -> memref<1x128x128xf32, #tpu.memory_space<vmem>>
        %dma_wait3A_72 = tpu.memref_squeeze %dma_wait3A_71 : memref<1x128x128xf32, #tpu.memory_space<vmem>> -> memref<128x128xf32, #tpu.memory_space<vmem>>
        %dma_wait3A_73 = arith.constant 0 : i32
        %dma_wait3A_74 = tpu.memref_slice %arg2[%add3A_68, %dma_wait3A_73] : memref<163840x128xf32, #tpu.memory_space<hbm>> -> memref<128x128xf32, #tpu.memory_space<hbm>>
        %dma_wait3A_75 = arith.constant 0 : i32
        %dma_wait3A_76 = arith.constant 0 : i32
        %dma_wait3A_77 = tpu.memref_slice %arg7[%dma_wait3A, %dma_wait3A_75, %dma_wait3A_76] : memref<2x128x128xf32, #tpu.memory_space<vmem>> -> memref<1x128x128xf32, #tpu.memory_space<vmem>>
        %dma_wait3A_78 = tpu.memref_squeeze %dma_wait3A_77 : memref<1x128x128xf32, #tpu.memory_space<vmem>> -> memref<128x128xf32, #tpu.memory_space<vmem>>
        %dma_wait3A_79 = arith.constant 0 : i32
        %dma_wait3A_80 = tpu.memref_slice %arg2[%add3A_68, %dma_wait3A_79] : memref<163840x128xf32, #tpu.memory_space<hbm>> -> memref<128x128xf32, #tpu.memory_space<hbm>>
        tpu.wait_dma2 semaphore(%arg9 : memref<!tpu.dma_semaphore, #tpu.memory_space<semaphore_mem>>) src(%dma_wait3A_80 : memref<128x128xf32, #tpu.memory_space<hbm>>) dst(%dma_wait3A_78 : memref<128x128xf32, #tpu.memory_space<vmem>>)
        %dma_start3A_81 = arith.constant 0 : i32
        %dma_start3A_82 = arith.constant 0 : i32
        %dma_start3A_83 = arith.constant 0 : i32
        %dma_start3A_84 = tpu.memref_slice %arg7[%dma_start3A_81, %dma_start3A_82, %dma_start3A_83] : memref<2x128x128xf32, #tpu.memory_space<vmem>> -> memref<1x128x128xf32, #tpu.memory_space<vmem>>
        %dma_start3A_85 = tpu.memref_squeeze %dma_start3A_84 : memref<1x128x128xf32, #tpu.memory_space<vmem>> -> memref<128x128xf32, #tpu.memory_space<vmem>>
        %dma_start3A_86 = arith.constant 0 : i32
        %dma_start3A_87 = tpu.memref_slice %arg6[%add3A_54, %dma_start3A_86] : memref<40x128xi32, #tpu.memory_space<vmem>> -> memref<1x128xi32, #tpu.memory_space<vmem>>
        %dma_start3A_88 = tpu.memref_squeeze %dma_start3A_87 : memref<1x128xi32, #tpu.memory_space<vmem>> -> memref<128xi32, #tpu.memory_space<vmem>>
        %dma_start3A_89 = arith.constant 0 : i32
        %dma_start3A_90 = arith.constant 0 : i32
        %dma_start3A_91 = tpu.memref_slice %arg8[%dma_start3A_89, %dma_start3A_90] : memref<10240x128xf32, #tpu.memory_space<vmem_shared>> -> memref<10240x128xf32, #tpu.memory_space<vmem_shared>>
        tpu.enqueue_indirect_dma source(%dma_start3A_85 : memref<128x128xf32, #tpu.memory_space<vmem>>) target(%dma_start3A_91 : memref<10240x128xf32, #tpu.memory_space<vmem_shared>>) offsets(%dma_start3A_88 : memref<128xi32, #tpu.memory_space<vmem>>) semaphore(%arg11 : memref<!tpu.dma_semaphore, #tpu.memory_space<semaphore_mem>>) {add = true}
        %dma_wait3A_92 = arith.constant 0 : i32
        %dma_wait3A_93 = arith.constant 0 : i32
        %dma_wait3A_94 = arith.constant 0 : i32
        %dma_wait3A_95 = tpu.memref_slice %arg7[%dma_wait3A_92, %dma_wait3A_93, %dma_wait3A_94] : memref<2x128x128xf32, #tpu.memory_space<vmem>> -> memref<1x128x128xf32, #tpu.memory_space<vmem>>
        %dma_wait3A_96 = tpu.memref_squeeze %dma_wait3A_95 : memref<1x128x128xf32, #tpu.memory_space<vmem>> -> memref<128x128xf32, #tpu.memory_space<vmem>>
        %dma_wait3A_97 = arith.constant 0 : i32
        %dma_wait3A_98 = tpu.memref_slice %arg6[%add3A_54, %dma_wait3A_97] : memref<40x128xi32, #tpu.memory_space<vmem>> -> memref<1x128xi32, #tpu.memory_space<vmem>>
        %dma_wait3A_99 = tpu.memref_squeeze %dma_wait3A_98 : memref<1x128xi32, #tpu.memory_space<vmem>> -> memref<128xi32, #tpu.memory_space<vmem>>
        %dma_wait3A_100 = arith.constant 0 : i32
        %dma_wait3A_101 = arith.constant 0 : i32
        %dma_wait3A_102 = tpu.memref_slice %arg8[%dma_wait3A_100, %dma_wait3A_101] : memref<10240x128xf32, #tpu.memory_space<vmem_shared>> -> memref<10240x128xf32, #tpu.memory_space<vmem_shared>>
        tpu.wait_indirect_dma semaphore(%arg11 : memref<!tpu.dma_semaphore, #tpu.memory_space<semaphore_mem>>) src(%dma_wait3A_96 : memref<128x128xf32, #tpu.memory_space<vmem>>) dst(%dma_wait3A_102 : memref<10240x128xf32, #tpu.memory_space<vmem_shared>>)
        %add3A_103 = arith.constant 2 : i32
        %add3A_104 = arith.addi %add3A_54, %add3A_103 : i32
        %lt3A_105 = arith.constant 40 : i32
        %lt3A_106 = arith.cmpi slt, %add3A_104, %lt3A_105 : i32
        %convert_element_type3A_107 = arith.extui %lt3A_106 : i1 to i32
        %cond3A_108 = arith.constant 0 : i32
        %cond3A_109 = arith.cmpi ne, %convert_element_type3A_107, %cond3A_108 : i32
        scf.if %cond3A_109 {
          %add3A_110 = arith.constant 2 : i32
          %add3A_111 = arith.addi %add3A_54, %add3A_110 : i32
          %mul3A_112 = arith.constant 128 : i32
          %mul3A_113 = arith.muli %add3A_111, %mul3A_112 : i32
          %add3A_114 = arith.addi %mul3A_2, %mul3A_113 : i32
          %dma_start3A_115 = arith.constant 0 : i32
          %dma_start3A_116 = arith.constant 0 : i32
          %dma_start3A_117 = arith.constant 0 : i32
          %dma_start3A_118 = tpu.memref_slice %arg7[%dma_start3A_115, %dma_start3A_116, %dma_start3A_117] : memref<2x128x128xf32, #tpu.memory_space<vmem>> -> memref<1x128x128xf32, #tpu.memory_space<vmem>>
          %dma_start3A_119 = tpu.memref_squeeze %dma_start3A_118 : memref<1x128x128xf32, #tpu.memory_space<vmem>> -> memref<128x128xf32, #tpu.memory_space<vmem>>
          %dma_start3A_120 = arith.constant 0 : i32
          %dma_start3A_121 = tpu.memref_slice %arg2[%add3A_114, %dma_start3A_120] : memref<163840x128xf32, #tpu.memory_space<hbm>> -> memref<128x128xf32, #tpu.memory_space<hbm>>
          %dma_start3A_122 = arith.constant 0 : i32
          %dma_start3A_123 = arith.constant 0 : i32
          %dma_start3A_124 = tpu.memref_slice %arg7[%dma_start3A_115, %dma_start3A_122, %dma_start3A_123] : memref<2x128x128xf32, #tpu.memory_space<vmem>> -> memref<1x128x128xf32, #tpu.memory_space<vmem>>
          %dma_start3A_125 = tpu.memref_squeeze %dma_start3A_124 : memref<1x128x128xf32, #tpu.memory_space<vmem>> -> memref<128x128xf32, #tpu.memory_space<vmem>>
          %dma_start3A_126 = arith.constant 0 : i32
          %dma_start3A_127 = tpu.memref_slice %arg2[%add3A_114, %dma_start3A_126] : memref<163840x128xf32, #tpu.memory_space<hbm>> -> memref<128x128xf32, #tpu.memory_space<hbm>>
          tpu.enqueue_dma source(%dma_start3A_127 : memref<128x128xf32, #tpu.memory_space<hbm>>) target(%dma_start3A_125 : memref<128x128xf32, #tpu.memory_space<vmem>>) target_semaphore(%arg9 : memref<!tpu.dma_semaphore, #tpu.memory_space<semaphore_mem>>)
        } else {
        }
      } else {
      }
      %mul3A_57 = arith.constant 2 : i32
      %mul3A_58 = arith.muli %scan3A_50, %mul3A_57 : i32
      %add3A_59 = arith.constant 1 : i32
      %add3A_60 = arith.addi %mul3A_58, %add3A_59 : i32
      %lt3A_61 = arith.constant 40 : i32
      %lt3A_62 = arith.cmpi slt, %add3A_60, %lt3A_61 : i32
      %convert_element_type3A_63 = arith.extui %lt3A_62 : i1 to i32
      %cond3A_64 = arith.constant 0 : i32
      %cond3A_65 = arith.cmpi ne, %convert_element_type3A_63, %cond3A_64 : i32
      scf.if %cond3A_65 {
        %mul3A_66 = arith.constant 128 : i32
        %mul3A_67 = arith.muli %add3A_60, %mul3A_66 : i32
        %add3A_68 = arith.addi %mul3A_2, %mul3A_67 : i32
        %dma_wait3A = arith.constant 1 : i32
        %dma_wait3A_69 = arith.constant 0 : i32
        %dma_wait3A_70 = arith.constant 0 : i32
        %dma_wait3A_71 = tpu.memref_slice %arg7[%dma_wait3A, %dma_wait3A_69, %dma_wait3A_70] : memref<2x128x128xf32, #tpu.memory_space<vmem>> -> memref<1x128x128xf32, #tpu.memory_space<vmem>>
        %dma_wait3A_72 = tpu.memref_squeeze %dma_wait3A_71 : memref<1x128x128xf32, #tpu.memory_space<vmem>> -> memref<128x128xf32, #tpu.memory_space<vmem>>
        %dma_wait3A_73 = arith.constant 0 : i32
        %dma_wait3A_74 = tpu.memref_slice %arg2[%add3A_68, %dma_wait3A_73] : memref<163840x128xf32, #tpu.memory_space<hbm>> -> memref<128x128xf32, #tpu.memory_space<hbm>>
        %dma_wait3A_75 = arith.constant 0 : i32
        %dma_wait3A_76 = arith.constant 0 : i32
        %dma_wait3A_77 = tpu.memref_slice %arg7[%dma_wait3A, %dma_wait3A_75, %dma_wait3A_76] : memref<2x128x128xf32, #tpu.memory_space<vmem>> -> memref<1x128x128xf32, #tpu.memory_space<vmem>>
        %dma_wait3A_78 = tpu.memref_squeeze %dma_wait3A_77 : memref<1x128x128xf32, #tpu.memory_space<vmem>> -> memref<128x128xf32, #tpu.memory_space<vmem>>
        %dma_wait3A_79 = arith.constant 0 : i32
        %dma_wait3A_80 = tpu.memref_slice %arg2[%add3A_68, %dma_wait3A_79] : memref<163840x128xf32, #tpu.memory_space<hbm>> -> memref<128x128xf32, #tpu.memory_space<hbm>>
        tpu.wait_dma2 semaphore(%arg10 : memref<!tpu.dma_semaphore, #tpu.memory_space<semaphore_mem>>) src(%dma_wait3A_80 : memref<128x128xf32, #tpu.memory_space<hbm>>) dst(%dma_wait3A_78 : memref<128x128xf32, #tpu.memory_space<vmem>>)
        %dma_start3A_81 = arith.constant 1 : i32
        %dma_start3A_82 = arith.constant 0 : i32
        %dma_start3A_83 = arith.constant 0 : i32
        %dma_start3A_84 = tpu.memref_slice %arg7[%dma_start3A_81, %dma_start3A_82, %dma_start3A_83] : memref<2x128x128xf32, #tpu.memory_space<vmem>> -> memref<1x128x128xf32, #tpu.memory_space<vmem>>
        %dma_start3A_85 = tpu.memref_squeeze %dma_start3A_84 : memref<1x128x128xf32, #tpu.memory_space<vmem>> -> memref<128x128xf32, #tpu.memory_space<vmem>>
        %dma_start3A_86 = arith.constant 0 : i32
        %dma_start3A_87 = tpu.memref_slice %arg6[%add3A_60, %dma_start3A_86] : memref<40x128xi32, #tpu.memory_space<vmem>> -> memref<1x128xi32, #tpu.memory_space<vmem>>
        %dma_start3A_88 = tpu.memref_squeeze %dma_start3A_87 : memref<1x128xi32, #tpu.memory_space<vmem>> -> memref<128xi32, #tpu.memory_space<vmem>>
        %dma_start3A_89 = arith.constant 0 : i32
        %dma_start3A_90 = arith.constant 0 : i32
        %dma_start3A_91 = tpu.memref_slice %arg8[%dma_start3A_89, %dma_start3A_90] : memref<10240x128xf32, #tpu.memory_space<vmem_shared>> -> memref<10240x128xf32, #tpu.memory_space<vmem_shared>>
        tpu.enqueue_indirect_dma source(%dma_start3A_85 : memref<128x128xf32, #tpu.memory_space<vmem>>) target(%dma_start3A_91 : memref<10240x128xf32, #tpu.memory_space<vmem_shared>>) offsets(%dma_start3A_88 : memref<128xi32, #tpu.memory_space<vmem>>) semaphore(%arg12 : memref<!tpu.dma_semaphore, #tpu.memory_space<semaphore_mem>>) {add = true}
        %dma_wait3A_92 = arith.constant 1 : i32
        %dma_wait3A_93 = arith.constant 0 : i32
        %dma_wait3A_94 = arith.constant 0 : i32
        %dma_wait3A_95 = tpu.memref_slice %arg7[%dma_wait3A_92, %dma_wait3A_93, %dma_wait3A_94] : memref<2x128x128xf32, #tpu.memory_space<vmem>> -> memref<1x128x128xf32, #tpu.memory_space<vmem>>
        %dma_wait3A_96 = tpu.memref_squeeze %dma_wait3A_95 : memref<1x128x128xf32, #tpu.memory_space<vmem>> -> memref<128x128xf32, #tpu.memory_space<vmem>>
        %dma_wait3A_97 = arith.constant 0 : i32
        %dma_wait3A_98 = tpu.memref_slice %arg6[%add3A_60, %dma_wait3A_97] : memref<40x128xi32, #tpu.memory_space<vmem>> -> memref<1x128xi32, #tpu.memory_space<vmem>>
        %dma_wait3A_99 = tpu.memref_squeeze %dma_wait3A_98 : memref<1x128xi32, #tpu.memory_space<vmem>> -> memref<128xi32, #tpu.memory_space<vmem>>
        %dma_wait3A_100 = arith.constant 0 : i32
        %dma_wait3A_101 = arith.constant 0 : i32
        %dma_wait3A_102 = tpu.memref_slice %arg8[%dma_wait3A_100, %dma_wait3A_101] : memref<10240x128xf32, #tpu.memory_space<vmem_shared>> -> memref<10240x128xf32, #tpu.memory_space<vmem_shared>>
        tpu.wait_indirect_dma semaphore(%arg12 : memref<!tpu.dma_semaphore, #tpu.memory_space<semaphore_mem>>) src(%dma_wait3A_96 : memref<128x128xf32, #tpu.memory_space<vmem>>) dst(%dma_wait3A_102 : memref<10240x128xf32, #tpu.memory_space<vmem_shared>>)
        %add3A_103 = arith.constant 2 : i32
        %add3A_104 = arith.addi %add3A_60, %add3A_103 : i32
        %lt3A_105 = arith.constant 40 : i32
        %lt3A_106 = arith.cmpi slt, %add3A_104, %lt3A_105 : i32
        %convert_element_type3A_107 = arith.extui %lt3A_106 : i1 to i32
        %cond3A_108 = arith.constant 0 : i32
        %cond3A_109 = arith.cmpi ne, %convert_element_type3A_107, %cond3A_108 : i32
        scf.if %cond3A_109 {
          %add3A_110 = arith.constant 2 : i32
          %add3A_111 = arith.addi %add3A_60, %add3A_110 : i32
          %mul3A_112 = arith.constant 128 : i32
          %mul3A_113 = arith.muli %add3A_111, %mul3A_112 : i32
          %add3A_114 = arith.addi %mul3A_2, %mul3A_113 : i32
          %dma_start3A_115 = arith.constant 1 : i32
          %dma_start3A_116 = arith.constant 0 : i32
          %dma_start3A_117 = arith.constant 0 : i32
          %dma_start3A_118 = tpu.memref_slice %arg7[%dma_start3A_115, %dma_start3A_116, %dma_start3A_117] : memref<2x128x128xf32, #tpu.memory_space<vmem>> -> memref<1x128x128xf32, #tpu.memory_space<vmem>>
          %dma_start3A_119 = tpu.memref_squeeze %dma_start3A_118 : memref<1x128x128xf32, #tpu.memory_space<vmem>> -> memref<128x128xf32, #tpu.memory_space<vmem>>
          %dma_start3A_120 = arith.constant 0 : i32
          %dma_start3A_121 = tpu.memref_slice %arg2[%add3A_114, %dma_start3A_120] : memref<163840x128xf32, #tpu.memory_space<hbm>> -> memref<128x128xf32, #tpu.memory_space<hbm>>
          %dma_start3A_122 = arith.constant 0 : i32
          %dma_start3A_123 = arith.constant 0 : i32
          %dma_start3A_124 = tpu.memref_slice %arg7[%dma_start3A_115, %dma_start3A_122, %dma_start3A_123] : memref<2x128x128xf32, #tpu.memory_space<vmem>> -> memref<1x128x128xf32, #tpu.memory_space<vmem>>
          %dma_start3A_125 = tpu.memref_squeeze %dma_start3A_124 : memref<1x128x128xf32, #tpu.memory_space<vmem>> -> memref<128x128xf32, #tpu.memory_space<vmem>>
          %dma_start3A_126 = arith.constant 0 : i32
          %dma_start3A_127 = tpu.memref_slice %arg2[%add3A_114, %dma_start3A_126] : memref<163840x128xf32, #tpu.memory_space<hbm>> -> memref<128x128xf32, #tpu.memory_space<hbm>>
          tpu.enqueue_dma source(%dma_start3A_127 : memref<128x128xf32, #tpu.memory_space<hbm>>) target(%dma_start3A_125 : memref<128x128xf32, #tpu.memory_space<vmem>>) target_semaphore(%arg10 : memref<!tpu.dma_semaphore, #tpu.memory_space<semaphore_mem>>)
        } else {
        }
      } else {
      }
    }
    %scan3A_42 = arith.constant 20 : i32
    %barrier3A_43 = arith.constant 0 : index
    tpu.barrier barrier_id(%barrier3A_43)
    %scan3A_44 = arith.constant 0 : i32
    %scan3A_45 = arith.constant 0 : i32
    %scan3A_46 = arith.constant 5 : i32
    %scan3A_47 = arith.addi %scan3A_45, %scan3A_46 : i32
    %scan3A_48 = arith.constant 1 : i32
    scf.for %scan3A_50 = %scan3A_45 to %scan3A_47 step %scan3A_48  : i32 {
      %mul3A_51 = arith.constant 640 : i32
      %mul3A_52 = arith.muli %arg1, %mul3A_51 : i32
      %mul3A_53 = arith.constant 128 : i32
      %mul3A_54 = arith.muli %scan3A_50, %mul3A_53 : i32
      %add3A_55 = arith.addi %mul3A_52, %mul3A_54 : i32
      %run_scoped3A_56 = arith.constant 0 : i32
      "tpu.region"() ({
        %run_scoped3A_58 = tpu.sem_alloc : memref<!tpu.dma_semaphore, #tpu.memory_space<semaphore_mem>>
        %dma_start3A_59 = arith.constant 0 : i32
        %dma_start3A_60 = arith.constant 0 : i32
        %dma_start3A_61 = tpu.memref_slice %arg7[%run_scoped3A_56, %dma_start3A_59, %dma_start3A_60] : memref<2x128x128xf32, #tpu.memory_space<vmem>> -> memref<1x128x128xf32, #tpu.memory_space<vmem>>
        %dma_start3A_62 = tpu.memref_squeeze %dma_start3A_61 : memref<1x128x128xf32, #tpu.memory_space<vmem>> -> memref<128x128xf32, #tpu.memory_space<vmem>>
        %dma_start3A_63 = arith.constant 0 : i32
        %dma_start3A_64 = arith.constant 0 : i32
        %dma_start3A_65 = tpu.memref_slice %dma_start3A_62[%dma_start3A_63, %dma_start3A_64] : memref<128x128xf32, #tpu.memory_space<vmem>> -> memref<128x128xf32, #tpu.memory_space<vmem>>
        %dma_start3A_66 = arith.constant 0 : i32
        %dma_start3A_67 = tpu.memref_slice %arg8[%add3A_55, %dma_start3A_66] : memref<10240x128xf32, #tpu.memory_space<vmem_shared>> -> memref<128x128xf32, #tpu.memory_space<vmem_shared>>
        %dma_start3A_68 = arith.constant 0 : i32
        %dma_start3A_69 = arith.constant 0 : i32
        %dma_start3A_70 = tpu.memref_slice %arg7[%run_scoped3A_56, %dma_start3A_68, %dma_start3A_69] : memref<2x128x128xf32, #tpu.memory_space<vmem>> -> memref<1x128x128xf32, #tpu.memory_space<vmem>>
        %dma_start3A_71 = tpu.memref_squeeze %dma_start3A_70 : memref<1x128x128xf32, #tpu.memory_space<vmem>> -> memref<128x128xf32, #tpu.memory_space<vmem>>
        %dma_start3A_72 = arith.constant 0 : i32
        %dma_start3A_73 = arith.constant 0 : i32
        %dma_start3A_74 = tpu.memref_slice %dma_start3A_71[%dma_start3A_72, %dma_start3A_73] : memref<128x128xf32, #tpu.memory_space<vmem>> -> memref<128x128xf32, #tpu.memory_space<vmem>>
        %dma_start3A_75 = arith.constant 0 : i32
        %dma_start3A_76 = tpu.memref_slice %arg8[%add3A_55, %dma_start3A_75] : memref<10240x128xf32, #tpu.memory_space<vmem_shared>> -> memref<128x128xf32, #tpu.memory_space<vmem_shared>>
        tpu.enqueue_dma source(%dma_start3A_76 : memref<128x128xf32, #tpu.memory_space<vmem_shared>>) target(%dma_start3A_74 : memref<128x128xf32, #tpu.memory_space<vmem>>) target_semaphore(%run_scoped3A_58 : memref<!tpu.dma_semaphore, #tpu.memory_space<semaphore_mem>>)
        %dma_wait3A = arith.constant 0 : i32
        %dma_wait3A_77 = arith.constant 0 : i32
        %dma_wait3A_78 = tpu.memref_slice %arg7[%run_scoped3A_56, %dma_wait3A, %dma_wait3A_77] : memref<2x128x128xf32, #tpu.memory_space<vmem>> -> memref<1x128x128xf32, #tpu.memory_space<vmem>>
        %dma_wait3A_79 = tpu.memref_squeeze %dma_wait3A_78 : memref<1x128x128xf32, #tpu.memory_space<vmem>> -> memref<128x128xf32, #tpu.memory_space<vmem>>
        %dma_wait3A_80 = arith.constant 0 : i32
        %dma_wait3A_81 = arith.constant 0 : i32
        %dma_wait3A_82 = tpu.memref_slice %dma_wait3A_79[%dma_wait3A_80, %dma_wait3A_81] : memref<128x128xf32, #tpu.memory_space<vmem>> -> memref<128x128xf32, #tpu.memory_space<vmem>>
        %dma_wait3A_83 = arith.constant 0 : i32
        %dma_wait3A_84 = tpu.memref_slice %arg8[%add3A_55, %dma_wait3A_83] : memref<10240x128xf32, #tpu.memory_space<vmem_shared>> -> memref<128x128xf32, #tpu.memory_space<vmem_shared>>
        %dma_wait3A_85 = arith.constant 0 : i32
        %dma_wait3A_86 = arith.constant 0 : i32
        %dma_wait3A_87 = tpu.memref_slice %arg7[%run_scoped3A_56, %dma_wait3A_85, %dma_wait3A_86] : memref<2x128x128xf32, #tpu.memory_space<vmem>> -> memref<1x128x128xf32, #tpu.memory_space<vmem>>
        %dma_wait3A_88 = tpu.memref_squeeze %dma_wait3A_87 : memref<1x128x128xf32, #tpu.memory_space<vmem>> -> memref<128x128xf32, #tpu.memory_space<vmem>>
        %dma_wait3A_89 = arith.constant 0 : i32
        %dma_wait3A_90 = arith.constant 0 : i32
        %dma_wait3A_91 = tpu.memref_slice %dma_wait3A_88[%dma_wait3A_89, %dma_wait3A_90] : memref<128x128xf32, #tpu.memory_space<vmem>> -> memref<128x128xf32, #tpu.memory_space<vmem>>
        %dma_wait3A_92 = arith.constant 0 : i32
        %dma_wait3A_93 = tpu.memref_slice %arg8[%add3A_55, %dma_wait3A_92] : memref<10240x128xf32, #tpu.memory_space<vmem_shared>> -> memref<128x128xf32, #tpu.memory_space<vmem_shared>>
        tpu.wait_dma2 semaphore(%run_scoped3A_58 : memref<!tpu.dma_semaphore, #tpu.memory_space<semaphore_mem>>) src(%dma_wait3A_93 : memref<128x128xf32, #tpu.memory_space<vmem_shared>>) dst(%dma_wait3A_91 : memref<128x128xf32, #tpu.memory_space<vmem>>)
        tpu.yield
      }) : () -> ()
      %run_scoped3A_57 = arith.constant 0 : i32
      "tpu.region"() ({
        %run_scoped3A_58 = tpu.sem_alloc : memref<!tpu.dma_semaphore, #tpu.memory_space<semaphore_mem>>
        %dma_start3A_59 = arith.constant 0 : i32
        %dma_start3A_60 = arith.constant 0 : i32
        %dma_start3A_61 = tpu.memref_slice %arg7[%run_scoped3A_57, %dma_start3A_59, %dma_start3A_60] : memref<2x128x128xf32, #tpu.memory_space<vmem>> -> memref<1x128x128xf32, #tpu.memory_space<vmem>>
        %dma_start3A_62 = tpu.memref_squeeze %dma_start3A_61 : memref<1x128x128xf32, #tpu.memory_space<vmem>> -> memref<128x128xf32, #tpu.memory_space<vmem>>
        %dma_start3A_63 = arith.constant 0 : i32
        %dma_start3A_64 = arith.constant 0 : i32
        %dma_start3A_65 = tpu.memref_slice %dma_start3A_62[%dma_start3A_63, %dma_start3A_64] : memref<128x128xf32, #tpu.memory_space<vmem>> -> memref<128x128xf32, #tpu.memory_space<vmem>>
        %dma_start3A_66 = arith.constant 0 : i32
        %dma_start3A_67 = arith.constant 0 : i32
        %dma_start3A_68 = tpu.memref_slice %arg5[%arg0, %dma_start3A_66, %dma_start3A_67] : memref<2x10240x128xf32, #tpu.memory_space<hbm>> -> memref<1x10240x128xf32, #tpu.memory_space<hbm>>
        %dma_start3A_69 = tpu.memref_squeeze %dma_start3A_68 : memref<1x10240x128xf32, #tpu.memory_space<hbm>> -> memref<10240x128xf32, #tpu.memory_space<hbm>>
        %dma_start3A_70 = arith.constant 0 : i32
        %dma_start3A_71 = tpu.memref_slice %dma_start3A_69[%add3A_55, %dma_start3A_70] : memref<10240x128xf32, #tpu.memory_space<hbm>> -> memref<128x128xf32, #tpu.memory_space<hbm>>
        %dma_start3A_72 = arith.constant 0 : i32
        %dma_start3A_73 = arith.constant 0 : i32
        %dma_start3A_74 = tpu.memref_slice %arg5[%arg0, %dma_start3A_72, %dma_start3A_73] : memref<2x10240x128xf32, #tpu.memory_space<hbm>> -> memref<1x10240x128xf32, #tpu.memory_space<hbm>>
        %dma_start3A_75 = tpu.memref_squeeze %dma_start3A_74 : memref<1x10240x128xf32, #tpu.memory_space<hbm>> -> memref<10240x128xf32, #tpu.memory_space<hbm>>
        %dma_start3A_76 = arith.constant 0 : i32
        %dma_start3A_77 = tpu.memref_slice %dma_start3A_75[%add3A_55, %dma_start3A_76] : memref<10240x128xf32, #tpu.memory_space<hbm>> -> memref<128x128xf32, #tpu.memory_space<hbm>>
        %dma_start3A_78 = arith.constant 0 : i32
        %dma_start3A_79 = arith.constant 0 : i32
        %dma_start3A_80 = tpu.memref_slice %arg7[%run_scoped3A_57, %dma_start3A_78, %dma_start3A_79] : memref<2x128x128xf32, #tpu.memory_space<vmem>> -> memref<1x128x128xf32, #tpu.memory_space<vmem>>
        %dma_start3A_81 = tpu.memref_squeeze %dma_start3A_80 : memref<1x128x128xf32, #tpu.memory_space<vmem>> -> memref<128x128xf32, #tpu.memory_space<vmem>>
        %dma_start3A_82 = arith.constant 0 : i32
        %dma_start3A_83 = arith.constant 0 : i32
        %dma_start3A_84 = tpu.memref_slice %dma_start3A_81[%dma_start3A_82, %dma_start3A_83] : memref<128x128xf32, #tpu.memory_space<vmem>> -> memref<128x128xf32, #tpu.memory_space<vmem>>
        tpu.enqueue_dma source(%dma_start3A_84 : memref<128x128xf32, #tpu.memory_space<vmem>>) target(%dma_start3A_77 : memref<128x128xf32, #tpu.memory_space<hbm>>) target_semaphore(%run_scoped3A_58 : memref<!tpu.dma_semaphore, #tpu.memory_space<semaphore_mem>>)
        %dma_wait3A = arith.constant 0 : i32
        %dma_wait3A_85 = arith.constant 0 : i32
        %dma_wait3A_86 = tpu.memref_slice %arg7[%run_scoped3A_57, %dma_wait3A, %dma_wait3A_85] : memref<2x128x128xf32, #tpu.memory_space<vmem>> -> memref<1x128x128xf32, #tpu.memory_space<vmem>>
        %dma_wait3A_87 = tpu.memref_squeeze %dma_wait3A_86 : memref<1x128x128xf32, #tpu.memory_space<vmem>> -> memref<128x128xf32, #tpu.memory_space<vmem>>
        %dma_wait3A_88 = arith.constant 0 : i32
        %dma_wait3A_89 = arith.constant 0 : i32
        %dma_wait3A_90 = tpu.memref_slice %dma_wait3A_87[%dma_wait3A_88, %dma_wait3A_89] : memref<128x128xf32, #tpu.memory_space<vmem>> -> memref<128x128xf32, #tpu.memory_space<vmem>>
        %dma_wait3A_91 = arith.constant 0 : i32
        %dma_wait3A_92 = arith.constant 0 : i32
        %dma_wait3A_93 = tpu.memref_slice %arg5[%arg0, %dma_wait3A_91, %dma_wait3A_92] : memref<2x10240x128xf32, #tpu.memory_space<hbm>> -> memref<1x10240x128xf32, #tpu.memory_space<hbm>>
        %dma_wait3A_94 = tpu.memref_squeeze %dma_wait3A_93 : memref<1x10240x128xf32, #tpu.memory_space<hbm>> -> memref<10240x128xf32, #tpu.memory_space<hbm>>
        %dma_wait3A_95 = arith.constant 0 : i32
        %dma_wait3A_96 = tpu.memref_slice %dma_wait3A_94[%add3A_55, %dma_wait3A_95] : memref<10240x128xf32, #tpu.memory_space<hbm>> -> memref<128x128xf32, #tpu.memory_space<hbm>>
        %dma_wait3A_97 = arith.constant 0 : i32
        %dma_wait3A_98 = arith.constant 0 : i32
        %dma_wait3A_99 = tpu.memref_slice %arg5[%arg0, %dma_wait3A_97, %dma_wait3A_98] : memref<2x10240x128xf32, #tpu.memory_space<hbm>> -> memref<1x10240x128xf32, #tpu.memory_space<hbm>>
        %dma_wait3A_100 = tpu.memref_squeeze %dma_wait3A_99 : memref<1x10240x128xf32, #tpu.memory_space<hbm>> -> memref<10240x128xf32, #tpu.memory_space<hbm>>
        %dma_wait3A_101 = arith.constant 0 : i32
        %dma_wait3A_102 = tpu.memref_slice %dma_wait3A_100[%add3A_55, %dma_wait3A_101] : memref<10240x128xf32, #tpu.memory_space<hbm>> -> memref<128x128xf32, #tpu.memory_space<hbm>>
        %dma_wait3A_103 = arith.constant 0 : i32
        %dma_wait3A_104 = arith.constant 0 : i32
        %dma_wait3A_105 = tpu.memref_slice %arg7[%run_scoped3A_57, %dma_wait3A_103, %dma_wait3A_104] : memref<2x128x128xf32, #tpu.memory_space<vmem>> -> memref<1x128x128xf32, #tpu.memory_space<vmem>>
        %dma_wait3A_106 = tpu.memref_squeeze %dma_wait3A_105 : memref<1x128x128xf32, #tpu.memory_space<vmem>> -> memref<128x128xf32, #tpu.memory_space<vmem>>
        %dma_wait3A_107 = arith.constant 0 : i32
        %dma_wait3A_108 = arith.constant 0 : i32
        %dma_wait3A_109 = tpu.memref_slice %dma_wait3A_106[%dma_wait3A_107, %dma_wait3A_108] : memref<128x128xf32, #tpu.memory_space<vmem>> -> memref<128x128xf32, #tpu.memory_space<vmem>>
        tpu.wait_dma2 semaphore(%run_scoped3A_58 : memref<!tpu.dma_semaphore, #tpu.memory_space<semaphore_mem>>) src(%dma_wait3A_109 : memref<128x128xf32, #tpu.memory_space<vmem>>) dst(%dma_wait3A_102 : memref<128x128xf32, #tpu.memory_space<hbm>>)
        tpu.yield
      }) : () -> ()
    }
    %scan3A_49 = arith.constant 5 : i32
    return
  }
}

module attributes {stable_mosaic.version = 14 : i64} {
  func.func @_node_enc_body(%arg0: i32, %arg1: memref<1024x18xf32, #tpu.memory_space<vmem>>, %arg2: memref<1024x1xi32, #tpu.memory_space<vmem>>, %arg3: memref<15x128xf32, #tpu.memory_space<vmem>>, %arg4: memref<3x128xf32, #tpu.memory_space<vmem>>, %arg5: memref<3x128xf32, #tpu.memory_space<vmem>>, %arg6: memref<9x128xf32, #tpu.memory_space<vmem>>, %arg7: memref<1x128xf32, #tpu.memory_space<vmem>>, %arg8: memref<128x128xf32, #tpu.memory_space<vmem>>, %arg9: memref<1x128xf32, #tpu.memory_space<vmem>>, %arg10: memref<128x128xf32, #tpu.memory_space<vmem>>, %arg11: memref<1x128xf32, #tpu.memory_space<vmem>>, %arg12: memref<1x128xf32, #tpu.memory_space<vmem>>, %arg13: memref<1x128xf32, #tpu.memory_space<vmem>>, %arg14: memref<128x128xf32, #tpu.memory_space<vmem>>, %arg15: memref<128x128xf32, #tpu.memory_space<vmem>>, %arg16: memref<1024x128xf32, #tpu.memory_space<vmem>>, %arg17: memref<1024x128xf32, #tpu.memory_space<vmem>>, %arg18: memref<1024x128xf32, #tpu.memory_space<vmem>>) attributes {dimension_semantics = [#tpu.dimension_semantics<arbitrary>], iteration_bounds = array<i64: 10>, scalar_prefetch = 0 : i64, scratch_operands = 0 : i64, tpu.core_type = #tpu.core_type<tc>, window_params = [{transform_indices = @transform_0, window_bounds = array<i64: 1024, 18>}, {transform_indices = @transform_1, window_bounds = array<i64: 1024, 1>}, {pipeline_mode = #tpu.pipeline_mode<synchronous>, transform_indices = @transform_2, window_bounds = array<i64: 15, 128>}, {pipeline_mode = #tpu.pipeline_mode<synchronous>, transform_indices = @transform_3, window_bounds = array<i64: 3, 128>}, {pipeline_mode = #tpu.pipeline_mode<synchronous>, transform_indices = @transform_4, window_bounds = array<i64: 3, 128>}, {pipeline_mode = #tpu.pipeline_mode<synchronous>, transform_indices = @transform_5, window_bounds = array<i64: 9, 128>}, {pipeline_mode = #tpu.pipeline_mode<synchronous>, transform_indices = @transform_6, window_bounds = array<i64: 1, 128>}, {pipeline_mode = #tpu.pipeline_mode<synchronous>, transform_indices = @transform_7, window_bounds = array<i64: 128, 128>}, {pipeline_mode = #tpu.pipeline_mode<synchronous>, transform_indices = @transform_8, window_bounds = array<i64: 1, 128>}, {pipeline_mode = #tpu.pipeline_mode<synchronous>, transform_indices = @transform_9, window_bounds = array<i64: 128, 128>}, {pipeline_mode = #tpu.pipeline_mode<synchronous>, transform_indices = @transform_10, window_bounds = array<i64: 1, 128>}, {pipeline_mode = #tpu.pipeline_mode<synchronous>, transform_indices = @transform_11, window_bounds = array<i64: 1, 128>}, {pipeline_mode = #tpu.pipeline_mode<synchronous>, transform_indices = @transform_12, window_bounds = array<i64: 1, 128>}, {pipeline_mode = #tpu.pipeline_mode<synchronous>, transform_indices = @transform_13, window_bounds = array<i64: 128, 128>}, {pipeline_mode = #tpu.pipeline_mode<synchronous>, transform_indices = @transform_14, window_bounds = array<i64: 128, 128>}, {transform_indices = @transform_15, window_bounds = array<i64: 1024, 128>}, {transform_indices = @transform_16, window_bounds = array<i64: 1024, 128>}, {transform_indices = @transform_17, window_bounds = array<i64: 1024, 128>}]} {
    %get3A = arith.constant 0 : index
    %get3A_0 = arith.constant 0 : index
    %get3A_1 = vector.load %arg1[%get3A, %get3A_0] : memref<1024x18xf32, #tpu.memory_space<vmem>>, vector<1024x18xf32>
    %slice3A = vector.extract_strided_slice %get3A_1 {offsets = [0, 3], sizes = [1024, 15], strides = [1, 1]} : vector<1024x18xf32> to vector<1024x15xf32>
    %slice3A_2 = vector.extract_strided_slice %get3A_1 {offsets = [0, 0], sizes = [1024, 15], strides = [1, 1]} : vector<1024x18xf32> to vector<1024x15xf32>
    %sub3A = arith.subf %slice3A, %slice3A_2 : vector<1024x15xf32>
    %sub3A_3 = arith.constant 0.000000e+00 : f32
    %sub3A_4 = vector.broadcast %sub3A_3 : f32 to vector<1024x15xf32>
    %sub3A_5 = arith.subf %sub3A, %sub3A_4 : vector<1024x15xf32>
    %mul3A = arith.constant 1.000000e+00 : f32
    %mul3A_6 = vector.broadcast %mul3A : f32 to vector<1024x15xf32>
    %mul3A_7 = arith.mulf %sub3A_5, %mul3A_6 : vector<1024x15xf32>
    %slice3A_8 = vector.extract_strided_slice %get3A_1 {offsets = [0, 15], sizes = [1024, 3], strides = [1, 1]} : vector<1024x18xf32> to vector<1024x3xf32>
    %sub3A_9 = arith.constant 1.000000e-01 : f32
    %sub3A_10 = vector.broadcast %sub3A_9 : f32 to vector<1024x3xf32>
    %sub3A_11 = arith.subf %slice3A_8, %sub3A_10 : vector<1024x3xf32>
    %mul3A_12 = arith.constant 66.6666641 : f32
    %mul3A_13 = vector.broadcast %mul3A_12 : f32 to vector<1024x3xf32>
    %mul3A_14 = arith.mulf %sub3A_11, %mul3A_13 : vector<1024x3xf32>
    %jit3A = arith.constant -1.000000e+00 : f32
    %jit3A_15 = arith.constant 1.000000e+00 : f32
    %max3A = vector.broadcast %jit3A : f32 to vector<1024x3xf32>
    %max3A_16 = arith.maximumf %max3A, %mul3A_14 : vector<1024x3xf32>
    %min3A = vector.broadcast %jit3A_15 : f32 to vector<1024x3xf32>
    %min3A_17 = arith.minimumf %min3A, %max3A_16 : vector<1024x3xf32>
    %sub3A_18 = arith.constant 0.899999976 : f32
    %sub3A_19 = vector.broadcast %sub3A_18 : f32 to vector<1024x3xf32>
    %sub3A_20 = arith.subf %sub3A_19, %slice3A_8 : vector<1024x3xf32>
    %mul3A_21 = arith.constant 66.6666641 : f32
    %mul3A_22 = vector.broadcast %mul3A_21 : f32 to vector<1024x3xf32>
    %mul3A_23 = arith.mulf %sub3A_20, %mul3A_22 : vector<1024x3xf32>
    %jit3A_24 = arith.constant -1.000000e+00 : f32
    %jit3A_25 = arith.constant 1.000000e+00 : f32
    %max3A_26 = vector.broadcast %jit3A_24 : f32 to vector<1024x3xf32>
    %max3A_27 = arith.maximumf %max3A_26, %mul3A_23 : vector<1024x3xf32>
    %min3A_28 = vector.broadcast %jit3A_25 : f32 to vector<1024x3xf32>
    %min3A_29 = arith.minimumf %min3A_28, %max3A_27 : vector<1024x3xf32>
    %get3A_30 = arith.constant 0 : index
    %get3A_31 = arith.constant 0 : index
    %get3A_32 = vector.load %arg2[%get3A_30, %get3A_31] : memref<1024x1xi32, #tpu.memory_space<vmem>>, vector<1024x1xi32>
    %iota3A = tpu.iota {dimensions = array<i32: 1>} : vector<1024x9xi32>
    %eq3A = vector.broadcast %get3A_32 : vector<1024x1xi32> to vector<1024x9xi32>
    %eq3A_33 = arith.cmpi eq, %eq3A, %iota3A : vector<1024x9xi32>
    %convert_element_type3A = arith.extui %eq3A_33 : vector<1024x9xi1> to vector<1024x9xi32>
    %convert_element_type3A_34 = arith.sitofp %convert_element_type3A : vector<1024x9xi32> to vector<1024x9xf32>
    %get3A_35 = arith.constant 0 : index
    %get3A_36 = arith.constant 0 : index
    %get3A_37 = vector.load %arg3[%get3A_35, %get3A_36] : memref<15x128xf32, #tpu.memory_space<vmem>>, vector<15x128xf32>
    %dot_general3A = arith.constant dense<0.000000e+00> : vector<1024x128xf32>
    %dot_general3A_38 = tpu.matmul %mul3A_7, %get3A_37, %dot_general3A {dimension_numbers = #tpu.dot_dimension_numbers<[1], [0], [0], [1], [0, 0, 1, 1], [], []>, transpose_lhs_hint = false} : vector<1024x15xf32>, vector<15x128xf32>, vector<1024x128xf32> -> vector<1024x128xf32>
    %get3A_39 = arith.constant 0 : index
    %get3A_40 = arith.constant 0 : index
    %get3A_41 = vector.load %arg4[%get3A_39, %get3A_40] : memref<3x128xf32, #tpu.memory_space<vmem>>, vector<3x128xf32>
    %dot_general3A_42 = arith.constant dense<0.000000e+00> : vector<1024x128xf32>
    %dot_general3A_43 = tpu.matmul %min3A_17, %get3A_41, %dot_general3A_42 {dimension_numbers = #tpu.dot_dimension_numbers<[1], [0], [0], [1], [0, 0, 1, 1], [], []>, transpose_lhs_hint = false} : vector<1024x3xf32>, vector<3x128xf32>, vector<1024x128xf32> -> vector<1024x128xf32>
    %add3A = arith.addf %dot_general3A_38, %dot_general3A_43 : vector<1024x128xf32>
    %get3A_44 = arith.constant 0 : index
    %get3A_45 = arith.constant 0 : index
    %get3A_46 = vector.load %arg5[%get3A_44, %get3A_45] : memref<3x128xf32, #tpu.memory_space<vmem>>, vector<3x128xf32>
    %dot_general3A_47 = arith.constant dense<0.000000e+00> : vector<1024x128xf32>
    %dot_general3A_48 = tpu.matmul %min3A_29, %get3A_46, %dot_general3A_47 {dimension_numbers = #tpu.dot_dimension_numbers<[1], [0], [0], [1], [0, 0, 1, 1], [], []>, transpose_lhs_hint = false} : vector<1024x3xf32>, vector<3x128xf32>, vector<1024x128xf32> -> vector<1024x128xf32>
    %add3A_49 = arith.addf %add3A, %dot_general3A_48 : vector<1024x128xf32>
    %get3A_50 = arith.constant 0 : index
    %get3A_51 = arith.constant 0 : index
    %get3A_52 = vector.load %arg6[%get3A_50, %get3A_51] : memref<9x128xf32, #tpu.memory_space<vmem>>, vector<9x128xf32>
    %dot_general3A_53 = arith.constant dense<0.000000e+00> : vector<1024x128xf32>
    %dot_general3A_54 = tpu.matmul %convert_element_type3A_34, %get3A_52, %dot_general3A_53 {dimension_numbers = #tpu.dot_dimension_numbers<[1], [0], [0], [1], [0, 0, 1, 1], [], []>, transpose_lhs_hint = false} : vector<1024x9xf32>, vector<9x128xf32>, vector<1024x128xf32> -> vector<1024x128xf32>
    %add3A_55 = arith.addf %add3A_49, %dot_general3A_54 : vector<1024x128xf32>
    %get3A_56 = arith.constant 0 : index
    %get3A_57 = arith.constant 0 : index
    %get3A_58 = vector.load %arg7[%get3A_56, %get3A_57] : memref<1x128xf32, #tpu.memory_space<vmem>>, vector<1x128xf32>
    %add3A_59 = vector.broadcast %get3A_58 : vector<1x128xf32> to vector<1024x128xf32>
    %add3A_60 = arith.addf %add3A_55, %add3A_59 : vector<1024x128xf32>
    %max3A_61 = arith.constant 0.000000e+00 : f32
    %max3A_62 = vector.broadcast %max3A_61 : f32 to vector<1024x128xf32>
    %max3A_63 = arith.maximumf %add3A_60, %max3A_62 : vector<1024x128xf32>
    %get3A_64 = arith.constant 0 : index
    %get3A_65 = arith.constant 0 : index
    %get3A_66 = vector.load %arg8[%get3A_64, %get3A_65] : memref<128x128xf32, #tpu.memory_space<vmem>>, vector<128x128xf32>
    %dot_general3A_67 = arith.constant dense<0.000000e+00> : vector<1024x128xf32>
    %dot_general3A_68 = tpu.matmul %max3A_63, %get3A_66, %dot_general3A_67 {dimension_numbers = #tpu.dot_dimension_numbers<[1], [0], [0], [1], [0, 0, 1, 1], [], []>, transpose_lhs_hint = false} : vector<1024x128xf32>, vector<128x128xf32>, vector<1024x128xf32> -> vector<1024x128xf32>
    %get3A_69 = arith.constant 0 : index
    %get3A_70 = arith.constant 0 : index
    %get3A_71 = vector.load %arg9[%get3A_69, %get3A_70] : memref<1x128xf32, #tpu.memory_space<vmem>>, vector<1x128xf32>
    %add3A_72 = vector.broadcast %get3A_71 : vector<1x128xf32> to vector<1024x128xf32>
    %add3A_73 = arith.addf %dot_general3A_68, %add3A_72 : vector<1024x128xf32>
    %max3A_74 = arith.constant 0.000000e+00 : f32
    %max3A_75 = vector.broadcast %max3A_74 : f32 to vector<1024x128xf32>
    %max3A_76 = arith.maximumf %add3A_73, %max3A_75 : vector<1024x128xf32>
    %get3A_77 = arith.constant 0 : index
    %get3A_78 = arith.constant 0 : index
    %get3A_79 = vector.load %arg10[%get3A_77, %get3A_78] : memref<128x128xf32, #tpu.memory_space<vmem>>, vector<128x128xf32>
    %dot_general3A_80 = arith.constant dense<0.000000e+00> : vector<1024x128xf32>
    %dot_general3A_81 = tpu.matmul %max3A_76, %get3A_79, %dot_general3A_80 {dimension_numbers = #tpu.dot_dimension_numbers<[1], [0], [0], [1], [0, 0, 1, 1], [], []>, transpose_lhs_hint = false} : vector<1024x128xf32>, vector<128x128xf32>, vector<1024x128xf32> -> vector<1024x128xf32>
    %get3A_82 = arith.constant 0 : index
    %get3A_83 = arith.constant 0 : index
    %get3A_84 = vector.load %arg11[%get3A_82, %get3A_83] : memref<1x128xf32, #tpu.memory_space<vmem>>, vector<1x128xf32>
    %add3A_85 = vector.broadcast %get3A_84 : vector<1x128xf32> to vector<1024x128xf32>
    %add3A_86 = arith.addf %dot_general3A_81, %add3A_85 : vector<1024x128xf32>
    %get3A_87 = arith.constant 0 : index
    %get3A_88 = arith.constant 0 : index
    %get3A_89 = vector.load %arg12[%get3A_87, %get3A_88] : memref<1x128xf32, #tpu.memory_space<vmem>>, vector<1x128xf32>
    %get3A_90 = arith.constant 0 : index
    %get3A_91 = arith.constant 0 : index
    %get3A_92 = vector.load %arg13[%get3A_90, %get3A_91] : memref<1x128xf32, #tpu.memory_space<vmem>>, vector<1x128xf32>
    %reduce_sum3A = arith.constant dense<0.000000e+00> : vector<1024xf32>
    %reduce_sum3A_93 = vector.multi_reduction <add>, %add3A_86, %reduce_sum3A [1] : vector<1024x128xf32> to vector<1024xf32>
    %broadcast_in_dim3A = vector.shape_cast %reduce_sum3A_93 : vector<1024xf32> to vector<1024x1xf32>
    %div3A = arith.constant 1.280000e+02 : f32
    %div3A_94 = vector.broadcast %div3A : f32 to vector<1024x1xf32>
    %div3A_95 = arith.divf %broadcast_in_dim3A, %div3A_94 : vector<1024x1xf32>
    %sub3A_96 = vector.broadcast %div3A_95 : vector<1024x1xf32> to vector<1024x128xf32>
    %sub3A_97 = arith.subf %add3A_86, %sub3A_96 : vector<1024x128xf32>
    %mul3A_98 = arith.mulf %sub3A_97, %sub3A_97 : vector<1024x128xf32>
    %reduce_sum3A_99 = arith.constant dense<0.000000e+00> : vector<1024xf32>
    %reduce_sum3A_100 = vector.multi_reduction <add>, %mul3A_98, %reduce_sum3A_99 [1] : vector<1024x128xf32> to vector<1024xf32>
    %broadcast_in_dim3A_101 = vector.shape_cast %reduce_sum3A_100 : vector<1024xf32> to vector<1024x1xf32>
    %div3A_102 = arith.constant 1.280000e+02 : f32
    %div3A_103 = vector.broadcast %div3A_102 : f32 to vector<1024x1xf32>
    %div3A_104 = arith.divf %broadcast_in_dim3A_101, %div3A_103 : vector<1024x1xf32>
    %add3A_105 = arith.constant 9.99999974E-6 : f32
    %add3A_106 = vector.broadcast %add3A_105 : f32 to vector<1024x1xf32>
    %add3A_107 = arith.addf %div3A_104, %add3A_106 : vector<1024x1xf32>
    %sqrt3A = math.sqrt %add3A_107 : vector<1024x1xf32>
    %div3A_108 = vector.broadcast %sqrt3A : vector<1024x1xf32> to vector<1024x128xf32>
    %div3A_109 = arith.divf %sub3A_97, %div3A_108 : vector<1024x128xf32>
    %mul3A_110 = vector.broadcast %get3A_89 : vector<1x128xf32> to vector<1024x128xf32>
    %mul3A_111 = arith.mulf %div3A_109, %mul3A_110 : vector<1024x128xf32>
    %add3A_112 = vector.broadcast %get3A_92 : vector<1x128xf32> to vector<1024x128xf32>
    %add3A_113 = arith.addf %mul3A_111, %add3A_112 : vector<1024x128xf32>
    %swap3A = arith.constant 0 : index
    %swap3A_114 = arith.constant 0 : index
    %swap3A_115 = vector.load %arg16[%swap3A, %swap3A_114] : memref<1024x128xf32, #tpu.memory_space<vmem>>, vector<1024x128xf32>
    tpu.vector_store %arg16[%swap3A, %swap3A_114], %add3A_113 {strides = array<i32>} : memref<1024x128xf32, #tpu.memory_space<vmem>>, vector<1024x128xf32>,
    %get3A_116 = arith.constant 0 : index
    %get3A_117 = arith.constant 0 : index
    %get3A_118 = vector.load %arg14[%get3A_116, %get3A_117] : memref<128x128xf32, #tpu.memory_space<vmem>>, vector<128x128xf32>
    %dot_general3A_119 = arith.constant dense<0.000000e+00> : vector<1024x128xf32>
    %dot_general3A_120 = tpu.matmul %add3A_113, %get3A_118, %dot_general3A_119 {dimension_numbers = #tpu.dot_dimension_numbers<[1], [0], [0], [1], [0, 0, 1, 1], [], []>, transpose_lhs_hint = false} : vector<1024x128xf32>, vector<128x128xf32>, vector<1024x128xf32> -> vector<1024x128xf32>
    %swap3A_121 = arith.constant 0 : index
    %swap3A_122 = arith.constant 0 : index
    %swap3A_123 = vector.load %arg17[%swap3A_121, %swap3A_122] : memref<1024x128xf32, #tpu.memory_space<vmem>>, vector<1024x128xf32>
    tpu.vector_store %arg17[%swap3A_121, %swap3A_122], %dot_general3A_120 {strides = array<i32>} : memref<1024x128xf32, #tpu.memory_space<vmem>>, vector<1024x128xf32>,
    %get3A_124 = arith.constant 0 : index
    %get3A_125 = arith.constant 0 : index
    %get3A_126 = vector.load %arg15[%get3A_124, %get3A_125] : memref<128x128xf32, #tpu.memory_space<vmem>>, vector<128x128xf32>
    %dot_general3A_127 = arith.constant dense<0.000000e+00> : vector<1024x128xf32>
    %dot_general3A_128 = tpu.matmul %add3A_113, %get3A_126, %dot_general3A_127 {dimension_numbers = #tpu.dot_dimension_numbers<[1], [0], [0], [1], [0, 0, 1, 1], [], []>, transpose_lhs_hint = false} : vector<1024x128xf32>, vector<128x128xf32>, vector<1024x128xf32> -> vector<1024x128xf32>
    %swap3A_129 = arith.constant 0 : index
    %swap3A_130 = arith.constant 0 : index
    %swap3A_131 = vector.load %arg18[%swap3A_129, %swap3A_130] : memref<1024x128xf32, #tpu.memory_space<vmem>>, vector<1024x128xf32>
    tpu.vector_store %arg18[%swap3A_129, %swap3A_130], %dot_general3A_128 {strides = array<i32>} : memref<1024x128xf32, #tpu.memory_space<vmem>>, vector<1024x128xf32>,
    return
  }
  func.func @transform_0(%arg0: i32) -> (i32, i32) {
    %c0_i32 = arith.constant 0 : i32
    %c0_i32_0 = arith.constant 0 : i32
    return %arg0, %c0_i32 : i32, i32
  }
  func.func @transform_1(%arg0: i32) -> (i32, i32) {
    %c0_i32 = arith.constant 0 : i32
    %c0_i32_0 = arith.constant 0 : i32
    return %arg0, %c0_i32 : i32, i32
  }
  func.func @transform_2(%arg0: i32) -> (i32, i32) {
    %c0_i32 = arith.constant 0 : i32
    %c0_i32_0 = arith.constant 0 : i32
    %c0_i32_1 = arith.constant 0 : i32
    return %c0_i32, %c0_i32_0 : i32, i32
  }
  func.func @transform_3(%arg0: i32) -> (i32, i32) {
    %c0_i32 = arith.constant 0 : i32
    %c0_i32_0 = arith.constant 0 : i32
    %c0_i32_1 = arith.constant 0 : i32
    return %c0_i32, %c0_i32_0 : i32, i32
  }
  func.func @transform_4(%arg0: i32) -> (i32, i32) {
    %c0_i32 = arith.constant 0 : i32
    %c0_i32_0 = arith.constant 0 : i32
    %c0_i32_1 = arith.constant 0 : i32
    return %c0_i32, %c0_i32_0 : i32, i32
  }
  func.func @transform_5(%arg0: i32) -> (i32, i32) {
    %c0_i32 = arith.constant 0 : i32
    %c0_i32_0 = arith.constant 0 : i32
    %c0_i32_1 = arith.constant 0 : i32
    return %c0_i32, %c0_i32_0 : i32, i32
  }
  func.func @transform_6(%arg0: i32) -> (i32, i32) {
    %c0_i32 = arith.constant 0 : i32
    %c0_i32_0 = arith.constant 0 : i32
    %c0_i32_1 = arith.constant 0 : i32
    return %c0_i32, %c0_i32_0 : i32, i32
  }
  func.func @transform_7(%arg0: i32) -> (i32, i32) {
    %c0_i32 = arith.constant 0 : i32
    %c0_i32_0 = arith.constant 0 : i32
    %c0_i32_1 = arith.constant 0 : i32
    return %c0_i32, %c0_i32_0 : i32, i32
  }
  func.func @transform_8(%arg0: i32) -> (i32, i32) {
    %c0_i32 = arith.constant 0 : i32
    %c0_i32_0 = arith.constant 0 : i32
    %c0_i32_1 = arith.constant 0 : i32
    return %c0_i32, %c0_i32_0 : i32, i32
  }
  func.func @transform_9(%arg0: i32) -> (i32, i32) {
    %c0_i32 = arith.constant 0 : i32
    %c0_i32_0 = arith.constant 0 : i32
    %c0_i32_1 = arith.constant 0 : i32
    return %c0_i32, %c0_i32_0 : i32, i32
  }
  func.func @transform_10(%arg0: i32) -> (i32, i32) {
    %c0_i32 = arith.constant 0 : i32
    %c0_i32_0 = arith.constant 0 : i32
    %c0_i32_1 = arith.constant 0 : i32
    return %c0_i32, %c0_i32_0 : i32, i32
  }
  func.func @transform_11(%arg0: i32) -> (i32, i32) {
    %c0_i32 = arith.constant 0 : i32
    %c0_i32_0 = arith.constant 0 : i32
    %c0_i32_1 = arith.constant 0 : i32
    return %c0_i32, %c0_i32_0 : i32, i32
  }
  func.func @transform_12(%arg0: i32) -> (i32, i32) {
    %c0_i32 = arith.constant 0 : i32
    %c0_i32_0 = arith.constant 0 : i32
    %c0_i32_1 = arith.constant 0 : i32
    return %c0_i32, %c0_i32_0 : i32, i32
  }
  func.func @transform_13(%arg0: i32) -> (i32, i32) {
    %c0_i32 = arith.constant 0 : i32
    %c0_i32_0 = arith.constant 0 : i32
    %c0_i32_1 = arith.constant 0 : i32
    return %c0_i32, %c0_i32_0 : i32, i32
  }
  func.func @transform_14(%arg0: i32) -> (i32, i32) {
    %c0_i32 = arith.constant 0 : i32
    %c0_i32_0 = arith.constant 0 : i32
    %c0_i32_1 = arith.constant 0 : i32
    return %c0_i32, %c0_i32_0 : i32, i32
  }
  func.func @transform_15(%arg0: i32) -> (i32, i32) {
    %c0_i32 = arith.constant 0 : i32
    %c0_i32_0 = arith.constant 0 : i32
    return %arg0, %c0_i32 : i32, i32
  }
  func.func @transform_16(%arg0: i32) -> (i32, i32) {
    %c0_i32 = arith.constant 0 : i32
    %c0_i32_0 = arith.constant 0 : i32
    return %arg0, %c0_i32 : i32, i32
  }
  func.func @transform_17(%arg0: i32) -> (i32, i32) {
    %c0_i32 = arith.constant 0 : i32
    %c0_i32_0 = arith.constant 0 : i32
    return %arg0, %c0_i32 : i32, i32
  }
}

module attributes {stable_mosaic.version = 14 : i64} {
  func.func @_edge_enc_body(%arg0: i32, %arg1: memref<1024x128xf32, #tpu.memory_space<vmem>>, %arg2: memref<1024x128xf32, #tpu.memory_space<vmem>>, %arg3: memref<3x128xf32, #tpu.memory_space<vmem>>, %arg4: memref<1x128xf32, #tpu.memory_space<vmem>>, %arg5: memref<1x128xf32, #tpu.memory_space<vmem>>, %arg6: memref<128x128xf32, #tpu.memory_space<vmem>>, %arg7: memref<1x128xf32, #tpu.memory_space<vmem>>, %arg8: memref<128x128xf32, #tpu.memory_space<vmem>>, %arg9: memref<1x128xf32, #tpu.memory_space<vmem>>, %arg10: memref<1x128xf32, #tpu.memory_space<vmem>>, %arg11: memref<1x128xf32, #tpu.memory_space<vmem>>, %arg12: memref<1024x128xf32, #tpu.memory_space<vmem>>) attributes {dimension_semantics = [#tpu.dimension_semantics<arbitrary>], iteration_bounds = array<i64: 160>, scalar_prefetch = 0 : i64, scratch_operands = 0 : i64, tpu.core_type = #tpu.core_type<tc>, window_params = [{transform_indices = @transform_0, window_bounds = array<i64: 1024, 128>}, {transform_indices = @transform_1, window_bounds = array<i64: 1024, 128>}, {pipeline_mode = #tpu.pipeline_mode<synchronous>, transform_indices = @transform_2, window_bounds = array<i64: 3, 128>}, {pipeline_mode = #tpu.pipeline_mode<synchronous>, transform_indices = @transform_3, window_bounds = array<i64: 1, 128>}, {pipeline_mode = #tpu.pipeline_mode<synchronous>, transform_indices = @transform_4, window_bounds = array<i64: 1, 128>}, {pipeline_mode = #tpu.pipeline_mode<synchronous>, transform_indices = @transform_5, window_bounds = array<i64: 128, 128>}, {pipeline_mode = #tpu.pipeline_mode<synchronous>, transform_indices = @transform_6, window_bounds = array<i64: 1, 128>}, {pipeline_mode = #tpu.pipeline_mode<synchronous>, transform_indices = @transform_7, window_bounds = array<i64: 128, 128>}, {pipeline_mode = #tpu.pipeline_mode<synchronous>, transform_indices = @transform_8, window_bounds = array<i64: 1, 128>}, {pipeline_mode = #tpu.pipeline_mode<synchronous>, transform_indices = @transform_9, window_bounds = array<i64: 1, 128>}, {pipeline_mode = #tpu.pipeline_mode<synchronous>, transform_indices = @transform_10, window_bounds = array<i64: 1, 128>}, {transform_indices = @transform_11, window_bounds = array<i64: 1024, 128>}]} {
    %get3A = arith.constant 0 : index
    %get3A_0 = arith.constant 0 : index
    %get3A_1 = vector.load %arg1[%get3A, %get3A_0] : memref<1024x128xf32, #tpu.memory_space<vmem>>, vector<1024x128xf32>
    %slice3A = vector.extract_strided_slice %get3A_1 {offsets = [0, 0], sizes = [1024, 3], strides = [1, 1]} : vector<1024x128xf32> to vector<1024x3xf32>
    %get3A_2 = arith.constant 0 : index
    %get3A_3 = arith.constant 0 : index
    %get3A_4 = vector.load %arg2[%get3A_2, %get3A_3] : memref<1024x128xf32, #tpu.memory_space<vmem>>, vector<1024x128xf32>
    %slice3A_5 = vector.extract_strided_slice %get3A_4 {offsets = [0, 0], sizes = [1024, 3], strides = [1, 1]} : vector<1024x128xf32> to vector<1024x3xf32>
    %add3A = arith.addf %slice3A, %slice3A_5 : vector<1024x3xf32>
    %mul3A = arith.constant 66.6666641 : f32
    %mul3A_6 = vector.broadcast %mul3A : f32 to vector<1024x3xf32>
    %mul3A_7 = arith.mulf %add3A, %mul3A_6 : vector<1024x3xf32>
    %mul3A_8 = arith.mulf %mul3A_7, %mul3A_7 : vector<1024x3xf32>
    %reduce_sum3A = arith.constant dense<0.000000e+00> : vector<1024xf32>
    %reduce_sum3A_9 = vector.multi_reduction <add>, %mul3A_8, %reduce_sum3A [1] : vector<1024x3xf32> to vector<1024xf32>
    %broadcast_in_dim3A = vector.shape_cast %reduce_sum3A_9 : vector<1024xf32> to vector<1024x1xf32>
    %sqrt3A = math.sqrt %broadcast_in_dim3A : vector<1024x1xf32>
    %get3A_10 = arith.constant 0 : index
    %get3A_11 = arith.constant 0 : index
    %get3A_12 = vector.load %arg3[%get3A_10, %get3A_11] : memref<3x128xf32, #tpu.memory_space<vmem>>, vector<3x128xf32>
    %dot_general3A = arith.constant dense<0.000000e+00> : vector<1024x128xf32>
    %dot_general3A_13 = tpu.matmul %mul3A_7, %get3A_12, %dot_general3A {dimension_numbers = #tpu.dot_dimension_numbers<[1], [0], [0], [1], [0, 0, 1, 1], [], []>, transpose_lhs_hint = false} : vector<1024x3xf32>, vector<3x128xf32>, vector<1024x128xf32> -> vector<1024x128xf32>
    %get3A_14 = arith.constant 0 : index
    %get3A_15 = arith.constant 0 : index
    %get3A_16 = vector.load %arg4[%get3A_14, %get3A_15] : memref<1x128xf32, #tpu.memory_space<vmem>>, vector<1x128xf32>
    %mul3A_17 = vector.broadcast %sqrt3A : vector<1024x1xf32> to vector<1024x128xf32>
    %mul3A_18 = vector.broadcast %get3A_16 : vector<1x128xf32> to vector<1024x128xf32>
    %mul3A_19 = arith.mulf %mul3A_17, %mul3A_18 : vector<1024x128xf32>
    %add3A_20 = arith.addf %dot_general3A_13, %mul3A_19 : vector<1024x128xf32>
    %get3A_21 = arith.constant 0 : index
    %get3A_22 = arith.constant 0 : index
    %get3A_23 = vector.load %arg5[%get3A_21, %get3A_22] : memref<1x128xf32, #tpu.memory_space<vmem>>, vector<1x128xf32>
    %add3A_24 = vector.broadcast %get3A_23 : vector<1x128xf32> to vector<1024x128xf32>
    %add3A_25 = arith.addf %add3A_20, %add3A_24 : vector<1024x128xf32>
    %max3A = arith.constant 0.000000e+00 : f32
    %max3A_26 = vector.broadcast %max3A : f32 to vector<1024x128xf32>
    %max3A_27 = arith.maximumf %add3A_25, %max3A_26 : vector<1024x128xf32>
    %get3A_28 = arith.constant 0 : index
    %get3A_29 = arith.constant 0 : index
    %get3A_30 = vector.load %arg6[%get3A_28, %get3A_29] : memref<128x128xf32, #tpu.memory_space<vmem>>, vector<128x128xf32>
    %dot_general3A_31 = arith.constant dense<0.000000e+00> : vector<1024x128xf32>
    %dot_general3A_32 = tpu.matmul %max3A_27, %get3A_30, %dot_general3A_31 {dimension_numbers = #tpu.dot_dimension_numbers<[1], [0], [0], [1], [0, 0, 1, 1], [], []>, transpose_lhs_hint = false} : vector<1024x128xf32>, vector<128x128xf32>, vector<1024x128xf32> -> vector<1024x128xf32>
    %get3A_33 = arith.constant 0 : index
    %get3A_34 = arith.constant 0 : index
    %get3A_35 = vector.load %arg7[%get3A_33, %get3A_34] : memref<1x128xf32, #tpu.memory_space<vmem>>, vector<1x128xf32>
    %add3A_36 = vector.broadcast %get3A_35 : vector<1x128xf32> to vector<1024x128xf32>
    %add3A_37 = arith.addf %dot_general3A_32, %add3A_36 : vector<1024x128xf32>
    %max3A_38 = arith.constant 0.000000e+00 : f32
    %max3A_39 = vector.broadcast %max3A_38 : f32 to vector<1024x128xf32>
    %max3A_40 = arith.maximumf %add3A_37, %max3A_39 : vector<1024x128xf32>
    %get3A_41 = arith.constant 0 : index
    %get3A_42 = arith.constant 0 : index
    %get3A_43 = vector.load %arg8[%get3A_41, %get3A_42] : memref<128x128xf32, #tpu.memory_space<vmem>>, vector<128x128xf32>
    %dot_general3A_44 = arith.constant dense<0.000000e+00> : vector<1024x128xf32>
    %dot_general3A_45 = tpu.matmul %max3A_40, %get3A_43, %dot_general3A_44 {dimension_numbers = #tpu.dot_dimension_numbers<[1], [0], [0], [1], [0, 0, 1, 1], [], []>, transpose_lhs_hint = false} : vector<1024x128xf32>, vector<128x128xf32>, vector<1024x128xf32> -> vector<1024x128xf32>
    %get3A_46 = arith.constant 0 : index
    %get3A_47 = arith.constant 0 : index
    %get3A_48 = vector.load %arg9[%get3A_46, %get3A_47] : memref<1x128xf32, #tpu.memory_space<vmem>>, vector<1x128xf32>
    %add3A_49 = vector.broadcast %get3A_48 : vector<1x128xf32> to vector<1024x128xf32>
    %add3A_50 = arith.addf %dot_general3A_45, %add3A_49 : vector<1024x128xf32>
    %get3A_51 = arith.constant 0 : index
    %get3A_52 = arith.constant 0 : index
    %get3A_53 = vector.load %arg10[%get3A_51, %get3A_52] : memref<1x128xf32, #tpu.memory_space<vmem>>, vector<1x128xf32>
    %get3A_54 = arith.constant 0 : index
    %get3A_55 = arith.constant 0 : index
    %get3A_56 = vector.load %arg11[%get3A_54, %get3A_55] : memref<1x128xf32, #tpu.memory_space<vmem>>, vector<1x128xf32>
    %reduce_sum3A_57 = arith.constant dense<0.000000e+00> : vector<1024xf32>
    %reduce_sum3A_58 = vector.multi_reduction <add>, %add3A_50, %reduce_sum3A_57 [1] : vector<1024x128xf32> to vector<1024xf32>
    %broadcast_in_dim3A_59 = vector.shape_cast %reduce_sum3A_58 : vector<1024xf32> to vector<1024x1xf32>
    %div3A = arith.constant 1.280000e+02 : f32
    %div3A_60 = vector.broadcast %div3A : f32 to vector<1024x1xf32>
    %div3A_61 = arith.divf %broadcast_in_dim3A_59, %div3A_60 : vector<1024x1xf32>
    %sub3A = vector.broadcast %div3A_61 : vector<1024x1xf32> to vector<1024x128xf32>
    %sub3A_62 = arith.subf %add3A_50, %sub3A : vector<1024x128xf32>
    %mul3A_63 = arith.mulf %sub3A_62, %sub3A_62 : vector<1024x128xf32>
    %reduce_sum3A_64 = arith.constant dense<0.000000e+00> : vector<1024xf32>
    %reduce_sum3A_65 = vector.multi_reduction <add>, %mul3A_63, %reduce_sum3A_64 [1] : vector<1024x128xf32> to vector<1024xf32>
    %broadcast_in_dim3A_66 = vector.shape_cast %reduce_sum3A_65 : vector<1024xf32> to vector<1024x1xf32>
    %div3A_67 = arith.constant 1.280000e+02 : f32
    %div3A_68 = vector.broadcast %div3A_67 : f32 to vector<1024x1xf32>
    %div3A_69 = arith.divf %broadcast_in_dim3A_66, %div3A_68 : vector<1024x1xf32>
    %add3A_70 = arith.constant 9.99999974E-6 : f32
    %add3A_71 = vector.broadcast %add3A_70 : f32 to vector<1024x1xf32>
    %add3A_72 = arith.addf %div3A_69, %add3A_71 : vector<1024x1xf32>
    %sqrt3A_73 = math.sqrt %add3A_72 : vector<1024x1xf32>
    %div3A_74 = vector.broadcast %sqrt3A_73 : vector<1024x1xf32> to vector<1024x128xf32>
    %div3A_75 = arith.divf %sub3A_62, %div3A_74 : vector<1024x128xf32>
    %mul3A_76 = vector.broadcast %get3A_53 : vector<1x128xf32> to vector<1024x128xf32>
    %mul3A_77 = arith.mulf %div3A_75, %mul3A_76 : vector<1024x128xf32>
    %add3A_78 = vector.broadcast %get3A_56 : vector<1x128xf32> to vector<1024x128xf32>
    %add3A_79 = arith.addf %mul3A_77, %add3A_78 : vector<1024x128xf32>
    %swap3A = arith.constant 0 : index
    %swap3A_80 = arith.constant 0 : index
    %swap3A_81 = vector.load %arg12[%swap3A, %swap3A_80] : memref<1024x128xf32, #tpu.memory_space<vmem>>, vector<1024x128xf32>
    tpu.vector_store %arg12[%swap3A, %swap3A_80], %add3A_79 {strides = array<i32>} : memref<1024x128xf32, #tpu.memory_space<vmem>>, vector<1024x128xf32>,
    return
  }
  func.func @transform_0(%arg0: i32) -> (i32, i32) {
    %c0_i32 = arith.constant 0 : i32
    %c0_i32_0 = arith.constant 0 : i32
    return %arg0, %c0_i32 : i32, i32
  }
  func.func @transform_1(%arg0: i32) -> (i32, i32) {
    %c0_i32 = arith.constant 0 : i32
    %c0_i32_0 = arith.constant 0 : i32
    return %arg0, %c0_i32 : i32, i32
  }
  func.func @transform_2(%arg0: i32) -> (i32, i32) {
    %c0_i32 = arith.constant 0 : i32
    %c0_i32_0 = arith.constant 0 : i32
    %c0_i32_1 = arith.constant 0 : i32
    return %c0_i32, %c0_i32_0 : i32, i32
  }
  func.func @transform_3(%arg0: i32) -> (i32, i32) {
    %c0_i32 = arith.constant 0 : i32
    %c0_i32_0 = arith.constant 0 : i32
    %c0_i32_1 = arith.constant 0 : i32
    return %c0_i32, %c0_i32_0 : i32, i32
  }
  func.func @transform_4(%arg0: i32) -> (i32, i32) {
    %c0_i32 = arith.constant 0 : i32
    %c0_i32_0 = arith.constant 0 : i32
    %c0_i32_1 = arith.constant 0 : i32
    return %c0_i32, %c0_i32_0 : i32, i32
  }
  func.func @transform_5(%arg0: i32) -> (i32, i32) {
    %c0_i32 = arith.constant 0 : i32
    %c0_i32_0 = arith.constant 0 : i32
    %c0_i32_1 = arith.constant 0 : i32
    return %c0_i32, %c0_i32_0 : i32, i32
  }
  func.func @transform_6(%arg0: i32) -> (i32, i32) {
    %c0_i32 = arith.constant 0 : i32
    %c0_i32_0 = arith.constant 0 : i32
    %c0_i32_1 = arith.constant 0 : i32
    return %c0_i32, %c0_i32_0 : i32, i32
  }
  func.func @transform_7(%arg0: i32) -> (i32, i32) {
    %c0_i32 = arith.constant 0 : i32
    %c0_i32_0 = arith.constant 0 : i32
    %c0_i32_1 = arith.constant 0 : i32
    return %c0_i32, %c0_i32_0 : i32, i32
  }
  func.func @transform_8(%arg0: i32) -> (i32, i32) {
    %c0_i32 = arith.constant 0 : i32
    %c0_i32_0 = arith.constant 0 : i32
    %c0_i32_1 = arith.constant 0 : i32
    return %c0_i32, %c0_i32_0 : i32, i32
  }
  func.func @transform_9(%arg0: i32) -> (i32, i32) {
    %c0_i32 = arith.constant 0 : i32
    %c0_i32_0 = arith.constant 0 : i32
    %c0_i32_1 = arith.constant 0 : i32
    return %c0_i32, %c0_i32_0 : i32, i32
  }
  func.func @transform_10(%arg0: i32) -> (i32, i32) {
    %c0_i32 = arith.constant 0 : i32
    %c0_i32_0 = arith.constant 0 : i32
    %c0_i32_1 = arith.constant 0 : i32
    return %c0_i32, %c0_i32_0 : i32, i32
  }
  func.func @transform_11(%arg0: i32) -> (i32, i32) {
    %c0_i32 = arith.constant 0 : i32
    %c0_i32_0 = arith.constant 0 : i32
    return %arg0, %c0_i32 : i32, i32
  }
}

module attributes {stable_mosaic.version = 14 : i64} {
  func.func @_edge_proc_body(%arg0: i32, %arg1: memref<1024x128xf32, #tpu.memory_space<vmem>>, %arg2: memref<1024x128xf32, #tpu.memory_space<vmem>>, %arg3: memref<1024x128xf32, #tpu.memory_space<vmem>>, %arg4: memref<128x128xf32, #tpu.memory_space<vmem>>, %arg5: memref<1x128xf32, #tpu.memory_space<vmem>>, %arg6: memref<128x128xf32, #tpu.memory_space<vmem>>, %arg7: memref<1x128xf32, #tpu.memory_space<vmem>>, %arg8: memref<128x128xf32, #tpu.memory_space<vmem>>, %arg9: memref<1x128xf32, #tpu.memory_space<vmem>>, %arg10: memref<1x128xf32, #tpu.memory_space<vmem>>, %arg11: memref<1x128xf32, #tpu.memory_space<vmem>>, %arg12: memref<1024x128xf32, #tpu.memory_space<vmem>>, %arg13: memref<1024x128xf32, #tpu.memory_space<vmem>>) attributes {dimension_semantics = [#tpu.dimension_semantics<arbitrary>], iteration_bounds = array<i64: 160>, scalar_prefetch = 0 : i64, scratch_operands = 0 : i64, tpu.core_type = #tpu.core_type<tc>, window_params = [{transform_indices = @transform_0, window_bounds = array<i64: 1024, 128>}, {transform_indices = @transform_1, window_bounds = array<i64: 1024, 128>}, {transform_indices = @transform_2, window_bounds = array<i64: 1024, 128>}, {pipeline_mode = #tpu.pipeline_mode<synchronous>, transform_indices = @transform_3, window_bounds = array<i64: 128, 128>}, {pipeline_mode = #tpu.pipeline_mode<synchronous>, transform_indices = @transform_4, window_bounds = array<i64: 1, 128>}, {pipeline_mode = #tpu.pipeline_mode<synchronous>, transform_indices = @transform_5, window_bounds = array<i64: 128, 128>}, {pipeline_mode = #tpu.pipeline_mode<synchronous>, transform_indices = @transform_6, window_bounds = array<i64: 1, 128>}, {pipeline_mode = #tpu.pipeline_mode<synchronous>, transform_indices = @transform_7, window_bounds = array<i64: 128, 128>}, {pipeline_mode = #tpu.pipeline_mode<synchronous>, transform_indices = @transform_8, window_bounds = array<i64: 1, 128>}, {pipeline_mode = #tpu.pipeline_mode<synchronous>, transform_indices = @transform_9, window_bounds = array<i64: 1, 128>}, {pipeline_mode = #tpu.pipeline_mode<synchronous>, transform_indices = @transform_10, window_bounds = array<i64: 1, 128>}, {transform_indices = @transform_11, window_bounds = array<i64: 1024, 128>}, {transform_indices = @transform_12, window_bounds = array<i64: 1024, 128>}]} {
    %get3A = arith.constant 0 : index
    %get3A_0 = arith.constant 0 : index
    %get3A_1 = vector.load %arg3[%get3A, %get3A_0] : memref<1024x128xf32, #tpu.memory_space<vmem>>, vector<1024x128xf32>
    %get3A_2 = arith.constant 0 : index
    %get3A_3 = arith.constant 0 : index
    %get3A_4 = vector.load %arg1[%get3A_2, %get3A_3] : memref<1024x128xf32, #tpu.memory_space<vmem>>, vector<1024x128xf32>
    %get3A_5 = arith.constant 0 : index
    %get3A_6 = arith.constant 0 : index
    %get3A_7 = vector.load %arg2[%get3A_5, %get3A_6] : memref<1024x128xf32, #tpu.memory_space<vmem>>, vector<1024x128xf32>
    %add3A = arith.addf %get3A_4, %get3A_7 : vector<1024x128xf32>
    %get3A_8 = arith.constant 0 : index
    %get3A_9 = arith.constant 0 : index
    %get3A_10 = vector.load %arg4[%get3A_8, %get3A_9] : memref<128x128xf32, #tpu.memory_space<vmem>>, vector<128x128xf32>
    %dot_general3A = arith.constant dense<0.000000e+00> : vector<1024x128xf32>
    %dot_general3A_11 = tpu.matmul %get3A_1, %get3A_10, %dot_general3A {dimension_numbers = #tpu.dot_dimension_numbers<[1], [0], [0], [1], [0, 0, 1, 1], [], []>, transpose_lhs_hint = false} : vector<1024x128xf32>, vector<128x128xf32>, vector<1024x128xf32> -> vector<1024x128xf32>
    %add3A_12 = arith.addf %add3A, %dot_general3A_11 : vector<1024x128xf32>
    %get3A_13 = arith.constant 0 : index
    %get3A_14 = arith.constant 0 : index
    %get3A_15 = vector.load %arg5[%get3A_13, %get3A_14] : memref<1x128xf32, #tpu.memory_space<vmem>>, vector<1x128xf32>
    %add3A_16 = vector.broadcast %get3A_15 : vector<1x128xf32> to vector<1024x128xf32>
    %add3A_17 = arith.addf %add3A_12, %add3A_16 : vector<1024x128xf32>
    %max3A = arith.constant 0.000000e+00 : f32
    %max3A_18 = vector.broadcast %max3A : f32 to vector<1024x128xf32>
    %max3A_19 = arith.maximumf %add3A_17, %max3A_18 : vector<1024x128xf32>
    %get3A_20 = arith.constant 0 : index
    %get3A_21 = arith.constant 0 : index
    %get3A_22 = vector.load %arg6[%get3A_20, %get3A_21] : memref<128x128xf32, #tpu.memory_space<vmem>>, vector<128x128xf32>
    %dot_general3A_23 = arith.constant dense<0.000000e+00> : vector<1024x128xf32>
    %dot_general3A_24 = tpu.matmul %max3A_19, %get3A_22, %dot_general3A_23 {dimension_numbers = #tpu.dot_dimension_numbers<[1], [0], [0], [1], [0, 0, 1, 1], [], []>, transpose_lhs_hint = false} : vector<1024x128xf32>, vector<128x128xf32>, vector<1024x128xf32> -> vector<1024x128xf32>
    %get3A_25 = arith.constant 0 : index
    %get3A_26 = arith.constant 0 : index
    %get3A_27 = vector.load %arg7[%get3A_25, %get3A_26] : memref<1x128xf32, #tpu.memory_space<vmem>>, vector<1x128xf32>
    %add3A_28 = vector.broadcast %get3A_27 : vector<1x128xf32> to vector<1024x128xf32>
    %add3A_29 = arith.addf %dot_general3A_24, %add3A_28 : vector<1024x128xf32>
    %max3A_30 = arith.constant 0.000000e+00 : f32
    %max3A_31 = vector.broadcast %max3A_30 : f32 to vector<1024x128xf32>
    %max3A_32 = arith.maximumf %add3A_29, %max3A_31 : vector<1024x128xf32>
    %get3A_33 = arith.constant 0 : index
    %get3A_34 = arith.constant 0 : index
    %get3A_35 = vector.load %arg8[%get3A_33, %get3A_34] : memref<128x128xf32, #tpu.memory_space<vmem>>, vector<128x128xf32>
    %dot_general3A_36 = arith.constant dense<0.000000e+00> : vector<1024x128xf32>
    %dot_general3A_37 = tpu.matmul %max3A_32, %get3A_35, %dot_general3A_36 {dimension_numbers = #tpu.dot_dimension_numbers<[1], [0], [0], [1], [0, 0, 1, 1], [], []>, transpose_lhs_hint = false} : vector<1024x128xf32>, vector<128x128xf32>, vector<1024x128xf32> -> vector<1024x128xf32>
    %get3A_38 = arith.constant 0 : index
    %get3A_39 = arith.constant 0 : index
    %get3A_40 = vector.load %arg9[%get3A_38, %get3A_39] : memref<1x128xf32, #tpu.memory_space<vmem>>, vector<1x128xf32>
    %add3A_41 = vector.broadcast %get3A_40 : vector<1x128xf32> to vector<1024x128xf32>
    %add3A_42 = arith.addf %dot_general3A_37, %add3A_41 : vector<1024x128xf32>
    %get3A_43 = arith.constant 0 : index
    %get3A_44 = arith.constant 0 : index
    %get3A_45 = vector.load %arg10[%get3A_43, %get3A_44] : memref<1x128xf32, #tpu.memory_space<vmem>>, vector<1x128xf32>
    %get3A_46 = arith.constant 0 : index
    %get3A_47 = arith.constant 0 : index
    %get3A_48 = vector.load %arg11[%get3A_46, %get3A_47] : memref<1x128xf32, #tpu.memory_space<vmem>>, vector<1x128xf32>
    %reduce_sum3A = arith.constant dense<0.000000e+00> : vector<1024xf32>
    %reduce_sum3A_49 = vector.multi_reduction <add>, %add3A_42, %reduce_sum3A [1] : vector<1024x128xf32> to vector<1024xf32>
    %broadcast_in_dim3A = vector.shape_cast %reduce_sum3A_49 : vector<1024xf32> to vector<1024x1xf32>
    %div3A = arith.constant 1.280000e+02 : f32
    %div3A_50 = vector.broadcast %div3A : f32 to vector<1024x1xf32>
    %div3A_51 = arith.divf %broadcast_in_dim3A, %div3A_50 : vector<1024x1xf32>
    %sub3A = vector.broadcast %div3A_51 : vector<1024x1xf32> to vector<1024x128xf32>
    %sub3A_52 = arith.subf %add3A_42, %sub3A : vector<1024x128xf32>
    %mul3A = arith.mulf %sub3A_52, %sub3A_52 : vector<1024x128xf32>
    %reduce_sum3A_53 = arith.constant dense<0.000000e+00> : vector<1024xf32>
    %reduce_sum3A_54 = vector.multi_reduction <add>, %mul3A, %reduce_sum3A_53 [1] : vector<1024x128xf32> to vector<1024xf32>
    %broadcast_in_dim3A_55 = vector.shape_cast %reduce_sum3A_54 : vector<1024xf32> to vector<1024x1xf32>
    %div3A_56 = arith.constant 1.280000e+02 : f32
    %div3A_57 = vector.broadcast %div3A_56 : f32 to vector<1024x1xf32>
    %div3A_58 = arith.divf %broadcast_in_dim3A_55, %div3A_57 : vector<1024x1xf32>
    %add3A_59 = arith.constant 9.99999974E-6 : f32
    %add3A_60 = vector.broadcast %add3A_59 : f32 to vector<1024x1xf32>
    %add3A_61 = arith.addf %div3A_58, %add3A_60 : vector<1024x1xf32>
    %sqrt3A = math.sqrt %add3A_61 : vector<1024x1xf32>
    %div3A_62 = vector.broadcast %sqrt3A : vector<1024x1xf32> to vector<1024x128xf32>
    %div3A_63 = arith.divf %sub3A_52, %div3A_62 : vector<1024x128xf32>
    %mul3A_64 = vector.broadcast %get3A_45 : vector<1x128xf32> to vector<1024x128xf32>
    %mul3A_65 = arith.mulf %div3A_63, %mul3A_64 : vector<1024x128xf32>
    %add3A_66 = vector.broadcast %get3A_48 : vector<1x128xf32> to vector<1024x128xf32>
    %add3A_67 = arith.addf %mul3A_65, %add3A_66 : vector<1024x128xf32>
    %mul3A_68 = arith.constant 1024 : i32
    %mul3A_69 = arith.muli %arg0, %mul3A_68 : i32
    %iota3A = tpu.iota {dimensions = array<i32: 0>} : vector<1024x1xi32>
    %add3A_70 = vector.broadcast %mul3A_69 : i32 to vector<1024x1xi32>
    %add3A_71 = arith.addi %add3A_70, %iota3A : vector<1024x1xi32>
    %lt3A = arith.constant 160000 : i32
    %lt3A_72 = vector.broadcast %lt3A : i32 to vector<1024x1xi32>
    %lt3A_73 = arith.cmpi slt, %add3A_71, %lt3A_72 : vector<1024x1xi32>
    %jit3A = arith.constant 0.000000e+00 : f32
    %broadcast_in_dim3A_74 = vector.shape_cast %lt3A_73 : vector<1024x1xi1> to vector<1024x1xi1>
    %broadcast_in_dim3A_75 = vector.broadcast %broadcast_in_dim3A_74 : vector<1024x1xi1> to vector<1024x128xi1>
    %broadcast_in_dim3A_76 = vector.broadcast %jit3A : f32 to vector<1024x128xf32>
    %select_n3A = arith.select %broadcast_in_dim3A_75, %add3A_67, %broadcast_in_dim3A_76 : vector<1024x128xi1>, vector<1024x128xf32>
    %swap3A = arith.constant 0 : index
    %swap3A_77 = arith.constant 0 : index
    %swap3A_78 = vector.load %arg12[%swap3A, %swap3A_77] : memref<1024x128xf32, #tpu.memory_space<vmem>>, vector<1024x128xf32>
    tpu.vector_store %arg12[%swap3A, %swap3A_77], %select_n3A {strides = array<i32>} : memref<1024x128xf32, #tpu.memory_space<vmem>>, vector<1024x128xf32>,
    %add3A_79 = arith.addf %get3A_1, %select_n3A : vector<1024x128xf32>
    %swap3A_80 = arith.constant 0 : index
    %swap3A_81 = arith.constant 0 : index
    %swap3A_82 = vector.load %arg13[%swap3A_80, %swap3A_81] : memref<1024x128xf32, #tpu.memory_space<vmem>>, vector<1024x128xf32>
    tpu.vector_store %arg13[%swap3A_80, %swap3A_81], %add3A_79 {strides = array<i32>} : memref<1024x128xf32, #tpu.memory_space<vmem>>, vector<1024x128xf32>,
    return
  }
  func.func @transform_0(%arg0: i32) -> (i32, i32) {
    %c0_i32 = arith.constant 0 : i32
    %c0_i32_0 = arith.constant 0 : i32
    return %arg0, %c0_i32 : i32, i32
  }
  func.func @transform_1(%arg0: i32) -> (i32, i32) {
    %c0_i32 = arith.constant 0 : i32
    %c0_i32_0 = arith.constant 0 : i32
    return %arg0, %c0_i32 : i32, i32
  }
  func.func @transform_2(%arg0: i32) -> (i32, i32) {
    %c0_i32 = arith.constant 0 : i32
    %c0_i32_0 = arith.constant 0 : i32
    return %arg0, %c0_i32 : i32, i32
  }
  func.func @transform_3(%arg0: i32) -> (i32, i32) {
    %c0_i32 = arith.constant 0 : i32
    %c0_i32_0 = arith.constant 0 : i32
    %c0_i32_1 = arith.constant 0 : i32
    return %c0_i32, %c0_i32_0 : i32, i32
  }
  func.func @transform_4(%arg0: i32) -> (i32, i32) {
    %c0_i32 = arith.constant 0 : i32
    %c0_i32_0 = arith.constant 0 : i32
    %c0_i32_1 = arith.constant 0 : i32
    return %c0_i32, %c0_i32_0 : i32, i32
  }
  func.func @transform_5(%arg0: i32) -> (i32, i32) {
    %c0_i32 = arith.constant 0 : i32
    %c0_i32_0 = arith.constant 0 : i32
    %c0_i32_1 = arith.constant 0 : i32
    return %c0_i32, %c0_i32_0 : i32, i32
  }
  func.func @transform_6(%arg0: i32) -> (i32, i32) {
    %c0_i32 = arith.constant 0 : i32
    %c0_i32_0 = arith.constant 0 : i32
    %c0_i32_1 = arith.constant 0 : i32
    return %c0_i32, %c0_i32_0 : i32, i32
  }
  func.func @transform_7(%arg0: i32) -> (i32, i32) {
    %c0_i32 = arith.constant 0 : i32
    %c0_i32_0 = arith.constant 0 : i32
    %c0_i32_1 = arith.constant 0 : i32
    return %c0_i32, %c0_i32_0 : i32, i32
  }
  func.func @transform_8(%arg0: i32) -> (i32, i32) {
    %c0_i32 = arith.constant 0 : i32
    %c0_i32_0 = arith.constant 0 : i32
    %c0_i32_1 = arith.constant 0 : i32
    return %c0_i32, %c0_i32_0 : i32, i32
  }
  func.func @transform_9(%arg0: i32) -> (i32, i32) {
    %c0_i32 = arith.constant 0 : i32
    %c0_i32_0 = arith.constant 0 : i32
    %c0_i32_1 = arith.constant 0 : i32
    return %c0_i32, %c0_i32_0 : i32, i32
  }
  func.func @transform_10(%arg0: i32) -> (i32, i32) {
    %c0_i32 = arith.constant 0 : i32
    %c0_i32_0 = arith.constant 0 : i32
    %c0_i32_1 = arith.constant 0 : i32
    return %c0_i32, %c0_i32_0 : i32, i32
  }
  func.func @transform_11(%arg0: i32) -> (i32, i32) {
    %c0_i32 = arith.constant 0 : i32
    %c0_i32_0 = arith.constant 0 : i32
    return %arg0, %c0_i32 : i32, i32
  }
  func.func @transform_12(%arg0: i32) -> (i32, i32) {
    %c0_i32 = arith.constant 0 : i32
    %c0_i32_0 = arith.constant 0 : i32
    return %arg0, %c0_i32 : i32, i32
  }
}

module attributes {stable_mosaic.version = 14 : i64} {
  func.func @body(%arg0: i32, %arg1: memref<1024x128xf32, #tpu.memory_space<vmem>>, %arg2: memref<1x1024x128xf32, #tpu.memory_space<vmem>>, %arg3: memref<1x1024x128xf32, #tpu.memory_space<vmem>>, %arg4: memref<128x128xf32, #tpu.memory_space<vmem>>, %arg5: memref<128x128xf32, #tpu.memory_space<vmem>>, %arg6: memref<1x128xf32, #tpu.memory_space<vmem>>, %arg7: memref<128x128xf32, #tpu.memory_space<vmem>>, %arg8: memref<1x128xf32, #tpu.memory_space<vmem>>, %arg9: memref<128x128xf32, #tpu.memory_space<vmem>>, %arg10: memref<1x128xf32, #tpu.memory_space<vmem>>, %arg11: memref<1x128xf32, #tpu.memory_space<vmem>>, %arg12: memref<1x128xf32, #tpu.memory_space<vmem>>, %arg13: memref<128x128xf32, #tpu.memory_space<vmem>>, %arg14: memref<128x128xf32, #tpu.memory_space<vmem>>, %arg15: memref<1024x128xf32, #tpu.memory_space<vmem>>, %arg16: memref<1024x128xf32, #tpu.memory_space<vmem>>, %arg17: memref<1024x128xf32, #tpu.memory_space<vmem>>) attributes {dimension_semantics = [#tpu.dimension_semantics<arbitrary>], iteration_bounds = array<i64: 10>, scalar_prefetch = 0 : i64, scratch_operands = 0 : i64, tpu.core_type = #tpu.core_type<tc>, window_params = [{transform_indices = @transform_0, window_bounds = array<i64: 1024, 128>}, {transform_indices = @transform_1, window_bounds = array<i64: 1, 1024, 128>}, {transform_indices = @transform_2, window_bounds = array<i64: 1, 1024, 128>}, {pipeline_mode = #tpu.pipeline_mode<synchronous>, transform_indices = @transform_3, window_bounds = array<i64: 128, 128>}, {pipeline_mode = #tpu.pipeline_mode<synchronous>, transform_indices = @transform_4, window_bounds = array<i64: 128, 128>}, {pipeline_mode = #tpu.pipeline_mode<synchronous>, transform_indices = @transform_5, window_bounds = array<i64: 1, 128>}, {pipeline_mode = #tpu.pipeline_mode<synchronous>, transform_indices = @transform_6, window_bounds = array<i64: 128, 128>}, {pipeline_mode = #tpu.pipeline_mode<synchronous>, transform_indices = @transform_7, window_bounds = array<i64: 1, 128>}, {pipeline_mode = #tpu.pipeline_mode<synchronous>, transform_indices = @transform_8, window_bounds = array<i64: 128, 128>}, {pipeline_mode = #tpu.pipeline_mode<synchronous>, transform_indices = @transform_9, window_bounds = array<i64: 1, 128>}, {pipeline_mode = #tpu.pipeline_mode<synchronous>, transform_indices = @transform_10, window_bounds = array<i64: 1, 128>}, {pipeline_mode = #tpu.pipeline_mode<synchronous>, transform_indices = @transform_11, window_bounds = array<i64: 1, 128>}, {pipeline_mode = #tpu.pipeline_mode<synchronous>, transform_indices = @transform_12, window_bounds = array<i64: 128, 128>}, {pipeline_mode = #tpu.pipeline_mode<synchronous>, transform_indices = @transform_13, window_bounds = array<i64: 128, 128>}, {transform_indices = @transform_14, window_bounds = array<i64: 1024, 128>}, {transform_indices = @transform_15, window_bounds = array<i64: 1024, 128>}, {transform_indices = @transform_16, window_bounds = array<i64: 1024, 128>}]} {
    %get3A = arith.constant 0 : index
    %get3A_0 = arith.constant 0 : index
    %get3A_1 = vector.load %arg1[%get3A, %get3A_0] : memref<1024x128xf32, #tpu.memory_space<vmem>>, vector<1024x128xf32>
    %get3A_2 = arith.constant 0 : index
    %get3A_3 = arith.constant 0 : index
    %get3A_4 = arith.constant 0 : index
    %get3A_5 = vector.load %arg2[%get3A_2, %get3A_3, %get3A_4] : memref<1x1024x128xf32, #tpu.memory_space<vmem>>, vector<1x1024x128xf32>
    %get3A_6 = vector.shape_cast %get3A_5 : vector<1x1024x128xf32> to vector<1024x128xf32>
    %get3A_7 = arith.constant 0 : index
    %get3A_8 = arith.constant 0 : index
    %get3A_9 = arith.constant 0 : index
    %get3A_10 = vector.load %arg3[%get3A_7, %get3A_8, %get3A_9] : memref<1x1024x128xf32, #tpu.memory_space<vmem>>, vector<1x1024x128xf32>
    %get3A_11 = vector.shape_cast %get3A_10 : vector<1x1024x128xf32> to vector<1024x128xf32>
    %add3A = arith.addf %get3A_6, %get3A_11 : vector<1024x128xf32>
    %get3A_12 = arith.constant 0 : index
    %get3A_13 = arith.constant 0 : index
    %get3A_14 = vector.load %arg4[%get3A_12, %get3A_13] : memref<128x128xf32, #tpu.memory_space<vmem>>, vector<128x128xf32>
    %dot_general3A = arith.constant dense<0.000000e+00> : vector<1024x128xf32>
    %dot_general3A_15 = tpu.matmul %get3A_1, %get3A_14, %dot_general3A {dimension_numbers = #tpu.dot_dimension_numbers<[1], [0], [0], [1], [0, 0, 1, 1], [], []>, transpose_lhs_hint = false} : vector<1024x128xf32>, vector<128x128xf32>, vector<1024x128xf32> -> vector<1024x128xf32>
    %get3A_16 = arith.constant 0 : index
    %get3A_17 = arith.constant 0 : index
    %get3A_18 = vector.load %arg5[%get3A_16, %get3A_17] : memref<128x128xf32, #tpu.memory_space<vmem>>, vector<128x128xf32>
    %dot_general3A_19 = arith.constant dense<0.000000e+00> : vector<1024x128xf32>
    %dot_general3A_20 = tpu.matmul %add3A, %get3A_18, %dot_general3A_19 {dimension_numbers = #tpu.dot_dimension_numbers<[1], [0], [0], [1], [0, 0, 1, 1], [], []>, transpose_lhs_hint = false} : vector<1024x128xf32>, vector<128x128xf32>, vector<1024x128xf32> -> vector<1024x128xf32>
    %add3A_21 = arith.addf %dot_general3A_15, %dot_general3A_20 : vector<1024x128xf32>
    %get3A_22 = arith.constant 0 : index
    %get3A_23 = arith.constant 0 : index
    %get3A_24 = vector.load %arg6[%get3A_22, %get3A_23] : memref<1x128xf32, #tpu.memory_space<vmem>>, vector<1x128xf32>
    %add3A_25 = vector.broadcast %get3A_24 : vector<1x128xf32> to vector<1024x128xf32>
    %add3A_26 = arith.addf %add3A_21, %add3A_25 : vector<1024x128xf32>
    %max3A = arith.constant 0.000000e+00 : f32
    %max3A_27 = vector.broadcast %max3A : f32 to vector<1024x128xf32>
    %max3A_28 = arith.maximumf %add3A_26, %max3A_27 : vector<1024x128xf32>
    %get3A_29 = arith.constant 0 : index
    %get3A_30 = arith.constant 0 : index
    %get3A_31 = vector.load %arg7[%get3A_29, %get3A_30] : memref<128x128xf32, #tpu.memory_space<vmem>>, vector<128x128xf32>
    %dot_general3A_32 = arith.constant dense<0.000000e+00> : vector<1024x128xf32>
    %dot_general3A_33 = tpu.matmul %max3A_28, %get3A_31, %dot_general3A_32 {dimension_numbers = #tpu.dot_dimension_numbers<[1], [0], [0], [1], [0, 0, 1, 1], [], []>, transpose_lhs_hint = false} : vector<1024x128xf32>, vector<128x128xf32>, vector<1024x128xf32> -> vector<1024x128xf32>
    %get3A_34 = arith.constant 0 : index
    %get3A_35 = arith.constant 0 : index
    %get3A_36 = vector.load %arg8[%get3A_34, %get3A_35] : memref<1x128xf32, #tpu.memory_space<vmem>>, vector<1x128xf32>
    %add3A_37 = vector.broadcast %get3A_36 : vector<1x128xf32> to vector<1024x128xf32>
    %add3A_38 = arith.addf %dot_general3A_33, %add3A_37 : vector<1024x128xf32>
    %max3A_39 = arith.constant 0.000000e+00 : f32
    %max3A_40 = vector.broadcast %max3A_39 : f32 to vector<1024x128xf32>
    %max3A_41 = arith.maximumf %add3A_38, %max3A_40 : vector<1024x128xf32>
    %get3A_42 = arith.constant 0 : index
    %get3A_43 = arith.constant 0 : index
    %get3A_44 = vector.load %arg9[%get3A_42, %get3A_43] : memref<128x128xf32, #tpu.memory_space<vmem>>, vector<128x128xf32>
    %dot_general3A_45 = arith.constant dense<0.000000e+00> : vector<1024x128xf32>
    %dot_general3A_46 = tpu.matmul %max3A_41, %get3A_44, %dot_general3A_45 {dimension_numbers = #tpu.dot_dimension_numbers<[1], [0], [0], [1], [0, 0, 1, 1], [], []>, transpose_lhs_hint = false} : vector<1024x128xf32>, vector<128x128xf32>, vector<1024x128xf32> -> vector<1024x128xf32>
    %get3A_47 = arith.constant 0 : index
    %get3A_48 = arith.constant 0 : index
    %get3A_49 = vector.load %arg10[%get3A_47, %get3A_48] : memref<1x128xf32, #tpu.memory_space<vmem>>, vector<1x128xf32>
    %add3A_50 = vector.broadcast %get3A_49 : vector<1x128xf32> to vector<1024x128xf32>
    %add3A_51 = arith.addf %dot_general3A_46, %add3A_50 : vector<1024x128xf32>
    %get3A_52 = arith.constant 0 : index
    %get3A_53 = arith.constant 0 : index
    %get3A_54 = vector.load %arg11[%get3A_52, %get3A_53] : memref<1x128xf32, #tpu.memory_space<vmem>>, vector<1x128xf32>
    %get3A_55 = arith.constant 0 : index
    %get3A_56 = arith.constant 0 : index
    %get3A_57 = vector.load %arg12[%get3A_55, %get3A_56] : memref<1x128xf32, #tpu.memory_space<vmem>>, vector<1x128xf32>
    %reduce_sum3A = arith.constant dense<0.000000e+00> : vector<1024xf32>
    %reduce_sum3A_58 = vector.multi_reduction <add>, %add3A_51, %reduce_sum3A [1] : vector<1024x128xf32> to vector<1024xf32>
    %broadcast_in_dim3A = vector.shape_cast %reduce_sum3A_58 : vector<1024xf32> to vector<1024x1xf32>
    %div3A = arith.constant 1.280000e+02 : f32
    %div3A_59 = vector.broadcast %div3A : f32 to vector<1024x1xf32>
    %div3A_60 = arith.divf %broadcast_in_dim3A, %div3A_59 : vector<1024x1xf32>
    %sub3A = vector.broadcast %div3A_60 : vector<1024x1xf32> to vector<1024x128xf32>
    %sub3A_61 = arith.subf %add3A_51, %sub3A : vector<1024x128xf32>
    %mul3A = arith.mulf %sub3A_61, %sub3A_61 : vector<1024x128xf32>
    %reduce_sum3A_62 = arith.constant dense<0.000000e+00> : vector<1024xf32>
    %reduce_sum3A_63 = vector.multi_reduction <add>, %mul3A, %reduce_sum3A_62 [1] : vector<1024x128xf32> to vector<1024xf32>
    %broadcast_in_dim3A_64 = vector.shape_cast %reduce_sum3A_63 : vector<1024xf32> to vector<1024x1xf32>
    %div3A_65 = arith.constant 1.280000e+02 : f32
    %div3A_66 = vector.broadcast %div3A_65 : f32 to vector<1024x1xf32>
    %div3A_67 = arith.divf %broadcast_in_dim3A_64, %div3A_66 : vector<1024x1xf32>
    %add3A_68 = arith.constant 9.99999974E-6 : f32
    %add3A_69 = vector.broadcast %add3A_68 : f32 to vector<1024x1xf32>
    %add3A_70 = arith.addf %div3A_67, %add3A_69 : vector<1024x1xf32>
    %sqrt3A = math.sqrt %add3A_70 : vector<1024x1xf32>
    %div3A_71 = vector.broadcast %sqrt3A : vector<1024x1xf32> to vector<1024x128xf32>
    %div3A_72 = arith.divf %sub3A_61, %div3A_71 : vector<1024x128xf32>
    %mul3A_73 = vector.broadcast %get3A_54 : vector<1x128xf32> to vector<1024x128xf32>
    %mul3A_74 = arith.mulf %div3A_72, %mul3A_73 : vector<1024x128xf32>
    %add3A_75 = vector.broadcast %get3A_57 : vector<1x128xf32> to vector<1024x128xf32>
    %add3A_76 = arith.addf %mul3A_74, %add3A_75 : vector<1024x128xf32>
    %add3A_77 = arith.addf %get3A_1, %add3A_76 : vector<1024x128xf32>
    %swap3A = arith.constant 0 : index
    %swap3A_78 = arith.constant 0 : index
    %swap3A_79 = vector.load %arg15[%swap3A, %swap3A_78] : memref<1024x128xf32, #tpu.memory_space<vmem>>, vector<1024x128xf32>
    tpu.vector_store %arg15[%swap3A, %swap3A_78], %add3A_77 {strides = array<i32>} : memref<1024x128xf32, #tpu.memory_space<vmem>>, vector<1024x128xf32>,
    %get3A_80 = arith.constant 0 : index
    %get3A_81 = arith.constant 0 : index
    %get3A_82 = vector.load %arg13[%get3A_80, %get3A_81] : memref<128x128xf32, #tpu.memory_space<vmem>>, vector<128x128xf32>
    %dot_general3A_83 = arith.constant dense<0.000000e+00> : vector<1024x128xf32>
    %dot_general3A_84 = tpu.matmul %add3A_77, %get3A_82, %dot_general3A_83 {dimension_numbers = #tpu.dot_dimension_numbers<[1], [0], [0], [1], [0, 0, 1, 1], [], []>, transpose_lhs_hint = false} : vector<1024x128xf32>, vector<128x128xf32>, vector<1024x128xf32> -> vector<1024x128xf32>
    %swap3A_85 = arith.constant 0 : index
    %swap3A_86 = arith.constant 0 : index
    %swap3A_87 = vector.load %arg16[%swap3A_85, %swap3A_86] : memref<1024x128xf32, #tpu.memory_space<vmem>>, vector<1024x128xf32>
    tpu.vector_store %arg16[%swap3A_85, %swap3A_86], %dot_general3A_84 {strides = array<i32>} : memref<1024x128xf32, #tpu.memory_space<vmem>>, vector<1024x128xf32>,
    %get3A_88 = arith.constant 0 : index
    %get3A_89 = arith.constant 0 : index
    %get3A_90 = vector.load %arg14[%get3A_88, %get3A_89] : memref<128x128xf32, #tpu.memory_space<vmem>>, vector<128x128xf32>
    %dot_general3A_91 = arith.constant dense<0.000000e+00> : vector<1024x128xf32>
    %dot_general3A_92 = tpu.matmul %add3A_77, %get3A_90, %dot_general3A_91 {dimension_numbers = #tpu.dot_dimension_numbers<[1], [0], [0], [1], [0, 0, 1, 1], [], []>, transpose_lhs_hint = false} : vector<1024x128xf32>, vector<128x128xf32>, vector<1024x128xf32> -> vector<1024x128xf32>
    %swap3A_93 = arith.constant 0 : index
    %swap3A_94 = arith.constant 0 : index
    %swap3A_95 = vector.load %arg17[%swap3A_93, %swap3A_94] : memref<1024x128xf32, #tpu.memory_space<vmem>>, vector<1024x128xf32>
    tpu.vector_store %arg17[%swap3A_93, %swap3A_94], %dot_general3A_92 {strides = array<i32>} : memref<1024x128xf32, #tpu.memory_space<vmem>>, vector<1024x128xf32>,
    return
  }
  func.func @transform_0(%arg0: i32) -> (i32, i32) {
    %c0_i32 = arith.constant 0 : i32
    %c0_i32_0 = arith.constant 0 : i32
    return %arg0, %c0_i32 : i32, i32
  }
  func.func @transform_1(%arg0: i32) -> (i32, i32, i32) {
    %c0_i32 = arith.constant 0 : i32
    %c0_i32_0 = arith.constant 0 : i32
    %c0_i32_1 = arith.constant 0 : i32
    return %c0_i32, %arg0, %c0_i32_0 : i32, i32, i32
  }
  func.func @transform_2(%arg0: i32) -> (i32, i32, i32) {
    %c1_i32 = arith.constant 1 : i32
    %c0_i32 = arith.constant 0 : i32
    %c0_i32_0 = arith.constant 0 : i32
    return %c1_i32, %arg0, %c0_i32 : i32, i32, i32
  }
  func.func @transform_3(%arg0: i32) -> (i32, i32) {
    %c0_i32 = arith.constant 0 : i32
    %c0_i32_0 = arith.constant 0 : i32
    %c0_i32_1 = arith.constant 0 : i32
    return %c0_i32, %c0_i32_0 : i32, i32
  }
  func.func @transform_4(%arg0: i32) -> (i32, i32) {
    %c0_i32 = arith.constant 0 : i32
    %c0_i32_0 = arith.constant 0 : i32
    %c0_i32_1 = arith.constant 0 : i32
    return %c0_i32, %c0_i32_0 : i32, i32
  }
  func.func @transform_5(%arg0: i32) -> (i32, i32) {
    %c0_i32 = arith.constant 0 : i32
    %c0_i32_0 = arith.constant 0 : i32
    %c0_i32_1 = arith.constant 0 : i32
    return %c0_i32, %c0_i32_0 : i32, i32
  }
  func.func @transform_6(%arg0: i32) -> (i32, i32) {
    %c0_i32 = arith.constant 0 : i32
    %c0_i32_0 = arith.constant 0 : i32
    %c0_i32_1 = arith.constant 0 : i32
    return %c0_i32, %c0_i32_0 : i32, i32
  }
  func.func @transform_7(%arg0: i32) -> (i32, i32) {
    %c0_i32 = arith.constant 0 : i32
    %c0_i32_0 = arith.constant 0 : i32
    %c0_i32_1 = arith.constant 0 : i32
    return %c0_i32, %c0_i32_0 : i32, i32
  }
  func.func @transform_8(%arg0: i32) -> (i32, i32) {
    %c0_i32 = arith.constant 0 : i32
    %c0_i32_0 = arith.constant 0 : i32
    %c0_i32_1 = arith.constant 0 : i32
    return %c0_i32, %c0_i32_0 : i32, i32
  }
  func.func @transform_9(%arg0: i32) -> (i32, i32) {
    %c0_i32 = arith.constant 0 : i32
    %c0_i32_0 = arith.constant 0 : i32
    %c0_i32_1 = arith.constant 0 : i32
    return %c0_i32, %c0_i32_0 : i32, i32
  }
  func.func @transform_10(%arg0: i32) -> (i32, i32) {
    %c0_i32 = arith.constant 0 : i32
    %c0_i32_0 = arith.constant 0 : i32
    %c0_i32_1 = arith.constant 0 : i32
    return %c0_i32, %c0_i32_0 : i32, i32
  }
  func.func @transform_11(%arg0: i32) -> (i32, i32) {
    %c0_i32 = arith.constant 0 : i32
    %c0_i32_0 = arith.constant 0 : i32
    %c0_i32_1 = arith.constant 0 : i32
    return %c0_i32, %c0_i32_0 : i32, i32
  }
  func.func @transform_12(%arg0: i32) -> (i32, i32) {
    %c0_i32 = arith.constant 0 : i32
    %c0_i32_0 = arith.constant 0 : i32
    %c0_i32_1 = arith.constant 0 : i32
    return %c0_i32, %c0_i32_0 : i32, i32
  }
  func.func @transform_13(%arg0: i32) -> (i32, i32) {
    %c0_i32 = arith.constant 0 : i32
    %c0_i32_0 = arith.constant 0 : i32
    %c0_i32_1 = arith.constant 0 : i32
    return %c0_i32, %c0_i32_0 : i32, i32
  }
  func.func @transform_14(%arg0: i32) -> (i32, i32) {
    %c0_i32 = arith.constant 0 : i32
    %c0_i32_0 = arith.constant 0 : i32
    return %arg0, %c0_i32 : i32, i32
  }
  func.func @transform_15(%arg0: i32) -> (i32, i32) {
    %c0_i32 = arith.constant 0 : i32
    %c0_i32_0 = arith.constant 0 : i32
    return %arg0, %c0_i32 : i32, i32
  }
  func.func @transform_16(%arg0: i32) -> (i32, i32) {
    %c0_i32 = arith.constant 0 : i32
    %c0_i32_0 = arith.constant 0 : i32
    return %arg0, %c0_i32 : i32, i32
  }
}

module attributes {stable_mosaic.version = 14 : i64} {
  func.func @_dec_body(%arg0: i32, %arg1: memref<1024x128xf32, #tpu.memory_space<vmem>>, %arg2: memref<1024x8xf32, #tpu.memory_space<vmem>>, %arg3: memref<1024x8xf32, #tpu.memory_space<vmem>>, %arg4: memref<128x128xf32, #tpu.memory_space<vmem>>, %arg5: memref<1x128xf32, #tpu.memory_space<vmem>>, %arg6: memref<128x128xf32, #tpu.memory_space<vmem>>, %arg7: memref<1x128xf32, #tpu.memory_space<vmem>>, %arg8: memref<128x8xf32, #tpu.memory_space<vmem>>, %arg9: memref<1x8xf32, #tpu.memory_space<vmem>>, %arg10: memref<1024x8xf32, #tpu.memory_space<vmem>>) attributes {dimension_semantics = [#tpu.dimension_semantics<arbitrary>], iteration_bounds = array<i64: 10>, scalar_prefetch = 0 : i64, scratch_operands = 0 : i64, tpu.core_type = #tpu.core_type<tc>, window_params = [{transform_indices = @transform_0, window_bounds = array<i64: 1024, 128>}, {transform_indices = @transform_1, window_bounds = array<i64: 1024, 8>}, {transform_indices = @transform_2, window_bounds = array<i64: 1024, 8>}, {pipeline_mode = #tpu.pipeline_mode<synchronous>, transform_indices = @transform_3, window_bounds = array<i64: 128, 128>}, {pipeline_mode = #tpu.pipeline_mode<synchronous>, transform_indices = @transform_4, window_bounds = array<i64: 1, 128>}, {pipeline_mode = #tpu.pipeline_mode<synchronous>, transform_indices = @transform_5, window_bounds = array<i64: 128, 128>}, {pipeline_mode = #tpu.pipeline_mode<synchronous>, transform_indices = @transform_6, window_bounds = array<i64: 1, 128>}, {pipeline_mode = #tpu.pipeline_mode<synchronous>, transform_indices = @transform_7, window_bounds = array<i64: 128, 8>}, {pipeline_mode = #tpu.pipeline_mode<synchronous>, transform_indices = @transform_8, window_bounds = array<i64: 1, 8>}, {transform_indices = @transform_9, window_bounds = array<i64: 1024, 8>}]} {
    %get3A = arith.constant 0 : index
    %get3A_0 = arith.constant 0 : index
    %get3A_1 = vector.load %arg1[%get3A, %get3A_0] : memref<1024x128xf32, #tpu.memory_space<vmem>>, vector<1024x128xf32>
    %get3A_2 = arith.constant 0 : index
    %get3A_3 = arith.constant 0 : index
    %get3A_4 = vector.load %arg4[%get3A_2, %get3A_3] : memref<128x128xf32, #tpu.memory_space<vmem>>, vector<128x128xf32>
    %dot_general3A = arith.constant dense<0.000000e+00> : vector<1024x128xf32>
    %dot_general3A_5 = tpu.matmul %get3A_1, %get3A_4, %dot_general3A {dimension_numbers = #tpu.dot_dimension_numbers<[1], [0], [0], [1], [0, 0, 1, 1], [], []>, transpose_lhs_hint = false} : vector<1024x128xf32>, vector<128x128xf32>, vector<1024x128xf32> -> vector<1024x128xf32>
    %get3A_6 = arith.constant 0 : index
    %get3A_7 = arith.constant 0 : index
    %get3A_8 = vector.load %arg5[%get3A_6, %get3A_7] : memref<1x128xf32, #tpu.memory_space<vmem>>, vector<1x128xf32>
    %add3A = vector.broadcast %get3A_8 : vector<1x128xf32> to vector<1024x128xf32>
    %add3A_9 = arith.addf %dot_general3A_5, %add3A : vector<1024x128xf32>
    %max3A = arith.constant 0.000000e+00 : f32
    %max3A_10 = vector.broadcast %max3A : f32 to vector<1024x128xf32>
    %max3A_11 = arith.maximumf %add3A_9, %max3A_10 : vector<1024x128xf32>
    %get3A_12 = arith.constant 0 : index
    %get3A_13 = arith.constant 0 : index
    %get3A_14 = vector.load %arg6[%get3A_12, %get3A_13] : memref<128x128xf32, #tpu.memory_space<vmem>>, vector<128x128xf32>
    %dot_general3A_15 = arith.constant dense<0.000000e+00> : vector<1024x128xf32>
    %dot_general3A_16 = tpu.matmul %max3A_11, %get3A_14, %dot_general3A_15 {dimension_numbers = #tpu.dot_dimension_numbers<[1], [0], [0], [1], [0, 0, 1, 1], [], []>, transpose_lhs_hint = false} : vector<1024x128xf32>, vector<128x128xf32>, vector<1024x128xf32> -> vector<1024x128xf32>
    %get3A_17 = arith.constant 0 : index
    %get3A_18 = arith.constant 0 : index
    %get3A_19 = vector.load %arg7[%get3A_17, %get3A_18] : memref<1x128xf32, #tpu.memory_space<vmem>>, vector<1x128xf32>
    %add3A_20 = vector.broadcast %get3A_19 : vector<1x128xf32> to vector<1024x128xf32>
    %add3A_21 = arith.addf %dot_general3A_16, %add3A_20 : vector<1024x128xf32>
    %max3A_22 = arith.constant 0.000000e+00 : f32
    %max3A_23 = vector.broadcast %max3A_22 : f32 to vector<1024x128xf32>
    %max3A_24 = arith.maximumf %add3A_21, %max3A_23 : vector<1024x128xf32>
    %get3A_25 = arith.constant 0 : index
    %get3A_26 = arith.constant 0 : index
    %get3A_27 = vector.load %arg8[%get3A_25, %get3A_26] : memref<128x8xf32, #tpu.memory_space<vmem>>, vector<128x8xf32>
    %dot_general3A_28 = arith.constant dense<0.000000e+00> : vector<1024x8xf32>
    %dot_general3A_29 = tpu.matmul %max3A_24, %get3A_27, %dot_general3A_28 {dimension_numbers = #tpu.dot_dimension_numbers<[1], [0], [0], [1], [0, 0, 1, 1], [], []>, transpose_lhs_hint = false} : vector<1024x128xf32>, vector<128x8xf32>, vector<1024x8xf32> -> vector<1024x8xf32>
    %get3A_30 = arith.constant 0 : index
    %get3A_31 = arith.constant 0 : index
    %get3A_32 = vector.load %arg9[%get3A_30, %get3A_31] : memref<1x8xf32, #tpu.memory_space<vmem>>, vector<1x8xf32>
    %add3A_33 = vector.broadcast %get3A_32 : vector<1x8xf32> to vector<1024x8xf32>
    %add3A_34 = arith.addf %dot_general3A_29, %add3A_33 : vector<1024x8xf32>
    %mul3A = arith.constant 1.000000e+00 : f32
    %mul3A_35 = vector.broadcast %mul3A : f32 to vector<1024x8xf32>
    %mul3A_36 = arith.mulf %add3A_34, %mul3A_35 : vector<1024x8xf32>
    %add3A_37 = arith.constant 0.000000e+00 : f32
    %add3A_38 = vector.broadcast %add3A_37 : f32 to vector<1024x8xf32>
    %add3A_39 = arith.addf %mul3A_36, %add3A_38 : vector<1024x8xf32>
    %get3A_40 = arith.constant 0 : index
    %get3A_41 = arith.constant 0 : index
    %get3A_42 = vector.load %arg2[%get3A_40, %get3A_41] : memref<1024x8xf32, #tpu.memory_space<vmem>>, vector<1024x8xf32>
    %mul3A_43 = arith.constant 2.000000e+00 : f32
    %mul3A_44 = vector.broadcast %mul3A_43 : f32 to vector<1024x8xf32>
    %mul3A_45 = arith.mulf %mul3A_44, %get3A_42 : vector<1024x8xf32>
    %get3A_46 = arith.constant 0 : index
    %get3A_47 = arith.constant 0 : index
    %get3A_48 = vector.load %arg3[%get3A_46, %get3A_47] : memref<1024x8xf32, #tpu.memory_space<vmem>>, vector<1024x8xf32>
    %sub3A = arith.subf %mul3A_45, %get3A_48 : vector<1024x8xf32>
    %add3A_49 = arith.addf %sub3A, %add3A_39 : vector<1024x8xf32>
    %swap3A = arith.constant 0 : index
    %swap3A_50 = arith.constant 0 : index
    %swap3A_51 = vector.load %arg10[%swap3A, %swap3A_50] : memref<1024x8xf32, #tpu.memory_space<vmem>>, vector<1024x8xf32>
    tpu.vector_store %arg10[%swap3A, %swap3A_50], %add3A_49 {strides = array<i32>} : memref<1024x8xf32, #tpu.memory_space<vmem>>, vector<1024x8xf32>,
    return
  }
  func.func @transform_0(%arg0: i32) -> (i32, i32) {
    %c0_i32 = arith.constant 0 : i32
    %c0_i32_0 = arith.constant 0 : i32
    return %arg0, %c0_i32 : i32, i32
  }
  func.func @transform_1(%arg0: i32) -> (i32, i32) {
    %c0_i32 = arith.constant 0 : i32
    %c0_i32_0 = arith.constant 0 : i32
    return %arg0, %c0_i32 : i32, i32
  }
  func.func @transform_2(%arg0: i32) -> (i32, i32) {
    %c0_i32 = arith.constant 0 : i32
    %c0_i32_0 = arith.constant 0 : i32
    return %arg0, %c0_i32 : i32, i32
  }
  func.func @transform_3(%arg0: i32) -> (i32, i32) {
    %c0_i32 = arith.constant 0 : i32
    %c0_i32_0 = arith.constant 0 : i32
    %c0_i32_1 = arith.constant 0 : i32
    return %c0_i32, %c0_i32_0 : i32, i32
  }
  func.func @transform_4(%arg0: i32) -> (i32, i32) {
    %c0_i32 = arith.constant 0 : i32
    %c0_i32_0 = arith.constant 0 : i32
    %c0_i32_1 = arith.constant 0 : i32
    return %c0_i32, %c0_i32_0 : i32, i32
  }
  func.func @transform_5(%arg0: i32) -> (i32, i32) {
    %c0_i32 = arith.constant 0 : i32
    %c0_i32_0 = arith.constant 0 : i32
    %c0_i32_1 = arith.constant 0 : i32
    return %c0_i32, %c0_i32_0 : i32, i32
  }
  func.func @transform_6(%arg0: i32) -> (i32, i32) {
    %c0_i32 = arith.constant 0 : i32
    %c0_i32_0 = arith.constant 0 : i32
    %c0_i32_1 = arith.constant 0 : i32
    return %c0_i32, %c0_i32_0 : i32, i32
  }
  func.func @transform_7(%arg0: i32) -> (i32, i32) {
    %c0_i32 = arith.constant 0 : i32
    %c0_i32_0 = arith.constant 0 : i32
    %c0_i32_1 = arith.constant 0 : i32
    return %c0_i32, %c0_i32_0 : i32, i32
  }
  func.func @transform_8(%arg0: i32) -> (i32, i32) {
    %c0_i32 = arith.constant 0 : i32
    %c0_i32_0 = arith.constant 0 : i32
    %c0_i32_1 = arith.constant 0 : i32
    return %c0_i32, %c0_i32_0 : i32, i32
  }
  func.func @transform_9(%arg0: i32) -> (i32, i32) {
    %c0_i32 = arith.constant 0 : i32
    %c0_i32_0 = arith.constant 0 : i32
    return %arg0, %c0_i32 : i32, i32
  }
}

</mosaic_0001>

<sc_bundles>
// kernel: closed_call.31.cloned.1.call-start
scs
__scs_entry_jumppad:
0x0: {  	(pc) =	sbr.rel $0x88, $3  }
0x1: {  	(tag) =	ssettag $0x0;
	lr =	simm.s32 $0x1  }
0x2: {  	[smem:$0x3EE7] =	sst lr;
	_ =	strace $0xD0000000  }
0x3: {  	_ = 	snop  }
0x4: {  	_ = 	snop  }
0x5: {  	_ = 	snop  }
0x6: {  	_ = 	snop  }
0x7: {  	_ = 	snop  }
__scs_overlays_trampoline_lowered:
0x8: {  	[smem:$0x3EF6] =	sst s0  }
0x9: {  	[smem:$0x3EF7] =	sst s1  }
0xa: {  	[smem:$0x3EF8] =	sst s2  }
0xb: {  	[smem:$0x3EF9] =	sst s3  }
0xc: {  	[smem:$0x3EFA] =	sst s4  }
0xd: {  	[smem:$0x3EFB] =	sst s5  }
0xe: {  	[smem:$0x3EFC] =	sst s6  }
0xf: {  	[smem:$0x3EFD] =	sst s7  }
0x10: {  	[smem:$0x3EFE] =	sst s8  }
0x11: {  	[smem:$0x3EFF] =	sst s9;
	s0 =	simm.s32 @!p0 $0x0  }
0x12: {  	s1 =	sld [smem:$0x3EE5];
	s0 =	simm.s32 @p0 $0x1  }
0x13: {  	[smem:$0x3F00] =	sst s0;
	s0 =	simm.s32 @!p1 $0x0  }
0x14: {  	s2 =	sld [smem:$0x3EE4];
	s0 =	simm.s32 @p1 $0x1  }
0x15: {  	[smem:$0x3F01] =	sst s0;
	s0 =	simm.s32 @!p2 $0x0  }
0x16: {  	s3 =	sld [smem:$0x3FDB];
	s0 =	simm.s32 @p2 $0x1  }
0x17: {  	s4 =	simm.s32 $0x1BF5;
	[smem:$0x3F03] =	sst s0  }
0x18: {  	s0 =	sld [smem:$0x3EE6];
	_ =	swait.ge [sflag:s4], $0x0  }
0x19: {  	s7 =	sld [smem:$0x3EE7]  }
0x1a: {  	s8 =	sadd.s32 $0xFFFFE003, lr  }
0x1b: {  	s9 =	sadd.s32 $0xFFFFFEF7, lr;
	s5 =	simm.s32 $0xFFFFFFFF;
	p2 =	slt.u32 s8, $0xFFFFF086  }
0x1c: {  	p1 =	slt.u32 s9, $0xF7A;
	s5 =	simm.s32 @!p2 $0x0  }
0x1d: {  	s5 =	simm.s32 @p1 $0x1;
	p0 =	seq.s32 s7, s2  }
0x1e: {  	s7 =	smul.u32 @!p0 $0xF7A, s2;
	p2 =	seq.s32 @!p0 s5, $0x0  }
0x1f: {  	s9 =	smul.u32 $0xF7A, s1;
	s8 =	simm.s32 @!p0 $0x1BF5;
	p2 =	por !p2, p0  }
0x20: {  	[sflag:s8] =	ssyncset.s32 @!p0 $0xFFFFF086;
	s6 =	sadd.s32 @!p0 s3, s7;
	s7 =	simm.s32 @!p0 $0x108  }
0x21: {  	s3 =	sadd.s32 s3, s9;
	s6 =	sadd.s32 @!p0 $0x88, s6;
	s7 =	simm.s32 @p2 $0x1082  }
0x22: {  	[simem:s7], [sflag:s8] =	dma.local @!p0 [hbm:s6], $0xF7A  }
0x23: {  	s9 =	sor.u32 $0xD0000000, s2;
	s6 =	simm.s32 $0x108;
	_ =	swait.ge @!p0 [sflag:s8], $0x0  }
0x24: {  	s3 =	sadd.s32 $0x88, s3;
	s6 =	simm.s32 @!p1 $0x1082;
	[sflag:s4] =	ssyncset.s32 $0xFFFFF086  }
0x25: {  	[simem:s6], [sflag:s4] =	dma.local [hbm:s3], $0xF7A  }
0x26: {  	[smem:$0x3EE7] =	sst s1;
	(tag) =	ssettag s2;
	_ =	strace s9  }
0x27: {  	s1 =	sld [smem:$0x3EF7]  }
0x28: {  	s2 =	sld [smem:$0x3EF8]  }
0x29: {  	s4 =	sld [smem:$0x3EFA]  }
0x2a: {  	p0 =	seq.s32 s5, $0x0;
	s5 =	sld [smem:$0x3EFB]  }
0x2b: {  	s6 =	sld [smem:$0x3EFC]  }
0x2c: {  	s7 =	sld [smem:$0x3EFD]  }
0x2d: {  	s3 =	simm.s32 $0x108;
	s8 =	sld [smem:$0x3EFE]  }
0x2e: {  	s3 =	simm.s32 @!p0 $0x1082;
	s9 =	sld [smem:$0x3EFF]  }
0x2f: {  	lr =	sadd.s32 s0, s3;
	s0 =	sld [smem:$0x3EF6]  }
0x30: {  	s3 =	sld [smem:$0x3EF9]  }
0x31: {  	[smem:$0x3F02] =	sst s10  }
0x32: {  	s10 =	sld [smem:$0x3F00];
	_ =	sdelay $0x3  }
0x33: {  	p0 =	seq.s32 s10, $0x1;
	s10 =	sld [smem:$0x3F02];
	_ =	sdelay $0x3  }
0x34: {  	[smem:$0x3F02] =	sst s10  }
0x35: {  	s10 =	sld [smem:$0x3F01];
	_ =	sdelay $0x3  }
0x36: {  	p1 =	seq.s32 s10, $0x1;
	s10 =	sld [smem:$0x3F02];
	_ =	sdelay $0x3  }
0x37: {  	[smem:$0x3F02] =	sst s10  }
0x38: {  	s10 =	sld [smem:$0x3F03]  }
0x39: {  	_ = 	snop;
	(pc) =	sbr.ind lr, $3  }
0x3a: {  	_ = 	snop  }
0x3b: {  	_ = 	snop  }
0x3c: {  	p2 =	seq.s32 s10, $0x1;
	s10 =	sld [smem:$0x3F02]  }
0x3d: {  	_ =	shalt  }
0x3e: {  	_ =	shalt  }
0x3f: {  	_ =	shalt  }
0x40: {  	_ =	shalt  }
0x41: {  	_ =	shalt  }
0x42: {  	_ =	shalt  }
0x43: {  	_ =	shalt  }
0x44: {  	_ =	shalt  }
0x45: {  	_ =	shalt  }
0x46: {  	_ =	shalt  }
0x47: {  	_ =	shalt  }
0x48: {  	_ =	shalt  }
0x49: {  	_ =	shalt  }
0x4a: {  	_ =	shalt  }
0x4b: {  	_ =	shalt  }
0x4c: {  	_ =	shalt  }
0x4d: {  	_ =	shalt  }
0x4e: {  	_ =	shalt  }
0x4f: {  	_ =	shalt  }
0x50: {  	_ =	shalt  }
0x51: {  	_ =	shalt  }
0x52: {  	_ =	shalt  }
0x53: {  	_ =	shalt  }
0x54: {  	_ =	shalt  }
0x55: {  	_ =	shalt  }
0x56: {  	_ =	shalt  }
0x57: {  	_ =	shalt  }
0x58: {  	_ =	shalt  }
0x59: {  	_ =	shalt  }
0x5a: {  	_ =	shalt  }
0x5b: {  	_ =	shalt  }
0x5c: {  	_ =	shalt  }
0x5d: {  	_ =	shalt  }
0x5e: {  	_ =	shalt  }
0x5f: {  	_ =	shalt  }
0x60: {  	_ =	shalt  }
0x61: {  	_ =	shalt  }
0x62: {  	_ =	shalt  }
0x63: {  	_ =	shalt  }
0x64: {  	_ =	shalt  }
0x65: {  	_ =	shalt  }
0x66: {  	_ =	shalt  }
0x67: {  	_ =	shalt  }
0x68: {  	_ =	shalt  }
0x69: {  	_ =	shalt  }
0x6a: {  	_ =	shalt  }
0x6b: {  	_ =	shalt  }
0x6c: {  	_ =	shalt  }
0x6d: {  	_ =	shalt  }
0x6e: {  	_ =	shalt  }
0x6f: {  	_ =	shalt  }
0x70: {  	_ =	shalt  }
0x71: {  	_ =	shalt  }
0x72: {  	_ =	shalt  }
0x73: {  	_ =	shalt  }
0x74: {  	_ =	shalt  }
0x75: {  	_ =	shalt  }
0x76: {  	_ =	shalt  }
0x77: {  	_ =	shalt  }
0x78: {  	_ =	shalt  }
0x79: {  	_ =	shalt  }
0x7a: {  	_ =	shalt  }
0x7b: {  	_ =	shalt  }
0x7c: {  	_ =	shalt  }
0x7d: {  	_ =	shalt  }
0x7e: {  	_ =	shalt  }
0x7f: {  	_ =	shalt  }
0x80: {  	_ =	shalt  }
0x81: {  	_ =	shalt  }
0x82: {  	_ =	shalt  }
0x83: {  	_ =	shalt  }
0x84: {  	_ =	shalt  }
0x85: {  	_ =	shalt  }
0x86: {  	_ =	shalt  }
0x87: {  	_ =	shalt  }
.Lfunc_end0:
.L_simem_size_0:
called_computation_lowered:
.L_overlay_start_0:
0x88: {  	s2 =	sld [smem:$0x3FD9]  }
0x89: {  	s3 =	sld [smem:$0x3FFE];
	_ =	sdelay $0x1  }
0x8a: {  	s1 =	srdreg.scid  }
0x8b: {  	s0 =	sand.u32 $0x1, s1  }
0x8c: {  	s16 =	sshll.u32 s0, $0xA;
	s2 =	sadd.s32 s3, s2  }
0x8d: {  	s2 =	sadd.s32 s2, s16  }
0x8e: {  	[smem:$0x3F0E] =	sst s2  }
0x8f: {  	_ = 	snop  }
0x90: {  	(tm) =	ssettm $0x1  }
0x91: {  	s17 =	sld [smem:$0x3FFB];
	_ =	sdelay $0x3  }
0x92: {  	_ =	strace s17  }
0x93: {  	s2 =	sld [smem:$0x3FFC];
	_ =	sdelay $0x3  }
0x94: {  	_ =	strace s2  }
0x95: {  	s2 =	sld [smem:$0x3FFD];
	_ =	sdelay $0x3  }
0x96: {  	_ =	strace s2  }
0x97: {  	_ =	strace $0x8FFFFFFF  }
0x98: {  	s18 =	sld [smem:$0x3FDB];
	_ =	sdelay $0x1  }
0x99: {  	s19 =	simm.s32 $_scs_section_size  }
0x9a: {  	s4 =	simm.s32 $_size__tile_overlayer_lowered;
	s5 =	simm.s32 $_tile_overlayer_lowered  }
0x9b: {  	s22 =	simm.s32 $0x1BFF;
	s21 =	sshll.u32 s5, $0x1;
	s2 =	sadd.s32 s19, s18  }
0x9c: {  	s6 =	simm.s32 $0x0;
	s20 =	sshll.u32 s4, $0x1;
	s4 =	sadd.s32 s21, s2  }
0x9d: {  	[timem:s6], [sflag:s22] =	dma.local [hbm:s4], s20  }
0x9e: {  	_ =	swait.ge [sflag:s22], s20  }
0x9f: {  	s3 =	ssub.s32 $0x0, s20;
	[sflag:s22] =	ssyncset.done $0x0  }
0xa0: {  	[sflag:s22] =	ssyncadd.s32 s3;
	_ =	sdelay $0x1  }
0xa1: {  	s23 =	simm.s32 $0x1B8B  }
0xa2: {  	_ =	swait.ge [sflag:s23], $0x1  }
0xa3: {  	[sflag:s23] =	ssyncset.done $0x0  }
0xa4: {  	s25 =	simm.s32 $0x1B8E;
	s24 =	sld [smem:$0x3FFE];
	[sflag:s23] =	ssyncadd.s32 $0xFFFFFFFF  }
0xa5: {  	s26 =	simm.s32 $execute0_lowered;
	[smem:$0x3FD2] =	sst s25  }
0xa6: {  	s4 =	sshll.u32 s26, $0x1;
	_ =	strace $0x80000049;
	[dreg:$0x1] =	wrdreg $0xFFFFFFFF  }
0xa7: {  	s28 =	simm.s32 $_size_execute0_lowered;
	s2 =	sadd.s32 s2, s4;
	[dreg:$0x0] =	wrdreg $0x0  }
0xa8: {  	s4 =	sshll.u32 s28, $0x1;
	[dreg:$0x2] =	wrdreg s2  }
0xa9: {  	[dreg:$0x3] =	wrdreg s4  }
0xaa: {  	[dreg:$0x4] =	wrdreg $0xC0  }
0xab: {  	_ =	task [dreg:s6], $0x5FFFF  }
0xac: {  	[dreg:$0x1] =	wrdreg $0xFFFFFFFF  }
0xad: {  	[dreg:$0x0] =	wrdreg $0x60  }
0xae: {  	[dreg:$0x2] =	wrdreg s24  }
0xaf: {  	[dreg:$0x3] =	wrdreg $0x9  }
0xb0: {  	_ =	task.clear_ibuf [dreg:s6], $0x4FFFF;
	_ =	strace $0x90000049  }
0xb1: {  	s29 =	simm.s32 $0x9;
	_ =	strace $0x8000004B  }
0xb2: {  	_ =	swait.ge [sflag:s29], $0x1  }
0xb3: {  	[sflag:s29] =	ssyncadd.s32 $0xFFFFFFFF  }
0xb4: {  	_ =	strace $0x9000004B  }
0xb5: {  	_ =	sfence  }
0xb6: {  	s30 =	sld [smem:$0x0];
	_ =	sdelay $0x2  }
0xb7: {  	s31 =	sshll.u32 s1, $0xD;
	s1 =	sshrl.u32 s1, $0x2  }
0xb8: {  	s3 =	sand.u32 $0x4000, s31;
	s1 =	sadd.s32 s1, s30  }
0xb9: {  	s0 =	sor.u32 s3, s0;
	s1 =	sshll.u32 s1, $0x11  }
0xba: {  	s0 =	sor.u32 s1, s0  }
0xbb: {  	s0 =	sadd.s32 $0x8F2B, s0  }
0xbc: {  	[sflag:s0] =	ssyncadd.remote.s32 $0x1  }
0xbd: {  	_ =	sfence.sel $0xFFFF  }
0xbe: {  	[dreg:$0x0] =	wrdreg $0xFFFFFFFF;
	(pc) =	sbr.abs _section_cstart, $3  }
0xbf: {  	[dreg:$0x1] =	wrdreg $0xFFFFFFFF  }
0xc0: {  	_ =	task.clear_ibuf [dreg:s6], $0x2FFFF;
	_ =	strace $0x9FFFFFFF  }
0xc1: {  	(tm) =	ssettm $0x7FFFFFFF  }
tec
execute0_lowered:
.L_overlay_start_1:
0x0: {  	(tag) =	ssettag $0x1  }
0x1: {  	s0 =	srdreg.scid;
	s12 =	stileid.u32  }
0x2: {  	s1 =	rddreg [dreg:$0x0];
	s2 =	simm.s32 $0x0;
	s15 =	simm.s32 $0x1400  }
0x3: {  	s16 =	simm.s32 $0x80;
	s17 =	simm.s32 $0x2800;
	s18 =	simm.s32 $0xE800  }
0x4: {  	s28 =	simm.s32 $0x4;
	s29 =	simm.s32 $0x7;
	s30 =	simm.s32 $0xA  }
0x5: {  	s31 =	simm.s32 $0x0;
	s0 =	sand.u32 $0x1, s0;
	s6 =	smul.u32 $0x140000, s12  }
0x6: {  	s3 =	sshll.u32 s12, $0x1;
	[smem:$0x7FF] =	sst s2;
	s13 =	smul.u32 $0x28000, s12  }
0x7: {  	s4 =	sadd.s32 $0x60BC00, s1;
	s11 =	sadd.s32 $0x1BC00, s1;
	s8 =	smul.u32 $0xA0000, s0  }
0x8: {  	s3 =	sor.u32 s0, s3;
	s24 =	ssub.s32 $0x2, s0;
	s0 =	smul.u32 $0x14000, s0  }
0x9: {  	_ =	strace $0x8000004A;
	s5 =	smul.u32 $0x1400, s3;
	s9 =	sshrl.u32 s24, $0x1  }
0xa: {  	s3 =	sadd.s32 $0x5E3C00, s1;
	s14 =	sadd.s32 s13, s11;
	s9 =	ssub.s32 s24, s9  }
0xb: {  	s8 =	sadd.s32 s8, s6;
	s12 =	sadd.s32 s0, s14;
	s14 =	simm.s32 $0xD  }
0xc: {  	s5 =	sshrl.u32 s5, $0x3;
	s25 =	sor.u32 $0x8000, s8;
	s10 =	sor.u32 $0x4000, s8  }
0xd: {  	s7 =	sadd.s32 s5, s1;
	s1 =	sadd.s32 $0x29BC00, s1;
	s26 =	sshrl.u32 s10, $0x3  }
0xe: {  	s5 =	sadd.s32 $0x11C00, s7;
	s6 =	sadd.s32 $0x16C00, s7;
	s7 =	smax.u32 s9, $0x1  }
0xf: {  	s9 =	sshrl.u32 s25, $0x3;
	s10 =	sadd.s32 s26, s1;
	s25 =	simm.s32 $0x16800  }
0x10: {  	s8 =	sadd.s32 s9, s1;
	s9 =	sadd.s32 s9, s11;
	s1 =	sadd.s32 s13, s1  }
0x11: {  	s11 =	sadd.s32 s26, s11;
	s26 =	simm.s32 $0x1;
	s13 =	sadd.s32 s0, s1  }
.LBB2_1:
0x12: {  	[tilespmem:s2], [sflag:$0xD] =	stream.linear.gather [hbm4b:s5+s2], $0x1400, $0x38;
	[tilespmem:$0x1A800] =	vst v63  }
0x13: {  	_ =	swait.ge [sflag:s14], $0x1400  }
0x14: {  	[sflag:s14] =	ssyncset.done $0x0  }
0x15: {  	[sflag:s14] =	ssyncadd.s32 $0xFFFFEC00  }
0x16: {  	[tilespmem:s15], [sflag:$0xD] =	stream.linear.gather [hbm4b:s6+s2], $0x1400, $0x38;
	[tilespmem:$0x1A800] =	vst v63  }
0x17: {  	_ =	swait.ge [sflag:s14], $0x1400  }
0x18: {  	[sflag:s14] =	ssyncset.done $0x0  }
0x19: {  	[sflag:s14] =	ssyncadd.s32 $0xFFFFEC00  }
0x1a: {  	[tilespmem:s17], [sflag:$0x1] =	stream.indirect.gather [hbm4b:s3+s16], $0x80, s2, s16, $0xb8;
	[tilespmem:$0x1A800] =	vst v63  }
0x1b: {  	_ = 	snop  }
0x1c: {  	[tilespmem:s18], [sflag:$0x4] =	stream.indirect.gather [hbm4b:s4+s16], $0x80, s15, s16, $0xb8;
	[tilespmem:$0x1A800] =	vst v63  }
0x1d: {  	s0 =	simm.s32 $0x6800  }
0x1e: {  	[tilespmem:s0], [sflag:$0x2] =	stream.indirect.gather [hbm4b:s3+s16], $0x80, s16, s16, $0xb8;
	[tilespmem:$0x1A800] =	vst v63  }
0x1f: {  	s21 =	simm.s32 $0x1480;
	s1 =	simm.s32 $0x12800  }
0x20: {  	[tilespmem:s1], [sflag:$0x5] =	stream.indirect.gather [hbm4b:s4+s16], $0x80, s21, s16, $0xb8;
	[tilespmem:$0x1A800] =	vst v63  }
0x21: {  	s22 =	simm.s32 $0x100;
	s23 =	simm.s32 $0xA800;
	s24 =	simm.s32 $0x1500  }
0x22: {  	[tilespmem:s23], [sflag:$0x3] =	stream.indirect.gather [hbm4b:s3+s16], $0x80, s22, s16, $0xb8;
	[tilespmem:$0x1A800] =	vst v63  }
0x23: {  	s19 =	simm.s32 $0x0;
	s0 =	simm.s32 $0x0;
	s1 =	simm.s32 $0x0  }
0x24: {  	[tilespmem:s25], [sflag:$0x6] =	stream.indirect.gather [hbm4b:s4+s16], $0x80, s24, s16, $0xb8;
	[tilespmem:$0x1A800] =	vst v63  }
.LBB2_2:
0x25: {  	_ =	swait.ge [sflag:s26], $0x4000  }
0x26: {  	[sflag:s26] =	ssyncset.done $0x0  }
0x27: {  	[sflag:s26] =	ssyncadd.s32 $0xFFFFC000  }
0x28: {  	_ =	swait.ge [sflag:s28], $0x4000  }
0x29: {  	[sflag:s28] =	ssyncset.done $0x0  }
0x2a: {  	s20 =	sadd.s32 s0, s12;
	[sflag:s28] =	ssyncadd.s32 $0xFFFFC000  }
0x2b: {  	[hbm4b:s20+s2] =	stream.linear.scatter [tilespmem:s17], [sflag:$0x7], $0x4000, $0x38;
	[tilespmem:$0x1A800] =	vst v63  }
0x2c: {  	s24 =	sadd.s32 s0, s13  }
0x2d: {  	[hbm4b:s24+s2] =	stream.linear.scatter [tilespmem:s18], [sflag:$0xA], $0x4000, $0x38;
	[tilespmem:$0x1A800] =	vst v63  }
0x2e: {  	_ =	swait.ge [sflag:s29], $0x4000  }
0x2f: {  	[sflag:s29] =	ssyncset.done $0x0  }
0x30: {  	[sflag:s29] =	ssyncadd.s32 $0xFFFFC000  }
0x31: {  	p0 =	seq.s32 s0, $0x13800;
	_ =	swait.ge [sflag:s30], $0x4000  }
0x32: {  	s22 =	simm.s32 @!p0 $0x80;
	s20 =	sshra.s32 @!p0 s1, $0x2;
	[sflag:s30] =	ssyncset.done $0x0  }
0x33: {  	s23 =	simm.s32 @!p0 $0x2800;
	s21 =	sadd.s32 @!p0 $0x180, s20;
	[sflag:s30] =	ssyncadd.s32 $0xFFFFC000  }
0x34: {  	[tilespmem:s23], [sflag:$0x1] =	stream.indirect.gather @!p0 [hbm4b:s3+s22], $0x80, s21, s22, $0xb8;
	[tilespmem:$0x1A800] =	vst v63  }
0x35: {  	s20 =	sadd.s32 @!p0 $0x1580, s20;
	s21 =	simm.s32 @!p0 $0xE800  }
0x36: {  	[tilespmem:s21], [sflag:$0x4] =	stream.indirect.gather @!p0 [hbm4b:s4+s22], $0x80, s20, s22, $0xb8;
	[tilespmem:$0x1A800] =	vst v63  }
0x37: {  	s20 =	simm.s32 @!p0 $0x2  }
0x38: {  	_ =	swait.ge @!p0 [sflag:s20], $0x4000  }
0x39: {  	[sflag:s20] =	ssyncset.done @!p0 $0x0  }
0x3a: {  	[sflag:s20] =	ssyncadd.s32 @!p0 $0xFFFFC000;
	s20 =	simm.s32 @!p0 $0x5  }
0x3b: {  	_ =	swait.ge @!p0 [sflag:s20], $0x4000  }
0x3c: {  	s21 =	simm.s32 @!p0 $0x0;
	[sflag:s20] =	ssyncset.done @!p0 $0x0  }
0x3d: {  	s22 =	simm.s32 @!p0 $0x6800;
	[sflag:s20] =	ssyncadd.s32 @!p0 $0xFFFFC000;
	s20 =	sadd.s32 @!p0 s0, s11  }
0x3e: {  	[hbm4b:s20+s21] =	stream.linear.scatter @!p0 [tilespmem:s22], [sflag:$0x8], $0x4000, $0x38;
	[tilespmem:$0x1A800] =	vst v63  }
0x3f: {  	s20 =	sadd.s32 @!p0 s0, s10;
	s22 =	simm.s32 @!p0 $0x12800  }
0x40: {  	[hbm4b:s20+s21] =	stream.linear.scatter @!p0 [tilespmem:s22], [sflag:$0xB], $0x4000, $0x38;
	[tilespmem:$0x1A800] =	vst v63  }
0x41: {  	s20 =	simm.s32 @!p0 $0x8  }
0x42: {  	_ =	swait.ge @!p0 [sflag:s20], $0x4000  }
0x43: {  	[sflag:s20] =	ssyncset.done @!p0 $0x0  }
0x44: {  	[sflag:s20] =	ssyncadd.s32 @!p0 $0xFFFFC000;
	s20 =	simm.s32 @!p0 $0xB  }
0x45: {  	p1 =	sgt.u32 @!p0 s19, $0xB;
	_ =	swait.ge @!p0 [sflag:s20], $0x4000  }
0x46: {  	p1 =	por p1, p0;
	[sflag:s20] =	ssyncset.done @!p0 $0x0  }
0x47: {  	[sflag:s20] =	ssyncadd.s32 @!p0 $0xFFFFC000;
	s20 =	sshra.s32 @!p1 s1, $0x2  }
0x48: {  	s24 =	simm.s32 @!p1 $0x6800;
	s23 =	simm.s32 @!p1 $0x80;
	s22 =	sadd.s32 @!p1 $0x200, s20  }
0x49: {  	[tilespmem:s24], [sflag:$0x2] =	stream.indirect.gather @!p1 [hbm4b:s3+s23], $0x80, s22, s23, $0xb8;
	[tilespmem:$0x1A800] =	vst v63  }
0x4a: {  	s22 =	sadd.s32 @!p1 $0x1600, s20;
	s24 =	simm.s32 @!p1 $0x12800  }
0x4b: {  	[tilespmem:s24], [sflag:$0x5] =	stream.indirect.gather @!p1 [hbm4b:s4+s23], $0x80, s22, s23, $0xb8;
	[tilespmem:$0x1A800] =	vst v63  }
0x4c: {  	s22 =	simm.s32 @!p0 $0x3  }
0x4d: {  	_ =	swait.ge @!p0 [sflag:s22], $0x4000  }
0x4e: {  	[sflag:s22] =	ssyncset.done @!p0 $0x0  }
0x4f: {  	[sflag:s22] =	ssyncadd.s32 @!p0 $0xFFFFC000;
	s22 =	simm.s32 @!p0 $0x6  }
0x50: {  	_ =	swait.ge @!p0 [sflag:s22], $0x4000  }
0x51: {  	[sflag:s22] =	ssyncset.done @!p0 $0x0  }
0x52: {  	s24 =	simm.s32 @!p0 $0xA800;
	[sflag:s22] =	ssyncadd.s32 @!p0 $0xFFFFC000;
	s22 =	sadd.s32 @!p0 s0, s9  }
0x53: {  	[hbm4b:s22+s21] =	stream.linear.scatter @!p0 [tilespmem:s24], [sflag:$0x9], $0x4000, $0x38;
	[tilespmem:$0x1A800] =	vst v63  }
0x54: {  	s22 =	sadd.s32 @!p0 s0, s8;
	s24 =	simm.s32 @!p0 $0x16800  }
0x55: {  	[hbm4b:s22+s21] =	stream.linear.scatter @!p0 [tilespmem:s24], [sflag:$0xC], $0x4000, $0x38;
	[tilespmem:$0x1A800] =	vst v63  }
0x56: {  	s21 =	simm.s32 @!p0 $0x9  }
0x57: {  	_ =	swait.ge @!p0 [sflag:s21], $0x4000  }
0x58: {  	[sflag:s21] =	ssyncset.done @!p0 $0x0  }
0x59: {  	[sflag:s21] =	ssyncadd.s32 @!p0 $0xFFFFC000;
	s21 =	simm.s32 @!p0 $0xC  }
0x5a: {  	_ =	swait.ge @!p0 [sflag:s21], $0x4000  }
0x5b: {  	[sflag:s21] =	ssyncset.done @!p0 $0x0  }
0x5c: {  	s22 =	simm.s32 @!p1 $0xA800;
	[sflag:s21] =	ssyncadd.s32 @!p0 $0xFFFFC000;
	s21 =	sadd.s32 @!p1 $0x280, s20  }
0x5d: {  	[tilespmem:s22], [sflag:$0x3] =	stream.indirect.gather @!p1 [hbm4b:s3+s23], $0x80, s21, s23, $0xb8;
	[tilespmem:$0x1A800] =	vst v63  }
0x5e: {  	s0 =	sadd.s32 @!p0 $0x1800, s0;
	s20 =	sadd.s32 @!p1 $0x1680, s20;
	s21 =	simm.s32 @!p1 $0x16800  }
0x5f: {  	[tilespmem:s21], [sflag:$0x6] =	stream.indirect.gather @!p1 [hbm4b:s4+s23], $0x80, s20, s23, $0xb8;
	[tilespmem:$0x1A800] =	vst v63  }
0x60: {  	p1 =	sne.s32 @!p0 s0, $0x15000  }
0x61: {  	p1 =	por p0, !p1  }
.Ltmp0:
0x62: {  	_ = 	snop;
	(pc) =	sbr.rel @!p1 .LBB2_2-.Ltmp0, $2  }
0x63: {  	_ =	sdelay $0x2  }
0x64: {  	s19 =	sadd.s32 @!p0 $0x1, s19;
	s1 =	sadd.s32 @!p0 $0x600, s1  }
0x65: {  	s31 =	sadd.s32 $0x1, s31  }
0x66: {  	p0 =	sne.s32 s31, s7  }
.Ltmp1:
0x67: {  	_ = 	snop;
	(pc) =	sbr.rel @p0 .LBB2_1-.Ltmp1, $1  }
0x68: {  	_ =	sdelay $0x3  }
0x69: {  	_ =	sfence.sel $0x180000  }
0x6a: {  	[bflag:$0x0] =	sbarrier.arrive $0xFFFF  }
0x6b: {  	_ =	strace $0x9000004A  }
0x6c: {  	s0 =	stileid.u32;
	[bflag:$0x2] =	sbarrier.arrive $0xFFFF  }
0x6d: {  	p0 =	sne.s32 s0, $0x0;
	s0 =	rddreg [dreg:$0x1]  }
0x6e: {  	s0 =	sadd.s32 @!p0 $0x100000, s0  }
0x6f: {  	[sflag:s0] =	ssyncadd.tile.s32 @!p0 $0x1;
	_ =	shalt  }
.Lfunc_end2:
_tile_overlayer_lowered:
.L_overlay_start_2:
0x70: {  	(tag) =	ssettag $0x2  }
0x71: {  	s0 =	rddreg [dreg:$0x0];
	s2 =	stileid.u32  }
0x72: {  	s1 =	rddreg [dreg:$0x1];
	p0 =	sne.s32 s2, $0x0  }
0x73: {  	s3 =	rddreg [dreg:$0x2];
	[bflag:$0x3] =	sbarrier.arrive $0xFFFF;
	s2 =	simm.s32 @!p0 $0x1C0D  }
0x74: {  	[timem:s3], [sflag:s2] =	dma.local @!p0 [hbm:s0], s1  }
0x75: {  	s0 =	simm.s32 @!p0 $0xD  }
0x76: {  	_ =	swait.ge @!p0 [sflag:s0], s1  }
0x77: {  	s1 =	ssub.s32 @!p0 $0x0, s1;
	[sflag:s0] =	ssyncset.done @!p0 $0x0  }
0x78: {  	[sflag:s0] =	ssyncadd.s32 @!p0 s1  }
0x79: {  	[bflag:$0x3] =	sbarrier.arrive $0xFFFF  }
0x7a: {  	_ =	shalt  }

// kernel: closed_call.34.cloned.1.call-start
scs
__scs_entry_jumppad:
0x0: {  	(pc) =	sbr.rel $0x88, $3  }
0x1: {  	(tag) =	ssettag $0x0;
	lr =	simm.s32 $0x1  }
0x2: {  	[smem:$0x3EE7] =	sst lr;
	_ =	strace $0xD0000000  }
0x3: {  	_ = 	snop  }
0x4: {  	_ = 	snop  }
0x5: {  	_ = 	snop  }
0x6: {  	_ = 	snop  }
0x7: {  	_ = 	snop  }
__scs_overlays_trampoline_lowered:
0x8: {  	[smem:$0x3EF6] =	sst s0  }
0x9: {  	[smem:$0x3EF7] =	sst s1  }
0xa: {  	[smem:$0x3EF8] =	sst s2  }
0xb: {  	[smem:$0x3EF9] =	sst s3  }
0xc: {  	[smem:$0x3EFA] =	sst s4  }
0xd: {  	[smem:$0x3EFB] =	sst s5  }
0xe: {  	[smem:$0x3EFC] =	sst s6  }
0xf: {  	[smem:$0x3EFD] =	sst s7  }
0x10: {  	[smem:$0x3EFE] =	sst s8  }
0x11: {  	[smem:$0x3EFF] =	sst s9;
	s0 =	simm.s32 @!p0 $0x0  }
0x12: {  	s1 =	sld [smem:$0x3EE5];
	s0 =	simm.s32 @p0 $0x1  }
0x13: {  	[smem:$0x3F00] =	sst s0;
	s0 =	simm.s32 @!p1 $0x0  }
0x14: {  	s2 =	sld [smem:$0x3EE4];
	s0 =	simm.s32 @p1 $0x1  }
0x15: {  	[smem:$0x3F01] =	sst s0;
	s0 =	simm.s32 @!p2 $0x0  }
0x16: {  	s3 =	sld [smem:$0x3FDB];
	s0 =	simm.s32 @p2 $0x1  }
0x17: {  	s4 =	simm.s32 $0x1BF5;
	[smem:$0x3F03] =	sst s0  }
0x18: {  	s0 =	sld [smem:$0x3EE6];
	_ =	swait.ge [sflag:s4], $0x0  }
0x19: {  	s7 =	sld [smem:$0x3EE7]  }
0x1a: {  	s8 =	sadd.s32 $0xFFFFE003, lr  }
0x1b: {  	s9 =	sadd.s32 $0xFFFFFEF7, lr;
	s5 =	simm.s32 $0xFFFFFFFF;
	p2 =	slt.u32 s8, $0xFFFFF086  }
0x1c: {  	p1 =	slt.u32 s9, $0xF7A;
	s5 =	simm.s32 @!p2 $0x0  }
0x1d: {  	s5 =	simm.s32 @p1 $0x1;
	p0 =	seq.s32 s7, s2  }
0x1e: {  	s7 =	smul.u32 @!p0 $0xF7A, s2;
	p2 =	seq.s32 @!p0 s5, $0x0  }
0x1f: {  	s9 =	smul.u32 $0xF7A, s1;
	s8 =	simm.s32 @!p0 $0x1BF5;
	p2 =	por !p2, p0  }
0x20: {  	[sflag:s8] =	ssyncset.s32 @!p0 $0xFFFFF086;
	s6 =	sadd.s32 @!p0 s3, s7;
	s7 =	simm.s32 @!p0 $0x108  }
0x21: {  	s3 =	sadd.s32 s3, s9;
	s6 =	sadd.s32 @!p0 $0x88, s6;
	s7 =	simm.s32 @p2 $0x1082  }
0x22: {  	[simem:s7], [sflag:s8] =	dma.local @!p0 [hbm:s6], $0xF7A  }
0x23: {  	s9 =	sor.u32 $0xD0000000, s2;
	s6 =	simm.s32 $0x108;
	_ =	swait.ge @!p0 [sflag:s8], $0x0  }
0x24: {  	s3 =	sadd.s32 $0x88, s3;
	s6 =	simm.s32 @!p1 $0x1082;
	[sflag:s4] =	ssyncset.s32 $0xFFFFF086  }
0x25: {  	[simem:s6], [sflag:s4] =	dma.local [hbm:s3], $0xF7A  }
0x26: {  	[smem:$0x3EE7] =	sst s1;
	(tag) =	ssettag s2;
	_ =	strace s9  }
0x27: {  	s1 =	sld [smem:$0x3EF7]  }
0x28: {  	s2 =	sld [smem:$0x3EF8]  }
0x29: {  	s4 =	sld [smem:$0x3EFA]  }
0x2a: {  	p0 =	seq.s32 s5, $0x0;
	s5 =	sld [smem:$0x3EFB]  }
0x2b: {  	s6 =	sld [smem:$0x3EFC]  }
0x2c: {  	s7 =	sld [smem:$0x3EFD]  }
0x2d: {  	s3 =	simm.s32 $0x108;
	s8 =	sld [smem:$0x3EFE]  }
0x2e: {  	s3 =	simm.s32 @!p0 $0x1082;
	s9 =	sld [smem:$0x3EFF]  }
0x2f: {  	lr =	sadd.s32 s0, s3;
	s0 =	sld [smem:$0x3EF6]  }
0x30: {  	s3 =	sld [smem:$0x3EF9]  }
0x31: {  	[smem:$0x3F02] =	sst s10  }
0x32: {  	s10 =	sld [smem:$0x3F00];
	_ =	sdelay $0x3  }
0x33: {  	p0 =	seq.s32 s10, $0x1;
	s10 =	sld [smem:$0x3F02];
	_ =	sdelay $0x3  }
0x34: {  	[smem:$0x3F02] =	sst s10  }
0x35: {  	s10 =	sld [smem:$0x3F01];
	_ =	sdelay $0x3  }
0x36: {  	p1 =	seq.s32 s10, $0x1;
	s10 =	sld [smem:$0x3F02];
	_ =	sdelay $0x3  }
0x37: {  	[smem:$0x3F02] =	sst s10  }
0x38: {  	s10 =	sld [smem:$0x3F03]  }
0x39: {  	_ = 	snop;
	(pc) =	sbr.ind lr, $3  }
0x3a: {  	_ = 	snop  }
0x3b: {  	_ = 	snop  }
0x3c: {  	p2 =	seq.s32 s10, $0x1;
	s10 =	sld [smem:$0x3F02]  }
0x3d: {  	_ =	shalt  }
0x3e: {  	_ =	shalt  }
0x3f: {  	_ =	shalt  }
0x40: {  	_ =	shalt  }
0x41: {  	_ =	shalt  }
0x42: {  	_ =	shalt  }
0x43: {  	_ =	shalt  }
0x44: {  	_ =	shalt  }
0x45: {  	_ =	shalt  }
0x46: {  	_ =	shalt  }
0x47: {  	_ =	shalt  }
0x48: {  	_ =	shalt  }
0x49: {  	_ =	shalt  }
0x4a: {  	_ =	shalt  }
0x4b: {  	_ =	shalt  }
0x4c: {  	_ =	shalt  }
0x4d: {  	_ =	shalt  }
0x4e: {  	_ =	shalt  }
0x4f: {  	_ =	shalt  }
0x50: {  	_ =	shalt  }
0x51: {  	_ =	shalt  }
0x52: {  	_ =	shalt  }
0x53: {  	_ =	shalt  }
0x54: {  	_ =	shalt  }
0x55: {  	_ =	shalt  }
0x56: {  	_ =	shalt  }
0x57: {  	_ =	shalt  }
0x58: {  	_ =	shalt  }
0x59: {  	_ =	shalt  }
0x5a: {  	_ =	shalt  }
0x5b: {  	_ =	shalt  }
0x5c: {  	_ =	shalt  }
0x5d: {  	_ =	shalt  }
0x5e: {  	_ =	shalt  }
0x5f: {  	_ =	shalt  }
0x60: {  	_ =	shalt  }
0x61: {  	_ =	shalt  }
0x62: {  	_ =	shalt  }
0x63: {  	_ =	shalt  }
0x64: {  	_ =	shalt  }
0x65: {  	_ =	shalt  }
0x66: {  	_ =	shalt  }
0x67: {  	_ =	shalt  }
0x68: {  	_ =	shalt  }
0x69: {  	_ =	shalt  }
0x6a: {  	_ =	shalt  }
0x6b: {  	_ =	shalt  }
0x6c: {  	_ =	shalt  }
0x6d: {  	_ =	shalt  }
0x6e: {  	_ =	shalt  }
0x6f: {  	_ =	shalt  }
0x70: {  	_ =	shalt  }
0x71: {  	_ =	shalt  }
0x72: {  	_ =	shalt  }
0x73: {  	_ =	shalt  }
0x74: {  	_ =	shalt  }
0x75: {  	_ =	shalt  }
0x76: {  	_ =	shalt  }
0x77: {  	_ =	shalt  }
0x78: {  	_ =	shalt  }
0x79: {  	_ =	shalt  }
0x7a: {  	_ =	shalt  }
0x7b: {  	_ =	shalt  }
0x7c: {  	_ =	shalt  }
0x7d: {  	_ =	shalt  }
0x7e: {  	_ =	shalt  }
0x7f: {  	_ =	shalt  }
0x80: {  	_ =	shalt  }
0x81: {  	_ =	shalt  }
0x82: {  	_ =	shalt  }
0x83: {  	_ =	shalt  }
0x84: {  	_ =	shalt  }
0x85: {  	_ =	shalt  }
0x86: {  	_ =	shalt  }
0x87: {  	_ =	shalt  }
.Lfunc_end0:
.L_simem_size_0:
called_computation.1_lowered:
.L_overlay_start_0:
0x88: {  	s2 =	sld [smem:$0x3FD9]  }
0x89: {  	s3 =	sld [smem:$0x3FFE];
	_ =	sdelay $0x1  }
0x8a: {  	s1 =	srdreg.scid  }
0x8b: {  	s0 =	sand.u32 $0x1, s1  }
0x8c: {  	s16 =	sshll.u32 s0, $0xA;
	s2 =	sadd.s32 s3, s2  }
0x8d: {  	s2 =	sadd.s32 s2, s16  }
0x8e: {  	[smem:$0x3F0E] =	sst s2  }
0x8f: {  	_ = 	snop  }
0x90: {  	(tm) =	ssettm $0x1  }
0x91: {  	s17 =	sld [smem:$0x3FFB];
	_ =	sdelay $0x3  }
0x92: {  	_ =	strace s17  }
0x93: {  	s2 =	sld [smem:$0x3FFC];
	_ =	sdelay $0x3  }
0x94: {  	_ =	strace s2  }
0x95: {  	s2 =	sld [smem:$0x3FFD];
	_ =	sdelay $0x3  }
0x96: {  	_ =	strace s2  }
0x97: {  	_ =	strace $0x8FFFFFFF  }
0x98: {  	s18 =	sld [smem:$0x3FDB];
	_ =	sdelay $0x1  }
0x99: {  	s19 =	simm.s32 $_scs_section_size  }
0x9a: {  	s4 =	simm.s32 $_size__tile_overlayer_lowered;
	s5 =	simm.s32 $_tile_overlayer_lowered  }
0x9b: {  	s22 =	simm.s32 $0x1BFF;
	s21 =	sshll.u32 s5, $0x1;
	s2 =	sadd.s32 s19, s18  }
0x9c: {  	s6 =	simm.s32 $0x0;
	s20 =	sshll.u32 s4, $0x1;
	s4 =	sadd.s32 s21, s2  }
0x9d: {  	[timem:s6], [sflag:s22] =	dma.local [hbm:s4], s20  }
0x9e: {  	_ =	swait.ge [sflag:s22], s20  }
0x9f: {  	s3 =	ssub.s32 $0x0, s20;
	[sflag:s22] =	ssyncset.done $0x0  }
0xa0: {  	[sflag:s22] =	ssyncadd.s32 s3;
	_ =	sdelay $0x1  }
0xa1: {  	s23 =	simm.s32 $0x1B8B  }
0xa2: {  	_ =	swait.ge [sflag:s23], $0x1  }
0xa3: {  	[sflag:s23] =	ssyncset.done $0x0  }
0xa4: {  	s25 =	simm.s32 $0x1B8E;
	s24 =	sld [smem:$0x3FFE];
	[sflag:s23] =	ssyncadd.s32 $0xFFFFFFFF  }
0xa5: {  	s26 =	simm.s32 $execute0_lowered;
	[smem:$0x3FD2] =	sst s25  }
0xa6: {  	s4 =	sshll.u32 s26, $0x1;
	_ =	strace $0x8000004C;
	[dreg:$0x1] =	wrdreg $0xFFFFFFFF  }
0xa7: {  	s28 =	simm.s32 $_size_execute0_lowered;
	s2 =	sadd.s32 s2, s4;
	[dreg:$0x0] =	wrdreg $0x0  }
0xa8: {  	s4 =	sshll.u32 s28, $0x1;
	[dreg:$0x2] =	wrdreg s2  }
0xa9: {  	[dreg:$0x3] =	wrdreg s4  }
0xaa: {  	[dreg:$0x4] =	wrdreg $0xC0  }
0xab: {  	_ =	task [dreg:s6], $0x5FFFF  }
0xac: {  	[dreg:$0x1] =	wrdreg $0xFFFFFFFF  }
0xad: {  	[dreg:$0x0] =	wrdreg $0x60  }
0xae: {  	[dreg:$0x2] =	wrdreg s24  }
0xaf: {  	[dreg:$0x3] =	wrdreg $0x94000  }
0xb0: {  	[dreg:$0x4] =	wrdreg $0x9  }
0xb1: {  	_ =	task.clear_ibuf [dreg:s6], $0x5FFFF;
	_ =	strace $0x9000004C  }
0xb2: {  	s29 =	simm.s32 $0x9;
	_ =	strace $0x8000004E  }
0xb3: {  	_ =	swait.ge [sflag:s29], $0x1  }
0xb4: {  	[sflag:s29] =	ssyncadd.s32 $0xFFFFFFFF  }
0xb5: {  	_ =	strace $0x9000004E  }
0xb6: {  	_ =	sfence  }
0xb7: {  	s30 =	sld [smem:$0x0];
	_ =	sdelay $0x2  }
0xb8: {  	s31 =	sshll.u32 s1, $0xD;
	s1 =	sshrl.u32 s1, $0x2  }
0xb9: {  	s3 =	sand.u32 $0x4000, s31;
	s1 =	sadd.s32 s1, s30  }
0xba: {  	s0 =	sor.u32 s3, s0;
	s1 =	sshll.u32 s1, $0x11  }
0xbb: {  	s0 =	sor.u32 s1, s0  }
0xbc: {  	s0 =	sadd.s32 $0x8F2B, s0  }
0xbd: {  	[sflag:s0] =	ssyncadd.remote.s32 $0x1  }
0xbe: {  	_ =	sfence.sel $0xFFFF  }
0xbf: {  	[dreg:$0x0] =	wrdreg $0xFFFFFFFF;
	(pc) =	sbr.abs _section_cstart, $3  }
0xc0: {  	[dreg:$0x1] =	wrdreg $0xFFFFFFFF  }
0xc1: {  	_ =	task.clear_ibuf [dreg:s6], $0x2FFFF;
	_ =	strace $0x9FFFFFFF  }
0xc2: {  	(tm) =	ssettm $0x7FFFFFFF  }
0xc3: {  	_ =	shalt  }
tec
execute0_lowered:
.L_overlay_start_1:
0x0: {  	(tag) =	ssettag $0x1  }
0x1: {  	s0 =	rddreg [dreg:$0x0]  }
0x2: {  	s1 =	srdreg.scid;
	s15 =	stileid.u32  }
0x3: {  	s2 =	rddreg [dreg:$0x1];
	s3 =	simm.s32 $0x0;
	s28 =	simm.s32 $0x5400  }
0x4: {  	s29 =	simm.s32 $0x1;
	s30 =	simm.s32 $0x80;
	s9 =	smul.u32 $0x50000, s15  }
0x5: {  	s31 =	simm.s32 $0x3;
	s1 =	sand.u32 $0x1, s1;
	s21 =	smul.u32 $0x2800, s15  }
0x6: {  	s4 =	sshll.u32 s15, $0x1;
	s8 =	sadd.s32 $0xB62200, s0;
	s17 =	smul.u32 $0x140000, s15  }
0x7: {  	[smem:$0x7FF] =	sst s3;
	s11 =	sadd.s32 $0x51BE00, s0;
	s6 =	smul.u32 $0x28000, s1  }
0x8: {  	s4 =	sor.u32 s1, s4;
	s7 =	ssub.s32 $0x2, s1;
	s1 =	smul.u32 $0xA0000, s1  }
0x9: {  	_ =	strace $0x8000004D;
	s5 =	smul.u32 $0x280, s4;
	s10 =	sshrl.u32 s7, $0x1  }
0xa: {  	[dreg:$0x3] =	wrdreg s11;
	s4 =	smul.u32 $0x14000, s4;
	s10 =	ssub.s32 s7, s10  }
0xb: {  	s7 =	sshrl.u32 s9, $0x2;
	s9 =	smul.u32 $0x280, s15;
	s1 =	sadd.s32 s1, s17  }
0xc: {  	s5 =	sadd.s32 s5, s0;
	s0 =	sadd.s32 s6, s0;
	s6 =	sadd.s32 s8, s4  }
0xd: {  	s7 =	sadd.s32 s7, s2;
	s18 =	smax.u32 s10, $0x1;
	s17 =	sor.u32 $0xC000, s1  }
0xe: {  	s1 =	sor.u32 $0x8000, s1;
	s5 =	sadd.s32 $0x16C00, s5;
	s4 =	sadd.s32 $0x800, s6  }
0xf: {  	s0 =	sadd.s32 $0x8E2200, s0;
	[dreg:$0x6] =	wrdreg s18;
	s19 =	sadd.s32 $0x4000, s7  }
0x10: {  	s11 =	sadd.s32 $0x8000, s7;
	s12 =	sadd.s32 $0xC000, s7;
	s20 =	sadd.s32 $0x80, s9  }
0x11: {  	s13 =	sadd.s32 $0x10000, s7;
	s16 =	sadd.s32 $0x100, s9;
	[dreg:$0x4] =	wrdreg s5  }
0x12: {  	s18 =	sadd.s32 $0x180, s9;
	s17 =	sshrl.u32 s17, $0x3;
	[dreg:$0x5] =	wrdreg s4  }
0x13: {  	s1 =	sshrl.u32 s1, $0x3;
	[dreg:$0x7] =	wrdreg s19;
	s14 =	sshll.u32 s20, $0x7  }
0x14: {  	s24 =	sshll.u32 s16, $0x7;
	s5 =	sshll.u32 s20, $0x4;
	s19 =	sshll.u32 s18, $0x7  }
0x15: {  	s22 =	sshll.u32 s16, $0x4;
	s23 =	sshll.u32 s18, $0x4;
	s4 =	sadd.s32 $0x200, s9  }
0x16: {  	s17 =	sadd.s32 s17, s8;
	s18 =	sadd.s32 s1, s8;
	s20 =	sadd.s32 s21, s0  }
0x17: {  	s1 =	simm.s32 $0x2;
	s14 =	sadd.s32 s14, s2;
	s15 =	sadd.s32 s24, s2  }
0x18: {  	s16 =	sadd.s32 s19, s2;
	s25 =	sshll.u32 s4, $0x7;
	s26 =	sshll.u32 s4, $0x4  }
0x19: {  	s21 =	sadd.s32 s5, s0;
	s22 =	sadd.s32 s22, s0;
	s23 =	sadd.s32 s23, s0  }
0x1a: {  	s4 =	simm.s32 $0x0;
	s19 =	sadd.s32 s25, s2;
	s24 =	sadd.s32 s26, s0  }
0x1b: {  	s25 =	simm.s32 $0x5;
	s26 =	simm.s32 $0x1400;
	s0 =	simm.s32 $0x4  }
.LBB2_1:
0x1c: {  	s5 =	rddreg [dreg:$0x4]  }
0x1d: {  	[tilespmem:s3], [sflag:$0x5] =	stream.linear.gather [hbm4b:s5+s3], $0x1400, $0x38;
	[tilespmem:$0x1D400] =	vst v63  }
0x1e: {  	_ =	swait.ge [sflag:s25], $0x1400  }
0x1f: {  	[sflag:s25] =	ssyncset.done $0x0  }
0x20: {  	s9 =	rddreg [dreg:$0x3];
	[sflag:s25] =	ssyncadd.s32 $0xFFFFEC00  }
0x21: {  	[tilespmem:s26], [sflag:$0x5] =	stream.linear.gather [hbm4b:s9+s3], $0x4000, $0x38;
	[tilespmem:$0x1D400] =	vst v63  }
0x22: {  	_ =	swait.ge [sflag:s25], $0x4000  }
0x23: {  	[sflag:s25] =	ssyncset.done $0x0  }
0x24: {  	[sflag:s25] =	ssyncadd.s32 $0xFFFFC000  }
0x25: {  	[spmem:s7] =	stream.linear.scatter [tilespmem:s26], [sflag:$0x5], $0x4000, $0x38;
	[tilespmem:$0x1D400] =	vst v63  }
0x26: {  	_ =	swait.ge [sflag:s25], $0x4000  }
0x27: {  	[sflag:s25] =	ssyncset.done $0x0  }
0x28: {  	s10 =	rddreg [dreg:$0x7];
	[sflag:s25] =	ssyncadd.s32 $0xFFFFC000  }
0x29: {  	[spmem:s10] =	stream.linear.scatter [tilespmem:s26], [sflag:$0x5], $0x4000, $0x38;
	[tilespmem:$0x1D400] =	vst v63  }
0x2a: {  	_ =	swait.ge [sflag:s25], $0x4000  }
0x2b: {  	[sflag:s25] =	ssyncset.done $0x0  }
0x2c: {  	[sflag:s25] =	ssyncadd.s32 $0xFFFFC000  }
0x2d: {  	[spmem:s11] =	stream.linear.scatter [tilespmem:s26], [sflag:$0x5], $0x4000, $0x38;
	[tilespmem:$0x1D400] =	vst v63  }
0x2e: {  	_ =	swait.ge [sflag:s25], $0x4000  }
0x2f: {  	[sflag:s25] =	ssyncset.done $0x0  }
0x30: {  	[sflag:s25] =	ssyncadd.s32 $0xFFFFC000  }
0x31: {  	[spmem:s12] =	stream.linear.scatter [tilespmem:s26], [sflag:$0x5], $0x4000, $0x38;
	[tilespmem:$0x1D400] =	vst v63  }
0x32: {  	_ =	swait.ge [sflag:s25], $0x4000  }
0x33: {  	[sflag:s25] =	ssyncset.done $0x0  }
0x34: {  	[sflag:s25] =	ssyncadd.s32 $0xFFFFC000  }
0x35: {  	[spmem:s13] =	stream.linear.scatter [tilespmem:s26], [sflag:$0x5], $0x4000, $0x38;
	[tilespmem:$0x1D400] =	vst v63  }
0x36: {  	_ =	swait.ge [sflag:s25], $0x4000  }
0x37: {  	[sflag:s25] =	ssyncset.done $0x0  }
0x38: {  	[sflag:s25] =	ssyncadd.s32 $0xFFFFC000  }
0x39: {  	[bflag:$0x0] =	sbarrier.arrive $0xFFFF  }
0x3a: {  	[tilespmem:s26], [sflag:$0x1] =	stream.linear.gather [hbm4b:s6+s3], $0x4000, $0x38;
	[tilespmem:$0x1D400] =	vst v63  }
0x3b: {  	s8 =	rddreg [dreg:$0x5]  }
0x3c: {  	[tilespmem:s28], [sflag:$0x2] =	stream.linear.gather [hbm4b:s8+s3], $0x4000, $0x38;
	[tilespmem:$0x1D400] =	vst v63  }
0x3d: {  	_ =	swait.ge [sflag:s29], $0x4000  }
0x3e: {  	[sflag:s29] =	ssyncset.done $0x0  }
0x3f: {  	s9 =	simm.s32 $0x0;
	[sflag:s29] =	ssyncadd.s32 $0xFFFFC000  }
0x40: {  	[spmem:s2] =	stream.indirect.scatter.add.f32 [tilespmem:s26], [sflag:$0x3], $0x80, s9, s30, $0xb8;
	[tilespmem:$0x1D400] =	vst v63  }
0x41: {  	_ =	swait.ge [sflag:s31], $0x4000  }
0x42: {  	[sflag:s31] =	ssyncset.done $0x0  }
0x43: {  	s10 =	sadd.s32 $0x0, s18;
	[sflag:s31] =	ssyncadd.s32 $0xFFFFC000  }
0x44: {  	[tilespmem:s26], [sflag:$0x1] =	stream.linear.gather [hbm4b:s10+s3], $0x4000, $0x38;
	[tilespmem:$0x1D400] =	vst v63  }
0x45: {  	_ =	swait.ge [sflag:s1], $0x4000  }
0x46: {  	[sflag:s1] =	ssyncset.done $0x0  }
0x47: {  	[sflag:s1] =	ssyncadd.s32 $0xFFFFC000  }
0x48: {  	[spmem:s2] =	stream.indirect.scatter.add.f32 [tilespmem:s28], [sflag:$0x4], $0x80, s30, s30, $0xb8;
	[tilespmem:$0x1D400] =	vst v63  }
0x49: {  	_ =	swait.ge [sflag:s0], $0x4000  }
0x4a: {  	s5 =	simm.s32 $0x1000;
	[sflag:s0] =	ssyncset.done $0x0  }
0x4b: {  	s8 =	simm.s32 $0x180;
	s9 =	sadd.s32 $0x0, s17;
	[sflag:s0] =	ssyncadd.s32 $0xFFFFC000  }
.LBB2_2:
0x4c: {  	[tilespmem:s28], [sflag:$0x2] =	stream.linear.gather [hbm4b:s9+s3], $0x4000, $0x38;
	[tilespmem:$0x1D400] =	vst v63  }
0x4d: {  	s9 =	smov.u32 s5  }
0x4e: {  	p0 =	sne.s32 s5, $0x12000;
	s5 =	sadd.s32 $0x1000, s5;
	_ =	swait.ge [sflag:s29], $0x4000  }
0x4f: {  	[sflag:s29] =	ssyncset.done $0x0  }
0x50: {  	s10 =	sadd.s32 $0xFFFFFF80, s8;
	[sflag:s29] =	ssyncadd.s32 $0xFFFFC000  }
0x51: {  	[spmem:s2] =	stream.indirect.scatter.add.f32 [tilespmem:s26], [sflag:$0x3], $0x80, s10, s30, $0xb8;
	[tilespmem:$0x1D400] =	vst v63  }
0x52: {  	_ =	swait.ge [sflag:s31], $0x4000  }
0x53: {  	[sflag:s31] =	ssyncset.done $0x0  }
0x54: {  	s10 =	sadd.s32 s9, s18;
	[sflag:s31] =	ssyncadd.s32 $0xFFFFC000  }
0x55: {  	[tilespmem:s26], [sflag:$0x1] =	stream.linear.gather [hbm4b:s10+s3], $0x4000, $0x38;
	[tilespmem:$0x1D400] =	vst v63  }
0x56: {  	_ =	swait.ge [sflag:s1], $0x4000  }
0x57: {  	[sflag:s1] =	ssyncset.done $0x0  }
.Ltmp0:
0x58: {  	[sflag:s1] =	ssyncadd.s32 $0xFFFFC000;
	(pc) =	sbr.rel @p0 .LBB2_2-.Ltmp0, $4  }
0x59: {  	[spmem:s2] =	stream.indirect.scatter.add.f32 [tilespmem:s28], [sflag:$0x4], $0x80, s8, s30, $0xb8;
	[tilespmem:$0x1D400] =	vst v63  }
0x5a: {  	_ =	swait.ge [sflag:s0], $0x4000  }
0x5b: {  	[sflag:s0] =	ssyncset.done $0x0  }
0x5c: {  	s9 =	sadd.s32 s9, s17;
	s8 =	sadd.s32 $0x100, s8;
	[sflag:s0] =	ssyncadd.s32 $0xFFFFC000  }
0x5d: {  	[tilespmem:s28], [sflag:$0x2] =	stream.linear.gather [hbm4b:s9+s3], $0x4000, $0x38;
	[tilespmem:$0x1D400] =	vst v63  }
0x5e: {  	_ =	swait.ge [sflag:s29], $0x4000  }
0x5f: {  	[sflag:s29] =	ssyncset.done $0x0  }
0x60: {  	s5 =	simm.s32 $0x1300;
	[sflag:s29] =	ssyncadd.s32 $0xFFFFC000  }
0x61: {  	[spmem:s2] =	stream.indirect.scatter.add.f32 [tilespmem:s26], [sflag:$0x3], $0x80, s5, s30, $0xb8;
	[tilespmem:$0x1D400] =	vst v63  }
0x62: {  	_ =	swait.ge [sflag:s31], $0x4000  }
0x63: {  	[sflag:s31] =	ssyncset.done $0x0  }
0x64: {  	[sflag:s31] =	ssyncadd.s32 $0xFFFFC000  }
0x65: {  	_ =	swait.ge [sflag:s1], $0x4000  }
0x66: {  	[sflag:s1] =	ssyncset.done $0x0  }
0x67: {  	s9 =	simm.s32 $0x1380;
	[sflag:s1] =	ssyncadd.s32 $0xFFFFC000  }
0x68: {  	[spmem:s2] =	stream.indirect.scatter.add.f32 [tilespmem:s28], [sflag:$0x4], $0x80, s9, s30, $0xb8;
	[tilespmem:$0x1D400] =	vst v63  }
0x69: {  	_ =	swait.ge [sflag:s0], $0x4000  }
0x6a: {  	[sflag:s0] =	ssyncset.done $0x0  }
0x6b: {  	[sflag:s0] =	ssyncadd.s32 $0xFFFFC000  }
0x6c: {  	[bflag:$0x0] =	sbarrier.arrive $0xFFFF  }
0x6d: {  	[tilespmem:s26], [sflag:$0x5] =	stream.linear.gather [spmem:s7], $0x4000, $0x38;
	[tilespmem:$0x1D400] =	vst v63  }
0x6e: {  	_ =	swait.ge [sflag:s25], $0x4000  }
0x6f: {  	[sflag:s25] =	ssyncset.done $0x0  }
0x70: {  	[sflag:s25] =	ssyncadd.s32 $0xFFFFC000  }
0x71: {  	[hbm4b:s20+s3] =	stream.linear.scatter [tilespmem:s26], [sflag:$0x5], $0x4000, $0x38;
	[tilespmem:$0x1D400] =	vst v63  }
0x72: {  	_ =	swait.ge [sflag:s25], $0x4000  }
0x73: {  	[sflag:s25] =	ssyncset.done $0x0  }
0x74: {  	[sflag:s25] =	ssyncadd.s32 $0xFFFFC000  }
0x75: {  	[tilespmem:s26], [sflag:$0x5] =	stream.linear.gather [spmem:s14], $0x4000, $0x38;
	[tilespmem:$0x1D400] =	vst v63  }
0x76: {  	_ =	swait.ge [sflag:s25], $0x4000  }
0x77: {  	[sflag:s25] =	ssyncset.done $0x0  }
0x78: {  	[sflag:s25] =	ssyncadd.s32 $0xFFFFC000  }
0x79: {  	[hbm4b:s21+s3] =	stream.linear.scatter [tilespmem:s26], [sflag:$0x5], $0x4000, $0x38;
	[tilespmem:$0x1D400] =	vst v63  }
0x7a: {  	_ =	swait.ge [sflag:s25], $0x4000  }
0x7b: {  	[sflag:s25] =	ssyncset.done $0x0  }
0x7c: {  	[sflag:s25] =	ssyncadd.s32 $0xFFFFC000  }
0x7d: {  	[tilespmem:s26], [sflag:$0x5] =	stream.linear.gather [spmem:s15], $0x4000, $0x38;
	[tilespmem:$0x1D400] =	vst v63  }
0x7e: {  	_ =	swait.ge [sflag:s25], $0x4000  }
0x7f: {  	[sflag:s25] =	ssyncset.done $0x0  }
0x80: {  	[sflag:s25] =	ssyncadd.s32 $0xFFFFC000  }
0x81: {  	[hbm4b:s22+s3] =	stream.linear.scatter [tilespmem:s26], [sflag:$0x5], $0x4000, $0x38;
	[tilespmem:$0x1D400] =	vst v63  }
0x82: {  	_ =	swait.ge [sflag:s25], $0x4000  }
0x83: {  	[sflag:s25] =	ssyncset.done $0x0  }
0x84: {  	[sflag:s25] =	ssyncadd.s32 $0xFFFFC000  }
0x85: {  	[tilespmem:s26], [sflag:$0x5] =	stream.linear.gather [spmem:s16], $0x4000, $0x38;
	[tilespmem:$0x1D400] =	vst v63  }
0x86: {  	_ =	swait.ge [sflag:s25], $0x4000  }
0x87: {  	[sflag:s25] =	ssyncset.done $0x0  }
0x88: {  	[sflag:s25] =	ssyncadd.s32 $0xFFFFC000  }
0x89: {  	[hbm4b:s23+s3] =	stream.linear.scatter [tilespmem:s26], [sflag:$0x5], $0x4000, $0x38;
	[tilespmem:$0x1D400] =	vst v63  }
0x8a: {  	_ =	swait.ge [sflag:s25], $0x4000  }
0x8b: {  	[sflag:s25] =	ssyncset.done $0x0  }
0x8c: {  	[sflag:s25] =	ssyncadd.s32 $0xFFFFC000  }
0x8d: {  	[tilespmem:s26], [sflag:$0x5] =	stream.linear.gather [spmem:s19], $0x4000, $0x38;
	[tilespmem:$0x1D400] =	vst v63  }
0x8e: {  	_ =	swait.ge [sflag:s25], $0x4000  }
0x8f: {  	[sflag:s25] =	ssyncset.done $0x0  }
0x90: {  	[sflag:s25] =	ssyncadd.s32 $0xFFFFC000  }
0x91: {  	[hbm4b:s24+s3] =	stream.linear.scatter [tilespmem:s26], [sflag:$0x5], $0x4000, $0x38;
	[tilespmem:$0x1D400] =	vst v63  }
0x92: {  	_ =	swait.ge [sflag:s25], $0x4000  }
0x93: {  	s4 =	sadd.s32 $0x1, s4;
	s10 =	rddreg [dreg:$0x6]  }
0x94: {  	p0 =	sne.s32 s4, s10  }
.Ltmp1:
0x95: {  	_ = 	snop;
	(pc) =	sbr.rel @p0 .LBB2_1-.Ltmp1, $3  }
0x96: {  	_ =	sdelay $0x1  }
0x97: {  	[sflag:s25] =	ssyncset.done $0x0  }
0x98: {  	[sflag:s25] =	ssyncadd.s32 $0xFFFFC000  }
0x99: {  	_ =	sfence.sel $0x180000  }
0x9a: {  	[bflag:$0x0] =	sbarrier.arrive $0xFFFF  }
0x9b: {  	_ =	strace $0x9000004D  }
0x9c: {  	s0 =	stileid.u32;
	[bflag:$0x2] =	sbarrier.arrive $0xFFFF  }
0x9d: {  	p0 =	sne.s32 s0, $0x0;
	s0 =	rddreg [dreg:$0x2]  }
0x9e: {  	s0 =	sadd.s32 @!p0 $0x100000, s0  }
0x9f: {  	[sflag:s0] =	ssyncadd.tile.s32 @!p0 $0x1;
	_ =	shalt  }
.Lfunc_end2:
_tile_overlayer_lowered:
.L_overlay_start_2:
0xa0: {  	(tag) =	ssettag $0x2  }
0xa1: {  	s0 =	rddreg [dreg:$0x0];
	s2 =	stileid.u32  }
0xa2: {  	s1 =	rddreg [dreg:$0x1];
	p0 =	sne.s32 s2, $0x0  }
0xa3: {  	s3 =	rddreg [dreg:$0x2];
	[bflag:$0x3] =	sbarrier.arrive $0xFFFF;
	s2 =	simm.s32 @!p0 $0x1C05  }
0xa4: {  	[timem:s3], [sflag:s2] =	dma.local @!p0 [hbm:s0], s1  }
0xa5: {  	s0 =	simm.s32 @!p0 $0x5  }
0xa6: {  	_ =	swait.ge @!p0 [sflag:s0], s1  }
0xa7: {  	s1 =	ssub.s32 @!p0 $0x0, s1;
	[sflag:s0] =	ssyncset.done @!p0 $0x0  }
0xa8: {  	[sflag:s0] =	ssyncadd.s32 @!p0 s1  }
0xa9: {  	[bflag:$0x3] =	sbarrier.arrive $0xFFFF  }
0xaa: {  	_ =	shalt  }

// kernel: kernel.6.cloned.1.call-start
scs
__scs_entry_jumppad:
0x0: {  	(pc) =	sbr.rel $0x88, $3  }
0x1: {  	(tag) =	ssettag $0x0;
	lr =	simm.s32 $0x1  }
0x2: {  	[smem:$0x3EE7] =	sst lr;
	_ =	strace $0xD0000000  }
0x3: {  	_ = 	snop  }
0x4: {  	_ = 	snop  }
0x5: {  	_ = 	snop  }
0x6: {  	_ = 	snop  }
0x7: {  	_ = 	snop  }
__scs_overlays_trampoline_lowered:
0x8: {  	[smem:$0x3EF6] =	sst s0  }
0x9: {  	[smem:$0x3EF7] =	sst s1  }
0xa: {  	[smem:$0x3EF8] =	sst s2  }
0xb: {  	[smem:$0x3EF9] =	sst s3  }
0xc: {  	[smem:$0x3EFA] =	sst s4  }
0xd: {  	[smem:$0x3EFB] =	sst s5  }
0xe: {  	[smem:$0x3EFC] =	sst s6  }
0xf: {  	[smem:$0x3EFD] =	sst s7  }
0x10: {  	[smem:$0x3EFE] =	sst s8  }
0x11: {  	[smem:$0x3EFF] =	sst s9;
	s0 =	simm.s32 @!p0 $0x0  }
0x12: {  	s1 =	sld [smem:$0x3EE5];
	s0 =	simm.s32 @p0 $0x1  }
0x13: {  	[smem:$0x3F00] =	sst s0;
	s0 =	simm.s32 @!p1 $0x0  }
0x14: {  	s2 =	sld [smem:$0x3EE4];
	s0 =	simm.s32 @p1 $0x1  }
0x15: {  	[smem:$0x3F01] =	sst s0;
	s0 =	simm.s32 @!p2 $0x0  }
0x16: {  	s3 =	sld [smem:$0x3FDB];
	s0 =	simm.s32 @p2 $0x1  }
0x17: {  	s4 =	simm.s32 $0x1BF5;
	[smem:$0x3F03] =	sst s0  }
0x18: {  	s0 =	sld [smem:$0x3EE6];
	_ =	swait.ge [sflag:s4], $0x0  }
0x19: {  	s7 =	sld [smem:$0x3EE7]  }
0x1a: {  	s8 =	sadd.s32 $0xFFFFE003, lr  }
0x1b: {  	s9 =	sadd.s32 $0xFFFFFEF7, lr;
	s5 =	simm.s32 $0xFFFFFFFF;
	p2 =	slt.u32 s8, $0xFFFFF086  }
0x1c: {  	p1 =	slt.u32 s9, $0xF7A;
	s5 =	simm.s32 @!p2 $0x0  }
0x1d: {  	s5 =	simm.s32 @p1 $0x1;
	p0 =	seq.s32 s7, s2  }
0x1e: {  	s7 =	smul.u32 @!p0 $0xF7A, s2;
	p2 =	seq.s32 @!p0 s5, $0x0  }
0x1f: {  	s9 =	smul.u32 $0xF7A, s1;
	s8 =	simm.s32 @!p0 $0x1BF5;
	p2 =	por !p2, p0  }
0x20: {  	[sflag:s8] =	ssyncset.s32 @!p0 $0xFFFFF086;
	s6 =	sadd.s32 @!p0 s3, s7;
	s7 =	simm.s32 @!p0 $0x108  }
0x21: {  	s3 =	sadd.s32 s3, s9;
	s6 =	sadd.s32 @!p0 $0x88, s6;
	s7 =	simm.s32 @p2 $0x1082  }
0x22: {  	[simem:s7], [sflag:s8] =	dma.local @!p0 [hbm:s6], $0xF7A  }
0x23: {  	s9 =	sor.u32 $0xD0000000, s2;
	s6 =	simm.s32 $0x108;
	_ =	swait.ge @!p0 [sflag:s8], $0x0  }
0x24: {  	s3 =	sadd.s32 $0x88, s3;
	s6 =	simm.s32 @!p1 $0x1082;
	[sflag:s4] =	ssyncset.s32 $0xFFFFF086  }
0x25: {  	[simem:s6], [sflag:s4] =	dma.local [hbm:s3], $0xF7A  }
0x26: {  	[smem:$0x3EE7] =	sst s1;
	(tag) =	ssettag s2;
	_ =	strace s9  }
0x27: {  	s1 =	sld [smem:$0x3EF7]  }
0x28: {  	s2 =	sld [smem:$0x3EF8]  }
0x29: {  	s4 =	sld [smem:$0x3EFA]  }
0x2a: {  	p0 =	seq.s32 s5, $0x0;
	s5 =	sld [smem:$0x3EFB]  }
0x2b: {  	s6 =	sld [smem:$0x3EFC]  }
0x2c: {  	s7 =	sld [smem:$0x3EFD]  }
0x2d: {  	s3 =	simm.s32 $0x108;
	s8 =	sld [smem:$0x3EFE]  }
0x2e: {  	s3 =	simm.s32 @!p0 $0x1082;
	s9 =	sld [smem:$0x3EFF]  }
0x2f: {  	lr =	sadd.s32 s0, s3;
	s0 =	sld [smem:$0x3EF6]  }
0x30: {  	s3 =	sld [smem:$0x3EF9]  }
0x31: {  	[smem:$0x3F02] =	sst s10  }
0x32: {  	s10 =	sld [smem:$0x3F00];
	_ =	sdelay $0x3  }
0x33: {  	p0 =	seq.s32 s10, $0x1;
	s10 =	sld [smem:$0x3F02];
	_ =	sdelay $0x3  }
0x34: {  	[smem:$0x3F02] =	sst s10  }
0x35: {  	s10 =	sld [smem:$0x3F01];
	_ =	sdelay $0x3  }
0x36: {  	p1 =	seq.s32 s10, $0x1;
	s10 =	sld [smem:$0x3F02];
	_ =	sdelay $0x3  }
0x37: {  	[smem:$0x3F02] =	sst s10  }
0x38: {  	s10 =	sld [smem:$0x3F03]  }
0x39: {  	_ = 	snop;
	(pc) =	sbr.ind lr, $3  }
0x3a: {  	_ = 	snop  }
0x3b: {  	_ = 	snop  }
0x3c: {  	p2 =	seq.s32 s10, $0x1;
	s10 =	sld [smem:$0x3F02]  }
0x3d: {  	_ =	shalt  }
0x3e: {  	_ =	shalt  }
0x3f: {  	_ =	shalt  }
0x40: {  	_ =	shalt  }
0x41: {  	_ =	shalt  }
0x42: {  	_ =	shalt  }
0x43: {  	_ =	shalt  }
0x44: {  	_ =	shalt  }
0x45: {  	_ =	shalt  }
0x46: {  	_ =	shalt  }
0x47: {  	_ =	shalt  }
0x48: {  	_ =	shalt  }
0x49: {  	_ =	shalt  }
0x4a: {  	_ =	shalt  }
0x4b: {  	_ =	shalt  }
0x4c: {  	_ =	shalt  }
0x4d: {  	_ =	shalt  }
0x4e: {  	_ =	shalt  }
0x4f: {  	_ =	shalt  }
0x50: {  	_ =	shalt  }
0x51: {  	_ =	shalt  }
0x52: {  	_ =	shalt  }
0x53: {  	_ =	shalt  }
0x54: {  	_ =	shalt  }
0x55: {  	_ =	shalt  }
0x56: {  	_ =	shalt  }
0x57: {  	_ =	shalt  }
0x58: {  	_ =	shalt  }
0x59: {  	_ =	shalt  }
0x5a: {  	_ =	shalt  }
0x5b: {  	_ =	shalt  }
0x5c: {  	_ =	shalt  }
0x5d: {  	_ =	shalt  }
0x5e: {  	_ =	shalt  }
0x5f: {  	_ =	shalt  }
0x60: {  	_ =	shalt  }
0x61: {  	_ =	shalt  }
0x62: {  	_ =	shalt  }
0x63: {  	_ =	shalt  }
0x64: {  	_ =	shalt  }
0x65: {  	_ =	shalt  }
0x66: {  	_ =	shalt  }
0x67: {  	_ =	shalt  }
0x68: {  	_ =	shalt  }
0x69: {  	_ =	shalt  }
0x6a: {  	_ =	shalt  }
0x6b: {  	_ =	shalt  }
0x6c: {  	_ =	shalt  }
0x6d: {  	_ =	shalt  }
0x6e: {  	_ =	shalt  }
0x6f: {  	_ =	shalt  }
0x70: {  	_ =	shalt  }
0x71: {  	_ =	shalt  }
0x72: {  	_ =	shalt  }
0x73: {  	_ =	shalt  }
0x74: {  	_ =	shalt  }
0x75: {  	_ =	shalt  }
0x76: {  	_ =	shalt  }
0x77: {  	_ =	shalt  }
0x78: {  	_ =	shalt  }
0x79: {  	_ =	shalt  }
0x7a: {  	_ =	shalt  }
0x7b: {  	_ =	shalt  }
0x7c: {  	_ =	shalt  }
0x7d: {  	_ =	shalt  }
0x7e: {  	_ =	shalt  }
0x7f: {  	_ =	shalt  }
0x80: {  	_ =	shalt  }
0x81: {  	_ =	shalt  }
0x82: {  	_ =	shalt  }
0x83: {  	_ =	shalt  }
0x84: {  	_ =	shalt  }
0x85: {  	_ =	shalt  }
0x86: {  	_ =	shalt  }
0x87: {  	_ =	shalt  }
.Lfunc_end0:
.L_simem_size_0:
called_computation.2_lowered:
.L_overlay_start_0:
0x88: {  	s2 =	sld [smem:$0x3FD9]  }
0x89: {  	s3 =	sld [smem:$0x3FFE];
	_ =	sdelay $0x1  }
0x8a: {  	s1 =	srdreg.scid  }
0x8b: {  	s0 =	sand.u32 $0x1, s1  }
0x8c: {  	s16 =	sshll.u32 s0, $0xA;
	s2 =	sadd.s32 s3, s2  }
0x8d: {  	s2 =	sadd.s32 s2, s16  }
0x8e: {  	[smem:$0x3F0E] =	sst s2  }
0x8f: {  	_ = 	snop  }
0x90: {  	(tm) =	ssettm $0x1  }
0x91: {  	s17 =	sld [smem:$0x3FFB];
	_ =	sdelay $0x3  }
0x92: {  	_ =	strace s17  }
0x93: {  	s2 =	sld [smem:$0x3FFC];
	_ =	sdelay $0x3  }
0x94: {  	_ =	strace s2  }
0x95: {  	s2 =	sld [smem:$0x3FFD];
	_ =	sdelay $0x3  }
0x96: {  	_ =	strace s2  }
0x97: {  	_ =	strace $0x8FFFFFFF  }
0x98: {  	s18 =	sld [smem:$0x3FDB];
	_ =	sdelay $0x1  }
0x99: {  	s19 =	simm.s32 $_scs_section_size  }
0x9a: {  	s4 =	simm.s32 $_size__tile_overlayer_lowered;
	s5 =	simm.s32 $_tile_overlayer_lowered  }
0x9b: {  	s22 =	simm.s32 $0x1BFF;
	s21 =	sshll.u32 s5, $0x1;
	s2 =	sadd.s32 s19, s18  }
0x9c: {  	s6 =	simm.s32 $0x0;
	s20 =	sshll.u32 s4, $0x1;
	s4 =	sadd.s32 s21, s2  }
0x9d: {  	[timem:s6], [sflag:s22] =	dma.local [hbm:s4], s20  }
0x9e: {  	_ =	swait.ge [sflag:s22], s20  }
0x9f: {  	s3 =	ssub.s32 $0x0, s20;
	[sflag:s22] =	ssyncset.done $0x0  }
0xa0: {  	[sflag:s22] =	ssyncadd.s32 s3;
	_ =	sdelay $0x1  }
0xa1: {  	s23 =	simm.s32 $0x1B8B  }
0xa2: {  	_ =	swait.ge [sflag:s23], $0x1  }
0xa3: {  	[sflag:s23] =	ssyncset.done $0x0  }
0xa4: {  	s25 =	simm.s32 $0x1B8E;
	s24 =	sld [smem:$0x3FFE];
	[sflag:s23] =	ssyncadd.s32 $0xFFFFFFFF  }
0xa5: {  	s26 =	simm.s32 $execute0_lowered;
	[smem:$0x3FD2] =	sst s25  }
0xa6: {  	s4 =	sshll.u32 s26, $0x1;
	_ =	strace $0x80000046;
	[dreg:$0x1] =	wrdreg $0xFFFFFFFF  }
0xa7: {  	s28 =	simm.s32 $_size_execute0_lowered;
	s2 =	sadd.s32 s2, s4;
	[dreg:$0x0] =	wrdreg $0x0  }
0xa8: {  	s4 =	sshll.u32 s28, $0x1;
	[dreg:$0x2] =	wrdreg s2  }
0xa9: {  	[dreg:$0x3] =	wrdreg s4  }
0xaa: {  	[dreg:$0x4] =	wrdreg $0xC0  }
0xab: {  	_ =	task [dreg:s6], $0x5FFFF  }
0xac: {  	[dreg:$0x1] =	wrdreg $0xFFFFFFFF  }
0xad: {  	[dreg:$0x0] =	wrdreg $0x60  }
0xae: {  	[dreg:$0x2] =	wrdreg s24  }
0xaf: {  	[dreg:$0x3] =	wrdreg $0x9  }
0xb0: {  	_ =	task.clear_ibuf [dreg:s6], $0x4FFFF;
	_ =	strace $0x90000046  }
0xb1: {  	s29 =	simm.s32 $0x9;
	_ =	strace $0x80000048  }
0xb2: {  	_ =	swait.ge [sflag:s29], $0x1  }
0xb3: {  	[sflag:s29] =	ssyncadd.s32 $0xFFFFFFFF  }
0xb4: {  	_ =	strace $0x90000048  }
0xb5: {  	_ =	sfence  }
0xb6: {  	s30 =	sld [smem:$0x0];
	_ =	sdelay $0x2  }
0xb7: {  	s31 =	sshll.u32 s1, $0xD;
	s1 =	sshrl.u32 s1, $0x2  }
0xb8: {  	s3 =	sand.u32 $0x4000, s31;
	s1 =	sadd.s32 s1, s30  }
0xb9: {  	s0 =	sor.u32 s3, s0;
	s1 =	sshll.u32 s1, $0x11  }
0xba: {  	s0 =	sor.u32 s1, s0  }
0xbb: {  	s0 =	sadd.s32 $0x8F2B, s0  }
0xbc: {  	[sflag:s0] =	ssyncadd.remote.s32 $0x1  }
0xbd: {  	_ =	sfence.sel $0xFFFF  }
0xbe: {  	[dreg:$0x0] =	wrdreg $0xFFFFFFFF;
	(pc) =	sbr.abs _section_cstart, $3  }
0xbf: {  	[dreg:$0x1] =	wrdreg $0xFFFFFFFF  }
0xc0: {  	_ =	task.clear_ibuf [dreg:s6], $0x2FFFF;
	_ =	strace $0x9FFFFFFF  }
0xc1: {  	(tm) =	ssettm $0x7FFFFFFF  }
tec
execute0_lowered:
.L_overlay_start_1:
0x0: {  	(tag) =	ssettag $0x1  }
0x1: {  	s0 =	srdreg.scid;
	s12 =	stileid.u32  }
0x2: {  	s1 =	rddreg [dreg:$0x0];
	s2 =	simm.s32 $0x0;
	s15 =	simm.s32 $0x1400  }
0x3: {  	s16 =	simm.s32 $0x80;
	s17 =	simm.s32 $0x2800;
	s18 =	simm.s32 $0xE800  }
0x4: {  	s28 =	simm.s32 $0x4;
	s29 =	simm.s32 $0x7;
	s30 =	simm.s32 $0xA  }
0x5: {  	s31 =	simm.s32 $0x0;
	s0 =	sand.u32 $0x1, s0;
	s6 =	smul.u32 $0x140000, s12  }
0x6: {  	s3 =	sshll.u32 s12, $0x1;
	[smem:$0x7FF] =	sst s2;
	s13 =	smul.u32 $0x28000, s12  }
0x7: {  	s4 =	sadd.s32 $0x43C00, s1;
	s11 =	sadd.s32 $0x6BC00, s1;
	s8 =	smul.u32 $0xA0000, s0  }
0x8: {  	s3 =	sor.u32 s0, s3;
	s24 =	ssub.s32 $0x2, s0;
	s0 =	smul.u32 $0x14000, s0  }
0x9: {  	_ =	strace $0x80000047;
	s5 =	smul.u32 $0x1400, s3;
	s9 =	sshrl.u32 s24, $0x1  }
0xa: {  	s3 =	sadd.s32 $0x1BC00, s1;
	s14 =	sadd.s32 s13, s11;
	s9 =	ssub.s32 s24, s9  }
0xb: {  	s8 =	sadd.s32 s8, s6;
	s12 =	sadd.s32 s0, s14;
	s14 =	simm.s32 $0xD  }
0xc: {  	s5 =	sshrl.u32 s5, $0x3;
	s25 =	sor.u32 $0x8000, s8;
	s10 =	sor.u32 $0x4000, s8  }
0xd: {  	s7 =	sadd.s32 s5, s1;
	s1 =	sadd.s32 $0x2EBC00, s1;
	s26 =	sshrl.u32 s10, $0x3  }
0xe: {  	s5 =	sadd.s32 $0x11C00, s7;
	s6 =	sadd.s32 $0x16C00, s7;
	s7 =	smax.u32 s9, $0x1  }
0xf: {  	s9 =	sshrl.u32 s25, $0x3;
	s10 =	sadd.s32 s26, s1;
	s25 =	simm.s32 $0x16800  }
0x10: {  	s8 =	sadd.s32 s9, s1;
	s9 =	sadd.s32 s9, s11;
	s1 =	sadd.s32 s13, s1  }
0x11: {  	s11 =	sadd.s32 s26, s11;
	s26 =	simm.s32 $0x1;
	s13 =	sadd.s32 s0, s1  }
.LBB2_1:
0x12: {  	[tilespmem:s2], [sflag:$0xD] =	stream.linear.gather [hbm4b:s5+s2], $0x1400, $0x38;
	[tilespmem:$0x1A800] =	vst v63  }
0x13: {  	_ =	swait.ge [sflag:s14], $0x1400  }
0x14: {  	[sflag:s14] =	ssyncset.done $0x0  }
0x15: {  	[sflag:s14] =	ssyncadd.s32 $0xFFFFEC00  }
0x16: {  	[tilespmem:s15], [sflag:$0xD] =	stream.linear.gather [hbm4b:s6+s2], $0x1400, $0x38;
	[tilespmem:$0x1A800] =	vst v63  }
0x17: {  	_ =	swait.ge [sflag:s14], $0x1400  }
0x18: {  	[sflag:s14] =	ssyncset.done $0x0  }
0x19: {  	[sflag:s14] =	ssyncadd.s32 $0xFFFFEC00  }
0x1a: {  	[tilespmem:s17], [sflag:$0x1] =	stream.indirect.gather [hbm4b:s3+s16], $0x80, s2, s16, $0xb8;
	[tilespmem:$0x1A800] =	vst v63  }
0x1b: {  	_ = 	snop  }
0x1c: {  	[tilespmem:s18], [sflag:$0x4] =	stream.indirect.gather [hbm4b:s4+s16], $0x80, s15, s16, $0xb8;
	[tilespmem:$0x1A800] =	vst v63  }
0x1d: {  	s0 =	simm.s32 $0x6800  }
0x1e: {  	[tilespmem:s0], [sflag:$0x2] =	stream.indirect.gather [hbm4b:s3+s16], $0x80, s16, s16, $0xb8;
	[tilespmem:$0x1A800] =	vst v63  }
0x1f: {  	s21 =	simm.s32 $0x1480;
	s1 =	simm.s32 $0x12800  }
0x20: {  	[tilespmem:s1], [sflag:$0x5] =	stream.indirect.gather [hbm4b:s4+s16], $0x80, s21, s16, $0xb8;
	[tilespmem:$0x1A800] =	vst v63  }
0x21: {  	s22 =	simm.s32 $0x100;
	s23 =	simm.s32 $0xA800;
	s24 =	simm.s32 $0x1500  }
0x22: {  	[tilespmem:s23], [sflag:$0x3] =	stream.indirect.gather [hbm4b:s3+s16], $0x80, s22, s16, $0xb8;
	[tilespmem:$0x1A800] =	vst v63  }
0x23: {  	s19 =	simm.s32 $0x0;
	s0 =	simm.s32 $0x0;
	s1 =	simm.s32 $0x0  }
0x24: {  	[tilespmem:s25], [sflag:$0x6] =	stream.indirect.gather [hbm4b:s4+s16], $0x80, s24, s16, $0xb8;
	[tilespmem:$0x1A800] =	vst v63  }
.LBB2_2:
0x25: {  	_ =	swait.ge [sflag:s26], $0x4000  }
0x26: {  	[sflag:s26] =	ssyncset.done $0x0  }
0x27: {  	[sflag:s26] =	ssyncadd.s32 $0xFFFFC000  }
0x28: {  	_ =	swait.ge [sflag:s28], $0x4000  }
0x29: {  	[sflag:s28] =	ssyncset.done $0x0  }
0x2a: {  	s20 =	sadd.s32 s0, s12;
	[sflag:s28] =	ssyncadd.s32 $0xFFFFC000  }
0x2b: {  	[hbm4b:s20+s2] =	stream.linear.scatter [tilespmem:s17], [sflag:$0x7], $0x4000, $0x38;
	[tilespmem:$0x1A800] =	vst v63  }
0x2c: {  	s24 =	sadd.s32 s0, s13  }
0x2d: {  	[hbm4b:s24+s2] =	stream.linear.scatter [tilespmem:s18], [sflag:$0xA], $0x4000, $0x38;
	[tilespmem:$0x1A800] =	vst v63  }
0x2e: {  	_ =	swait.ge [sflag:s29], $0x4000  }
0x2f: {  	[sflag:s29] =	ssyncset.done $0x0  }
0x30: {  	[sflag:s29] =	ssyncadd.s32 $0xFFFFC000  }
0x31: {  	p0 =	seq.s32 s0, $0x13800;
	_ =	swait.ge [sflag:s30], $0x4000  }
0x32: {  	s22 =	simm.s32 @!p0 $0x80;
	s20 =	sshra.s32 @!p0 s1, $0x2;
	[sflag:s30] =	ssyncset.done $0x0  }
0x33: {  	s23 =	simm.s32 @!p0 $0x2800;
	s21 =	sadd.s32 @!p0 $0x180, s20;
	[sflag:s30] =	ssyncadd.s32 $0xFFFFC000  }
0x34: {  	[tilespmem:s23], [sflag:$0x1] =	stream.indirect.gather @!p0 [hbm4b:s3+s22], $0x80, s21, s22, $0xb8;
	[tilespmem:$0x1A800] =	vst v63  }
0x35: {  	s20 =	sadd.s32 @!p0 $0x1580, s20;
	s21 =	simm.s32 @!p0 $0xE800  }
0x36: {  	[tilespmem:s21], [sflag:$0x4] =	stream.indirect.gather @!p0 [hbm4b:s4+s22], $0x80, s20, s22, $0xb8;
	[tilespmem:$0x1A800] =	vst v63  }
0x37: {  	s20 =	simm.s32 @!p0 $0x2  }
0x38: {  	_ =	swait.ge @!p0 [sflag:s20], $0x4000  }
0x39: {  	[sflag:s20] =	ssyncset.done @!p0 $0x0  }
0x3a: {  	[sflag:s20] =	ssyncadd.s32 @!p0 $0xFFFFC000;
	s20 =	simm.s32 @!p0 $0x5  }
0x3b: {  	_ =	swait.ge @!p0 [sflag:s20], $0x4000  }
0x3c: {  	s21 =	simm.s32 @!p0 $0x0;
	[sflag:s20] =	ssyncset.done @!p0 $0x0  }
0x3d: {  	s22 =	simm.s32 @!p0 $0x6800;
	[sflag:s20] =	ssyncadd.s32 @!p0 $0xFFFFC000;
	s20 =	sadd.s32 @!p0 s0, s11  }
0x3e: {  	[hbm4b:s20+s21] =	stream.linear.scatter @!p0 [tilespmem:s22], [sflag:$0x8], $0x4000, $0x38;
	[tilespmem:$0x1A800] =	vst v63  }
0x3f: {  	s20 =	sadd.s32 @!p0 s0, s10;
	s22 =	simm.s32 @!p0 $0x12800  }
0x40: {  	[hbm4b:s20+s21] =	stream.linear.scatter @!p0 [tilespmem:s22], [sflag:$0xB], $0x4000, $0x38;
	[tilespmem:$0x1A800] =	vst v63  }
0x41: {  	s20 =	simm.s32 @!p0 $0x8  }
0x42: {  	_ =	swait.ge @!p0 [sflag:s20], $0x4000  }
0x43: {  	[sflag:s20] =	ssyncset.done @!p0 $0x0  }
0x44: {  	[sflag:s20] =	ssyncadd.s32 @!p0 $0xFFFFC000;
	s20 =	simm.s32 @!p0 $0xB  }
0x45: {  	p1 =	sgt.u32 @!p0 s19, $0xB;
	_ =	swait.ge @!p0 [sflag:s20], $0x4000  }
0x46: {  	p1 =	por p1, p0;
	[sflag:s20] =	ssyncset.done @!p0 $0x0  }
0x47: {  	[sflag:s20] =	ssyncadd.s32 @!p0 $0xFFFFC000;
	s20 =	sshra.s32 @!p1 s1, $0x2  }
0x48: {  	s24 =	simm.s32 @!p1 $0x6800;
	s23 =	simm.s32 @!p1 $0x80;
	s22 =	sadd.s32 @!p1 $0x200, s20  }
0x49: {  	[tilespmem:s24], [sflag:$0x2] =	stream.indirect.gather @!p1 [hbm4b:s3+s23], $0x80, s22, s23, $0xb8;
	[tilespmem:$0x1A800] =	vst v63  }
0x4a: {  	s22 =	sadd.s32 @!p1 $0x1600, s20;
	s24 =	simm.s32 @!p1 $0x12800  }
0x4b: {  	[tilespmem:s24], [sflag:$0x5] =	stream.indirect.gather @!p1 [hbm4b:s4+s23], $0x80, s22, s23, $0xb8;
	[tilespmem:$0x1A800] =	vst v63  }
0x4c: {  	s22 =	simm.s32 @!p0 $0x3  }
0x4d: {  	_ =	swait.ge @!p0 [sflag:s22], $0x4000  }
0x4e: {  	[sflag:s22] =	ssyncset.done @!p0 $0x0  }
0x4f: {  	[sflag:s22] =	ssyncadd.s32 @!p0 $0xFFFFC000;
	s22 =	simm.s32 @!p0 $0x6  }
0x50: {  	_ =	swait.ge @!p0 [sflag:s22], $0x4000  }
0x51: {  	[sflag:s22] =	ssyncset.done @!p0 $0x0  }
0x52: {  	s24 =	simm.s32 @!p0 $0xA800;
	[sflag:s22] =	ssyncadd.s32 @!p0 $0xFFFFC000;
	s22 =	sadd.s32 @!p0 s0, s9  }
0x53: {  	[hbm4b:s22+s21] =	stream.linear.scatter @!p0 [tilespmem:s24], [sflag:$0x9], $0x4000, $0x38;
	[tilespmem:$0x1A800] =	vst v63  }
0x54: {  	s22 =	sadd.s32 @!p0 s0, s8;
	s24 =	simm.s32 @!p0 $0x16800  }
0x55: {  	[hbm4b:s22+s21] =	stream.linear.scatter @!p0 [tilespmem:s24], [sflag:$0xC], $0x4000, $0x38;
	[tilespmem:$0x1A800] =	vst v63  }
0x56: {  	s21 =	simm.s32 @!p0 $0x9  }
0x57: {  	_ =	swait.ge @!p0 [sflag:s21], $0x4000  }
0x58: {  	[sflag:s21] =	ssyncset.done @!p0 $0x0  }
0x59: {  	[sflag:s21] =	ssyncadd.s32 @!p0 $0xFFFFC000;
	s21 =	simm.s32 @!p0 $0xC  }
0x5a: {  	_ =	swait.ge @!p0 [sflag:s21], $0x4000  }
0x5b: {  	[sflag:s21] =	ssyncset.done @!p0 $0x0  }
0x5c: {  	s22 =	simm.s32 @!p1 $0xA800;
	[sflag:s21] =	ssyncadd.s32 @!p0 $0xFFFFC000;
	s21 =	sadd.s32 @!p1 $0x280, s20  }
0x5d: {  	[tilespmem:s22], [sflag:$0x3] =	stream.indirect.gather @!p1 [hbm4b:s3+s23], $0x80, s21, s23, $0xb8;
	[tilespmem:$0x1A800] =	vst v63  }
0x5e: {  	s0 =	sadd.s32 @!p0 $0x1800, s0;
	s20 =	sadd.s32 @!p1 $0x1680, s20;
	s21 =	simm.s32 @!p1 $0x16800  }
0x5f: {  	[tilespmem:s21], [sflag:$0x6] =	stream.indirect.gather @!p1 [hbm4b:s4+s23], $0x80, s20, s23, $0xb8;
	[tilespmem:$0x1A800] =	vst v63  }
0x60: {  	p1 =	sne.s32 @!p0 s0, $0x15000  }
0x61: {  	p1 =	por p0, !p1  }
.Ltmp0:
0x62: {  	_ = 	snop;
	(pc) =	sbr.rel @!p1 .LBB2_2-.Ltmp0, $2  }
0x63: {  	_ =	sdelay $0x2  }
0x64: {  	s19 =	sadd.s32 @!p0 $0x1, s19;
	s1 =	sadd.s32 @!p0 $0x600, s1  }
0x65: {  	s31 =	sadd.s32 $0x1, s31  }
0x66: {  	p0 =	sne.s32 s31, s7  }
.Ltmp1:
0x67: {  	_ = 	snop;
	(pc) =	sbr.rel @p0 .LBB2_1-.Ltmp1, $1  }
0x68: {  	_ =	sdelay $0x3  }
0x69: {  	_ =	sfence.sel $0x180000  }
0x6a: {  	[bflag:$0x0] =	sbarrier.arrive $0xFFFF  }
0x6b: {  	_ =	strace $0x90000047  }
0x6c: {  	s0 =	stileid.u32;
	[bflag:$0x2] =	sbarrier.arrive $0xFFFF  }
0x6d: {  	p0 =	sne.s32 s0, $0x0;
	s0 =	rddreg [dreg:$0x1]  }
0x6e: {  	s0 =	sadd.s32 @!p0 $0x100000, s0  }
0x6f: {  	[sflag:s0] =	ssyncadd.tile.s32 @!p0 $0x1;
	_ =	shalt  }
.Lfunc_end2:
_tile_overlayer_lowered:
.L_overlay_start_2:
0x70: {  	(tag) =	ssettag $0x2  }
0x71: {  	s0 =	rddreg [dreg:$0x0];
	s2 =	stileid.u32  }
0x72: {  	s1 =	rddreg [dreg:$0x1];
	p0 =	sne.s32 s2, $0x0  }
0x73: {  	s3 =	rddreg [dreg:$0x2];
	[bflag:$0x3] =	sbarrier.arrive $0xFFFF;
	s2 =	simm.s32 @!p0 $0x1C0D  }
0x74: {  	[timem:s3], [sflag:s2] =	dma.local @!p0 [hbm:s0], s1  }
0x75: {  	s0 =	simm.s32 @!p0 $0xD  }
0x76: {  	_ =	swait.ge @!p0 [sflag:s0], s1  }
0x77: {  	s1 =	ssub.s32 @!p0 $0x0, s1;
	[sflag:s0] =	ssyncset.done @!p0 $0x0  }
0x78: {  	[sflag:s0] =	ssyncadd.s32 @!p0 s1  }
0x79: {  	[bflag:$0x3] =	sbarrier.arrive $0xFFFF  }
0x7a: {  	_ =	shalt  }

</sc_bundles>
